<compile_context>
chip_gen: v7x
topology: tpu7x:2x2x1
jax: 0.10.2.dev20260603
libtpu: 0.0.44.dev20260713+nightly
codegen_flags: <defaults>
</compile_context>

<pallas_src>
import functools

import jax
import jax.numpy as jnp
from jax.experimental import pallas as pl
from jax.experimental.pallas import tpu as pltpu
from jax.experimental.pallas import tpu_sc as plsc

SIGMA = 2.0
ROW = 128
PTS_PAD = 16
GATHER_WIN = 128
TC_BLOCK = 400
CHUNKS = 5


def _sc_gather(comb, idx_flat, n_edges):
    mesh = plsc.VectorSubcoreMesh(core_axis_name="core",
                                  subcore_axis_name="subcore")

    @functools.partial(
        pl.kernel,
        out_type=jax.ShapeDtypeStruct((n_edges, ROW), jnp.float32),
        mesh=mesh,
    )
    def gather_kernel(c_hbm, i_hbm, o_hbm):
        def body(i_vmem, o_vmem):
            pltpu.sync_copy(c_hbm.at[i_vmem.at[0]], o_vmem)

        pltpu.emit_pipeline(
            body,
            grid=(n_edges // GATHER_WIN,),
            in_specs=[pl.BlockSpec((1, GATHER_WIN), lambda i: (0, i))],
            out_specs=[pl.BlockSpec((GATHER_WIN, ROW), lambda i: (i, 0))],
            core_axis_name=("core", "subcore"),
            dimension_semantics=(pltpu.PARALLEL,),
        )(i_hbm, o_hbm)

    return gather_kernel(comb, idx_flat)


def _tc_body(n_h, n_k, c_in, g_ref, q_ref, m_ref, kpn2_ref, e_ref,
             ahi_ref, alo_ref, o_ref):
    q = q_ref[...]
    e_mat = e_ref[...]
    d_cat = jnp.concatenate(
        [g_ref[h][:, c_in:c_in + PTS_PAD] - q for h in range(n_h)],
        axis=1)
    dp = jnp.concatenate([d_cat, d_cat * d_cat], axis=1)
    sqm = jnp.dot(dp, m_ref[...], preferred_element_type=jnp.float32,
                  precision=jax.lax.Precision.HIGHEST)
    sq = jnp.maximum(sqm + kpn2_ref[...], 0.0)
    w_all = jnp.maximum(1.0 - jnp.sqrt(sq) * (1.0 / SIGMA), 0.0)
    cnt = jnp.zeros((TC_BLOCK, 1), jnp.float32)
    wf = jnp.zeros((TC_BLOCK, n_k * c_in), jnp.float32)
    for h in range(n_h):
        feats = g_ref[h][:, :c_in]
        w = w_all[:, h * 16:(h + 1) * 16]
        w_wide = jnp.dot(w.astype(jnp.bfloat16), e_mat,
                         preferred_element_type=jnp.float32)
        f_tiled = jnp.concatenate([feats] * n_k, axis=1)
        wf = wf + w_wide * f_tiled
        fsum = jnp.sum(feats, axis=1, keepdims=True)
        cnt = cnt + (fsum > 0.0).astype(jnp.float32)
    wf_hi = wf.astype(jnp.bfloat16)
    wf_lo = (wf - wf_hi.astype(jnp.float32)).astype(jnp.bfloat16)
    out = (
        jnp.dot(wf_hi, ahi_ref[...], preferred_element_type=jnp.float32)
        + jnp.dot(wf_hi, alo_ref[...], preferred_element_type=jnp.float32)
        + jnp.dot(wf_lo, ahi_ref[...], preferred_element_type=jnp.float32)
    )
    o_ref[...] = out / jnp.maximum(cnt, 1.0)


def _tc_stage(comb_g3, q_pad, m_mat, kpn2_rep, e_mat, a_hi, a_lo,
              n, n_h, n_k, c_in, c_out, interpret=False):
    grid = (n // TC_BLOCK,)
    hp = n_h * PTS_PAD
    return pl.pallas_call(
        functools.partial(_tc_body, n_h, n_k, c_in),
        grid=grid,
        in_specs=[
            pl.BlockSpec((n_h, TC_BLOCK, ROW), lambda i: (0, i, 0)),
            pl.BlockSpec((TC_BLOCK, PTS_PAD), lambda i: (i, 0)),
            pl.BlockSpec((2 * hp, hp), lambda i: (0, 0)),
            pl.BlockSpec((1, hp), lambda i: (0, 0)),
            pl.BlockSpec((16, n_k * c_in), lambda i: (0, 0)),
            pl.BlockSpec((n_k * c_in, c_out), lambda i: (0, 0)),
            pl.BlockSpec((n_k * c_in, c_out), lambda i: (0, 0)),
        ],
        out_specs=pl.BlockSpec((TC_BLOCK, c_out), lambda i: (i, 0)),
        out_shape=jax.ShapeDtypeStruct((n, c_out), jnp.float32),
        interpret=interpret,
    )(comb_g3, q_pad, m_mat, kpn2_rep, e_mat, a_hi, a_lo)


def kernel(s_feats, q_points, s_points, neighbor_indices, weights,
           kernel_points):
    n, c_in = s_feats.shape
    n_h = neighbor_indices.shape[1]
    n_k, _, c_out = weights.shape
    n_edges = n * n_h

    idx_hm = neighbor_indices.astype(jnp.int32).T
    comb = jnp.concatenate(
        [s_feats,
         jnp.pad(s_points, ((0, 0), (0, PTS_PAD - 3))),
         jnp.zeros((n, ROW - c_in - PTS_PAD), jnp.float32)], axis=1)
    q_pad = jnp.pad(q_points, ((0, 0), (0, PTS_PAD - 3)))
    kpt_pad = jnp.pad(kernel_points, ((0, 16 - n_k), (0, PTS_PAD - 3))).T
    e_mat = jnp.kron(jnp.eye(16, n_k, dtype=jnp.float32),
                     jnp.ones((1, c_in), jnp.float32)).astype(jnp.bfloat16)
    eye_h = jnp.eye(n_h, dtype=jnp.float32)
    m_mat = jnp.concatenate(
        [jnp.kron(eye_h, -2.0 * kpt_pad),
         jnp.kron(eye_h, jnp.ones((PTS_PAD, PTS_PAD), jnp.float32))], axis=0)
    kpn2_rep = jnp.tile(jnp.sum(kpt_pad * kpt_pad, axis=0, keepdims=True),
                        (1, n_h))
    a_mat = weights.reshape(n_k * c_in, c_out)
    a_hi = a_mat.astype(jnp.bfloat16)
    a_lo = (a_mat - a_hi.astype(jnp.float32)).astype(jnp.bfloat16)

    n_c = n // CHUNKS
    outs = []
    for j in range(CHUNKS):
        idx_j = idx_hm[:, j * n_c:(j + 1) * n_c].reshape(1, n_h * n_c)
        g = _sc_gather(comb, idx_j, n_h * n_c)
        outs.append(_tc_stage(
            g.reshape(n_h, n_c, ROW), q_pad[j * n_c:(j + 1) * n_c],
            m_mat, kpn2_rep, e_mat, a_hi, a_lo, n_c, n_h, n_k, c_in, c_out))
    return jnp.concatenate(outs, axis=0)

# --- scband reference (transcript-rebuilt; emitter-appended) ---
"""Pipeline reference for scband-kpconv-70059506532627 (READ-ONLY COPY).

The authoritative reference and input builder live on the scoring server;
editing this copy changes nothing except your own understanding.
"""

import jax, jax.numpy as jnp
import numpy as np

N = 50000
H = 16
K = 15
C_IN = 64
C_OUT = 64
RADIUS = 2.5
SIGMA = 2.0
INF = 1e6


def setup_inputs(seed: int = 0) -> dict:
    key = jax.random.key(seed)
    ks = jax.random.split(key, 6)
    s_feats = jax.random.normal(ks[0], (N, C_IN), dtype=jnp.float32)
    q_points = jax.random.normal(ks[1], (N, 3), dtype=jnp.float32)
    s_points = jax.random.normal(ks[2], (N, 3), dtype=jnp.float32)
    neighbor_indices = jax.random.randint(ks[3], (N, H), 0, N, dtype=jnp.int64)
    # learned kernel weights (K, C_in, C_out), kaiming-like init
    weights = jax.random.normal(ks[4], (K, C_IN, C_OUT), dtype=jnp.float32) * (1.0 / np.sqrt(C_IN))
    # kernel point positions: stand-in for the Lloyd/potential-optimized dispositions,
    # points on a shell at 0.66*radius with a fixed center point (fixed='center')
    kp = jax.random.uniform(ks[5], (K, 3), minval=-1.0, maxval=1.0, dtype=jnp.float32)
    kp = kp / jnp.maximum(jnp.linalg.norm(kp, axis=1, keepdims=True), 1e-6) * (0.66 * RADIUS)
    kp = kp.at[0].set(0.0)
    return {
        's_feats': s_feats,
        'q_points': q_points,
        's_points': s_points,
        'neighbor_indices': neighbor_indices,
        'weights': weights,
        'kernel_points': kp,
    }


def reference(s_feats, q_points, s_points, neighbor_indices, weights, kernel_points):
    # pad support points with a shadow point at infinity
    padded_points = jnp.concatenate([s_points, jnp.full((1, 3), INF, dtype=s_points.dtype)], axis=0)
    # gather neighbor coordinates: (N, H, 3)
    neighbors = jnp.take(padded_points, neighbor_indices, axis=0)
    # center on query points
    neighbors = neighbors - q_points[:, None, :]
    # distances to each kernel point: (N, H, K)
    differences = neighbors[:, :, None, :] - kernel_points[None, None, :, :]
    sq_distances = jnp.sum(differences ** 2, axis=3)
    # linear correlation influence
    neighbor_weights = jnp.maximum(1.0 - jnp.sqrt(sq_distances) / SIGMA, 0.0)  # (N, H, K)
    neighbor_weights = jnp.transpose(neighbor_weights, (0, 2, 1))  # (N, K, H)
    # pad features with zero row for shadow neighbors
    padded_feats = jnp.concatenate([s_feats, jnp.zeros((1, s_feats.shape[1]), dtype=s_feats.dtype)], axis=0)
    neighbor_feats = jnp.take(padded_feats, neighbor_indices, axis=0)  # (N, H, C_in)
    # aggregate per kernel point: (N, K, C_in)
    weighted_feats = jnp.matmul(neighbor_weights, neighbor_feats)
    # apply kernel weights (K, C_in, C_out) and sum over kernel points: (N, C_out)
    output_feats = jnp.einsum('nkc,kcd->nd', weighted_feats, weights)
    # normalize by number of valid (non-shadow) neighbors
    neighbor_feats_sum = jnp.sum(neighbor_feats, axis=-1)  # (N, H)
    neighbor_num = jnp.sum((neighbor_feats_sum > 0.0).astype(jnp.float32), axis=-1)  # (N,)
    neighbor_num = jnp.maximum(neighbor_num, 1.0)
    output_feats = output_feats / neighbor_num[:, None]
    return output_feats

if __name__ == "__main__":
    import jax
    _d = setup_inputs()
    print(jax.jit(kernel)(*tuple(_d.values())))

</pallas_src>

<mosaic_0001>
#map = affine_map<(d0, d1) -> (0, 0)>
module attributes {stable_mosaic.version = 14 : i64} {
  func.func @gather_kernel(%arg0: i32, %arg1: i32, %arg2: memref<50000x128xf32, #tpu.memory_space<hbm>>, %arg3: memref<1x160000xi32, #tpu.memory_space<hbm>>, %arg4: memref<160000x128xf32, #tpu.memory_space<hbm>>) attributes {dimension_semantics = [#tpu.dimension_semantics<core_parallel>, #tpu.dimension_semantics<subcore_parallel>], iteration_bounds = array<i64: 2, 16>, scalar_prefetch = 0 : i64, scratch_operands = 0 : i64, tpu.core_type = #tpu.core_type<sc_vector_subcore>, window_params = [{transform_indices = #map}, {transform_indices = #map}, {transform_indices = #map}]} {
    %mul3A = arith.constant 1 : i32
    %mul3A_0 = arith.muli %arg1, %mul3A : i32
    %add3A = arith.constant 0 : i32
    %add3A_1 = arith.addi %add3A, %mul3A_0 : i32
    %mul3A_2 = arith.constant 16 : i32
    %mul3A_3 = arith.muli %arg0, %mul3A_2 : i32
    %add3A_4 = arith.addi %add3A_1, %mul3A_3 : i32
    %lt3A = arith.constant 2 : i32
    %lt3A_5 = arith.cmpi slt, %add3A_4, %lt3A : i32
    %jit3A = arith.constant 40 : i32
    %jit3A_6 = arith.constant 39 : i32
    %select_n3A = arith.select %lt3A_5, %jit3A, %jit3A_6 : i32
    %lt3A_7 = arith.constant 2 : i32
    %lt3A_8 = arith.cmpi slt, %add3A_4, %lt3A_7 : i32
    %mul3A_9 = arith.muli %add3A_4, %select_n3A : i32
    %mul3A_10 = arith.constant 39 : i32
    %mul3A_11 = arith.muli %add3A_4, %mul3A_10 : i32
    %add3A_12 = arith.constant 2 : i32
    %add3A_13 = arith.addi %mul3A_11, %add3A_12 : i32
    %select_n3A_14 = arith.select %lt3A_8, %mul3A_9, %add3A_13 : i32
    %mul3A_15 = arith.constant 1 : i32
    %mul3A_16 = arith.muli %mul3A_15, %select_n3A : i32
    "tpu.region"() ({
      %run_scoped3A = memref.alloca() : memref<2x1x128xi32, #tpu.memory_space<vmem>>
      %run_scoped3A_17 = tpu.sem_alloc : memref<2x!tpu.dma_semaphore, #tpu.memory_space<semaphore_mem>>
      %run_scoped3A_18 = memref.alloca() : memref<2x128x128xf32, #tpu.memory_space<vmem>>
      %run_scoped3A_19 = tpu.sem_alloc : memref<2x!tpu.dma_semaphore, #tpu.memory_space<semaphore_mem>>
      %gt3A = arith.constant 0 : i32
      %gt3A_20 = arith.cmpi sgt, %mul3A_16, %gt3A : i32
      %convert_element_type3A = arith.extui %gt3A_20 : i1 to i32
      %cond3A = arith.constant 0 : i32
      %cond3A_21 = arith.cmpi ne, %convert_element_type3A, %cond3A : i32
      scf.if %cond3A_21 {
        %mul3A_22 = arith.constant 1 : i32
        %mul3A_23 = arith.muli %mul3A_22, %select_n3A : i32
        %sub3A = arith.constant 1 : i32
        %sub3A_24 = arith.subi %mul3A_23, %sub3A : i32
        %eq3A = arith.constant 0 : i32
        %eq3A_25 = arith.cmpi eq, %sub3A_24, %eq3A : i32
        %add3A_26 = arith.constant 0 : i32
        %add3A_27 = arith.addi %add3A_26, %select_n3A_14 : i32
        %select_n3A_28 = arith.constant true
        %select_n3A_29 = arith.constant 0 : i32
        %select_n3A_30 = arith.constant -1 : i32
        %select_n3A_31 = arith.select %select_n3A_28, %select_n3A_30, %select_n3A_29 : i32
        %eq3A_32 = arith.constant -1 : i32
        %eq3A_33 = arith.cmpi eq, %select_n3A_31, %eq3A_32 : i32
        %sub3A_34 = arith.constant 1 : i32
        %sub3A_35 = arith.subi %select_n3A, %sub3A_34 : i32
        %select_n3A_36 = arith.select %eq3A_33, %sub3A_35, %select_n3A_31 : i32
        %add3A_37 = arith.addi %select_n3A_36, %select_n3A_14 : i32
        %select_n3A_38 = arith.constant true
        %select_n3A_39 = arith.constant 0 : i32
        %select_n3A_40 = arith.constant 1 : i32
        %select_n3A_41 = arith.select %select_n3A_38, %select_n3A_40, %select_n3A_39 : i32
        %eq3A_42 = arith.cmpi eq, %select_n3A_41, %select_n3A : i32
        %select_n3A_43 = arith.constant 0 : i32
        %select_n3A_44 = arith.select %eq3A_42, %select_n3A_43, %select_n3A_41 : i32
        %add3A_45 = arith.addi %select_n3A_44, %select_n3A_14 : i32
        %add3A_46 = arith.constant 1 : i32
        %add3A_47 = arith.addi %select_n3A_44, %add3A_46 : i32
        %select_n3A_48 = arith.constant true
        %select_n3A_49 = arith.select %select_n3A_48, %add3A_47, %select_n3A_44 : i32
        %eq3A_50 = arith.cmpi eq, %select_n3A_49, %select_n3A : i32
        %select_n3A_51 = arith.constant 0 : i32
        %select_n3A_52 = arith.select %eq3A_50, %select_n3A_51, %select_n3A_49 : i32
        %add3A_53 = arith.addi %select_n3A_52, %select_n3A_14 : i32
        "tpu.trace_start"() <{level = 10 : i32, message = "ep_initialize_0"}> : () -> ()
        %rem3A = arith.constant 0 : i32
        %rem3A_54 = arith.constant 2 : i32
        %rem3A_55 = arith.remui %rem3A, %rem3A_54 : i32
        %mul3A_56 = arith.constant 128 : i32
        %mul3A_57 = arith.muli %mul3A_56, %add3A_27 : i32
        %dma_start3A = arith.constant 0 : i32
        %dma_start3A_58 = arith.constant 0 : i32
        %dma_start3A_59 = tpu.memref_slice %run_scoped3A[%rem3A_55, %dma_start3A, %dma_start3A_58] : memref<2x1x128xi32, #tpu.memory_space<vmem>> -> memref<1x1x128xi32, #tpu.memory_space<vmem>>
        %dma_start3A_60 = tpu.memref_squeeze %dma_start3A_59 : memref<1x1x128xi32, #tpu.memory_space<vmem>> -> memref<1x128xi32, #tpu.memory_space<vmem>>
        %dma_start3A_61 = arith.constant 0 : i32
        %dma_start3A_62 = tpu.memref_slice %arg3[%dma_start3A_61, %mul3A_57] : memref<1x160000xi32, #tpu.memory_space<hbm>> -> memref<1x128xi32, #tpu.memory_space<hbm>>
        %dma_start3A_63 = tpu.memref_slice %run_scoped3A_17[%rem3A_55] : memref<2x!tpu.dma_semaphore, #tpu.memory_space<semaphore_mem>> -> memref<1x!tpu.dma_semaphore, #tpu.memory_space<semaphore_mem>>
        %dma_start3A_64 = tpu.memref_squeeze %dma_start3A_63 : memref<1x!tpu.dma_semaphore, #tpu.memory_space<semaphore_mem>> -> memref<!tpu.dma_semaphore, #tpu.memory_space<semaphore_mem>>
        %dma_start3A_65 = arith.constant 0 : i32
        %dma_start3A_66 = arith.constant 0 : i32
        %dma_start3A_67 = tpu.memref_slice %run_scoped3A[%rem3A_55, %dma_start3A_65, %dma_start3A_66] : memref<2x1x128xi32, #tpu.memory_space<vmem>> -> memref<1x1x128xi32, #tpu.memory_space<vmem>>
        %dma_start3A_68 = tpu.memref_squeeze %dma_start3A_67 : memref<1x1x128xi32, #tpu.memory_space<vmem>> -> memref<1x128xi32, #tpu.memory_space<vmem>>
        %dma_start3A_69 = arith.constant 0 : i32
        %dma_start3A_70 = tpu.memref_slice %arg3[%dma_start3A_69, %mul3A_57] : memref<1x160000xi32, #tpu.memory_space<hbm>> -> memref<1x128xi32, #tpu.memory_space<hbm>>
        tpu.enqueue_dma source(%dma_start3A_70 : memref<1x128xi32, #tpu.memory_space<hbm>>) target(%dma_start3A_68 : memref<1x128xi32, #tpu.memory_space<vmem>>) target_semaphore(%dma_start3A_64 : memref<!tpu.dma_semaphore, #tpu.memory_space<semaphore_mem>>)
        %add3A_71 = arith.constant 0 : i32
        %add3A_72 = arith.constant 1 : i32
        %add3A_73 = arith.addi %add3A_71, %add3A_72 : i32
        %select_n3A_74 = arith.constant true
        %select_n3A_75 = arith.constant 0 : i32
        %select_n3A_76 = arith.select %select_n3A_74, %add3A_73, %select_n3A_75 : i32
        %while3A = arith.constant 0 : i32
        %while3A_77 = arith.constant 0 : i32
        %while3A_78 = arith.constant 0 : i32
        %while3A_79 = arith.constant 0 : i32
        %while3A_80 = arith.constant 0 : i32
        "tpu.trace_stop"() : () -> ()
        %while3A_81 = arith.subi %mul3A_16, %while3A : i32
        %while3A_82 = arith.addi %while3A, %while3A_81 : i32
        %while3A_83 = arith.constant 1 : i32
        %while3A_84 = arith.divsi %while3A_81, %while3A_83 : i32
        %while3A_85 = arith.muli %while3A_84, %while3A_83 : i32
        %while3A_86 = arith.addi %while3A, %while3A_85 : i32
        %while3A_87 = arith.constant 1 : i32
        %while3A_88:5 = scf.for %while3A_142 = %while3A to %while3A_86 step %while3A_87 iter_args(%while3A_143 = %select_n3A_76, %while3A_144 = %while3A_77, %while3A_145 = %while3A_78, %while3A_146 = %while3A_79, %while3A_147 = %while3A_80) -> (i32, i32, i32, i32, i32)  : i32 {
          %mul3A_148 = arith.constant 1 : i32
          %mul3A_149 = arith.muli %mul3A_148, %select_n3A : i32
          %eq3A_150 = arith.constant 0 : i32
          %eq3A_151 = arith.cmpi eq, %while3A_142, %eq3A_150 : i32
          %sub3A_152 = arith.constant 1 : i32
          %sub3A_153 = arith.subi %mul3A_149, %sub3A_152 : i32
          %eq3A_154 = arith.cmpi eq, %while3A_142, %sub3A_153 : i32
          %add3A_155 = arith.addi %while3A_147, %select_n3A_14 : i32
          %sub3A_156 = arith.constant 1 : i32
          %sub3A_157 = arith.subi %while3A_147, %sub3A_156 : i32
          %select_n3A_158 = arith.constant true
          %select_n3A_159 = arith.select %select_n3A_158, %sub3A_157, %while3A_147 : i32
          %eq3A_160 = arith.constant -1 : i32
          %eq3A_161 = arith.cmpi eq, %select_n3A_159, %eq3A_160 : i32
          %sub3A_162 = arith.constant 1 : i32
          %sub3A_163 = arith.subi %select_n3A, %sub3A_162 : i32
          %select_n3A_164 = arith.select %eq3A_161, %sub3A_163, %select_n3A_159 : i32
          %add3A_165 = arith.addi %select_n3A_164, %select_n3A_14 : i32
          %add3A_166 = arith.constant 1 : i32
          %add3A_167 = arith.addi %while3A_147, %add3A_166 : i32
          %select_n3A_168 = arith.constant true
          %select_n3A_169 = arith.select %select_n3A_168, %add3A_167, %while3A_147 : i32
          %eq3A_170 = arith.cmpi eq, %select_n3A_169, %select_n3A : i32
          %select_n3A_171 = arith.constant 0 : i32
          %select_n3A_172 = arith.select %eq3A_170, %select_n3A_171, %select_n3A_169 : i32
          %add3A_173 = arith.addi %select_n3A_172, %select_n3A_14 : i32
          %add3A_174 = arith.constant 1 : i32
          %add3A_175 = arith.addi %select_n3A_172, %add3A_174 : i32
          %select_n3A_176 = arith.constant true
          %select_n3A_177 = arith.select %select_n3A_176, %add3A_175, %select_n3A_172 : i32
          %eq3A_178 = arith.cmpi eq, %select_n3A_177, %select_n3A : i32
          %select_n3A_179 = arith.constant 0 : i32
          %select_n3A_180 = arith.select %eq3A_178, %select_n3A_179, %select_n3A_177 : i32
          %add3A_181 = arith.addi %select_n3A_180, %select_n3A_14 : i32
          %ne3A = arith.cmpi ne, %add3A_155, %add3A_173 : i32
          %or3A = arith.constant false
          %or3A_182 = arith.ori %or3A, %ne3A : i1
          %sub3A_183 = arith.constant 2 : i32
          %sub3A_184 = arith.subi %mul3A_149, %sub3A_183 : i32
          %add3A_185 = arith.constant 1 : i32
          %add3A_186 = arith.addi %sub3A_184, %add3A_185 : i32
          %ge3A = arith.cmpi sge, %while3A_142, %add3A_186 : i32
          %not3A = arith.constant true
          %not3A_187 = arith.xori %ge3A, %not3A : i1
          %and3A = arith.andi %or3A_182, %not3A_187 : i1
          %convert_element_type3A_188 = arith.extui %and3A : i1 to i32
          %cond3A_189 = arith.constant 0 : i32
          %cond3A_190 = arith.cmpi ne, %convert_element_type3A_188, %cond3A_189 : i32
          scf.if %cond3A_190 {
            "tpu.trace_start"() <{level = 10 : i32, message = "ep_copy_in"}> : () -> ()
            %rem3A_294 = arith.constant 2 : i32
            %rem3A_295 = arith.remui %while3A_143, %rem3A_294 : i32
            %mul3A_296 = arith.constant 128 : i32
            %mul3A_297 = arith.muli %mul3A_296, %add3A_173 : i32
            %dma_start3A_298 = arith.constant 0 : i32
            %dma_start3A_299 = arith.constant 0 : i32
            %dma_start3A_300 = tpu.memref_slice %run_scoped3A[%rem3A_295, %dma_start3A_298, %dma_start3A_299] : memref<2x1x128xi32, #tpu.memory_space<vmem>> -> memref<1x1x128xi32, #tpu.memory_space<vmem>>
            %dma_start3A_301 = tpu.memref_squeeze %dma_start3A_300 : memref<1x1x128xi32, #tpu.memory_space<vmem>> -> memref<1x128xi32, #tpu.memory_space<vmem>>
            %dma_start3A_302 = arith.constant 0 : i32
            %dma_start3A_303 = tpu.memref_slice %arg3[%dma_start3A_302, %mul3A_297] : memref<1x160000xi32, #tpu.memory_space<hbm>> -> memref<1x128xi32, #tpu.memory_space<hbm>>
            %dma_start3A_304 = tpu.memref_slice %run_scoped3A_17[%rem3A_295] : memref<2x!tpu.dma_semaphore, #tpu.memory_space<semaphore_mem>> -> memref<1x!tpu.dma_semaphore, #tpu.memory_space<semaphore_mem>>
            %dma_start3A_305 = tpu.memref_squeeze %dma_start3A_304 : memref<1x!tpu.dma_semaphore, #tpu.memory_space<semaphore_mem>> -> memref<!tpu.dma_semaphore, #tpu.memory_space<semaphore_mem>>
            %dma_start3A_306 = arith.constant 0 : i32
            %dma_start3A_307 = arith.constant 0 : i32
            %dma_start3A_308 = tpu.memref_slice %run_scoped3A[%rem3A_295, %dma_start3A_306, %dma_start3A_307] : memref<2x1x128xi32, #tpu.memory_space<vmem>> -> memref<1x1x128xi32, #tpu.memory_space<vmem>>
            %dma_start3A_309 = tpu.memref_squeeze %dma_start3A_308 : memref<1x1x128xi32, #tpu.memory_space<vmem>> -> memref<1x128xi32, #tpu.memory_space<vmem>>
            %dma_start3A_310 = arith.constant 0 : i32
            %dma_start3A_311 = tpu.memref_slice %arg3[%dma_start3A_310, %mul3A_297] : memref<1x160000xi32, #tpu.memory_space<hbm>> -> memref<1x128xi32, #tpu.memory_space<hbm>>
            tpu.enqueue_dma source(%dma_start3A_311 : memref<1x128xi32, #tpu.memory_space<hbm>>) target(%dma_start3A_309 : memref<1x128xi32, #tpu.memory_space<vmem>>) target_semaphore(%dma_start3A_305 : memref<!tpu.dma_semaphore, #tpu.memory_space<semaphore_mem>>)
            "tpu.trace_stop"() : () -> ()
          } else {
          }
          %and3A_191 = arith.constant true
          %and3A_192 = arith.andi %and3A, %and3A_191 : i1
          %add3A_193 = arith.constant 1 : i32
          %add3A_194 = arith.addi %while3A_143, %add3A_193 : i32
          %select_n3A_195 = arith.select %and3A_192, %add3A_194, %while3A_143 : i32
          %ne3A_196 = arith.cmpi ne, %add3A_155, %add3A_173 : i32
          %or3A_197 = arith.constant false
          %or3A_198 = arith.ori %or3A_197, %ne3A_196 : i1
          %or3A_199 = arith.constant false
          %or3A_200 = arith.ori %or3A_198, %or3A_199 : i1
          %sub3A_201 = arith.constant 2 : i32
          %sub3A_202 = arith.subi %mul3A_149, %sub3A_201 : i32
          %add3A_203 = arith.constant 1 : i32
          %add3A_204 = arith.addi %sub3A_202, %add3A_203 : i32
          %ge3A_205 = arith.cmpi sge, %while3A_142, %add3A_204 : i32
          %not3A_206 = arith.constant true
          %not3A_207 = arith.xori %ge3A_205, %not3A_206 : i1
          %and3A_208 = arith.andi %or3A_200, %not3A_207 : i1
          %ne3A_209 = arith.cmpi ne, %add3A_155, %add3A_165 : i32
          %or3A_210 = arith.constant false
          %or3A_211 = arith.ori %or3A_210, %ne3A_209 : i1
          %or3A_212 = arith.ori %or3A_211, %eq3A_151 : i1
          %convert_element_type3A_213 = arith.extui %or3A_212 : i1 to i32
          %cond3A_214 = arith.constant 0 : i32
          %cond3A_215 = arith.cmpi ne, %convert_element_type3A_213, %cond3A_214 : i32
          scf.if %cond3A_215 {
            "tpu.trace_start"() <{level = 10 : i32, message = "ep_wait_in"}> : () -> ()
            %mul3A_294 = arith.constant 128 : i32
            %mul3A_295 = arith.muli %mul3A_294, %add3A_155 : i32
            %rem3A_296 = arith.constant 2 : i32
            %rem3A_297 = arith.remui %while3A_144, %rem3A_296 : i32
            %dma_wait3A = arith.constant 0 : i32
            %dma_wait3A_298 = arith.constant 0 : i32
            %dma_wait3A_299 = tpu.memref_slice %run_scoped3A[%rem3A_297, %dma_wait3A, %dma_wait3A_298] : memref<2x1x128xi32, #tpu.memory_space<vmem>> -> memref<1x1x128xi32, #tpu.memory_space<vmem>>
            %dma_wait3A_300 = tpu.memref_squeeze %dma_wait3A_299 : memref<1x1x128xi32, #tpu.memory_space<vmem>> -> memref<1x128xi32, #tpu.memory_space<vmem>>
            %dma_wait3A_301 = arith.constant 0 : i32
            %dma_wait3A_302 = tpu.memref_slice %arg3[%dma_wait3A_301, %mul3A_295] : memref<1x160000xi32, #tpu.memory_space<hbm>> -> memref<1x128xi32, #tpu.memory_space<hbm>>
            %dma_wait3A_303 = tpu.memref_slice %run_scoped3A_17[%rem3A_297] : memref<2x!tpu.dma_semaphore, #tpu.memory_space<semaphore_mem>> -> memref<1x!tpu.dma_semaphore, #tpu.memory_space<semaphore_mem>>
            %dma_wait3A_304 = tpu.memref_squeeze %dma_wait3A_303 : memref<1x!tpu.dma_semaphore, #tpu.memory_space<semaphore_mem>> -> memref<!tpu.dma_semaphore, #tpu.memory_space<semaphore_mem>>
            %dma_wait3A_305 = arith.constant 0 : i32
            %dma_wait3A_306 = arith.constant 0 : i32
            %dma_wait3A_307 = tpu.memref_slice %run_scoped3A[%rem3A_297, %dma_wait3A_305, %dma_wait3A_306] : memref<2x1x128xi32, #tpu.memory_space<vmem>> -> memref<1x1x128xi32, #tpu.memory_space<vmem>>
            %dma_wait3A_308 = tpu.memref_squeeze %dma_wait3A_307 : memref<1x1x128xi32, #tpu.memory_space<vmem>> -> memref<1x128xi32, #tpu.memory_space<vmem>>
            %dma_wait3A_309 = arith.constant 0 : i32
            %dma_wait3A_310 = tpu.memref_slice %arg3[%dma_wait3A_309, %mul3A_295] : memref<1x160000xi32, #tpu.memory_space<hbm>> -> memref<1x128xi32, #tpu.memory_space<hbm>>
            tpu.wait_dma2 semaphore(%dma_wait3A_304 : memref<!tpu.dma_semaphore, #tpu.memory_space<semaphore_mem>>) src(%dma_wait3A_310 : memref<1x128xi32, #tpu.memory_space<hbm>>) dst(%dma_wait3A_308 : memref<1x128xi32, #tpu.memory_space<vmem>>)
            "tpu.trace_stop"() : () -> ()
          } else {
          }
          %ne3A_216 = arith.cmpi ne, %add3A_155, %add3A_165 : i32
          %or3A_217 = arith.constant false
          %or3A_218 = arith.ori %or3A_217, %ne3A_216 : i1
          %or3A_219 = arith.constant false
          %or3A_220 = arith.ori %or3A_218, %or3A_219 : i1
          %or3A_221 = arith.ori %or3A_220, %eq3A_151 : i1
          %convert_element_type3A_222 = arith.extui %or3A_221 : i1 to i32
          %cond3A_223 = arith.constant 0 : i32
          %cond3A_224 = arith.cmpi ne, %convert_element_type3A_222, %cond3A_223 : i32
          scf.if %cond3A_224 {
          } else {
          }
          %rem3A_225 = arith.constant 2 : i32
          %rem3A_226 = arith.remui %while3A_144, %rem3A_225 : i32
          %rem3A_227 = arith.constant 2 : i32
          %rem3A_228 = arith.remui %while3A_145, %rem3A_227 : i32
          %run_scoped3A_229 = arith.constant 0 : i32
          "tpu.trace_start"() <{level = 10 : i32, message = "ep_run_kernel"}> : () -> ()
          "tpu.region"() ({
            %run_scoped3A_294 = tpu.sem_alloc : memref<!tpu.dma_semaphore, #tpu.memory_space<semaphore_mem>>
            %dma_start3A_295 = arith.constant 0 : i32
            %dma_start3A_296 = arith.constant 0 : i32
            %dma_start3A_297 = tpu.memref_slice %run_scoped3A_18[%rem3A_228, %dma_start3A_295, %dma_start3A_296] : memref<2x128x128xf32, #tpu.memory_space<vmem>> -> memref<1x128x128xf32, #tpu.memory_space<vmem>>
            %dma_start3A_298 = tpu.memref_squeeze %dma_start3A_297 : memref<1x128x128xf32, #tpu.memory_space<vmem>> -> memref<128x128xf32, #tpu.memory_space<vmem>>
            %dma_start3A_299 = arith.constant 0 : i32
            %dma_start3A_300 = arith.constant 0 : i32
            %dma_start3A_301 = tpu.memref_slice %run_scoped3A[%rem3A_226, %dma_start3A_299, %dma_start3A_300] : memref<2x1x128xi32, #tpu.memory_space<vmem>> -> memref<1x1x128xi32, #tpu.memory_space<vmem>>
            %dma_start3A_302 = tpu.memref_squeeze %dma_start3A_301 : memref<1x1x128xi32, #tpu.memory_space<vmem>> -> memref<1x128xi32, #tpu.memory_space<vmem>>
            %dma_start3A_303 = arith.constant 0 : i32
            %dma_start3A_304 = tpu.memref_slice %dma_start3A_302[%run_scoped3A_229, %dma_start3A_303] : memref<1x128xi32, #tpu.memory_space<vmem>> -> memref<1x128xi32, #tpu.memory_space<vmem>>
            %dma_start3A_305 = tpu.memref_squeeze %dma_start3A_304 : memref<1x128xi32, #tpu.memory_space<vmem>> -> memref<128xi32, #tpu.memory_space<vmem>>
            %dma_start3A_306 = arith.constant 0 : i32
            %dma_start3A_307 = arith.constant 0 : i32
            %dma_start3A_308 = tpu.memref_slice %arg2[%dma_start3A_306, %dma_start3A_307] : memref<50000x128xf32, #tpu.memory_space<hbm>> -> memref<50000x128xf32, #tpu.memory_space<hbm>>
            tpu.enqueue_indirect_dma source(%dma_start3A_308 : memref<50000x128xf32, #tpu.memory_space<hbm>>) target(%dma_start3A_298 : memref<128x128xf32, #tpu.memory_space<vmem>>) offsets(%dma_start3A_305 : memref<128xi32, #tpu.memory_space<vmem>>) semaphore(%run_scoped3A_294 : memref<!tpu.dma_semaphore, #tpu.memory_space<semaphore_mem>>)
            %dma_wait3A = arith.constant 0 : i32
            %dma_wait3A_309 = arith.constant 0 : i32
            %dma_wait3A_310 = tpu.memref_slice %run_scoped3A_18[%rem3A_228, %dma_wait3A, %dma_wait3A_309] : memref<2x128x128xf32, #tpu.memory_space<vmem>> -> memref<1x128x128xf32, #tpu.memory_space<vmem>>
            %dma_wait3A_311 = tpu.memref_squeeze %dma_wait3A_310 : memref<1x128x128xf32, #tpu.memory_space<vmem>> -> memref<128x128xf32, #tpu.memory_space<vmem>>
            %dma_wait3A_312 = arith.constant 0 : i32
            %dma_wait3A_313 = arith.constant 0 : i32
            %dma_wait3A_314 = tpu.memref_slice %run_scoped3A[%rem3A_226, %dma_wait3A_312, %dma_wait3A_313] : memref<2x1x128xi32, #tpu.memory_space<vmem>> -> memref<1x1x128xi32, #tpu.memory_space<vmem>>
            %dma_wait3A_315 = tpu.memref_squeeze %dma_wait3A_314 : memref<1x1x128xi32, #tpu.memory_space<vmem>> -> memref<1x128xi32, #tpu.memory_space<vmem>>
            %dma_wait3A_316 = arith.constant 0 : i32
            %dma_wait3A_317 = tpu.memref_slice %dma_wait3A_315[%run_scoped3A_229, %dma_wait3A_316] : memref<1x128xi32, #tpu.memory_space<vmem>> -> memref<1x128xi32, #tpu.memory_space<vmem>>
            %dma_wait3A_318 = tpu.memref_squeeze %dma_wait3A_317 : memref<1x128xi32, #tpu.memory_space<vmem>> -> memref<128xi32, #tpu.memory_space<vmem>>
            %dma_wait3A_319 = arith.constant 0 : i32
            %dma_wait3A_320 = arith.constant 0 : i32
            %dma_wait3A_321 = tpu.memref_slice %arg2[%dma_wait3A_319, %dma_wait3A_320] : memref<50000x128xf32, #tpu.memory_space<hbm>> -> memref<50000x128xf32, #tpu.memory_space<hbm>>
            tpu.wait_indirect_dma semaphore(%run_scoped3A_294 : memref<!tpu.dma_semaphore, #tpu.memory_space<semaphore_mem>>) src(%dma_wait3A_321 : memref<50000x128xf32, #tpu.memory_space<hbm>>) dst(%dma_wait3A_311 : memref<128x128xf32, #tpu.memory_space<vmem>>)
            tpu.yield
          }) : () -> ()
          "tpu.trace_stop"() : () -> ()
          %ne3A_230 = arith.cmpi ne, %add3A_155, %add3A_173 : i32
          %or3A_231 = arith.constant false
          %or3A_232 = arith.ori %or3A_231, %ne3A_230 : i1
          %or3A_233 = arith.ori %or3A_232, %eq3A_154 : i1
          %convert_element_type3A_234 = arith.extui %or3A_233 : i1 to i32
          %cond3A_235 = arith.constant 0 : i32
          %cond3A_236 = arith.cmpi ne, %convert_element_type3A_234, %cond3A_235 : i32
          scf.if %cond3A_236 {
          } else {
          }
          %and3A_237 = arith.constant false
          %and3A_238 = arith.andi %or3A_233, %and3A_237 : i1
          %ne3A_239 = arith.cmpi ne, %add3A_155, %add3A_173 : i32
          %or3A_240 = arith.constant false
          %or3A_241 = arith.ori %or3A_240, %ne3A_239 : i1
          %or3A_242 = arith.constant false
          %or3A_243 = arith.ori %or3A_241, %or3A_242 : i1
          %or3A_244 = arith.ori %or3A_243, %eq3A_154 : i1
          %convert_element_type3A_245 = arith.extui %or3A_244 : i1 to i32
          %cond3A_246 = arith.constant 0 : i32
          %cond3A_247 = arith.cmpi ne, %convert_element_type3A_245, %cond3A_246 : i32
          scf.if %cond3A_247 {
            "tpu.trace_start"() <{level = 10 : i32, message = "ep_copy_out"}> : () -> ()
            %rem3A_294 = arith.constant 2 : i32
            %rem3A_295 = arith.remui %while3A_145, %rem3A_294 : i32
            %mul3A_296 = arith.constant 128 : i32
            %mul3A_297 = arith.muli %mul3A_296, %add3A_155 : i32
            %dma_start3A_298 = arith.constant 0 : i32
            %dma_start3A_299 = arith.constant 0 : i32
            %dma_start3A_300 = tpu.memref_slice %run_scoped3A_18[%rem3A_295, %dma_start3A_298, %dma_start3A_299] : memref<2x128x128xf32, #tpu.memory_space<vmem>> -> memref<1x128x128xf32, #tpu.memory_space<vmem>>
            %dma_start3A_301 = tpu.memref_squeeze %dma_start3A_300 : memref<1x128x128xf32, #tpu.memory_space<vmem>> -> memref<128x128xf32, #tpu.memory_space<vmem>>
            %dma_start3A_302 = arith.constant 0 : i32
            %dma_start3A_303 = tpu.memref_slice %arg4[%mul3A_297, %dma_start3A_302] : memref<160000x128xf32, #tpu.memory_space<hbm>> -> memref<128x128xf32, #tpu.memory_space<hbm>>
            %dma_start3A_304 = tpu.memref_slice %run_scoped3A_19[%rem3A_295] : memref<2x!tpu.dma_semaphore, #tpu.memory_space<semaphore_mem>> -> memref<1x!tpu.dma_semaphore, #tpu.memory_space<semaphore_mem>>
            %dma_start3A_305 = tpu.memref_squeeze %dma_start3A_304 : memref<1x!tpu.dma_semaphore, #tpu.memory_space<semaphore_mem>> -> memref<!tpu.dma_semaphore, #tpu.memory_space<semaphore_mem>>
            %dma_start3A_306 = arith.constant 0 : i32
            %dma_start3A_307 = tpu.memref_slice %arg4[%mul3A_297, %dma_start3A_306] : memref<160000x128xf32, #tpu.memory_space<hbm>> -> memref<128x128xf32, #tpu.memory_space<hbm>>
            %dma_start3A_308 = arith.constant 0 : i32
            %dma_start3A_309 = arith.constant 0 : i32
            %dma_start3A_310 = tpu.memref_slice %run_scoped3A_18[%rem3A_295, %dma_start3A_308, %dma_start3A_309] : memref<2x128x128xf32, #tpu.memory_space<vmem>> -> memref<1x128x128xf32, #tpu.memory_space<vmem>>
            %dma_start3A_311 = tpu.memref_squeeze %dma_start3A_310 : memref<1x128x128xf32, #tpu.memory_space<vmem>> -> memref<128x128xf32, #tpu.memory_space<vmem>>
            tpu.enqueue_dma source(%dma_start3A_311 : memref<128x128xf32, #tpu.memory_space<vmem>>) target(%dma_start3A_307 : memref<128x128xf32, #tpu.memory_space<hbm>>) target_semaphore(%dma_start3A_305 : memref<!tpu.dma_semaphore, #tpu.memory_space<semaphore_mem>>)
            "tpu.trace_stop"() : () -> ()
          } else {
          }
          %and3A_248 = arith.constant true
          %and3A_249 = arith.andi %or3A_244, %and3A_248 : i1
          %add3A_250 = arith.constant 1 : i32
          %add3A_251 = arith.addi %while3A_145, %add3A_250 : i32
          %select_n3A_252 = arith.select %and3A_249, %add3A_251, %while3A_145 : i32
          %ne3A_253 = arith.cmpi ne, %add3A_155, %add3A_165 : i32
          %or3A_254 = arith.constant false
          %or3A_255 = arith.ori %or3A_254, %ne3A_253 : i1
          %not3A_256 = arith.constant true
          %not3A_257 = arith.xori %eq3A_151, %not3A_256 : i1
          %and3A_258 = arith.andi %or3A_255, %not3A_257 : i1
          %convert_element_type3A_259 = arith.extui %and3A_258 : i1 to i32
          %cond3A_260 = arith.constant 0 : i32
          %cond3A_261 = arith.cmpi ne, %convert_element_type3A_259, %cond3A_260 : i32
          scf.if %cond3A_261 {
          } else {
          }
          %and3A_262 = arith.constant false
          %and3A_263 = arith.andi %and3A_258, %and3A_262 : i1
          %ne3A_264 = arith.cmpi ne, %add3A_155, %add3A_165 : i32
          %or3A_265 = arith.constant false
          %or3A_266 = arith.ori %or3A_265, %ne3A_264 : i1
          %or3A_267 = arith.constant false
          %or3A_268 = arith.ori %or3A_266, %or3A_267 : i1
          %not3A_269 = arith.constant true
          %not3A_270 = arith.xori %eq3A_151, %not3A_269 : i1
          %and3A_271 = arith.andi %or3A_268, %not3A_270 : i1
          %convert_element_type3A_272 = arith.extui %and3A_271 : i1 to i32
          %cond3A_273 = arith.constant 0 : i32
          %cond3A_274 = arith.cmpi ne, %convert_element_type3A_272, %cond3A_273 : i32
          scf.if %cond3A_274 {
            "tpu.trace_start"() <{level = 10 : i32, message = "ep_wait_out"}> : () -> ()
            %rem3A_294 = arith.constant 2 : i32
            %rem3A_295 = arith.remui %while3A_146, %rem3A_294 : i32
            %mul3A_296 = arith.constant 128 : i32
            %mul3A_297 = arith.muli %mul3A_296, %add3A_165 : i32
            %dma_wait3A = arith.constant 0 : i32
            %dma_wait3A_298 = arith.constant 0 : i32
            %dma_wait3A_299 = tpu.memref_slice %run_scoped3A_18[%rem3A_295, %dma_wait3A, %dma_wait3A_298] : memref<2x128x128xf32, #tpu.memory_space<vmem>> -> memref<1x128x128xf32, #tpu.memory_space<vmem>>
            %dma_wait3A_300 = tpu.memref_squeeze %dma_wait3A_299 : memref<1x128x128xf32, #tpu.memory_space<vmem>> -> memref<128x128xf32, #tpu.memory_space<vmem>>
            %dma_wait3A_301 = arith.constant 0 : i32
            %dma_wait3A_302 = tpu.memref_slice %arg4[%mul3A_297, %dma_wait3A_301] : memref<160000x128xf32, #tpu.memory_space<hbm>> -> memref<128x128xf32, #tpu.memory_space<hbm>>
            %dma_wait3A_303 = tpu.memref_slice %run_scoped3A_19[%rem3A_295] : memref<2x!tpu.dma_semaphore, #tpu.memory_space<semaphore_mem>> -> memref<1x!tpu.dma_semaphore, #tpu.memory_space<semaphore_mem>>
            %dma_wait3A_304 = tpu.memref_squeeze %dma_wait3A_303 : memref<1x!tpu.dma_semaphore, #tpu.memory_space<semaphore_mem>> -> memref<!tpu.dma_semaphore, #tpu.memory_space<semaphore_mem>>
            %dma_wait3A_305 = arith.constant 0 : i32
            %dma_wait3A_306 = tpu.memref_slice %arg4[%mul3A_297, %dma_wait3A_305] : memref<160000x128xf32, #tpu.memory_space<hbm>> -> memref<128x128xf32, #tpu.memory_space<hbm>>
            %dma_wait3A_307 = arith.constant 0 : i32
            %dma_wait3A_308 = arith.constant 0 : i32
            %dma_wait3A_309 = tpu.memref_slice %run_scoped3A_18[%rem3A_295, %dma_wait3A_307, %dma_wait3A_308] : memref<2x128x128xf32, #tpu.memory_space<vmem>> -> memref<1x128x128xf32, #tpu.memory_space<vmem>>
            %dma_wait3A_310 = tpu.memref_squeeze %dma_wait3A_309 : memref<1x128x128xf32, #tpu.memory_space<vmem>> -> memref<128x128xf32, #tpu.memory_space<vmem>>
            tpu.wait_dma2 semaphore(%dma_wait3A_304 : memref<!tpu.dma_semaphore, #tpu.memory_space<semaphore_mem>>) src(%dma_wait3A_310 : memref<128x128xf32, #tpu.memory_space<vmem>>) dst(%dma_wait3A_306 : memref<128x128xf32, #tpu.memory_space<hbm>>)
            "tpu.trace_stop"() : () -> ()
          } else {
          }
          %and3A_275 = arith.constant true
          %and3A_276 = arith.andi %and3A_271, %and3A_275 : i1
          %add3A_277 = arith.constant 1 : i32
          %add3A_278 = arith.addi %while3A_146, %add3A_277 : i32
          %select_n3A_279 = arith.select %and3A_276, %add3A_278, %while3A_146 : i32
          %ne3A_280 = arith.cmpi ne, %add3A_155, %add3A_173 : i32
          %or3A_281 = arith.constant false
          %or3A_282 = arith.ori %or3A_281, %ne3A_280 : i1
          %or3A_283 = arith.ori %or3A_282, %eq3A_154 : i1
          %add3A_284 = arith.constant 1 : i32
          %add3A_285 = arith.addi %while3A_144, %add3A_284 : i32
          %select_n3A_286 = arith.select %or3A_283, %add3A_285, %while3A_144 : i32
          %add3A_287 = arith.constant 1 : i32
          %add3A_288 = arith.addi %while3A_147, %add3A_287 : i32
          %select_n3A_289 = arith.constant true
          %select_n3A_290 = arith.select %select_n3A_289, %add3A_288, %while3A_147 : i32
          %eq3A_291 = arith.cmpi eq, %select_n3A_290, %select_n3A : i32
          %select_n3A_292 = arith.constant 0 : i32
          %select_n3A_293 = arith.select %eq3A_291, %select_n3A_292, %select_n3A_290 : i32
          scf.yield %select_n3A_195, %select_n3A_286, %select_n3A_252, %select_n3A_279, %select_n3A_293 : i32, i32, i32, i32, i32
        }
        %while3A_89 = arith.constant 1 : i32
        %while3A_90:5 = scf.for %while3A_142 = %while3A_86 to %while3A_82 step %while3A_89 iter_args(%while3A_143 = %while3A_88#0, %while3A_144 = %while3A_88#1, %while3A_145 = %while3A_88#2, %while3A_146 = %while3A_88#3, %while3A_147 = %while3A_88#4) -> (i32, i32, i32, i32, i32)  : i32 {
          %mul3A_148 = arith.constant 1 : i32
          %mul3A_149 = arith.muli %mul3A_148, %select_n3A : i32
          %eq3A_150 = arith.constant 0 : i32
          %eq3A_151 = arith.cmpi eq, %while3A_142, %eq3A_150 : i32
          %sub3A_152 = arith.constant 1 : i32
          %sub3A_153 = arith.subi %mul3A_149, %sub3A_152 : i32
          %eq3A_154 = arith.cmpi eq, %while3A_142, %sub3A_153 : i32
          %add3A_155 = arith.addi %while3A_147, %select_n3A_14 : i32
          %sub3A_156 = arith.constant 1 : i32
          %sub3A_157 = arith.subi %while3A_147, %sub3A_156 : i32
          %select_n3A_158 = arith.constant true
          %select_n3A_159 = arith.select %select_n3A_158, %sub3A_157, %while3A_147 : i32
          %eq3A_160 = arith.constant -1 : i32
          %eq3A_161 = arith.cmpi eq, %select_n3A_159, %eq3A_160 : i32
          %sub3A_162 = arith.constant 1 : i32
          %sub3A_163 = arith.subi %select_n3A, %sub3A_162 : i32
          %select_n3A_164 = arith.select %eq3A_161, %sub3A_163, %select_n3A_159 : i32
          %add3A_165 = arith.addi %select_n3A_164, %select_n3A_14 : i32
          %add3A_166 = arith.constant 1 : i32
          %add3A_167 = arith.addi %while3A_147, %add3A_166 : i32
          %select_n3A_168 = arith.constant true
          %select_n3A_169 = arith.select %select_n3A_168, %add3A_167, %while3A_147 : i32
          %eq3A_170 = arith.cmpi eq, %select_n3A_169, %select_n3A : i32
          %select_n3A_171 = arith.constant 0 : i32
          %select_n3A_172 = arith.select %eq3A_170, %select_n3A_171, %select_n3A_169 : i32
          %add3A_173 = arith.addi %select_n3A_172, %select_n3A_14 : i32
          %add3A_174 = arith.constant 1 : i32
          %add3A_175 = arith.addi %select_n3A_172, %add3A_174 : i32
          %select_n3A_176 = arith.constant true
          %select_n3A_177 = arith.select %select_n3A_176, %add3A_175, %select_n3A_172 : i32
          %eq3A_178 = arith.cmpi eq, %select_n3A_177, %select_n3A : i32
          %select_n3A_179 = arith.constant 0 : i32
          %select_n3A_180 = arith.select %eq3A_178, %select_n3A_179, %select_n3A_177 : i32
          %add3A_181 = arith.addi %select_n3A_180, %select_n3A_14 : i32
          %ne3A = arith.cmpi ne, %add3A_155, %add3A_173 : i32
          %or3A = arith.constant false
          %or3A_182 = arith.ori %or3A, %ne3A : i1
          %sub3A_183 = arith.constant 2 : i32
          %sub3A_184 = arith.subi %mul3A_149, %sub3A_183 : i32
          %add3A_185 = arith.constant 1 : i32
          %add3A_186 = arith.addi %sub3A_184, %add3A_185 : i32
          %ge3A = arith.cmpi sge, %while3A_142, %add3A_186 : i32
          %not3A = arith.constant true
          %not3A_187 = arith.xori %ge3A, %not3A : i1
          %and3A = arith.andi %or3A_182, %not3A_187 : i1
          %convert_element_type3A_188 = arith.extui %and3A : i1 to i32
          %cond3A_189 = arith.constant 0 : i32
          %cond3A_190 = arith.cmpi ne, %convert_element_type3A_188, %cond3A_189 : i32
          scf.if %cond3A_190 {
            "tpu.trace_start"() <{level = 10 : i32, message = "ep_copy_in"}> : () -> ()
            %rem3A_294 = arith.constant 2 : i32
            %rem3A_295 = arith.remui %while3A_143, %rem3A_294 : i32
            %mul3A_296 = arith.constant 128 : i32
            %mul3A_297 = arith.muli %mul3A_296, %add3A_173 : i32
            %dma_start3A_298 = arith.constant 0 : i32
            %dma_start3A_299 = arith.constant 0 : i32
            %dma_start3A_300 = tpu.memref_slice %run_scoped3A[%rem3A_295, %dma_start3A_298, %dma_start3A_299] : memref<2x1x128xi32, #tpu.memory_space<vmem>> -> memref<1x1x128xi32, #tpu.memory_space<vmem>>
            %dma_start3A_301 = tpu.memref_squeeze %dma_start3A_300 : memref<1x1x128xi32, #tpu.memory_space<vmem>> -> memref<1x128xi32, #tpu.memory_space<vmem>>
            %dma_start3A_302 = arith.constant 0 : i32
            %dma_start3A_303 = tpu.memref_slice %arg3[%dma_start3A_302, %mul3A_297] : memref<1x160000xi32, #tpu.memory_space<hbm>> -> memref<1x128xi32, #tpu.memory_space<hbm>>
            %dma_start3A_304 = tpu.memref_slice %run_scoped3A_17[%rem3A_295] : memref<2x!tpu.dma_semaphore, #tpu.memory_space<semaphore_mem>> -> memref<1x!tpu.dma_semaphore, #tpu.memory_space<semaphore_mem>>
            %dma_start3A_305 = tpu.memref_squeeze %dma_start3A_304 : memref<1x!tpu.dma_semaphore, #tpu.memory_space<semaphore_mem>> -> memref<!tpu.dma_semaphore, #tpu.memory_space<semaphore_mem>>
            %dma_start3A_306 = arith.constant 0 : i32
            %dma_start3A_307 = arith.constant 0 : i32
            %dma_start3A_308 = tpu.memref_slice %run_scoped3A[%rem3A_295, %dma_start3A_306, %dma_start3A_307] : memref<2x1x128xi32, #tpu.memory_space<vmem>> -> memref<1x1x128xi32, #tpu.memory_space<vmem>>
            %dma_start3A_309 = tpu.memref_squeeze %dma_start3A_308 : memref<1x1x128xi32, #tpu.memory_space<vmem>> -> memref<1x128xi32, #tpu.memory_space<vmem>>
            %dma_start3A_310 = arith.constant 0 : i32
            %dma_start3A_311 = tpu.memref_slice %arg3[%dma_start3A_310, %mul3A_297] : memref<1x160000xi32, #tpu.memory_space<hbm>> -> memref<1x128xi32, #tpu.memory_space<hbm>>
            tpu.enqueue_dma source(%dma_start3A_311 : memref<1x128xi32, #tpu.memory_space<hbm>>) target(%dma_start3A_309 : memref<1x128xi32, #tpu.memory_space<vmem>>) target_semaphore(%dma_start3A_305 : memref<!tpu.dma_semaphore, #tpu.memory_space<semaphore_mem>>)
            "tpu.trace_stop"() : () -> ()
          } else {
          }
          %and3A_191 = arith.constant true
          %and3A_192 = arith.andi %and3A, %and3A_191 : i1
          %add3A_193 = arith.constant 1 : i32
          %add3A_194 = arith.addi %while3A_143, %add3A_193 : i32
          %select_n3A_195 = arith.select %and3A_192, %add3A_194, %while3A_143 : i32
          %ne3A_196 = arith.cmpi ne, %add3A_155, %add3A_173 : i32
          %or3A_197 = arith.constant false
          %or3A_198 = arith.ori %or3A_197, %ne3A_196 : i1
          %or3A_199 = arith.constant false
          %or3A_200 = arith.ori %or3A_198, %or3A_199 : i1
          %sub3A_201 = arith.constant 2 : i32
          %sub3A_202 = arith.subi %mul3A_149, %sub3A_201 : i32
          %add3A_203 = arith.constant 1 : i32
          %add3A_204 = arith.addi %sub3A_202, %add3A_203 : i32
          %ge3A_205 = arith.cmpi sge, %while3A_142, %add3A_204 : i32
          %not3A_206 = arith.constant true
          %not3A_207 = arith.xori %ge3A_205, %not3A_206 : i1
          %and3A_208 = arith.andi %or3A_200, %not3A_207 : i1
          %ne3A_209 = arith.cmpi ne, %add3A_155, %add3A_165 : i32
          %or3A_210 = arith.constant false
          %or3A_211 = arith.ori %or3A_210, %ne3A_209 : i1
          %or3A_212 = arith.ori %or3A_211, %eq3A_151 : i1
          %convert_element_type3A_213 = arith.extui %or3A_212 : i1 to i32
          %cond3A_214 = arith.constant 0 : i32
          %cond3A_215 = arith.cmpi ne, %convert_element_type3A_213, %cond3A_214 : i32
          scf.if %cond3A_215 {
            "tpu.trace_start"() <{level = 10 : i32, message = "ep_wait_in"}> : () -> ()
            %mul3A_294 = arith.constant 128 : i32
            %mul3A_295 = arith.muli %mul3A_294, %add3A_155 : i32
            %rem3A_296 = arith.constant 2 : i32
            %rem3A_297 = arith.remui %while3A_144, %rem3A_296 : i32
            %dma_wait3A = arith.constant 0 : i32
            %dma_wait3A_298 = arith.constant 0 : i32
            %dma_wait3A_299 = tpu.memref_slice %run_scoped3A[%rem3A_297, %dma_wait3A, %dma_wait3A_298] : memref<2x1x128xi32, #tpu.memory_space<vmem>> -> memref<1x1x128xi32, #tpu.memory_space<vmem>>
            %dma_wait3A_300 = tpu.memref_squeeze %dma_wait3A_299 : memref<1x1x128xi32, #tpu.memory_space<vmem>> -> memref<1x128xi32, #tpu.memory_space<vmem>>
            %dma_wait3A_301 = arith.constant 0 : i32
            %dma_wait3A_302 = tpu.memref_slice %arg3[%dma_wait3A_301, %mul3A_295] : memref<1x160000xi32, #tpu.memory_space<hbm>> -> memref<1x128xi32, #tpu.memory_space<hbm>>
            %dma_wait3A_303 = tpu.memref_slice %run_scoped3A_17[%rem3A_297] : memref<2x!tpu.dma_semaphore, #tpu.memory_space<semaphore_mem>> -> memref<1x!tpu.dma_semaphore, #tpu.memory_space<semaphore_mem>>
            %dma_wait3A_304 = tpu.memref_squeeze %dma_wait3A_303 : memref<1x!tpu.dma_semaphore, #tpu.memory_space<semaphore_mem>> -> memref<!tpu.dma_semaphore, #tpu.memory_space<semaphore_mem>>
            %dma_wait3A_305 = arith.constant 0 : i32
            %dma_wait3A_306 = arith.constant 0 : i32
            %dma_wait3A_307 = tpu.memref_slice %run_scoped3A[%rem3A_297, %dma_wait3A_305, %dma_wait3A_306] : memref<2x1x128xi32, #tpu.memory_space<vmem>> -> memref<1x1x128xi32, #tpu.memory_space<vmem>>
            %dma_wait3A_308 = tpu.memref_squeeze %dma_wait3A_307 : memref<1x1x128xi32, #tpu.memory_space<vmem>> -> memref<1x128xi32, #tpu.memory_space<vmem>>
            %dma_wait3A_309 = arith.constant 0 : i32
            %dma_wait3A_310 = tpu.memref_slice %arg3[%dma_wait3A_309, %mul3A_295] : memref<1x160000xi32, #tpu.memory_space<hbm>> -> memref<1x128xi32, #tpu.memory_space<hbm>>
            tpu.wait_dma2 semaphore(%dma_wait3A_304 : memref<!tpu.dma_semaphore, #tpu.memory_space<semaphore_mem>>) src(%dma_wait3A_310 : memref<1x128xi32, #tpu.memory_space<hbm>>) dst(%dma_wait3A_308 : memref<1x128xi32, #tpu.memory_space<vmem>>)
            "tpu.trace_stop"() : () -> ()
          } else {
          }
          %ne3A_216 = arith.cmpi ne, %add3A_155, %add3A_165 : i32
          %or3A_217 = arith.constant false
          %or3A_218 = arith.ori %or3A_217, %ne3A_216 : i1
          %or3A_219 = arith.constant false
          %or3A_220 = arith.ori %or3A_218, %or3A_219 : i1
          %or3A_221 = arith.ori %or3A_220, %eq3A_151 : i1
          %convert_element_type3A_222 = arith.extui %or3A_221 : i1 to i32
          %cond3A_223 = arith.constant 0 : i32
          %cond3A_224 = arith.cmpi ne, %convert_element_type3A_222, %cond3A_223 : i32
          scf.if %cond3A_224 {
          } else {
          }
          %rem3A_225 = arith.constant 2 : i32
          %rem3A_226 = arith.remui %while3A_144, %rem3A_225 : i32
          %rem3A_227 = arith.constant 2 : i32
          %rem3A_228 = arith.remui %while3A_145, %rem3A_227 : i32
          %run_scoped3A_229 = arith.constant 0 : i32
          "tpu.trace_start"() <{level = 10 : i32, message = "ep_run_kernel"}> : () -> ()
          "tpu.region"() ({
            %run_scoped3A_294 = tpu.sem_alloc : memref<!tpu.dma_semaphore, #tpu.memory_space<semaphore_mem>>
            %dma_start3A_295 = arith.constant 0 : i32
            %dma_start3A_296 = arith.constant 0 : i32
            %dma_start3A_297 = tpu.memref_slice %run_scoped3A_18[%rem3A_228, %dma_start3A_295, %dma_start3A_296] : memref<2x128x128xf32, #tpu.memory_space<vmem>> -> memref<1x128x128xf32, #tpu.memory_space<vmem>>
            %dma_start3A_298 = tpu.memref_squeeze %dma_start3A_297 : memref<1x128x128xf32, #tpu.memory_space<vmem>> -> memref<128x128xf32, #tpu.memory_space<vmem>>
            %dma_start3A_299 = arith.constant 0 : i32
            %dma_start3A_300 = arith.constant 0 : i32
            %dma_start3A_301 = tpu.memref_slice %run_scoped3A[%rem3A_226, %dma_start3A_299, %dma_start3A_300] : memref<2x1x128xi32, #tpu.memory_space<vmem>> -> memref<1x1x128xi32, #tpu.memory_space<vmem>>
            %dma_start3A_302 = tpu.memref_squeeze %dma_start3A_301 : memref<1x1x128xi32, #tpu.memory_space<vmem>> -> memref<1x128xi32, #tpu.memory_space<vmem>>
            %dma_start3A_303 = arith.constant 0 : i32
            %dma_start3A_304 = tpu.memref_slice %dma_start3A_302[%run_scoped3A_229, %dma_start3A_303] : memref<1x128xi32, #tpu.memory_space<vmem>> -> memref<1x128xi32, #tpu.memory_space<vmem>>
            %dma_start3A_305 = tpu.memref_squeeze %dma_start3A_304 : memref<1x128xi32, #tpu.memory_space<vmem>> -> memref<128xi32, #tpu.memory_space<vmem>>
            %dma_start3A_306 = arith.constant 0 : i32
            %dma_start3A_307 = arith.constant 0 : i32
            %dma_start3A_308 = tpu.memref_slice %arg2[%dma_start3A_306, %dma_start3A_307] : memref<50000x128xf32, #tpu.memory_space<hbm>> -> memref<50000x128xf32, #tpu.memory_space<hbm>>
            tpu.enqueue_indirect_dma source(%dma_start3A_308 : memref<50000x128xf32, #tpu.memory_space<hbm>>) target(%dma_start3A_298 : memref<128x128xf32, #tpu.memory_space<vmem>>) offsets(%dma_start3A_305 : memref<128xi32, #tpu.memory_space<vmem>>) semaphore(%run_scoped3A_294 : memref<!tpu.dma_semaphore, #tpu.memory_space<semaphore_mem>>)
            %dma_wait3A = arith.constant 0 : i32
            %dma_wait3A_309 = arith.constant 0 : i32
            %dma_wait3A_310 = tpu.memref_slice %run_scoped3A_18[%rem3A_228, %dma_wait3A, %dma_wait3A_309] : memref<2x128x128xf32, #tpu.memory_space<vmem>> -> memref<1x128x128xf32, #tpu.memory_space<vmem>>
            %dma_wait3A_311 = tpu.memref_squeeze %dma_wait3A_310 : memref<1x128x128xf32, #tpu.memory_space<vmem>> -> memref<128x128xf32, #tpu.memory_space<vmem>>
            %dma_wait3A_312 = arith.constant 0 : i32
            %dma_wait3A_313 = arith.constant 0 : i32
            %dma_wait3A_314 = tpu.memref_slice %run_scoped3A[%rem3A_226, %dma_wait3A_312, %dma_wait3A_313] : memref<2x1x128xi32, #tpu.memory_space<vmem>> -> memref<1x1x128xi32, #tpu.memory_space<vmem>>
            %dma_wait3A_315 = tpu.memref_squeeze %dma_wait3A_314 : memref<1x1x128xi32, #tpu.memory_space<vmem>> -> memref<1x128xi32, #tpu.memory_space<vmem>>
            %dma_wait3A_316 = arith.constant 0 : i32
            %dma_wait3A_317 = tpu.memref_slice %dma_wait3A_315[%run_scoped3A_229, %dma_wait3A_316] : memref<1x128xi32, #tpu.memory_space<vmem>> -> memref<1x128xi32, #tpu.memory_space<vmem>>
            %dma_wait3A_318 = tpu.memref_squeeze %dma_wait3A_317 : memref<1x128xi32, #tpu.memory_space<vmem>> -> memref<128xi32, #tpu.memory_space<vmem>>
            %dma_wait3A_319 = arith.constant 0 : i32
            %dma_wait3A_320 = arith.constant 0 : i32
            %dma_wait3A_321 = tpu.memref_slice %arg2[%dma_wait3A_319, %dma_wait3A_320] : memref<50000x128xf32, #tpu.memory_space<hbm>> -> memref<50000x128xf32, #tpu.memory_space<hbm>>
            tpu.wait_indirect_dma semaphore(%run_scoped3A_294 : memref<!tpu.dma_semaphore, #tpu.memory_space<semaphore_mem>>) src(%dma_wait3A_321 : memref<50000x128xf32, #tpu.memory_space<hbm>>) dst(%dma_wait3A_311 : memref<128x128xf32, #tpu.memory_space<vmem>>)
            tpu.yield
          }) : () -> ()
          "tpu.trace_stop"() : () -> ()
          %ne3A_230 = arith.cmpi ne, %add3A_155, %add3A_173 : i32
          %or3A_231 = arith.constant false
          %or3A_232 = arith.ori %or3A_231, %ne3A_230 : i1
          %or3A_233 = arith.ori %or3A_232, %eq3A_154 : i1
          %convert_element_type3A_234 = arith.extui %or3A_233 : i1 to i32
          %cond3A_235 = arith.constant 0 : i32
          %cond3A_236 = arith.cmpi ne, %convert_element_type3A_234, %cond3A_235 : i32
          scf.if %cond3A_236 {
          } else {
          }
          %and3A_237 = arith.constant false
          %and3A_238 = arith.andi %or3A_233, %and3A_237 : i1
          %ne3A_239 = arith.cmpi ne, %add3A_155, %add3A_173 : i32
          %or3A_240 = arith.constant false
          %or3A_241 = arith.ori %or3A_240, %ne3A_239 : i1
          %or3A_242 = arith.constant false
          %or3A_243 = arith.ori %or3A_241, %or3A_242 : i1
          %or3A_244 = arith.ori %or3A_243, %eq3A_154 : i1
          %convert_element_type3A_245 = arith.extui %or3A_244 : i1 to i32
          %cond3A_246 = arith.constant 0 : i32
          %cond3A_247 = arith.cmpi ne, %convert_element_type3A_245, %cond3A_246 : i32
          scf.if %cond3A_247 {
            "tpu.trace_start"() <{level = 10 : i32, message = "ep_copy_out"}> : () -> ()
            %rem3A_294 = arith.constant 2 : i32
            %rem3A_295 = arith.remui %while3A_145, %rem3A_294 : i32
            %mul3A_296 = arith.constant 128 : i32
            %mul3A_297 = arith.muli %mul3A_296, %add3A_155 : i32
            %dma_start3A_298 = arith.constant 0 : i32
            %dma_start3A_299 = arith.constant 0 : i32
            %dma_start3A_300 = tpu.memref_slice %run_scoped3A_18[%rem3A_295, %dma_start3A_298, %dma_start3A_299] : memref<2x128x128xf32, #tpu.memory_space<vmem>> -> memref<1x128x128xf32, #tpu.memory_space<vmem>>
            %dma_start3A_301 = tpu.memref_squeeze %dma_start3A_300 : memref<1x128x128xf32, #tpu.memory_space<vmem>> -> memref<128x128xf32, #tpu.memory_space<vmem>>
            %dma_start3A_302 = arith.constant 0 : i32
            %dma_start3A_303 = tpu.memref_slice %arg4[%mul3A_297, %dma_start3A_302] : memref<160000x128xf32, #tpu.memory_space<hbm>> -> memref<128x128xf32, #tpu.memory_space<hbm>>
            %dma_start3A_304 = tpu.memref_slice %run_scoped3A_19[%rem3A_295] : memref<2x!tpu.dma_semaphore, #tpu.memory_space<semaphore_mem>> -> memref<1x!tpu.dma_semaphore, #tpu.memory_space<semaphore_mem>>
            %dma_start3A_305 = tpu.memref_squeeze %dma_start3A_304 : memref<1x!tpu.dma_semaphore, #tpu.memory_space<semaphore_mem>> -> memref<!tpu.dma_semaphore, #tpu.memory_space<semaphore_mem>>
            %dma_start3A_306 = arith.constant 0 : i32
            %dma_start3A_307 = tpu.memref_slice %arg4[%mul3A_297, %dma_start3A_306] : memref<160000x128xf32, #tpu.memory_space<hbm>> -> memref<128x128xf32, #tpu.memory_space<hbm>>
            %dma_start3A_308 = arith.constant 0 : i32
            %dma_start3A_309 = arith.constant 0 : i32
            %dma_start3A_310 = tpu.memref_slice %run_scoped3A_18[%rem3A_295, %dma_start3A_308, %dma_start3A_309] : memref<2x128x128xf32, #tpu.memory_space<vmem>> -> memref<1x128x128xf32, #tpu.memory_space<vmem>>
            %dma_start3A_311 = tpu.memref_squeeze %dma_start3A_310 : memref<1x128x128xf32, #tpu.memory_space<vmem>> -> memref<128x128xf32, #tpu.memory_space<vmem>>
            tpu.enqueue_dma source(%dma_start3A_311 : memref<128x128xf32, #tpu.memory_space<vmem>>) target(%dma_start3A_307 : memref<128x128xf32, #tpu.memory_space<hbm>>) target_semaphore(%dma_start3A_305 : memref<!tpu.dma_semaphore, #tpu.memory_space<semaphore_mem>>)
            "tpu.trace_stop"() : () -> ()
          } else {
          }
          %and3A_248 = arith.constant true
          %and3A_249 = arith.andi %or3A_244, %and3A_248 : i1
          %add3A_250 = arith.constant 1 : i32
          %add3A_251 = arith.addi %while3A_145, %add3A_250 : i32
          %select_n3A_252 = arith.select %and3A_249, %add3A_251, %while3A_145 : i32
          %ne3A_253 = arith.cmpi ne, %add3A_155, %add3A_165 : i32
          %or3A_254 = arith.constant false
          %or3A_255 = arith.ori %or3A_254, %ne3A_253 : i1
          %not3A_256 = arith.constant true
          %not3A_257 = arith.xori %eq3A_151, %not3A_256 : i1
          %and3A_258 = arith.andi %or3A_255, %not3A_257 : i1
          %convert_element_type3A_259 = arith.extui %and3A_258 : i1 to i32
          %cond3A_260 = arith.constant 0 : i32
          %cond3A_261 = arith.cmpi ne, %convert_element_type3A_259, %cond3A_260 : i32
          scf.if %cond3A_261 {
          } else {
          }
          %and3A_262 = arith.constant false
          %and3A_263 = arith.andi %and3A_258, %and3A_262 : i1
          %ne3A_264 = arith.cmpi ne, %add3A_155, %add3A_165 : i32
          %or3A_265 = arith.constant false
          %or3A_266 = arith.ori %or3A_265, %ne3A_264 : i1
          %or3A_267 = arith.constant false
          %or3A_268 = arith.ori %or3A_266, %or3A_267 : i1
          %not3A_269 = arith.constant true
          %not3A_270 = arith.xori %eq3A_151, %not3A_269 : i1
          %and3A_271 = arith.andi %or3A_268, %not3A_270 : i1
          %convert_element_type3A_272 = arith.extui %and3A_271 : i1 to i32
          %cond3A_273 = arith.constant 0 : i32
          %cond3A_274 = arith.cmpi ne, %convert_element_type3A_272, %cond3A_273 : i32
          scf.if %cond3A_274 {
            "tpu.trace_start"() <{level = 10 : i32, message = "ep_wait_out"}> : () -> ()
            %rem3A_294 = arith.constant 2 : i32
            %rem3A_295 = arith.remui %while3A_146, %rem3A_294 : i32
            %mul3A_296 = arith.constant 128 : i32
            %mul3A_297 = arith.muli %mul3A_296, %add3A_165 : i32
            %dma_wait3A = arith.constant 0 : i32
            %dma_wait3A_298 = arith.constant 0 : i32
            %dma_wait3A_299 = tpu.memref_slice %run_scoped3A_18[%rem3A_295, %dma_wait3A, %dma_wait3A_298] : memref<2x128x128xf32, #tpu.memory_space<vmem>> -> memref<1x128x128xf32, #tpu.memory_space<vmem>>
            %dma_wait3A_300 = tpu.memref_squeeze %dma_wait3A_299 : memref<1x128x128xf32, #tpu.memory_space<vmem>> -> memref<128x128xf32, #tpu.memory_space<vmem>>
            %dma_wait3A_301 = arith.constant 0 : i32
            %dma_wait3A_302 = tpu.memref_slice %arg4[%mul3A_297, %dma_wait3A_301] : memref<160000x128xf32, #tpu.memory_space<hbm>> -> memref<128x128xf32, #tpu.memory_space<hbm>>
            %dma_wait3A_303 = tpu.memref_slice %run_scoped3A_19[%rem3A_295] : memref<2x!tpu.dma_semaphore, #tpu.memory_space<semaphore_mem>> -> memref<1x!tpu.dma_semaphore, #tpu.memory_space<semaphore_mem>>
            %dma_wait3A_304 = tpu.memref_squeeze %dma_wait3A_303 : memref<1x!tpu.dma_semaphore, #tpu.memory_space<semaphore_mem>> -> memref<!tpu.dma_semaphore, #tpu.memory_space<semaphore_mem>>
            %dma_wait3A_305 = arith.constant 0 : i32
            %dma_wait3A_306 = tpu.memref_slice %arg4[%mul3A_297, %dma_wait3A_305] : memref<160000x128xf32, #tpu.memory_space<hbm>> -> memref<128x128xf32, #tpu.memory_space<hbm>>
            %dma_wait3A_307 = arith.constant 0 : i32
            %dma_wait3A_308 = arith.constant 0 : i32
            %dma_wait3A_309 = tpu.memref_slice %run_scoped3A_18[%rem3A_295, %dma_wait3A_307, %dma_wait3A_308] : memref<2x128x128xf32, #tpu.memory_space<vmem>> -> memref<1x128x128xf32, #tpu.memory_space<vmem>>
            %dma_wait3A_310 = tpu.memref_squeeze %dma_wait3A_309 : memref<1x128x128xf32, #tpu.memory_space<vmem>> -> memref<128x128xf32, #tpu.memory_space<vmem>>
            tpu.wait_dma2 semaphore(%dma_wait3A_304 : memref<!tpu.dma_semaphore, #tpu.memory_space<semaphore_mem>>) src(%dma_wait3A_310 : memref<128x128xf32, #tpu.memory_space<vmem>>) dst(%dma_wait3A_306 : memref<128x128xf32, #tpu.memory_space<hbm>>)
            "tpu.trace_stop"() : () -> ()
          } else {
          }
          %and3A_275 = arith.constant true
          %and3A_276 = arith.andi %and3A_271, %and3A_275 : i1
          %add3A_277 = arith.constant 1 : i32
          %add3A_278 = arith.addi %while3A_146, %add3A_277 : i32
          %select_n3A_279 = arith.select %and3A_276, %add3A_278, %while3A_146 : i32
          %ne3A_280 = arith.cmpi ne, %add3A_155, %add3A_173 : i32
          %or3A_281 = arith.constant false
          %or3A_282 = arith.ori %or3A_281, %ne3A_280 : i1
          %or3A_283 = arith.ori %or3A_282, %eq3A_154 : i1
          %add3A_284 = arith.constant 1 : i32
          %add3A_285 = arith.addi %while3A_144, %add3A_284 : i32
          %select_n3A_286 = arith.select %or3A_283, %add3A_285, %while3A_144 : i32
          %add3A_287 = arith.constant 1 : i32
          %add3A_288 = arith.addi %while3A_147, %add3A_287 : i32
          %select_n3A_289 = arith.constant true
          %select_n3A_290 = arith.select %select_n3A_289, %add3A_288, %while3A_147 : i32
          %eq3A_291 = arith.cmpi eq, %select_n3A_290, %select_n3A : i32
          %select_n3A_292 = arith.constant 0 : i32
          %select_n3A_293 = arith.select %eq3A_291, %select_n3A_292, %select_n3A_290 : i32
          scf.yield %select_n3A_195, %select_n3A_286, %select_n3A_252, %select_n3A_279, %select_n3A_293 : i32, i32, i32, i32, i32
        }
        %sub3A_91 = arith.constant 1 : i32
        %sub3A_92 = arith.subi %while3A_90#4, %sub3A_91 : i32
        %select_n3A_93 = arith.constant true
        %select_n3A_94 = arith.select %select_n3A_93, %sub3A_92, %while3A_90#4 : i32
        %eq3A_95 = arith.constant -1 : i32
        %eq3A_96 = arith.cmpi eq, %select_n3A_94, %eq3A_95 : i32
        %sub3A_97 = arith.constant 1 : i32
        %sub3A_98 = arith.subi %select_n3A, %sub3A_97 : i32
        %select_n3A_99 = arith.select %eq3A_96, %sub3A_98, %select_n3A_94 : i32
        %sub3A_100 = arith.constant 1 : i32
        %sub3A_101 = arith.subi %mul3A_16, %sub3A_100 : i32
        %mul3A_102 = arith.constant 1 : i32
        %mul3A_103 = arith.muli %mul3A_102, %select_n3A : i32
        %eq3A_104 = arith.constant 0 : i32
        %eq3A_105 = arith.cmpi eq, %sub3A_101, %eq3A_104 : i32
        %sub3A_106 = arith.constant 1 : i32
        %sub3A_107 = arith.subi %mul3A_103, %sub3A_106 : i32
        %eq3A_108 = arith.cmpi eq, %sub3A_101, %sub3A_107 : i32
        %add3A_109 = arith.addi %select_n3A_99, %select_n3A_14 : i32
        %sub3A_110 = arith.constant 1 : i32
        %sub3A_111 = arith.subi %select_n3A_99, %sub3A_110 : i32
        %select_n3A_112 = arith.constant true
        %select_n3A_113 = arith.select %select_n3A_112, %sub3A_111, %select_n3A_99 : i32
        %eq3A_114 = arith.constant -1 : i32
        %eq3A_115 = arith.cmpi eq, %select_n3A_113, %eq3A_114 : i32
        %sub3A_116 = arith.constant 1 : i32
        %sub3A_117 = arith.subi %select_n3A, %sub3A_116 : i32
        %select_n3A_118 = arith.select %eq3A_115, %sub3A_117, %select_n3A_113 : i32
        %add3A_119 = arith.addi %select_n3A_118, %select_n3A_14 : i32
        %add3A_120 = arith.constant 1 : i32
        %add3A_121 = arith.addi %select_n3A_99, %add3A_120 : i32
        %select_n3A_122 = arith.constant true
        %select_n3A_123 = arith.select %select_n3A_122, %add3A_121, %select_n3A_99 : i32
        %eq3A_124 = arith.cmpi eq, %select_n3A_123, %select_n3A : i32
        %select_n3A_125 = arith.constant 0 : i32
        %select_n3A_126 = arith.select %eq3A_124, %select_n3A_125, %select_n3A_123 : i32
        %add3A_127 = arith.addi %select_n3A_126, %select_n3A_14 : i32
        %add3A_128 = arith.constant 1 : i32
        %add3A_129 = arith.addi %select_n3A_126, %add3A_128 : i32
        %select_n3A_130 = arith.constant true
        %select_n3A_131 = arith.select %select_n3A_130, %add3A_129, %select_n3A_126 : i32
        %eq3A_132 = arith.cmpi eq, %select_n3A_131, %select_n3A : i32
        %select_n3A_133 = arith.constant 0 : i32
        %select_n3A_134 = arith.select %eq3A_132, %select_n3A_133, %select_n3A_131 : i32
        %add3A_135 = arith.addi %select_n3A_134, %select_n3A_14 : i32
        %convert_element_type3A_136 = arith.extui %eq3A_108 : i1 to i32
        %cond3A_137 = arith.constant 0 : i32
        %cond3A_138 = arith.cmpi ne, %convert_element_type3A_136, %cond3A_137 : i32
        scf.if %cond3A_138 {
        } else {
        }
        %convert_element_type3A_139 = arith.extui %eq3A_108 : i1 to i32
        %cond3A_140 = arith.constant 0 : i32
        %cond3A_141 = arith.cmpi ne, %convert_element_type3A_139, %cond3A_140 : i32
        scf.if %cond3A_141 {
          "tpu.trace_start"() <{level = 10 : i32, message = "ep_finalize"}> : () -> ()
          %rem3A_142 = arith.constant 2 : i32
          %rem3A_143 = arith.remui %while3A_90#3, %rem3A_142 : i32
          %mul3A_144 = arith.constant 128 : i32
          %mul3A_145 = arith.muli %mul3A_144, %add3A_109 : i32
          %dma_wait3A = arith.constant 0 : i32
          %dma_wait3A_146 = arith.constant 0 : i32
          %dma_wait3A_147 = tpu.memref_slice %run_scoped3A_18[%rem3A_143, %dma_wait3A, %dma_wait3A_146] : memref<2x128x128xf32, #tpu.memory_space<vmem>> -> memref<1x128x128xf32, #tpu.memory_space<vmem>>
          %dma_wait3A_148 = tpu.memref_squeeze %dma_wait3A_147 : memref<1x128x128xf32, #tpu.memory_space<vmem>> -> memref<128x128xf32, #tpu.memory_space<vmem>>
          %dma_wait3A_149 = arith.constant 0 : i32
          %dma_wait3A_150 = tpu.memref_slice %arg4[%mul3A_145, %dma_wait3A_149] : memref<160000x128xf32, #tpu.memory_space<hbm>> -> memref<128x128xf32, #tpu.memory_space<hbm>>
          %dma_wait3A_151 = tpu.memref_slice %run_scoped3A_19[%rem3A_143] : memref<2x!tpu.dma_semaphore, #tpu.memory_space<semaphore_mem>> -> memref<1x!tpu.dma_semaphore, #tpu.memory_space<semaphore_mem>>
          %dma_wait3A_152 = tpu.memref_squeeze %dma_wait3A_151 : memref<1x!tpu.dma_semaphore, #tpu.memory_space<semaphore_mem>> -> memref<!tpu.dma_semaphore, #tpu.memory_space<semaphore_mem>>
          %dma_wait3A_153 = arith.constant 0 : i32
          %dma_wait3A_154 = tpu.memref_slice %arg4[%mul3A_145, %dma_wait3A_153] : memref<160000x128xf32, #tpu.memory_space<hbm>> -> memref<128x128xf32, #tpu.memory_space<hbm>>
          %dma_wait3A_155 = arith.constant 0 : i32
          %dma_wait3A_156 = arith.constant 0 : i32
          %dma_wait3A_157 = tpu.memref_slice %run_scoped3A_18[%rem3A_143, %dma_wait3A_155, %dma_wait3A_156] : memref<2x128x128xf32, #tpu.memory_space<vmem>> -> memref<1x128x128xf32, #tpu.memory_space<vmem>>
          %dma_wait3A_158 = tpu.memref_squeeze %dma_wait3A_157 : memref<1x128x128xf32, #tpu.memory_space<vmem>> -> memref<128x128xf32, #tpu.memory_space<vmem>>
          tpu.wait_dma2 semaphore(%dma_wait3A_152 : memref<!tpu.dma_semaphore, #tpu.memory_space<semaphore_mem>>) src(%dma_wait3A_158 : memref<128x128xf32, #tpu.memory_space<vmem>>) dst(%dma_wait3A_154 : memref<128x128xf32, #tpu.memory_space<hbm>>)
          "tpu.trace_stop"() : () -> ()
        } else {
        }
      } else {
      }
      tpu.yield
    }) : () -> ()
    return
  }
}

#map = affine_map<(d0, d1) -> (0, 0)>
module attributes {stable_mosaic.version = 14 : i64} {
  func.func @gather_kernel(%arg0: i32, %arg1: i32, %arg2: memref<50000x128xf32, #tpu.memory_space<hbm>>, %arg3: memref<1x160000xi32, #tpu.memory_space<hbm>>, %arg4: memref<160000x128xf32, #tpu.memory_space<hbm>>) attributes {dimension_semantics = [#tpu.dimension_semantics<core_parallel>, #tpu.dimension_semantics<subcore_parallel>], iteration_bounds = array<i64: 2, 16>, scalar_prefetch = 0 : i64, scratch_operands = 0 : i64, tpu.core_type = #tpu.core_type<sc_vector_subcore>, window_params = [{transform_indices = #map}, {transform_indices = #map}, {transform_indices = #map}]} {
    %mul3A = arith.constant 1 : i32
    %mul3A_0 = arith.muli %arg1, %mul3A : i32
    %add3A = arith.constant 0 : i32
    %add3A_1 = arith.addi %add3A, %mul3A_0 : i32
    %mul3A_2 = arith.constant 16 : i32
    %mul3A_3 = arith.muli %arg0, %mul3A_2 : i32
    %add3A_4 = arith.addi %add3A_1, %mul3A_3 : i32
    %lt3A = arith.constant 2 : i32
    %lt3A_5 = arith.cmpi slt, %add3A_4, %lt3A : i32
    %jit3A = arith.constant 40 : i32
    %jit3A_6 = arith.constant 39 : i32
    %select_n3A = arith.select %lt3A_5, %jit3A, %jit3A_6 : i32
    %lt3A_7 = arith.constant 2 : i32
    %lt3A_8 = arith.cmpi slt, %add3A_4, %lt3A_7 : i32
    %mul3A_9 = arith.muli %add3A_4, %select_n3A : i32
    %mul3A_10 = arith.constant 39 : i32
    %mul3A_11 = arith.muli %add3A_4, %mul3A_10 : i32
    %add3A_12 = arith.constant 2 : i32
    %add3A_13 = arith.addi %mul3A_11, %add3A_12 : i32
    %select_n3A_14 = arith.select %lt3A_8, %mul3A_9, %add3A_13 : i32
    %mul3A_15 = arith.constant 1 : i32
    %mul3A_16 = arith.muli %mul3A_15, %select_n3A : i32
    "tpu.region"() ({
      %run_scoped3A = memref.alloca() : memref<2x1x128xi32, #tpu.memory_space<vmem>>
      %run_scoped3A_17 = tpu.sem_alloc : memref<2x!tpu.dma_semaphore, #tpu.memory_space<semaphore_mem>>
      %run_scoped3A_18 = memref.alloca() : memref<2x128x128xf32, #tpu.memory_space<vmem>>
      %run_scoped3A_19 = tpu.sem_alloc : memref<2x!tpu.dma_semaphore, #tpu.memory_space<semaphore_mem>>
      %gt3A = arith.constant 0 : i32
      %gt3A_20 = arith.cmpi sgt, %mul3A_16, %gt3A : i32
      %convert_element_type3A = arith.extui %gt3A_20 : i1 to i32
      %cond3A = arith.constant 0 : i32
      %cond3A_21 = arith.cmpi ne, %convert_element_type3A, %cond3A : i32
      scf.if %cond3A_21 {
        %mul3A_22 = arith.constant 1 : i32
        %mul3A_23 = arith.muli %mul3A_22, %select_n3A : i32
        %sub3A = arith.constant 1 : i32
        %sub3A_24 = arith.subi %mul3A_23, %sub3A : i32
        %eq3A = arith.constant 0 : i32
        %eq3A_25 = arith.cmpi eq, %sub3A_24, %eq3A : i32
        %add3A_26 = arith.constant 0 : i32
        %add3A_27 = arith.addi %add3A_26, %select_n3A_14 : i32
        %select_n3A_28 = arith.constant true
        %select_n3A_29 = arith.constant 0 : i32
        %select_n3A_30 = arith.constant -1 : i32
        %select_n3A_31 = arith.select %select_n3A_28, %select_n3A_30, %select_n3A_29 : i32
        %eq3A_32 = arith.constant -1 : i32
        %eq3A_33 = arith.cmpi eq, %select_n3A_31, %eq3A_32 : i32
        %sub3A_34 = arith.constant 1 : i32
        %sub3A_35 = arith.subi %select_n3A, %sub3A_34 : i32
        %select_n3A_36 = arith.select %eq3A_33, %sub3A_35, %select_n3A_31 : i32
        %add3A_37 = arith.addi %select_n3A_36, %select_n3A_14 : i32
        %select_n3A_38 = arith.constant true
        %select_n3A_39 = arith.constant 0 : i32
        %select_n3A_40 = arith.constant 1 : i32
        %select_n3A_41 = arith.select %select_n3A_38, %select_n3A_40, %select_n3A_39 : i32
        %eq3A_42 = arith.cmpi eq, %select_n3A_41, %select_n3A : i32
        %select_n3A_43 = arith.constant 0 : i32
        %select_n3A_44 = arith.select %eq3A_42, %select_n3A_43, %select_n3A_41 : i32
        %add3A_45 = arith.addi %select_n3A_44, %select_n3A_14 : i32
        %add3A_46 = arith.constant 1 : i32
        %add3A_47 = arith.addi %select_n3A_44, %add3A_46 : i32
        %select_n3A_48 = arith.constant true
        %select_n3A_49 = arith.select %select_n3A_48, %add3A_47, %select_n3A_44 : i32
        %eq3A_50 = arith.cmpi eq, %select_n3A_49, %select_n3A : i32
        %select_n3A_51 = arith.constant 0 : i32
        %select_n3A_52 = arith.select %eq3A_50, %select_n3A_51, %select_n3A_49 : i32
        %add3A_53 = arith.addi %select_n3A_52, %select_n3A_14 : i32
        "tpu.trace_start"() <{level = 10 : i32, message = "ep_initialize_0"}> : () -> ()
        %rem3A = arith.constant 0 : i32
        %rem3A_54 = arith.constant 2 : i32
        %rem3A_55 = arith.remui %rem3A, %rem3A_54 : i32
        %mul3A_56 = arith.constant 128 : i32
        %mul3A_57 = arith.muli %mul3A_56, %add3A_27 : i32
        %dma_start3A = arith.constant 0 : i32
        %dma_start3A_58 = arith.constant 0 : i32
        %dma_start3A_59 = tpu.memref_slice %run_scoped3A[%rem3A_55, %dma_start3A, %dma_start3A_58] : memref<2x1x128xi32, #tpu.memory_space<vmem>> -> memref<1x1x128xi32, #tpu.memory_space<vmem>>
        %dma_start3A_60 = tpu.memref_squeeze %dma_start3A_59 : memref<1x1x128xi32, #tpu.memory_space<vmem>> -> memref<1x128xi32, #tpu.memory_space<vmem>>
        %dma_start3A_61 = arith.constant 0 : i32
        %dma_start3A_62 = tpu.memref_slice %arg3[%dma_start3A_61, %mul3A_57] : memref<1x160000xi32, #tpu.memory_space<hbm>> -> memref<1x128xi32, #tpu.memory_space<hbm>>
        %dma_start3A_63 = tpu.memref_slice %run_scoped3A_17[%rem3A_55] : memref<2x!tpu.dma_semaphore, #tpu.memory_space<semaphore_mem>> -> memref<1x!tpu.dma_semaphore, #tpu.memory_space<semaphore_mem>>
        %dma_start3A_64 = tpu.memref_squeeze %dma_start3A_63 : memref<1x!tpu.dma_semaphore, #tpu.memory_space<semaphore_mem>> -> memref<!tpu.dma_semaphore, #tpu.memory_space<semaphore_mem>>
        %dma_start3A_65 = arith.constant 0 : i32
        %dma_start3A_66 = arith.constant 0 : i32
        %dma_start3A_67 = tpu.memref_slice %run_scoped3A[%rem3A_55, %dma_start3A_65, %dma_start3A_66] : memref<2x1x128xi32, #tpu.memory_space<vmem>> -> memref<1x1x128xi32, #tpu.memory_space<vmem>>
        %dma_start3A_68 = tpu.memref_squeeze %dma_start3A_67 : memref<1x1x128xi32, #tpu.memory_space<vmem>> -> memref<1x128xi32, #tpu.memory_space<vmem>>
        %dma_start3A_69 = arith.constant 0 : i32
        %dma_start3A_70 = tpu.memref_slice %arg3[%dma_start3A_69, %mul3A_57] : memref<1x160000xi32, #tpu.memory_space<hbm>> -> memref<1x128xi32, #tpu.memory_space<hbm>>
        tpu.enqueue_dma source(%dma_start3A_70 : memref<1x128xi32, #tpu.memory_space<hbm>>) target(%dma_start3A_68 : memref<1x128xi32, #tpu.memory_space<vmem>>) target_semaphore(%dma_start3A_64 : memref<!tpu.dma_semaphore, #tpu.memory_space<semaphore_mem>>)
        %add3A_71 = arith.constant 0 : i32
        %add3A_72 = arith.constant 1 : i32
        %add3A_73 = arith.addi %add3A_71, %add3A_72 : i32
        %select_n3A_74 = arith.constant true
        %select_n3A_75 = arith.constant 0 : i32
        %select_n3A_76 = arith.select %select_n3A_74, %add3A_73, %select_n3A_75 : i32
        %while3A = arith.constant 0 : i32
        %while3A_77 = arith.constant 0 : i32
        %while3A_78 = arith.constant 0 : i32
        %while3A_79 = arith.constant 0 : i32
        %while3A_80 = arith.constant 0 : i32
        "tpu.trace_stop"() : () -> ()
        %while3A_81 = arith.subi %mul3A_16, %while3A : i32
        %while3A_82 = arith.addi %while3A, %while3A_81 : i32
        %while3A_83 = arith.constant 1 : i32
        %while3A_84 = arith.divsi %while3A_81, %while3A_83 : i32
        %while3A_85 = arith.muli %while3A_84, %while3A_83 : i32
        %while3A_86 = arith.addi %while3A, %while3A_85 : i32
        %while3A_87 = arith.constant 1 : i32
        %while3A_88:5 = scf.for %while3A_142 = %while3A to %while3A_86 step %while3A_87 iter_args(%while3A_143 = %select_n3A_76, %while3A_144 = %while3A_77, %while3A_145 = %while3A_78, %while3A_146 = %while3A_79, %while3A_147 = %while3A_80) -> (i32, i32, i32, i32, i32)  : i32 {
          %mul3A_148 = arith.constant 1 : i32
          %mul3A_149 = arith.muli %mul3A_148, %select_n3A : i32
          %eq3A_150 = arith.constant 0 : i32
          %eq3A_151 = arith.cmpi eq, %while3A_142, %eq3A_150 : i32
          %sub3A_152 = arith.constant 1 : i32
          %sub3A_153 = arith.subi %mul3A_149, %sub3A_152 : i32
          %eq3A_154 = arith.cmpi eq, %while3A_142, %sub3A_153 : i32
          %add3A_155 = arith.addi %while3A_147, %select_n3A_14 : i32
          %sub3A_156 = arith.constant 1 : i32
          %sub3A_157 = arith.subi %while3A_147, %sub3A_156 : i32
          %select_n3A_158 = arith.constant true
          %select_n3A_159 = arith.select %select_n3A_158, %sub3A_157, %while3A_147 : i32
          %eq3A_160 = arith.constant -1 : i32
          %eq3A_161 = arith.cmpi eq, %select_n3A_159, %eq3A_160 : i32
          %sub3A_162 = arith.constant 1 : i32
          %sub3A_163 = arith.subi %select_n3A, %sub3A_162 : i32
          %select_n3A_164 = arith.select %eq3A_161, %sub3A_163, %select_n3A_159 : i32
          %add3A_165 = arith.addi %select_n3A_164, %select_n3A_14 : i32
          %add3A_166 = arith.constant 1 : i32
          %add3A_167 = arith.addi %while3A_147, %add3A_166 : i32
          %select_n3A_168 = arith.constant true
          %select_n3A_169 = arith.select %select_n3A_168, %add3A_167, %while3A_147 : i32
          %eq3A_170 = arith.cmpi eq, %select_n3A_169, %select_n3A : i32
          %select_n3A_171 = arith.constant 0 : i32
          %select_n3A_172 = arith.select %eq3A_170, %select_n3A_171, %select_n3A_169 : i32
          %add3A_173 = arith.addi %select_n3A_172, %select_n3A_14 : i32
          %add3A_174 = arith.constant 1 : i32
          %add3A_175 = arith.addi %select_n3A_172, %add3A_174 : i32
          %select_n3A_176 = arith.constant true
          %select_n3A_177 = arith.select %select_n3A_176, %add3A_175, %select_n3A_172 : i32
          %eq3A_178 = arith.cmpi eq, %select_n3A_177, %select_n3A : i32
          %select_n3A_179 = arith.constant 0 : i32
          %select_n3A_180 = arith.select %eq3A_178, %select_n3A_179, %select_n3A_177 : i32
          %add3A_181 = arith.addi %select_n3A_180, %select_n3A_14 : i32
          %ne3A = arith.cmpi ne, %add3A_155, %add3A_173 : i32
          %or3A = arith.constant false
          %or3A_182 = arith.ori %or3A, %ne3A : i1
          %sub3A_183 = arith.constant 2 : i32
          %sub3A_184 = arith.subi %mul3A_149, %sub3A_183 : i32
          %add3A_185 = arith.constant 1 : i32
          %add3A_186 = arith.addi %sub3A_184, %add3A_185 : i32
          %ge3A = arith.cmpi sge, %while3A_142, %add3A_186 : i32
          %not3A = arith.constant true
          %not3A_187 = arith.xori %ge3A, %not3A : i1
          %and3A = arith.andi %or3A_182, %not3A_187 : i1
          %convert_element_type3A_188 = arith.extui %and3A : i1 to i32
          %cond3A_189 = arith.constant 0 : i32
          %cond3A_190 = arith.cmpi ne, %convert_element_type3A_188, %cond3A_189 : i32
          scf.if %cond3A_190 {
            "tpu.trace_start"() <{level = 10 : i32, message = "ep_copy_in"}> : () -> ()
            %rem3A_294 = arith.constant 2 : i32
            %rem3A_295 = arith.remui %while3A_143, %rem3A_294 : i32
            %mul3A_296 = arith.constant 128 : i32
            %mul3A_297 = arith.muli %mul3A_296, %add3A_173 : i32
            %dma_start3A_298 = arith.constant 0 : i32
            %dma_start3A_299 = arith.constant 0 : i32
            %dma_start3A_300 = tpu.memref_slice %run_scoped3A[%rem3A_295, %dma_start3A_298, %dma_start3A_299] : memref<2x1x128xi32, #tpu.memory_space<vmem>> -> memref<1x1x128xi32, #tpu.memory_space<vmem>>
            %dma_start3A_301 = tpu.memref_squeeze %dma_start3A_300 : memref<1x1x128xi32, #tpu.memory_space<vmem>> -> memref<1x128xi32, #tpu.memory_space<vmem>>
            %dma_start3A_302 = arith.constant 0 : i32
            %dma_start3A_303 = tpu.memref_slice %arg3[%dma_start3A_302, %mul3A_297] : memref<1x160000xi32, #tpu.memory_space<hbm>> -> memref<1x128xi32, #tpu.memory_space<hbm>>
            %dma_start3A_304 = tpu.memref_slice %run_scoped3A_17[%rem3A_295] : memref<2x!tpu.dma_semaphore, #tpu.memory_space<semaphore_mem>> -> memref<1x!tpu.dma_semaphore, #tpu.memory_space<semaphore_mem>>
            %dma_start3A_305 = tpu.memref_squeeze %dma_start3A_304 : memref<1x!tpu.dma_semaphore, #tpu.memory_space<semaphore_mem>> -> memref<!tpu.dma_semaphore, #tpu.memory_space<semaphore_mem>>
            %dma_start3A_306 = arith.constant 0 : i32
            %dma_start3A_307 = arith.constant 0 : i32
            %dma_start3A_308 = tpu.memref_slice %run_scoped3A[%rem3A_295, %dma_start3A_306, %dma_start3A_307] : memref<2x1x128xi32, #tpu.memory_space<vmem>> -> memref<1x1x128xi32, #tpu.memory_space<vmem>>
            %dma_start3A_309 = tpu.memref_squeeze %dma_start3A_308 : memref<1x1x128xi32, #tpu.memory_space<vmem>> -> memref<1x128xi32, #tpu.memory_space<vmem>>
            %dma_start3A_310 = arith.constant 0 : i32
            %dma_start3A_311 = tpu.memref_slice %arg3[%dma_start3A_310, %mul3A_297] : memref<1x160000xi32, #tpu.memory_space<hbm>> -> memref<1x128xi32, #tpu.memory_space<hbm>>
            tpu.enqueue_dma source(%dma_start3A_311 : memref<1x128xi32, #tpu.memory_space<hbm>>) target(%dma_start3A_309 : memref<1x128xi32, #tpu.memory_space<vmem>>) target_semaphore(%dma_start3A_305 : memref<!tpu.dma_semaphore, #tpu.memory_space<semaphore_mem>>)
            "tpu.trace_stop"() : () -> ()
          } else {
          }
          %and3A_191 = arith.constant true
          %and3A_192 = arith.andi %and3A, %and3A_191 : i1
          %add3A_193 = arith.constant 1 : i32
          %add3A_194 = arith.addi %while3A_143, %add3A_193 : i32
          %select_n3A_195 = arith.select %and3A_192, %add3A_194, %while3A_143 : i32
          %ne3A_196 = arith.cmpi ne, %add3A_155, %add3A_173 : i32
          %or3A_197 = arith.constant false
          %or3A_198 = arith.ori %or3A_197, %ne3A_196 : i1
          %or3A_199 = arith.constant false
          %or3A_200 = arith.ori %or3A_198, %or3A_199 : i1
          %sub3A_201 = arith.constant 2 : i32
          %sub3A_202 = arith.subi %mul3A_149, %sub3A_201 : i32
          %add3A_203 = arith.constant 1 : i32
          %add3A_204 = arith.addi %sub3A_202, %add3A_203 : i32
          %ge3A_205 = arith.cmpi sge, %while3A_142, %add3A_204 : i32
          %not3A_206 = arith.constant true
          %not3A_207 = arith.xori %ge3A_205, %not3A_206 : i1
          %and3A_208 = arith.andi %or3A_200, %not3A_207 : i1
          %ne3A_209 = arith.cmpi ne, %add3A_155, %add3A_165 : i32
          %or3A_210 = arith.constant false
          %or3A_211 = arith.ori %or3A_210, %ne3A_209 : i1
          %or3A_212 = arith.ori %or3A_211, %eq3A_151 : i1
          %convert_element_type3A_213 = arith.extui %or3A_212 : i1 to i32
          %cond3A_214 = arith.constant 0 : i32
          %cond3A_215 = arith.cmpi ne, %convert_element_type3A_213, %cond3A_214 : i32
          scf.if %cond3A_215 {
            "tpu.trace_start"() <{level = 10 : i32, message = "ep_wait_in"}> : () -> ()
            %mul3A_294 = arith.constant 128 : i32
            %mul3A_295 = arith.muli %mul3A_294, %add3A_155 : i32
            %rem3A_296 = arith.constant 2 : i32
            %rem3A_297 = arith.remui %while3A_144, %rem3A_296 : i32
            %dma_wait3A = arith.constant 0 : i32
            %dma_wait3A_298 = arith.constant 0 : i32
            %dma_wait3A_299 = tpu.memref_slice %run_scoped3A[%rem3A_297, %dma_wait3A, %dma_wait3A_298] : memref<2x1x128xi32, #tpu.memory_space<vmem>> -> memref<1x1x128xi32, #tpu.memory_space<vmem>>
            %dma_wait3A_300 = tpu.memref_squeeze %dma_wait3A_299 : memref<1x1x128xi32, #tpu.memory_space<vmem>> -> memref<1x128xi32, #tpu.memory_space<vmem>>
            %dma_wait3A_301 = arith.constant 0 : i32
            %dma_wait3A_302 = tpu.memref_slice %arg3[%dma_wait3A_301, %mul3A_295] : memref<1x160000xi32, #tpu.memory_space<hbm>> -> memref<1x128xi32, #tpu.memory_space<hbm>>
            %dma_wait3A_303 = tpu.memref_slice %run_scoped3A_17[%rem3A_297] : memref<2x!tpu.dma_semaphore, #tpu.memory_space<semaphore_mem>> -> memref<1x!tpu.dma_semaphore, #tpu.memory_space<semaphore_mem>>
            %dma_wait3A_304 = tpu.memref_squeeze %dma_wait3A_303 : memref<1x!tpu.dma_semaphore, #tpu.memory_space<semaphore_mem>> -> memref<!tpu.dma_semaphore, #tpu.memory_space<semaphore_mem>>
            %dma_wait3A_305 = arith.constant 0 : i32
            %dma_wait3A_306 = arith.constant 0 : i32
            %dma_wait3A_307 = tpu.memref_slice %run_scoped3A[%rem3A_297, %dma_wait3A_305, %dma_wait3A_306] : memref<2x1x128xi32, #tpu.memory_space<vmem>> -> memref<1x1x128xi32, #tpu.memory_space<vmem>>
            %dma_wait3A_308 = tpu.memref_squeeze %dma_wait3A_307 : memref<1x1x128xi32, #tpu.memory_space<vmem>> -> memref<1x128xi32, #tpu.memory_space<vmem>>
            %dma_wait3A_309 = arith.constant 0 : i32
            %dma_wait3A_310 = tpu.memref_slice %arg3[%dma_wait3A_309, %mul3A_295] : memref<1x160000xi32, #tpu.memory_space<hbm>> -> memref<1x128xi32, #tpu.memory_space<hbm>>
            tpu.wait_dma2 semaphore(%dma_wait3A_304 : memref<!tpu.dma_semaphore, #tpu.memory_space<semaphore_mem>>) src(%dma_wait3A_310 : memref<1x128xi32, #tpu.memory_space<hbm>>) dst(%dma_wait3A_308 : memref<1x128xi32, #tpu.memory_space<vmem>>)
            "tpu.trace_stop"() : () -> ()
          } else {
          }
          %ne3A_216 = arith.cmpi ne, %add3A_155, %add3A_165 : i32
          %or3A_217 = arith.constant false
          %or3A_218 = arith.ori %or3A_217, %ne3A_216 : i1
          %or3A_219 = arith.constant false
          %or3A_220 = arith.ori %or3A_218, %or3A_219 : i1
          %or3A_221 = arith.ori %or3A_220, %eq3A_151 : i1
          %convert_element_type3A_222 = arith.extui %or3A_221 : i1 to i32
          %cond3A_223 = arith.constant 0 : i32
          %cond3A_224 = arith.cmpi ne, %convert_element_type3A_222, %cond3A_223 : i32
          scf.if %cond3A_224 {
          } else {
          }
          %rem3A_225 = arith.constant 2 : i32
          %rem3A_226 = arith.remui %while3A_144, %rem3A_225 : i32
          %rem3A_227 = arith.constant 2 : i32
          %rem3A_228 = arith.remui %while3A_145, %rem3A_227 : i32
          %run_scoped3A_229 = arith.constant 0 : i32
          "tpu.trace_start"() <{level = 10 : i32, message = "ep_run_kernel"}> : () -> ()
          "tpu.region"() ({
            %run_scoped3A_294 = tpu.sem_alloc : memref<!tpu.dma_semaphore, #tpu.memory_space<semaphore_mem>>
            %dma_start3A_295 = arith.constant 0 : i32
            %dma_start3A_296 = arith.constant 0 : i32
            %dma_start3A_297 = tpu.memref_slice %run_scoped3A_18[%rem3A_228, %dma_start3A_295, %dma_start3A_296] : memref<2x128x128xf32, #tpu.memory_space<vmem>> -> memref<1x128x128xf32, #tpu.memory_space<vmem>>
            %dma_start3A_298 = tpu.memref_squeeze %dma_start3A_297 : memref<1x128x128xf32, #tpu.memory_space<vmem>> -> memref<128x128xf32, #tpu.memory_space<vmem>>
            %dma_start3A_299 = arith.constant 0 : i32
            %dma_start3A_300 = arith.constant 0 : i32
            %dma_start3A_301 = tpu.memref_slice %run_scoped3A[%rem3A_226, %dma_start3A_299, %dma_start3A_300] : memref<2x1x128xi32, #tpu.memory_space<vmem>> -> memref<1x1x128xi32, #tpu.memory_space<vmem>>
            %dma_start3A_302 = tpu.memref_squeeze %dma_start3A_301 : memref<1x1x128xi32, #tpu.memory_space<vmem>> -> memref<1x128xi32, #tpu.memory_space<vmem>>
            %dma_start3A_303 = arith.constant 0 : i32
            %dma_start3A_304 = tpu.memref_slice %dma_start3A_302[%run_scoped3A_229, %dma_start3A_303] : memref<1x128xi32, #tpu.memory_space<vmem>> -> memref<1x128xi32, #tpu.memory_space<vmem>>
            %dma_start3A_305 = tpu.memref_squeeze %dma_start3A_304 : memref<1x128xi32, #tpu.memory_space<vmem>> -> memref<128xi32, #tpu.memory_space<vmem>>
            %dma_start3A_306 = arith.constant 0 : i32
            %dma_start3A_307 = arith.constant 0 : i32
            %dma_start3A_308 = tpu.memref_slice %arg2[%dma_start3A_306, %dma_start3A_307] : memref<50000x128xf32, #tpu.memory_space<hbm>> -> memref<50000x128xf32, #tpu.memory_space<hbm>>
            tpu.enqueue_indirect_dma source(%dma_start3A_308 : memref<50000x128xf32, #tpu.memory_space<hbm>>) target(%dma_start3A_298 : memref<128x128xf32, #tpu.memory_space<vmem>>) offsets(%dma_start3A_305 : memref<128xi32, #tpu.memory_space<vmem>>) semaphore(%run_scoped3A_294 : memref<!tpu.dma_semaphore, #tpu.memory_space<semaphore_mem>>)
            %dma_wait3A = arith.constant 0 : i32
            %dma_wait3A_309 = arith.constant 0 : i32
            %dma_wait3A_310 = tpu.memref_slice %run_scoped3A_18[%rem3A_228, %dma_wait3A, %dma_wait3A_309] : memref<2x128x128xf32, #tpu.memory_space<vmem>> -> memref<1x128x128xf32, #tpu.memory_space<vmem>>
            %dma_wait3A_311 = tpu.memref_squeeze %dma_wait3A_310 : memref<1x128x128xf32, #tpu.memory_space<vmem>> -> memref<128x128xf32, #tpu.memory_space<vmem>>
            %dma_wait3A_312 = arith.constant 0 : i32
            %dma_wait3A_313 = arith.constant 0 : i32
            %dma_wait3A_314 = tpu.memref_slice %run_scoped3A[%rem3A_226, %dma_wait3A_312, %dma_wait3A_313] : memref<2x1x128xi32, #tpu.memory_space<vmem>> -> memref<1x1x128xi32, #tpu.memory_space<vmem>>
            %dma_wait3A_315 = tpu.memref_squeeze %dma_wait3A_314 : memref<1x1x128xi32, #tpu.memory_space<vmem>> -> memref<1x128xi32, #tpu.memory_space<vmem>>
            %dma_wait3A_316 = arith.constant 0 : i32
            %dma_wait3A_317 = tpu.memref_slice %dma_wait3A_315[%run_scoped3A_229, %dma_wait3A_316] : memref<1x128xi32, #tpu.memory_space<vmem>> -> memref<1x128xi32, #tpu.memory_space<vmem>>
            %dma_wait3A_318 = tpu.memref_squeeze %dma_wait3A_317 : memref<1x128xi32, #tpu.memory_space<vmem>> -> memref<128xi32, #tpu.memory_space<vmem>>
            %dma_wait3A_319 = arith.constant 0 : i32
            %dma_wait3A_320 = arith.constant 0 : i32
            %dma_wait3A_321 = tpu.memref_slice %arg2[%dma_wait3A_319, %dma_wait3A_320] : memref<50000x128xf32, #tpu.memory_space<hbm>> -> memref<50000x128xf32, #tpu.memory_space<hbm>>
            tpu.wait_indirect_dma semaphore(%run_scoped3A_294 : memref<!tpu.dma_semaphore, #tpu.memory_space<semaphore_mem>>) src(%dma_wait3A_321 : memref<50000x128xf32, #tpu.memory_space<hbm>>) dst(%dma_wait3A_311 : memref<128x128xf32, #tpu.memory_space<vmem>>)
            tpu.yield
          }) : () -> ()
          "tpu.trace_stop"() : () -> ()
          %ne3A_230 = arith.cmpi ne, %add3A_155, %add3A_173 : i32
          %or3A_231 = arith.constant false
          %or3A_232 = arith.ori %or3A_231, %ne3A_230 : i1
          %or3A_233 = arith.ori %or3A_232, %eq3A_154 : i1
          %convert_element_type3A_234 = arith.extui %or3A_233 : i1 to i32
          %cond3A_235 = arith.constant 0 : i32
          %cond3A_236 = arith.cmpi ne, %convert_element_type3A_234, %cond3A_235 : i32
          scf.if %cond3A_236 {
          } else {
          }
          %and3A_237 = arith.constant false
          %and3A_238 = arith.andi %or3A_233, %and3A_237 : i1
          %ne3A_239 = arith.cmpi ne, %add3A_155, %add3A_173 : i32
          %or3A_240 = arith.constant false
          %or3A_241 = arith.ori %or3A_240, %ne3A_239 : i1
          %or3A_242 = arith.constant false
          %or3A_243 = arith.ori %or3A_241, %or3A_242 : i1
          %or3A_244 = arith.ori %or3A_243, %eq3A_154 : i1
          %convert_element_type3A_245 = arith.extui %or3A_244 : i1 to i32
          %cond3A_246 = arith.constant 0 : i32
          %cond3A_247 = arith.cmpi ne, %convert_element_type3A_245, %cond3A_246 : i32
          scf.if %cond3A_247 {
            "tpu.trace_start"() <{level = 10 : i32, message = "ep_copy_out"}> : () -> ()
            %rem3A_294 = arith.constant 2 : i32
            %rem3A_295 = arith.remui %while3A_145, %rem3A_294 : i32
            %mul3A_296 = arith.constant 128 : i32
            %mul3A_297 = arith.muli %mul3A_296, %add3A_155 : i32
            %dma_start3A_298 = arith.constant 0 : i32
            %dma_start3A_299 = arith.constant 0 : i32
            %dma_start3A_300 = tpu.memref_slice %run_scoped3A_18[%rem3A_295, %dma_start3A_298, %dma_start3A_299] : memref<2x128x128xf32, #tpu.memory_space<vmem>> -> memref<1x128x128xf32, #tpu.memory_space<vmem>>
            %dma_start3A_301 = tpu.memref_squeeze %dma_start3A_300 : memref<1x128x128xf32, #tpu.memory_space<vmem>> -> memref<128x128xf32, #tpu.memory_space<vmem>>
            %dma_start3A_302 = arith.constant 0 : i32
            %dma_start3A_303 = tpu.memref_slice %arg4[%mul3A_297, %dma_start3A_302] : memref<160000x128xf32, #tpu.memory_space<hbm>> -> memref<128x128xf32, #tpu.memory_space<hbm>>
            %dma_start3A_304 = tpu.memref_slice %run_scoped3A_19[%rem3A_295] : memref<2x!tpu.dma_semaphore, #tpu.memory_space<semaphore_mem>> -> memref<1x!tpu.dma_semaphore, #tpu.memory_space<semaphore_mem>>
            %dma_start3A_305 = tpu.memref_squeeze %dma_start3A_304 : memref<1x!tpu.dma_semaphore, #tpu.memory_space<semaphore_mem>> -> memref<!tpu.dma_semaphore, #tpu.memory_space<semaphore_mem>>
            %dma_start3A_306 = arith.constant 0 : i32
            %dma_start3A_307 = tpu.memref_slice %arg4[%mul3A_297, %dma_start3A_306] : memref<160000x128xf32, #tpu.memory_space<hbm>> -> memref<128x128xf32, #tpu.memory_space<hbm>>
            %dma_start3A_308 = arith.constant 0 : i32
            %dma_start3A_309 = arith.constant 0 : i32
            %dma_start3A_310 = tpu.memref_slice %run_scoped3A_18[%rem3A_295, %dma_start3A_308, %dma_start3A_309] : memref<2x128x128xf32, #tpu.memory_space<vmem>> -> memref<1x128x128xf32, #tpu.memory_space<vmem>>
            %dma_start3A_311 = tpu.memref_squeeze %dma_start3A_310 : memref<1x128x128xf32, #tpu.memory_space<vmem>> -> memref<128x128xf32, #tpu.memory_space<vmem>>
            tpu.enqueue_dma source(%dma_start3A_311 : memref<128x128xf32, #tpu.memory_space<vmem>>) target(%dma_start3A_307 : memref<128x128xf32, #tpu.memory_space<hbm>>) target_semaphore(%dma_start3A_305 : memref<!tpu.dma_semaphore, #tpu.memory_space<semaphore_mem>>)
            "tpu.trace_stop"() : () -> ()
          } else {
          }
          %and3A_248 = arith.constant true
          %and3A_249 = arith.andi %or3A_244, %and3A_248 : i1
          %add3A_250 = arith.constant 1 : i32
          %add3A_251 = arith.addi %while3A_145, %add3A_250 : i32
          %select_n3A_252 = arith.select %and3A_249, %add3A_251, %while3A_145 : i32
          %ne3A_253 = arith.cmpi ne, %add3A_155, %add3A_165 : i32
          %or3A_254 = arith.constant false
          %or3A_255 = arith.ori %or3A_254, %ne3A_253 : i1
          %not3A_256 = arith.constant true
          %not3A_257 = arith.xori %eq3A_151, %not3A_256 : i1
          %and3A_258 = arith.andi %or3A_255, %not3A_257 : i1
          %convert_element_type3A_259 = arith.extui %and3A_258 : i1 to i32
          %cond3A_260 = arith.constant 0 : i32
          %cond3A_261 = arith.cmpi ne, %convert_element_type3A_259, %cond3A_260 : i32
          scf.if %cond3A_261 {
          } else {
          }
          %and3A_262 = arith.constant false
          %and3A_263 = arith.andi %and3A_258, %and3A_262 : i1
          %ne3A_264 = arith.cmpi ne, %add3A_155, %add3A_165 : i32
          %or3A_265 = arith.constant false
          %or3A_266 = arith.ori %or3A_265, %ne3A_264 : i1
          %or3A_267 = arith.constant false
          %or3A_268 = arith.ori %or3A_266, %or3A_267 : i1
          %not3A_269 = arith.constant true
          %not3A_270 = arith.xori %eq3A_151, %not3A_269 : i1
          %and3A_271 = arith.andi %or3A_268, %not3A_270 : i1
          %convert_element_type3A_272 = arith.extui %and3A_271 : i1 to i32
          %cond3A_273 = arith.constant 0 : i32
          %cond3A_274 = arith.cmpi ne, %convert_element_type3A_272, %cond3A_273 : i32
          scf.if %cond3A_274 {
            "tpu.trace_start"() <{level = 10 : i32, message = "ep_wait_out"}> : () -> ()
            %rem3A_294 = arith.constant 2 : i32
            %rem3A_295 = arith.remui %while3A_146, %rem3A_294 : i32
            %mul3A_296 = arith.constant 128 : i32
            %mul3A_297 = arith.muli %mul3A_296, %add3A_165 : i32
            %dma_wait3A = arith.constant 0 : i32
            %dma_wait3A_298 = arith.constant 0 : i32
            %dma_wait3A_299 = tpu.memref_slice %run_scoped3A_18[%rem3A_295, %dma_wait3A, %dma_wait3A_298] : memref<2x128x128xf32, #tpu.memory_space<vmem>> -> memref<1x128x128xf32, #tpu.memory_space<vmem>>
            %dma_wait3A_300 = tpu.memref_squeeze %dma_wait3A_299 : memref<1x128x128xf32, #tpu.memory_space<vmem>> -> memref<128x128xf32, #tpu.memory_space<vmem>>
            %dma_wait3A_301 = arith.constant 0 : i32
            %dma_wait3A_302 = tpu.memref_slice %arg4[%mul3A_297, %dma_wait3A_301] : memref<160000x128xf32, #tpu.memory_space<hbm>> -> memref<128x128xf32, #tpu.memory_space<hbm>>
            %dma_wait3A_303 = tpu.memref_slice %run_scoped3A_19[%rem3A_295] : memref<2x!tpu.dma_semaphore, #tpu.memory_space<semaphore_mem>> -> memref<1x!tpu.dma_semaphore, #tpu.memory_space<semaphore_mem>>
            %dma_wait3A_304 = tpu.memref_squeeze %dma_wait3A_303 : memref<1x!tpu.dma_semaphore, #tpu.memory_space<semaphore_mem>> -> memref<!tpu.dma_semaphore, #tpu.memory_space<semaphore_mem>>
            %dma_wait3A_305 = arith.constant 0 : i32
            %dma_wait3A_306 = tpu.memref_slice %arg4[%mul3A_297, %dma_wait3A_305] : memref<160000x128xf32, #tpu.memory_space<hbm>> -> memref<128x128xf32, #tpu.memory_space<hbm>>
            %dma_wait3A_307 = arith.constant 0 : i32
            %dma_wait3A_308 = arith.constant 0 : i32
            %dma_wait3A_309 = tpu.memref_slice %run_scoped3A_18[%rem3A_295, %dma_wait3A_307, %dma_wait3A_308] : memref<2x128x128xf32, #tpu.memory_space<vmem>> -> memref<1x128x128xf32, #tpu.memory_space<vmem>>
            %dma_wait3A_310 = tpu.memref_squeeze %dma_wait3A_309 : memref<1x128x128xf32, #tpu.memory_space<vmem>> -> memref<128x128xf32, #tpu.memory_space<vmem>>
            tpu.wait_dma2 semaphore(%dma_wait3A_304 : memref<!tpu.dma_semaphore, #tpu.memory_space<semaphore_mem>>) src(%dma_wait3A_310 : memref<128x128xf32, #tpu.memory_space<vmem>>) dst(%dma_wait3A_306 : memref<128x128xf32, #tpu.memory_space<hbm>>)
            "tpu.trace_stop"() : () -> ()
          } else {
          }
          %and3A_275 = arith.constant true
          %and3A_276 = arith.andi %and3A_271, %and3A_275 : i1
          %add3A_277 = arith.constant 1 : i32
          %add3A_278 = arith.addi %while3A_146, %add3A_277 : i32
          %select_n3A_279 = arith.select %and3A_276, %add3A_278, %while3A_146 : i32
          %ne3A_280 = arith.cmpi ne, %add3A_155, %add3A_173 : i32
          %or3A_281 = arith.constant false
          %or3A_282 = arith.ori %or3A_281, %ne3A_280 : i1
          %or3A_283 = arith.ori %or3A_282, %eq3A_154 : i1
          %add3A_284 = arith.constant 1 : i32
          %add3A_285 = arith.addi %while3A_144, %add3A_284 : i32
          %select_n3A_286 = arith.select %or3A_283, %add3A_285, %while3A_144 : i32
          %add3A_287 = arith.constant 1 : i32
          %add3A_288 = arith.addi %while3A_147, %add3A_287 : i32
          %select_n3A_289 = arith.constant true
          %select_n3A_290 = arith.select %select_n3A_289, %add3A_288, %while3A_147 : i32
          %eq3A_291 = arith.cmpi eq, %select_n3A_290, %select_n3A : i32
          %select_n3A_292 = arith.constant 0 : i32
          %select_n3A_293 = arith.select %eq3A_291, %select_n3A_292, %select_n3A_290 : i32
          scf.yield %select_n3A_195, %select_n3A_286, %select_n3A_252, %select_n3A_279, %select_n3A_293 : i32, i32, i32, i32, i32
        }
        %while3A_89 = arith.constant 1 : i32
        %while3A_90:5 = scf.for %while3A_142 = %while3A_86 to %while3A_82 step %while3A_89 iter_args(%while3A_143 = %while3A_88#0, %while3A_144 = %while3A_88#1, %while3A_145 = %while3A_88#2, %while3A_146 = %while3A_88#3, %while3A_147 = %while3A_88#4) -> (i32, i32, i32, i32, i32)  : i32 {
          %mul3A_148 = arith.constant 1 : i32
          %mul3A_149 = arith.muli %mul3A_148, %select_n3A : i32
          %eq3A_150 = arith.constant 0 : i32
          %eq3A_151 = arith.cmpi eq, %while3A_142, %eq3A_150 : i32
          %sub3A_152 = arith.constant 1 : i32
          %sub3A_153 = arith.subi %mul3A_149, %sub3A_152 : i32
          %eq3A_154 = arith.cmpi eq, %while3A_142, %sub3A_153 : i32
          %add3A_155 = arith.addi %while3A_147, %select_n3A_14 : i32
          %sub3A_156 = arith.constant 1 : i32
          %sub3A_157 = arith.subi %while3A_147, %sub3A_156 : i32
          %select_n3A_158 = arith.constant true
          %select_n3A_159 = arith.select %select_n3A_158, %sub3A_157, %while3A_147 : i32
          %eq3A_160 = arith.constant -1 : i32
          %eq3A_161 = arith.cmpi eq, %select_n3A_159, %eq3A_160 : i32
          %sub3A_162 = arith.constant 1 : i32
          %sub3A_163 = arith.subi %select_n3A, %sub3A_162 : i32
          %select_n3A_164 = arith.select %eq3A_161, %sub3A_163, %select_n3A_159 : i32
          %add3A_165 = arith.addi %select_n3A_164, %select_n3A_14 : i32
          %add3A_166 = arith.constant 1 : i32
          %add3A_167 = arith.addi %while3A_147, %add3A_166 : i32
          %select_n3A_168 = arith.constant true
          %select_n3A_169 = arith.select %select_n3A_168, %add3A_167, %while3A_147 : i32
          %eq3A_170 = arith.cmpi eq, %select_n3A_169, %select_n3A : i32
          %select_n3A_171 = arith.constant 0 : i32
          %select_n3A_172 = arith.select %eq3A_170, %select_n3A_171, %select_n3A_169 : i32
          %add3A_173 = arith.addi %select_n3A_172, %select_n3A_14 : i32
          %add3A_174 = arith.constant 1 : i32
          %add3A_175 = arith.addi %select_n3A_172, %add3A_174 : i32
          %select_n3A_176 = arith.constant true
          %select_n3A_177 = arith.select %select_n3A_176, %add3A_175, %select_n3A_172 : i32
          %eq3A_178 = arith.cmpi eq, %select_n3A_177, %select_n3A : i32
          %select_n3A_179 = arith.constant 0 : i32
          %select_n3A_180 = arith.select %eq3A_178, %select_n3A_179, %select_n3A_177 : i32
          %add3A_181 = arith.addi %select_n3A_180, %select_n3A_14 : i32
          %ne3A = arith.cmpi ne, %add3A_155, %add3A_173 : i32
          %or3A = arith.constant false
          %or3A_182 = arith.ori %or3A, %ne3A : i1
          %sub3A_183 = arith.constant 2 : i32
          %sub3A_184 = arith.subi %mul3A_149, %sub3A_183 : i32
          %add3A_185 = arith.constant 1 : i32
          %add3A_186 = arith.addi %sub3A_184, %add3A_185 : i32
          %ge3A = arith.cmpi sge, %while3A_142, %add3A_186 : i32
          %not3A = arith.constant true
          %not3A_187 = arith.xori %ge3A, %not3A : i1
          %and3A = arith.andi %or3A_182, %not3A_187 : i1
          %convert_element_type3A_188 = arith.extui %and3A : i1 to i32
          %cond3A_189 = arith.constant 0 : i32
          %cond3A_190 = arith.cmpi ne, %convert_element_type3A_188, %cond3A_189 : i32
          scf.if %cond3A_190 {
            "tpu.trace_start"() <{level = 10 : i32, message = "ep_copy_in"}> : () -> ()
            %rem3A_294 = arith.constant 2 : i32
            %rem3A_295 = arith.remui %while3A_143, %rem3A_294 : i32
            %mul3A_296 = arith.constant 128 : i32
            %mul3A_297 = arith.muli %mul3A_296, %add3A_173 : i32
            %dma_start3A_298 = arith.constant 0 : i32
            %dma_start3A_299 = arith.constant 0 : i32
            %dma_start3A_300 = tpu.memref_slice %run_scoped3A[%rem3A_295, %dma_start3A_298, %dma_start3A_299] : memref<2x1x128xi32, #tpu.memory_space<vmem>> -> memref<1x1x128xi32, #tpu.memory_space<vmem>>
            %dma_start3A_301 = tpu.memref_squeeze %dma_start3A_300 : memref<1x1x128xi32, #tpu.memory_space<vmem>> -> memref<1x128xi32, #tpu.memory_space<vmem>>
            %dma_start3A_302 = arith.constant 0 : i32
            %dma_start3A_303 = tpu.memref_slice %arg3[%dma_start3A_302, %mul3A_297] : memref<1x160000xi32, #tpu.memory_space<hbm>> -> memref<1x128xi32, #tpu.memory_space<hbm>>
            %dma_start3A_304 = tpu.memref_slice %run_scoped3A_17[%rem3A_295] : memref<2x!tpu.dma_semaphore, #tpu.memory_space<semaphore_mem>> -> memref<1x!tpu.dma_semaphore, #tpu.memory_space<semaphore_mem>>
            %dma_start3A_305 = tpu.memref_squeeze %dma_start3A_304 : memref<1x!tpu.dma_semaphore, #tpu.memory_space<semaphore_mem>> -> memref<!tpu.dma_semaphore, #tpu.memory_space<semaphore_mem>>
            %dma_start3A_306 = arith.constant 0 : i32
            %dma_start3A_307 = arith.constant 0 : i32
            %dma_start3A_308 = tpu.memref_slice %run_scoped3A[%rem3A_295, %dma_start3A_306, %dma_start3A_307] : memref<2x1x128xi32, #tpu.memory_space<vmem>> -> memref<1x1x128xi32, #tpu.memory_space<vmem>>
            %dma_start3A_309 = tpu.memref_squeeze %dma_start3A_308 : memref<1x1x128xi32, #tpu.memory_space<vmem>> -> memref<1x128xi32, #tpu.memory_space<vmem>>
            %dma_start3A_310 = arith.constant 0 : i32
            %dma_start3A_311 = tpu.memref_slice %arg3[%dma_start3A_310, %mul3A_297] : memref<1x160000xi32, #tpu.memory_space<hbm>> -> memref<1x128xi32, #tpu.memory_space<hbm>>
            tpu.enqueue_dma source(%dma_start3A_311 : memref<1x128xi32, #tpu.memory_space<hbm>>) target(%dma_start3A_309 : memref<1x128xi32, #tpu.memory_space<vmem>>) target_semaphore(%dma_start3A_305 : memref<!tpu.dma_semaphore, #tpu.memory_space<semaphore_mem>>)
            "tpu.trace_stop"() : () -> ()
          } else {
          }
          %and3A_191 = arith.constant true
          %and3A_192 = arith.andi %and3A, %and3A_191 : i1
          %add3A_193 = arith.constant 1 : i32
          %add3A_194 = arith.addi %while3A_143, %add3A_193 : i32
          %select_n3A_195 = arith.select %and3A_192, %add3A_194, %while3A_143 : i32
          %ne3A_196 = arith.cmpi ne, %add3A_155, %add3A_173 : i32
          %or3A_197 = arith.constant false
          %or3A_198 = arith.ori %or3A_197, %ne3A_196 : i1
          %or3A_199 = arith.constant false
          %or3A_200 = arith.ori %or3A_198, %or3A_199 : i1
          %sub3A_201 = arith.constant 2 : i32
          %sub3A_202 = arith.subi %mul3A_149, %sub3A_201 : i32
          %add3A_203 = arith.constant 1 : i32
          %add3A_204 = arith.addi %sub3A_202, %add3A_203 : i32
          %ge3A_205 = arith.cmpi sge, %while3A_142, %add3A_204 : i32
          %not3A_206 = arith.constant true
          %not3A_207 = arith.xori %ge3A_205, %not3A_206 : i1
          %and3A_208 = arith.andi %or3A_200, %not3A_207 : i1
          %ne3A_209 = arith.cmpi ne, %add3A_155, %add3A_165 : i32
          %or3A_210 = arith.constant false
          %or3A_211 = arith.ori %or3A_210, %ne3A_209 : i1
          %or3A_212 = arith.ori %or3A_211, %eq3A_151 : i1
          %convert_element_type3A_213 = arith.extui %or3A_212 : i1 to i32
          %cond3A_214 = arith.constant 0 : i32
          %cond3A_215 = arith.cmpi ne, %convert_element_type3A_213, %cond3A_214 : i32
          scf.if %cond3A_215 {
            "tpu.trace_start"() <{level = 10 : i32, message = "ep_wait_in"}> : () -> ()
            %mul3A_294 = arith.constant 128 : i32
            %mul3A_295 = arith.muli %mul3A_294, %add3A_155 : i32
            %rem3A_296 = arith.constant 2 : i32
            %rem3A_297 = arith.remui %while3A_144, %rem3A_296 : i32
            %dma_wait3A = arith.constant 0 : i32
            %dma_wait3A_298 = arith.constant 0 : i32
            %dma_wait3A_299 = tpu.memref_slice %run_scoped3A[%rem3A_297, %dma_wait3A, %dma_wait3A_298] : memref<2x1x128xi32, #tpu.memory_space<vmem>> -> memref<1x1x128xi32, #tpu.memory_space<vmem>>
            %dma_wait3A_300 = tpu.memref_squeeze %dma_wait3A_299 : memref<1x1x128xi32, #tpu.memory_space<vmem>> -> memref<1x128xi32, #tpu.memory_space<vmem>>
            %dma_wait3A_301 = arith.constant 0 : i32
            %dma_wait3A_302 = tpu.memref_slice %arg3[%dma_wait3A_301, %mul3A_295] : memref<1x160000xi32, #tpu.memory_space<hbm>> -> memref<1x128xi32, #tpu.memory_space<hbm>>
            %dma_wait3A_303 = tpu.memref_slice %run_scoped3A_17[%rem3A_297] : memref<2x!tpu.dma_semaphore, #tpu.memory_space<semaphore_mem>> -> memref<1x!tpu.dma_semaphore, #tpu.memory_space<semaphore_mem>>
            %dma_wait3A_304 = tpu.memref_squeeze %dma_wait3A_303 : memref<1x!tpu.dma_semaphore, #tpu.memory_space<semaphore_mem>> -> memref<!tpu.dma_semaphore, #tpu.memory_space<semaphore_mem>>
            %dma_wait3A_305 = arith.constant 0 : i32
            %dma_wait3A_306 = arith.constant 0 : i32
            %dma_wait3A_307 = tpu.memref_slice %run_scoped3A[%rem3A_297, %dma_wait3A_305, %dma_wait3A_306] : memref<2x1x128xi32, #tpu.memory_space<vmem>> -> memref<1x1x128xi32, #tpu.memory_space<vmem>>
            %dma_wait3A_308 = tpu.memref_squeeze %dma_wait3A_307 : memref<1x1x128xi32, #tpu.memory_space<vmem>> -> memref<1x128xi32, #tpu.memory_space<vmem>>
            %dma_wait3A_309 = arith.constant 0 : i32
            %dma_wait3A_310 = tpu.memref_slice %arg3[%dma_wait3A_309, %mul3A_295] : memref<1x160000xi32, #tpu.memory_space<hbm>> -> memref<1x128xi32, #tpu.memory_space<hbm>>
            tpu.wait_dma2 semaphore(%dma_wait3A_304 : memref<!tpu.dma_semaphore, #tpu.memory_space<semaphore_mem>>) src(%dma_wait3A_310 : memref<1x128xi32, #tpu.memory_space<hbm>>) dst(%dma_wait3A_308 : memref<1x128xi32, #tpu.memory_space<vmem>>)
            "tpu.trace_stop"() : () -> ()
          } else {
          }
          %ne3A_216 = arith.cmpi ne, %add3A_155, %add3A_165 : i32
          %or3A_217 = arith.constant false
          %or3A_218 = arith.ori %or3A_217, %ne3A_216 : i1
          %or3A_219 = arith.constant false
          %or3A_220 = arith.ori %or3A_218, %or3A_219 : i1
          %or3A_221 = arith.ori %or3A_220, %eq3A_151 : i1
          %convert_element_type3A_222 = arith.extui %or3A_221 : i1 to i32
          %cond3A_223 = arith.constant 0 : i32
          %cond3A_224 = arith.cmpi ne, %convert_element_type3A_222, %cond3A_223 : i32
          scf.if %cond3A_224 {
          } else {
          }
          %rem3A_225 = arith.constant 2 : i32
          %rem3A_226 = arith.remui %while3A_144, %rem3A_225 : i32
          %rem3A_227 = arith.constant 2 : i32
          %rem3A_228 = arith.remui %while3A_145, %rem3A_227 : i32
          %run_scoped3A_229 = arith.constant 0 : i32
          "tpu.trace_start"() <{level = 10 : i32, message = "ep_run_kernel"}> : () -> ()
          "tpu.region"() ({
            %run_scoped3A_294 = tpu.sem_alloc : memref<!tpu.dma_semaphore, #tpu.memory_space<semaphore_mem>>
            %dma_start3A_295 = arith.constant 0 : i32
            %dma_start3A_296 = arith.constant 0 : i32
            %dma_start3A_297 = tpu.memref_slice %run_scoped3A_18[%rem3A_228, %dma_start3A_295, %dma_start3A_296] : memref<2x128x128xf32, #tpu.memory_space<vmem>> -> memref<1x128x128xf32, #tpu.memory_space<vmem>>
            %dma_start3A_298 = tpu.memref_squeeze %dma_start3A_297 : memref<1x128x128xf32, #tpu.memory_space<vmem>> -> memref<128x128xf32, #tpu.memory_space<vmem>>
            %dma_start3A_299 = arith.constant 0 : i32
            %dma_start3A_300 = arith.constant 0 : i32
            %dma_start3A_301 = tpu.memref_slice %run_scoped3A[%rem3A_226, %dma_start3A_299, %dma_start3A_300] : memref<2x1x128xi32, #tpu.memory_space<vmem>> -> memref<1x1x128xi32, #tpu.memory_space<vmem>>
            %dma_start3A_302 = tpu.memref_squeeze %dma_start3A_301 : memref<1x1x128xi32, #tpu.memory_space<vmem>> -> memref<1x128xi32, #tpu.memory_space<vmem>>
            %dma_start3A_303 = arith.constant 0 : i32
            %dma_start3A_304 = tpu.memref_slice %dma_start3A_302[%run_scoped3A_229, %dma_start3A_303] : memref<1x128xi32, #tpu.memory_space<vmem>> -> memref<1x128xi32, #tpu.memory_space<vmem>>
            %dma_start3A_305 = tpu.memref_squeeze %dma_start3A_304 : memref<1x128xi32, #tpu.memory_space<vmem>> -> memref<128xi32, #tpu.memory_space<vmem>>
            %dma_start3A_306 = arith.constant 0 : i32
            %dma_start3A_307 = arith.constant 0 : i32
            %dma_start3A_308 = tpu.memref_slice %arg2[%dma_start3A_306, %dma_start3A_307] : memref<50000x128xf32, #tpu.memory_space<hbm>> -> memref<50000x128xf32, #tpu.memory_space<hbm>>
            tpu.enqueue_indirect_dma source(%dma_start3A_308 : memref<50000x128xf32, #tpu.memory_space<hbm>>) target(%dma_start3A_298 : memref<128x128xf32, #tpu.memory_space<vmem>>) offsets(%dma_start3A_305 : memref<128xi32, #tpu.memory_space<vmem>>) semaphore(%run_scoped3A_294 : memref<!tpu.dma_semaphore, #tpu.memory_space<semaphore_mem>>)
            %dma_wait3A = arith.constant 0 : i32
            %dma_wait3A_309 = arith.constant 0 : i32
            %dma_wait3A_310 = tpu.memref_slice %run_scoped3A_18[%rem3A_228, %dma_wait3A, %dma_wait3A_309] : memref<2x128x128xf32, #tpu.memory_space<vmem>> -> memref<1x128x128xf32, #tpu.memory_space<vmem>>
            %dma_wait3A_311 = tpu.memref_squeeze %dma_wait3A_310 : memref<1x128x128xf32, #tpu.memory_space<vmem>> -> memref<128x128xf32, #tpu.memory_space<vmem>>
            %dma_wait3A_312 = arith.constant 0 : i32
            %dma_wait3A_313 = arith.constant 0 : i32
            %dma_wait3A_314 = tpu.memref_slice %run_scoped3A[%rem3A_226, %dma_wait3A_312, %dma_wait3A_313] : memref<2x1x128xi32, #tpu.memory_space<vmem>> -> memref<1x1x128xi32, #tpu.memory_space<vmem>>
            %dma_wait3A_315 = tpu.memref_squeeze %dma_wait3A_314 : memref<1x1x128xi32, #tpu.memory_space<vmem>> -> memref<1x128xi32, #tpu.memory_space<vmem>>
            %dma_wait3A_316 = arith.constant 0 : i32
            %dma_wait3A_317 = tpu.memref_slice %dma_wait3A_315[%run_scoped3A_229, %dma_wait3A_316] : memref<1x128xi32, #tpu.memory_space<vmem>> -> memref<1x128xi32, #tpu.memory_space<vmem>>
            %dma_wait3A_318 = tpu.memref_squeeze %dma_wait3A_317 : memref<1x128xi32, #tpu.memory_space<vmem>> -> memref<128xi32, #tpu.memory_space<vmem>>
            %dma_wait3A_319 = arith.constant 0 : i32
            %dma_wait3A_320 = arith.constant 0 : i32
            %dma_wait3A_321 = tpu.memref_slice %arg2[%dma_wait3A_319, %dma_wait3A_320] : memref<50000x128xf32, #tpu.memory_space<hbm>> -> memref<50000x128xf32, #tpu.memory_space<hbm>>
            tpu.wait_indirect_dma semaphore(%run_scoped3A_294 : memref<!tpu.dma_semaphore, #tpu.memory_space<semaphore_mem>>) src(%dma_wait3A_321 : memref<50000x128xf32, #tpu.memory_space<hbm>>) dst(%dma_wait3A_311 : memref<128x128xf32, #tpu.memory_space<vmem>>)
            tpu.yield
          }) : () -> ()
          "tpu.trace_stop"() : () -> ()
          %ne3A_230 = arith.cmpi ne, %add3A_155, %add3A_173 : i32
          %or3A_231 = arith.constant false
          %or3A_232 = arith.ori %or3A_231, %ne3A_230 : i1
          %or3A_233 = arith.ori %or3A_232, %eq3A_154 : i1
          %convert_element_type3A_234 = arith.extui %or3A_233 : i1 to i32
          %cond3A_235 = arith.constant 0 : i32
          %cond3A_236 = arith.cmpi ne, %convert_element_type3A_234, %cond3A_235 : i32
          scf.if %cond3A_236 {
          } else {
          }
          %and3A_237 = arith.constant false
          %and3A_238 = arith.andi %or3A_233, %and3A_237 : i1
          %ne3A_239 = arith.cmpi ne, %add3A_155, %add3A_173 : i32
          %or3A_240 = arith.constant false
          %or3A_241 = arith.ori %or3A_240, %ne3A_239 : i1
          %or3A_242 = arith.constant false
          %or3A_243 = arith.ori %or3A_241, %or3A_242 : i1
          %or3A_244 = arith.ori %or3A_243, %eq3A_154 : i1
          %convert_element_type3A_245 = arith.extui %or3A_244 : i1 to i32
          %cond3A_246 = arith.constant 0 : i32
          %cond3A_247 = arith.cmpi ne, %convert_element_type3A_245, %cond3A_246 : i32
          scf.if %cond3A_247 {
            "tpu.trace_start"() <{level = 10 : i32, message = "ep_copy_out"}> : () -> ()
            %rem3A_294 = arith.constant 2 : i32
            %rem3A_295 = arith.remui %while3A_145, %rem3A_294 : i32
            %mul3A_296 = arith.constant 128 : i32
            %mul3A_297 = arith.muli %mul3A_296, %add3A_155 : i32
            %dma_start3A_298 = arith.constant 0 : i32
            %dma_start3A_299 = arith.constant 0 : i32
            %dma_start3A_300 = tpu.memref_slice %run_scoped3A_18[%rem3A_295, %dma_start3A_298, %dma_start3A_299] : memref<2x128x128xf32, #tpu.memory_space<vmem>> -> memref<1x128x128xf32, #tpu.memory_space<vmem>>
            %dma_start3A_301 = tpu.memref_squeeze %dma_start3A_300 : memref<1x128x128xf32, #tpu.memory_space<vmem>> -> memref<128x128xf32, #tpu.memory_space<vmem>>
            %dma_start3A_302 = arith.constant 0 : i32
            %dma_start3A_303 = tpu.memref_slice %arg4[%mul3A_297, %dma_start3A_302] : memref<160000x128xf32, #tpu.memory_space<hbm>> -> memref<128x128xf32, #tpu.memory_space<hbm>>
            %dma_start3A_304 = tpu.memref_slice %run_scoped3A_19[%rem3A_295] : memref<2x!tpu.dma_semaphore, #tpu.memory_space<semaphore_mem>> -> memref<1x!tpu.dma_semaphore, #tpu.memory_space<semaphore_mem>>
            %dma_start3A_305 = tpu.memref_squeeze %dma_start3A_304 : memref<1x!tpu.dma_semaphore, #tpu.memory_space<semaphore_mem>> -> memref<!tpu.dma_semaphore, #tpu.memory_space<semaphore_mem>>
            %dma_start3A_306 = arith.constant 0 : i32
            %dma_start3A_307 = tpu.memref_slice %arg4[%mul3A_297, %dma_start3A_306] : memref<160000x128xf32, #tpu.memory_space<hbm>> -> memref<128x128xf32, #tpu.memory_space<hbm>>
            %dma_start3A_308 = arith.constant 0 : i32
            %dma_start3A_309 = arith.constant 0 : i32
            %dma_start3A_310 = tpu.memref_slice %run_scoped3A_18[%rem3A_295, %dma_start3A_308, %dma_start3A_309] : memref<2x128x128xf32, #tpu.memory_space<vmem>> -> memref<1x128x128xf32, #tpu.memory_space<vmem>>
            %dma_start3A_311 = tpu.memref_squeeze %dma_start3A_310 : memref<1x128x128xf32, #tpu.memory_space<vmem>> -> memref<128x128xf32, #tpu.memory_space<vmem>>
            tpu.enqueue_dma source(%dma_start3A_311 : memref<128x128xf32, #tpu.memory_space<vmem>>) target(%dma_start3A_307 : memref<128x128xf32, #tpu.memory_space<hbm>>) target_semaphore(%dma_start3A_305 : memref<!tpu.dma_semaphore, #tpu.memory_space<semaphore_mem>>)
            "tpu.trace_stop"() : () -> ()
          } else {
          }
          %and3A_248 = arith.constant true
          %and3A_249 = arith.andi %or3A_244, %and3A_248 : i1
          %add3A_250 = arith.constant 1 : i32
          %add3A_251 = arith.addi %while3A_145, %add3A_250 : i32
          %select_n3A_252 = arith.select %and3A_249, %add3A_251, %while3A_145 : i32
          %ne3A_253 = arith.cmpi ne, %add3A_155, %add3A_165 : i32
          %or3A_254 = arith.constant false
          %or3A_255 = arith.ori %or3A_254, %ne3A_253 : i1
          %not3A_256 = arith.constant true
          %not3A_257 = arith.xori %eq3A_151, %not3A_256 : i1
          %and3A_258 = arith.andi %or3A_255, %not3A_257 : i1
          %convert_element_type3A_259 = arith.extui %and3A_258 : i1 to i32
          %cond3A_260 = arith.constant 0 : i32
          %cond3A_261 = arith.cmpi ne, %convert_element_type3A_259, %cond3A_260 : i32
          scf.if %cond3A_261 {
          } else {
          }
          %and3A_262 = arith.constant false
          %and3A_263 = arith.andi %and3A_258, %and3A_262 : i1
          %ne3A_264 = arith.cmpi ne, %add3A_155, %add3A_165 : i32
          %or3A_265 = arith.constant false
          %or3A_266 = arith.ori %or3A_265, %ne3A_264 : i1
          %or3A_267 = arith.constant false
          %or3A_268 = arith.ori %or3A_266, %or3A_267 : i1
          %not3A_269 = arith.constant true
          %not3A_270 = arith.xori %eq3A_151, %not3A_269 : i1
          %and3A_271 = arith.andi %or3A_268, %not3A_270 : i1
          %convert_element_type3A_272 = arith.extui %and3A_271 : i1 to i32
          %cond3A_273 = arith.constant 0 : i32
          %cond3A_274 = arith.cmpi ne, %convert_element_type3A_272, %cond3A_273 : i32
          scf.if %cond3A_274 {
            "tpu.trace_start"() <{level = 10 : i32, message = "ep_wait_out"}> : () -> ()
            %rem3A_294 = arith.constant 2 : i32
            %rem3A_295 = arith.remui %while3A_146, %rem3A_294 : i32
            %mul3A_296 = arith.constant 128 : i32
            %mul3A_297 = arith.muli %mul3A_296, %add3A_165 : i32
            %dma_wait3A = arith.constant 0 : i32
            %dma_wait3A_298 = arith.constant 0 : i32
            %dma_wait3A_299 = tpu.memref_slice %run_scoped3A_18[%rem3A_295, %dma_wait3A, %dma_wait3A_298] : memref<2x128x128xf32, #tpu.memory_space<vmem>> -> memref<1x128x128xf32, #tpu.memory_space<vmem>>
            %dma_wait3A_300 = tpu.memref_squeeze %dma_wait3A_299 : memref<1x128x128xf32, #tpu.memory_space<vmem>> -> memref<128x128xf32, #tpu.memory_space<vmem>>
            %dma_wait3A_301 = arith.constant 0 : i32
            %dma_wait3A_302 = tpu.memref_slice %arg4[%mul3A_297, %dma_wait3A_301] : memref<160000x128xf32, #tpu.memory_space<hbm>> -> memref<128x128xf32, #tpu.memory_space<hbm>>
            %dma_wait3A_303 = tpu.memref_slice %run_scoped3A_19[%rem3A_295] : memref<2x!tpu.dma_semaphore, #tpu.memory_space<semaphore_mem>> -> memref<1x!tpu.dma_semaphore, #tpu.memory_space<semaphore_mem>>
            %dma_wait3A_304 = tpu.memref_squeeze %dma_wait3A_303 : memref<1x!tpu.dma_semaphore, #tpu.memory_space<semaphore_mem>> -> memref<!tpu.dma_semaphore, #tpu.memory_space<semaphore_mem>>
            %dma_wait3A_305 = arith.constant 0 : i32
            %dma_wait3A_306 = tpu.memref_slice %arg4[%mul3A_297, %dma_wait3A_305] : memref<160000x128xf32, #tpu.memory_space<hbm>> -> memref<128x128xf32, #tpu.memory_space<hbm>>
            %dma_wait3A_307 = arith.constant 0 : i32
            %dma_wait3A_308 = arith.constant 0 : i32
            %dma_wait3A_309 = tpu.memref_slice %run_scoped3A_18[%rem3A_295, %dma_wait3A_307, %dma_wait3A_308] : memref<2x128x128xf32, #tpu.memory_space<vmem>> -> memref<1x128x128xf32, #tpu.memory_space<vmem>>
            %dma_wait3A_310 = tpu.memref_squeeze %dma_wait3A_309 : memref<1x128x128xf32, #tpu.memory_space<vmem>> -> memref<128x128xf32, #tpu.memory_space<vmem>>
            tpu.wait_dma2 semaphore(%dma_wait3A_304 : memref<!tpu.dma_semaphore, #tpu.memory_space<semaphore_mem>>) src(%dma_wait3A_310 : memref<128x128xf32, #tpu.memory_space<vmem>>) dst(%dma_wait3A_306 : memref<128x128xf32, #tpu.memory_space<hbm>>)
            "tpu.trace_stop"() : () -> ()
          } else {
          }
          %and3A_275 = arith.constant true
          %and3A_276 = arith.andi %and3A_271, %and3A_275 : i1
          %add3A_277 = arith.constant 1 : i32
          %add3A_278 = arith.addi %while3A_146, %add3A_277 : i32
          %select_n3A_279 = arith.select %and3A_276, %add3A_278, %while3A_146 : i32
          %ne3A_280 = arith.cmpi ne, %add3A_155, %add3A_173 : i32
          %or3A_281 = arith.constant false
          %or3A_282 = arith.ori %or3A_281, %ne3A_280 : i1
          %or3A_283 = arith.ori %or3A_282, %eq3A_154 : i1
          %add3A_284 = arith.constant 1 : i32
          %add3A_285 = arith.addi %while3A_144, %add3A_284 : i32
          %select_n3A_286 = arith.select %or3A_283, %add3A_285, %while3A_144 : i32
          %add3A_287 = arith.constant 1 : i32
          %add3A_288 = arith.addi %while3A_147, %add3A_287 : i32
          %select_n3A_289 = arith.constant true
          %select_n3A_290 = arith.select %select_n3A_289, %add3A_288, %while3A_147 : i32
          %eq3A_291 = arith.cmpi eq, %select_n3A_290, %select_n3A : i32
          %select_n3A_292 = arith.constant 0 : i32
          %select_n3A_293 = arith.select %eq3A_291, %select_n3A_292, %select_n3A_290 : i32
          scf.yield %select_n3A_195, %select_n3A_286, %select_n3A_252, %select_n3A_279, %select_n3A_293 : i32, i32, i32, i32, i32
        }
        %sub3A_91 = arith.constant 1 : i32
        %sub3A_92 = arith.subi %while3A_90#4, %sub3A_91 : i32
        %select_n3A_93 = arith.constant true
        %select_n3A_94 = arith.select %select_n3A_93, %sub3A_92, %while3A_90#4 : i32
        %eq3A_95 = arith.constant -1 : i32
        %eq3A_96 = arith.cmpi eq, %select_n3A_94, %eq3A_95 : i32
        %sub3A_97 = arith.constant 1 : i32
        %sub3A_98 = arith.subi %select_n3A, %sub3A_97 : i32
        %select_n3A_99 = arith.select %eq3A_96, %sub3A_98, %select_n3A_94 : i32
        %sub3A_100 = arith.constant 1 : i32
        %sub3A_101 = arith.subi %mul3A_16, %sub3A_100 : i32
        %mul3A_102 = arith.constant 1 : i32
        %mul3A_103 = arith.muli %mul3A_102, %select_n3A : i32
        %eq3A_104 = arith.constant 0 : i32
        %eq3A_105 = arith.cmpi eq, %sub3A_101, %eq3A_104 : i32
        %sub3A_106 = arith.constant 1 : i32
        %sub3A_107 = arith.subi %mul3A_103, %sub3A_106 : i32
        %eq3A_108 = arith.cmpi eq, %sub3A_101, %sub3A_107 : i32
        %add3A_109 = arith.addi %select_n3A_99, %select_n3A_14 : i32
        %sub3A_110 = arith.constant 1 : i32
        %sub3A_111 = arith.subi %select_n3A_99, %sub3A_110 : i32
        %select_n3A_112 = arith.constant true
        %select_n3A_113 = arith.select %select_n3A_112, %sub3A_111, %select_n3A_99 : i32
        %eq3A_114 = arith.constant -1 : i32
        %eq3A_115 = arith.cmpi eq, %select_n3A_113, %eq3A_114 : i32
        %sub3A_116 = arith.constant 1 : i32
        %sub3A_117 = arith.subi %select_n3A, %sub3A_116 : i32
        %select_n3A_118 = arith.select %eq3A_115, %sub3A_117, %select_n3A_113 : i32
        %add3A_119 = arith.addi %select_n3A_118, %select_n3A_14 : i32
        %add3A_120 = arith.constant 1 : i32
        %add3A_121 = arith.addi %select_n3A_99, %add3A_120 : i32
        %select_n3A_122 = arith.constant true
        %select_n3A_123 = arith.select %select_n3A_122, %add3A_121, %select_n3A_99 : i32
        %eq3A_124 = arith.cmpi eq, %select_n3A_123, %select_n3A : i32
        %select_n3A_125 = arith.constant 0 : i32
        %select_n3A_126 = arith.select %eq3A_124, %select_n3A_125, %select_n3A_123 : i32
        %add3A_127 = arith.addi %select_n3A_126, %select_n3A_14 : i32
        %add3A_128 = arith.constant 1 : i32
        %add3A_129 = arith.addi %select_n3A_126, %add3A_128 : i32
        %select_n3A_130 = arith.constant true
        %select_n3A_131 = arith.select %select_n3A_130, %add3A_129, %select_n3A_126 : i32
        %eq3A_132 = arith.cmpi eq, %select_n3A_131, %select_n3A : i32
        %select_n3A_133 = arith.constant 0 : i32
        %select_n3A_134 = arith.select %eq3A_132, %select_n3A_133, %select_n3A_131 : i32
        %add3A_135 = arith.addi %select_n3A_134, %select_n3A_14 : i32
        %convert_element_type3A_136 = arith.extui %eq3A_108 : i1 to i32
        %cond3A_137 = arith.constant 0 : i32
        %cond3A_138 = arith.cmpi ne, %convert_element_type3A_136, %cond3A_137 : i32
        scf.if %cond3A_138 {
        } else {
        }
        %convert_element_type3A_139 = arith.extui %eq3A_108 : i1 to i32
        %cond3A_140 = arith.constant 0 : i32
        %cond3A_141 = arith.cmpi ne, %convert_element_type3A_139, %cond3A_140 : i32
        scf.if %cond3A_141 {
          "tpu.trace_start"() <{level = 10 : i32, message = "ep_finalize"}> : () -> ()
          %rem3A_142 = arith.constant 2 : i32
          %rem3A_143 = arith.remui %while3A_90#3, %rem3A_142 : i32
          %mul3A_144 = arith.constant 128 : i32
          %mul3A_145 = arith.muli %mul3A_144, %add3A_109 : i32
          %dma_wait3A = arith.constant 0 : i32
          %dma_wait3A_146 = arith.constant 0 : i32
          %dma_wait3A_147 = tpu.memref_slice %run_scoped3A_18[%rem3A_143, %dma_wait3A, %dma_wait3A_146] : memref<2x128x128xf32, #tpu.memory_space<vmem>> -> memref<1x128x128xf32, #tpu.memory_space<vmem>>
          %dma_wait3A_148 = tpu.memref_squeeze %dma_wait3A_147 : memref<1x128x128xf32, #tpu.memory_space<vmem>> -> memref<128x128xf32, #tpu.memory_space<vmem>>
          %dma_wait3A_149 = arith.constant 0 : i32
          %dma_wait3A_150 = tpu.memref_slice %arg4[%mul3A_145, %dma_wait3A_149] : memref<160000x128xf32, #tpu.memory_space<hbm>> -> memref<128x128xf32, #tpu.memory_space<hbm>>
          %dma_wait3A_151 = tpu.memref_slice %run_scoped3A_19[%rem3A_143] : memref<2x!tpu.dma_semaphore, #tpu.memory_space<semaphore_mem>> -> memref<1x!tpu.dma_semaphore, #tpu.memory_space<semaphore_mem>>
          %dma_wait3A_152 = tpu.memref_squeeze %dma_wait3A_151 : memref<1x!tpu.dma_semaphore, #tpu.memory_space<semaphore_mem>> -> memref<!tpu.dma_semaphore, #tpu.memory_space<semaphore_mem>>
          %dma_wait3A_153 = arith.constant 0 : i32
          %dma_wait3A_154 = tpu.memref_slice %arg4[%mul3A_145, %dma_wait3A_153] : memref<160000x128xf32, #tpu.memory_space<hbm>> -> memref<128x128xf32, #tpu.memory_space<hbm>>
          %dma_wait3A_155 = arith.constant 0 : i32
          %dma_wait3A_156 = arith.constant 0 : i32
          %dma_wait3A_157 = tpu.memref_slice %run_scoped3A_18[%rem3A_143, %dma_wait3A_155, %dma_wait3A_156] : memref<2x128x128xf32, #tpu.memory_space<vmem>> -> memref<1x128x128xf32, #tpu.memory_space<vmem>>
          %dma_wait3A_158 = tpu.memref_squeeze %dma_wait3A_157 : memref<1x128x128xf32, #tpu.memory_space<vmem>> -> memref<128x128xf32, #tpu.memory_space<vmem>>
          tpu.wait_dma2 semaphore(%dma_wait3A_152 : memref<!tpu.dma_semaphore, #tpu.memory_space<semaphore_mem>>) src(%dma_wait3A_158 : memref<128x128xf32, #tpu.memory_space<vmem>>) dst(%dma_wait3A_154 : memref<128x128xf32, #tpu.memory_space<hbm>>)
          "tpu.trace_stop"() : () -> ()
        } else {
        }
      } else {
      }
      tpu.yield
    }) : () -> ()
    return
  }
}

#map = affine_map<(d0, d1) -> (0, 0)>
module attributes {stable_mosaic.version = 14 : i64} {
  func.func @gather_kernel(%arg0: i32, %arg1: i32, %arg2: memref<50000x128xf32, #tpu.memory_space<hbm>>, %arg3: memref<1x160000xi32, #tpu.memory_space<hbm>>, %arg4: memref<160000x128xf32, #tpu.memory_space<hbm>>) attributes {dimension_semantics = [#tpu.dimension_semantics<core_parallel>, #tpu.dimension_semantics<subcore_parallel>], iteration_bounds = array<i64: 2, 16>, scalar_prefetch = 0 : i64, scratch_operands = 0 : i64, tpu.core_type = #tpu.core_type<sc_vector_subcore>, window_params = [{transform_indices = #map}, {transform_indices = #map}, {transform_indices = #map}]} {
    %mul3A = arith.constant 1 : i32
    %mul3A_0 = arith.muli %arg1, %mul3A : i32
    %add3A = arith.constant 0 : i32
    %add3A_1 = arith.addi %add3A, %mul3A_0 : i32
    %mul3A_2 = arith.constant 16 : i32
    %mul3A_3 = arith.muli %arg0, %mul3A_2 : i32
    %add3A_4 = arith.addi %add3A_1, %mul3A_3 : i32
    %lt3A = arith.constant 2 : i32
    %lt3A_5 = arith.cmpi slt, %add3A_4, %lt3A : i32
    %jit3A = arith.constant 40 : i32
    %jit3A_6 = arith.constant 39 : i32
    %select_n3A = arith.select %lt3A_5, %jit3A, %jit3A_6 : i32
    %lt3A_7 = arith.constant 2 : i32
    %lt3A_8 = arith.cmpi slt, %add3A_4, %lt3A_7 : i32
    %mul3A_9 = arith.muli %add3A_4, %select_n3A : i32
    %mul3A_10 = arith.constant 39 : i32
    %mul3A_11 = arith.muli %add3A_4, %mul3A_10 : i32
    %add3A_12 = arith.constant 2 : i32
    %add3A_13 = arith.addi %mul3A_11, %add3A_12 : i32
    %select_n3A_14 = arith.select %lt3A_8, %mul3A_9, %add3A_13 : i32
    %mul3A_15 = arith.constant 1 : i32
    %mul3A_16 = arith.muli %mul3A_15, %select_n3A : i32
    "tpu.region"() ({
      %run_scoped3A = memref.alloca() : memref<2x1x128xi32, #tpu.memory_space<vmem>>
      %run_scoped3A_17 = tpu.sem_alloc : memref<2x!tpu.dma_semaphore, #tpu.memory_space<semaphore_mem>>
      %run_scoped3A_18 = memref.alloca() : memref<2x128x128xf32, #tpu.memory_space<vmem>>
      %run_scoped3A_19 = tpu.sem_alloc : memref<2x!tpu.dma_semaphore, #tpu.memory_space<semaphore_mem>>
      %gt3A = arith.constant 0 : i32
      %gt3A_20 = arith.cmpi sgt, %mul3A_16, %gt3A : i32
      %convert_element_type3A = arith.extui %gt3A_20 : i1 to i32
      %cond3A = arith.constant 0 : i32
      %cond3A_21 = arith.cmpi ne, %convert_element_type3A, %cond3A : i32
      scf.if %cond3A_21 {
        %mul3A_22 = arith.constant 1 : i32
        %mul3A_23 = arith.muli %mul3A_22, %select_n3A : i32
        %sub3A = arith.constant 1 : i32
        %sub3A_24 = arith.subi %mul3A_23, %sub3A : i32
        %eq3A = arith.constant 0 : i32
        %eq3A_25 = arith.cmpi eq, %sub3A_24, %eq3A : i32
        %add3A_26 = arith.constant 0 : i32
        %add3A_27 = arith.addi %add3A_26, %select_n3A_14 : i32
        %select_n3A_28 = arith.constant true
        %select_n3A_29 = arith.constant 0 : i32
        %select_n3A_30 = arith.constant -1 : i32
        %select_n3A_31 = arith.select %select_n3A_28, %select_n3A_30, %select_n3A_29 : i32
        %eq3A_32 = arith.constant -1 : i32
        %eq3A_33 = arith.cmpi eq, %select_n3A_31, %eq3A_32 : i32
        %sub3A_34 = arith.constant 1 : i32
        %sub3A_35 = arith.subi %select_n3A, %sub3A_34 : i32
        %select_n3A_36 = arith.select %eq3A_33, %sub3A_35, %select_n3A_31 : i32
        %add3A_37 = arith.addi %select_n3A_36, %select_n3A_14 : i32
        %select_n3A_38 = arith.constant true
        %select_n3A_39 = arith.constant 0 : i32
        %select_n3A_40 = arith.constant 1 : i32
        %select_n3A_41 = arith.select %select_n3A_38, %select_n3A_40, %select_n3A_39 : i32
        %eq3A_42 = arith.cmpi eq, %select_n3A_41, %select_n3A : i32
        %select_n3A_43 = arith.constant 0 : i32
        %select_n3A_44 = arith.select %eq3A_42, %select_n3A_43, %select_n3A_41 : i32
        %add3A_45 = arith.addi %select_n3A_44, %select_n3A_14 : i32
        %add3A_46 = arith.constant 1 : i32
        %add3A_47 = arith.addi %select_n3A_44, %add3A_46 : i32
        %select_n3A_48 = arith.constant true
        %select_n3A_49 = arith.select %select_n3A_48, %add3A_47, %select_n3A_44 : i32
        %eq3A_50 = arith.cmpi eq, %select_n3A_49, %select_n3A : i32
        %select_n3A_51 = arith.constant 0 : i32
        %select_n3A_52 = arith.select %eq3A_50, %select_n3A_51, %select_n3A_49 : i32
        %add3A_53 = arith.addi %select_n3A_52, %select_n3A_14 : i32
        "tpu.trace_start"() <{level = 10 : i32, message = "ep_initialize_0"}> : () -> ()
        %rem3A = arith.constant 0 : i32
        %rem3A_54 = arith.constant 2 : i32
        %rem3A_55 = arith.remui %rem3A, %rem3A_54 : i32
        %mul3A_56 = arith.constant 128 : i32
        %mul3A_57 = arith.muli %mul3A_56, %add3A_27 : i32
        %dma_start3A = arith.constant 0 : i32
        %dma_start3A_58 = arith.constant 0 : i32
        %dma_start3A_59 = tpu.memref_slice %run_scoped3A[%rem3A_55, %dma_start3A, %dma_start3A_58] : memref<2x1x128xi32, #tpu.memory_space<vmem>> -> memref<1x1x128xi32, #tpu.memory_space<vmem>>
        %dma_start3A_60 = tpu.memref_squeeze %dma_start3A_59 : memref<1x1x128xi32, #tpu.memory_space<vmem>> -> memref<1x128xi32, #tpu.memory_space<vmem>>
        %dma_start3A_61 = arith.constant 0 : i32
        %dma_start3A_62 = tpu.memref_slice %arg3[%dma_start3A_61, %mul3A_57] : memref<1x160000xi32, #tpu.memory_space<hbm>> -> memref<1x128xi32, #tpu.memory_space<hbm>>
        %dma_start3A_63 = tpu.memref_slice %run_scoped3A_17[%rem3A_55] : memref<2x!tpu.dma_semaphore, #tpu.memory_space<semaphore_mem>> -> memref<1x!tpu.dma_semaphore, #tpu.memory_space<semaphore_mem>>
        %dma_start3A_64 = tpu.memref_squeeze %dma_start3A_63 : memref<1x!tpu.dma_semaphore, #tpu.memory_space<semaphore_mem>> -> memref<!tpu.dma_semaphore, #tpu.memory_space<semaphore_mem>>
        %dma_start3A_65 = arith.constant 0 : i32
        %dma_start3A_66 = arith.constant 0 : i32
        %dma_start3A_67 = tpu.memref_slice %run_scoped3A[%rem3A_55, %dma_start3A_65, %dma_start3A_66] : memref<2x1x128xi32, #tpu.memory_space<vmem>> -> memref<1x1x128xi32, #tpu.memory_space<vmem>>
        %dma_start3A_68 = tpu.memref_squeeze %dma_start3A_67 : memref<1x1x128xi32, #tpu.memory_space<vmem>> -> memref<1x128xi32, #tpu.memory_space<vmem>>
        %dma_start3A_69 = arith.constant 0 : i32
        %dma_start3A_70 = tpu.memref_slice %arg3[%dma_start3A_69, %mul3A_57] : memref<1x160000xi32, #tpu.memory_space<hbm>> -> memref<1x128xi32, #tpu.memory_space<hbm>>
        tpu.enqueue_dma source(%dma_start3A_70 : memref<1x128xi32, #tpu.memory_space<hbm>>) target(%dma_start3A_68 : memref<1x128xi32, #tpu.memory_space<vmem>>) target_semaphore(%dma_start3A_64 : memref<!tpu.dma_semaphore, #tpu.memory_space<semaphore_mem>>)
        %add3A_71 = arith.constant 0 : i32
        %add3A_72 = arith.constant 1 : i32
        %add3A_73 = arith.addi %add3A_71, %add3A_72 : i32
        %select_n3A_74 = arith.constant true
        %select_n3A_75 = arith.constant 0 : i32
        %select_n3A_76 = arith.select %select_n3A_74, %add3A_73, %select_n3A_75 : i32
        %while3A = arith.constant 0 : i32
        %while3A_77 = arith.constant 0 : i32
        %while3A_78 = arith.constant 0 : i32
        %while3A_79 = arith.constant 0 : i32
        %while3A_80 = arith.constant 0 : i32
        "tpu.trace_stop"() : () -> ()
        %while3A_81 = arith.subi %mul3A_16, %while3A : i32
        %while3A_82 = arith.addi %while3A, %while3A_81 : i32
        %while3A_83 = arith.constant 1 : i32
        %while3A_84 = arith.divsi %while3A_81, %while3A_83 : i32
        %while3A_85 = arith.muli %while3A_84, %while3A_83 : i32
        %while3A_86 = arith.addi %while3A, %while3A_85 : i32
        %while3A_87 = arith.constant 1 : i32
        %while3A_88:5 = scf.for %while3A_142 = %while3A to %while3A_86 step %while3A_87 iter_args(%while3A_143 = %select_n3A_76, %while3A_144 = %while3A_77, %while3A_145 = %while3A_78, %while3A_146 = %while3A_79, %while3A_147 = %while3A_80) -> (i32, i32, i32, i32, i32)  : i32 {
          %mul3A_148 = arith.constant 1 : i32
          %mul3A_149 = arith.muli %mul3A_148, %select_n3A : i32
          %eq3A_150 = arith.constant 0 : i32
          %eq3A_151 = arith.cmpi eq, %while3A_142, %eq3A_150 : i32
          %sub3A_152 = arith.constant 1 : i32
          %sub3A_153 = arith.subi %mul3A_149, %sub3A_152 : i32
          %eq3A_154 = arith.cmpi eq, %while3A_142, %sub3A_153 : i32
          %add3A_155 = arith.addi %while3A_147, %select_n3A_14 : i32
          %sub3A_156 = arith.constant 1 : i32
          %sub3A_157 = arith.subi %while3A_147, %sub3A_156 : i32
          %select_n3A_158 = arith.constant true
          %select_n3A_159 = arith.select %select_n3A_158, %sub3A_157, %while3A_147 : i32
          %eq3A_160 = arith.constant -1 : i32
          %eq3A_161 = arith.cmpi eq, %select_n3A_159, %eq3A_160 : i32
          %sub3A_162 = arith.constant 1 : i32
          %sub3A_163 = arith.subi %select_n3A, %sub3A_162 : i32
          %select_n3A_164 = arith.select %eq3A_161, %sub3A_163, %select_n3A_159 : i32
          %add3A_165 = arith.addi %select_n3A_164, %select_n3A_14 : i32
          %add3A_166 = arith.constant 1 : i32
          %add3A_167 = arith.addi %while3A_147, %add3A_166 : i32
          %select_n3A_168 = arith.constant true
          %select_n3A_169 = arith.select %select_n3A_168, %add3A_167, %while3A_147 : i32
          %eq3A_170 = arith.cmpi eq, %select_n3A_169, %select_n3A : i32
          %select_n3A_171 = arith.constant 0 : i32
          %select_n3A_172 = arith.select %eq3A_170, %select_n3A_171, %select_n3A_169 : i32
          %add3A_173 = arith.addi %select_n3A_172, %select_n3A_14 : i32
          %add3A_174 = arith.constant 1 : i32
          %add3A_175 = arith.addi %select_n3A_172, %add3A_174 : i32
          %select_n3A_176 = arith.constant true
          %select_n3A_177 = arith.select %select_n3A_176, %add3A_175, %select_n3A_172 : i32
          %eq3A_178 = arith.cmpi eq, %select_n3A_177, %select_n3A : i32
          %select_n3A_179 = arith.constant 0 : i32
          %select_n3A_180 = arith.select %eq3A_178, %select_n3A_179, %select_n3A_177 : i32
          %add3A_181 = arith.addi %select_n3A_180, %select_n3A_14 : i32
          %ne3A = arith.cmpi ne, %add3A_155, %add3A_173 : i32
          %or3A = arith.constant false
          %or3A_182 = arith.ori %or3A, %ne3A : i1
          %sub3A_183 = arith.constant 2 : i32
          %sub3A_184 = arith.subi %mul3A_149, %sub3A_183 : i32
          %add3A_185 = arith.constant 1 : i32
          %add3A_186 = arith.addi %sub3A_184, %add3A_185 : i32
          %ge3A = arith.cmpi sge, %while3A_142, %add3A_186 : i32
          %not3A = arith.constant true
          %not3A_187 = arith.xori %ge3A, %not3A : i1
          %and3A = arith.andi %or3A_182, %not3A_187 : i1
          %convert_element_type3A_188 = arith.extui %and3A : i1 to i32
          %cond3A_189 = arith.constant 0 : i32
          %cond3A_190 = arith.cmpi ne, %convert_element_type3A_188, %cond3A_189 : i32
          scf.if %cond3A_190 {
            "tpu.trace_start"() <{level = 10 : i32, message = "ep_copy_in"}> : () -> ()
            %rem3A_294 = arith.constant 2 : i32
            %rem3A_295 = arith.remui %while3A_143, %rem3A_294 : i32
            %mul3A_296 = arith.constant 128 : i32
            %mul3A_297 = arith.muli %mul3A_296, %add3A_173 : i32
            %dma_start3A_298 = arith.constant 0 : i32
            %dma_start3A_299 = arith.constant 0 : i32
            %dma_start3A_300 = tpu.memref_slice %run_scoped3A[%rem3A_295, %dma_start3A_298, %dma_start3A_299] : memref<2x1x128xi32, #tpu.memory_space<vmem>> -> memref<1x1x128xi32, #tpu.memory_space<vmem>>
            %dma_start3A_301 = tpu.memref_squeeze %dma_start3A_300 : memref<1x1x128xi32, #tpu.memory_space<vmem>> -> memref<1x128xi32, #tpu.memory_space<vmem>>
            %dma_start3A_302 = arith.constant 0 : i32
            %dma_start3A_303 = tpu.memref_slice %arg3[%dma_start3A_302, %mul3A_297] : memref<1x160000xi32, #tpu.memory_space<hbm>> -> memref<1x128xi32, #tpu.memory_space<hbm>>
            %dma_start3A_304 = tpu.memref_slice %run_scoped3A_17[%rem3A_295] : memref<2x!tpu.dma_semaphore, #tpu.memory_space<semaphore_mem>> -> memref<1x!tpu.dma_semaphore, #tpu.memory_space<semaphore_mem>>
            %dma_start3A_305 = tpu.memref_squeeze %dma_start3A_304 : memref<1x!tpu.dma_semaphore, #tpu.memory_space<semaphore_mem>> -> memref<!tpu.dma_semaphore, #tpu.memory_space<semaphore_mem>>
            %dma_start3A_306 = arith.constant 0 : i32
            %dma_start3A_307 = arith.constant 0 : i32
            %dma_start3A_308 = tpu.memref_slice %run_scoped3A[%rem3A_295, %dma_start3A_306, %dma_start3A_307] : memref<2x1x128xi32, #tpu.memory_space<vmem>> -> memref<1x1x128xi32, #tpu.memory_space<vmem>>
            %dma_start3A_309 = tpu.memref_squeeze %dma_start3A_308 : memref<1x1x128xi32, #tpu.memory_space<vmem>> -> memref<1x128xi32, #tpu.memory_space<vmem>>
            %dma_start3A_310 = arith.constant 0 : i32
            %dma_start3A_311 = tpu.memref_slice %arg3[%dma_start3A_310, %mul3A_297] : memref<1x160000xi32, #tpu.memory_space<hbm>> -> memref<1x128xi32, #tpu.memory_space<hbm>>
            tpu.enqueue_dma source(%dma_start3A_311 : memref<1x128xi32, #tpu.memory_space<hbm>>) target(%dma_start3A_309 : memref<1x128xi32, #tpu.memory_space<vmem>>) target_semaphore(%dma_start3A_305 : memref<!tpu.dma_semaphore, #tpu.memory_space<semaphore_mem>>)
            "tpu.trace_stop"() : () -> ()
          } else {
          }
          %and3A_191 = arith.constant true
          %and3A_192 = arith.andi %and3A, %and3A_191 : i1
          %add3A_193 = arith.constant 1 : i32
          %add3A_194 = arith.addi %while3A_143, %add3A_193 : i32
          %select_n3A_195 = arith.select %and3A_192, %add3A_194, %while3A_143 : i32
          %ne3A_196 = arith.cmpi ne, %add3A_155, %add3A_173 : i32
          %or3A_197 = arith.constant false
          %or3A_198 = arith.ori %or3A_197, %ne3A_196 : i1
          %or3A_199 = arith.constant false
          %or3A_200 = arith.ori %or3A_198, %or3A_199 : i1
          %sub3A_201 = arith.constant 2 : i32
          %sub3A_202 = arith.subi %mul3A_149, %sub3A_201 : i32
          %add3A_203 = arith.constant 1 : i32
          %add3A_204 = arith.addi %sub3A_202, %add3A_203 : i32
          %ge3A_205 = arith.cmpi sge, %while3A_142, %add3A_204 : i32
          %not3A_206 = arith.constant true
          %not3A_207 = arith.xori %ge3A_205, %not3A_206 : i1
          %and3A_208 = arith.andi %or3A_200, %not3A_207 : i1
          %ne3A_209 = arith.cmpi ne, %add3A_155, %add3A_165 : i32
          %or3A_210 = arith.constant false
          %or3A_211 = arith.ori %or3A_210, %ne3A_209 : i1
          %or3A_212 = arith.ori %or3A_211, %eq3A_151 : i1
          %convert_element_type3A_213 = arith.extui %or3A_212 : i1 to i32
          %cond3A_214 = arith.constant 0 : i32
          %cond3A_215 = arith.cmpi ne, %convert_element_type3A_213, %cond3A_214 : i32
          scf.if %cond3A_215 {
            "tpu.trace_start"() <{level = 10 : i32, message = "ep_wait_in"}> : () -> ()
            %mul3A_294 = arith.constant 128 : i32
            %mul3A_295 = arith.muli %mul3A_294, %add3A_155 : i32
            %rem3A_296 = arith.constant 2 : i32
            %rem3A_297 = arith.remui %while3A_144, %rem3A_296 : i32
            %dma_wait3A = arith.constant 0 : i32
            %dma_wait3A_298 = arith.constant 0 : i32
            %dma_wait3A_299 = tpu.memref_slice %run_scoped3A[%rem3A_297, %dma_wait3A, %dma_wait3A_298] : memref<2x1x128xi32, #tpu.memory_space<vmem>> -> memref<1x1x128xi32, #tpu.memory_space<vmem>>
            %dma_wait3A_300 = tpu.memref_squeeze %dma_wait3A_299 : memref<1x1x128xi32, #tpu.memory_space<vmem>> -> memref<1x128xi32, #tpu.memory_space<vmem>>
            %dma_wait3A_301 = arith.constant 0 : i32
            %dma_wait3A_302 = tpu.memref_slice %arg3[%dma_wait3A_301, %mul3A_295] : memref<1x160000xi32, #tpu.memory_space<hbm>> -> memref<1x128xi32, #tpu.memory_space<hbm>>
            %dma_wait3A_303 = tpu.memref_slice %run_scoped3A_17[%rem3A_297] : memref<2x!tpu.dma_semaphore, #tpu.memory_space<semaphore_mem>> -> memref<1x!tpu.dma_semaphore, #tpu.memory_space<semaphore_mem>>
            %dma_wait3A_304 = tpu.memref_squeeze %dma_wait3A_303 : memref<1x!tpu.dma_semaphore, #tpu.memory_space<semaphore_mem>> -> memref<!tpu.dma_semaphore, #tpu.memory_space<semaphore_mem>>
            %dma_wait3A_305 = arith.constant 0 : i32
            %dma_wait3A_306 = arith.constant 0 : i32
            %dma_wait3A_307 = tpu.memref_slice %run_scoped3A[%rem3A_297, %dma_wait3A_305, %dma_wait3A_306] : memref<2x1x128xi32, #tpu.memory_space<vmem>> -> memref<1x1x128xi32, #tpu.memory_space<vmem>>
            %dma_wait3A_308 = tpu.memref_squeeze %dma_wait3A_307 : memref<1x1x128xi32, #tpu.memory_space<vmem>> -> memref<1x128xi32, #tpu.memory_space<vmem>>
            %dma_wait3A_309 = arith.constant 0 : i32
            %dma_wait3A_310 = tpu.memref_slice %arg3[%dma_wait3A_309, %mul3A_295] : memref<1x160000xi32, #tpu.memory_space<hbm>> -> memref<1x128xi32, #tpu.memory_space<hbm>>
            tpu.wait_dma2 semaphore(%dma_wait3A_304 : memref<!tpu.dma_semaphore, #tpu.memory_space<semaphore_mem>>) src(%dma_wait3A_310 : memref<1x128xi32, #tpu.memory_space<hbm>>) dst(%dma_wait3A_308 : memref<1x128xi32, #tpu.memory_space<vmem>>)
            "tpu.trace_stop"() : () -> ()
          } else {
          }
          %ne3A_216 = arith.cmpi ne, %add3A_155, %add3A_165 : i32
          %or3A_217 = arith.constant false
          %or3A_218 = arith.ori %or3A_217, %ne3A_216 : i1
          %or3A_219 = arith.constant false
          %or3A_220 = arith.ori %or3A_218, %or3A_219 : i1
          %or3A_221 = arith.ori %or3A_220, %eq3A_151 : i1
          %convert_element_type3A_222 = arith.extui %or3A_221 : i1 to i32
          %cond3A_223 = arith.constant 0 : i32
          %cond3A_224 = arith.cmpi ne, %convert_element_type3A_222, %cond3A_223 : i32
          scf.if %cond3A_224 {
          } else {
          }
          %rem3A_225 = arith.constant 2 : i32
          %rem3A_226 = arith.remui %while3A_144, %rem3A_225 : i32
          %rem3A_227 = arith.constant 2 : i32
          %rem3A_228 = arith.remui %while3A_145, %rem3A_227 : i32
          %run_scoped3A_229 = arith.constant 0 : i32
          "tpu.trace_start"() <{level = 10 : i32, message = "ep_run_kernel"}> : () -> ()
          "tpu.region"() ({
            %run_scoped3A_294 = tpu.sem_alloc : memref<!tpu.dma_semaphore, #tpu.memory_space<semaphore_mem>>
            %dma_start3A_295 = arith.constant 0 : i32
            %dma_start3A_296 = arith.constant 0 : i32
            %dma_start3A_297 = tpu.memref_slice %run_scoped3A_18[%rem3A_228, %dma_start3A_295, %dma_start3A_296] : memref<2x128x128xf32, #tpu.memory_space<vmem>> -> memref<1x128x128xf32, #tpu.memory_space<vmem>>
            %dma_start3A_298 = tpu.memref_squeeze %dma_start3A_297 : memref<1x128x128xf32, #tpu.memory_space<vmem>> -> memref<128x128xf32, #tpu.memory_space<vmem>>
            %dma_start3A_299 = arith.constant 0 : i32
            %dma_start3A_300 = arith.constant 0 : i32
            %dma_start3A_301 = tpu.memref_slice %run_scoped3A[%rem3A_226, %dma_start3A_299, %dma_start3A_300] : memref<2x1x128xi32, #tpu.memory_space<vmem>> -> memref<1x1x128xi32, #tpu.memory_space<vmem>>
            %dma_start3A_302 = tpu.memref_squeeze %dma_start3A_301 : memref<1x1x128xi32, #tpu.memory_space<vmem>> -> memref<1x128xi32, #tpu.memory_space<vmem>>
            %dma_start3A_303 = arith.constant 0 : i32
            %dma_start3A_304 = tpu.memref_slice %dma_start3A_302[%run_scoped3A_229, %dma_start3A_303] : memref<1x128xi32, #tpu.memory_space<vmem>> -> memref<1x128xi32, #tpu.memory_space<vmem>>
            %dma_start3A_305 = tpu.memref_squeeze %dma_start3A_304 : memref<1x128xi32, #tpu.memory_space<vmem>> -> memref<128xi32, #tpu.memory_space<vmem>>
            %dma_start3A_306 = arith.constant 0 : i32
            %dma_start3A_307 = arith.constant 0 : i32
            %dma_start3A_308 = tpu.memref_slice %arg2[%dma_start3A_306, %dma_start3A_307] : memref<50000x128xf32, #tpu.memory_space<hbm>> -> memref<50000x128xf32, #tpu.memory_space<hbm>>
            tpu.enqueue_indirect_dma source(%dma_start3A_308 : memref<50000x128xf32, #tpu.memory_space<hbm>>) target(%dma_start3A_298 : memref<128x128xf32, #tpu.memory_space<vmem>>) offsets(%dma_start3A_305 : memref<128xi32, #tpu.memory_space<vmem>>) semaphore(%run_scoped3A_294 : memref<!tpu.dma_semaphore, #tpu.memory_space<semaphore_mem>>)
            %dma_wait3A = arith.constant 0 : i32
            %dma_wait3A_309 = arith.constant 0 : i32
            %dma_wait3A_310 = tpu.memref_slice %run_scoped3A_18[%rem3A_228, %dma_wait3A, %dma_wait3A_309] : memref<2x128x128xf32, #tpu.memory_space<vmem>> -> memref<1x128x128xf32, #tpu.memory_space<vmem>>
            %dma_wait3A_311 = tpu.memref_squeeze %dma_wait3A_310 : memref<1x128x128xf32, #tpu.memory_space<vmem>> -> memref<128x128xf32, #tpu.memory_space<vmem>>
            %dma_wait3A_312 = arith.constant 0 : i32
            %dma_wait3A_313 = arith.constant 0 : i32
            %dma_wait3A_314 = tpu.memref_slice %run_scoped3A[%rem3A_226, %dma_wait3A_312, %dma_wait3A_313] : memref<2x1x128xi32, #tpu.memory_space<vmem>> -> memref<1x1x128xi32, #tpu.memory_space<vmem>>
            %dma_wait3A_315 = tpu.memref_squeeze %dma_wait3A_314 : memref<1x1x128xi32, #tpu.memory_space<vmem>> -> memref<1x128xi32, #tpu.memory_space<vmem>>
            %dma_wait3A_316 = arith.constant 0 : i32
            %dma_wait3A_317 = tpu.memref_slice %dma_wait3A_315[%run_scoped3A_229, %dma_wait3A_316] : memref<1x128xi32, #tpu.memory_space<vmem>> -> memref<1x128xi32, #tpu.memory_space<vmem>>
            %dma_wait3A_318 = tpu.memref_squeeze %dma_wait3A_317 : memref<1x128xi32, #tpu.memory_space<vmem>> -> memref<128xi32, #tpu.memory_space<vmem>>
            %dma_wait3A_319 = arith.constant 0 : i32
            %dma_wait3A_320 = arith.constant 0 : i32
            %dma_wait3A_321 = tpu.memref_slice %arg2[%dma_wait3A_319, %dma_wait3A_320] : memref<50000x128xf32, #tpu.memory_space<hbm>> -> memref<50000x128xf32, #tpu.memory_space<hbm>>
            tpu.wait_indirect_dma semaphore(%run_scoped3A_294 : memref<!tpu.dma_semaphore, #tpu.memory_space<semaphore_mem>>) src(%dma_wait3A_321 : memref<50000x128xf32, #tpu.memory_space<hbm>>) dst(%dma_wait3A_311 : memref<128x128xf32, #tpu.memory_space<vmem>>)
            tpu.yield
          }) : () -> ()
          "tpu.trace_stop"() : () -> ()
          %ne3A_230 = arith.cmpi ne, %add3A_155, %add3A_173 : i32
          %or3A_231 = arith.constant false
          %or3A_232 = arith.ori %or3A_231, %ne3A_230 : i1
          %or3A_233 = arith.ori %or3A_232, %eq3A_154 : i1
          %convert_element_type3A_234 = arith.extui %or3A_233 : i1 to i32
          %cond3A_235 = arith.constant 0 : i32
          %cond3A_236 = arith.cmpi ne, %convert_element_type3A_234, %cond3A_235 : i32
          scf.if %cond3A_236 {
          } else {
          }
          %and3A_237 = arith.constant false
          %and3A_238 = arith.andi %or3A_233, %and3A_237 : i1
          %ne3A_239 = arith.cmpi ne, %add3A_155, %add3A_173 : i32
          %or3A_240 = arith.constant false
          %or3A_241 = arith.ori %or3A_240, %ne3A_239 : i1
          %or3A_242 = arith.constant false
          %or3A_243 = arith.ori %or3A_241, %or3A_242 : i1
          %or3A_244 = arith.ori %or3A_243, %eq3A_154 : i1
          %convert_element_type3A_245 = arith.extui %or3A_244 : i1 to i32
          %cond3A_246 = arith.constant 0 : i32
          %cond3A_247 = arith.cmpi ne, %convert_element_type3A_245, %cond3A_246 : i32
          scf.if %cond3A_247 {
            "tpu.trace_start"() <{level = 10 : i32, message = "ep_copy_out"}> : () -> ()
            %rem3A_294 = arith.constant 2 : i32
            %rem3A_295 = arith.remui %while3A_145, %rem3A_294 : i32
            %mul3A_296 = arith.constant 128 : i32
            %mul3A_297 = arith.muli %mul3A_296, %add3A_155 : i32
            %dma_start3A_298 = arith.constant 0 : i32
            %dma_start3A_299 = arith.constant 0 : i32
            %dma_start3A_300 = tpu.memref_slice %run_scoped3A_18[%rem3A_295, %dma_start3A_298, %dma_start3A_299] : memref<2x128x128xf32, #tpu.memory_space<vmem>> -> memref<1x128x128xf32, #tpu.memory_space<vmem>>
            %dma_start3A_301 = tpu.memref_squeeze %dma_start3A_300 : memref<1x128x128xf32, #tpu.memory_space<vmem>> -> memref<128x128xf32, #tpu.memory_space<vmem>>
            %dma_start3A_302 = arith.constant 0 : i32
            %dma_start3A_303 = tpu.memref_slice %arg4[%mul3A_297, %dma_start3A_302] : memref<160000x128xf32, #tpu.memory_space<hbm>> -> memref<128x128xf32, #tpu.memory_space<hbm>>
            %dma_start3A_304 = tpu.memref_slice %run_scoped3A_19[%rem3A_295] : memref<2x!tpu.dma_semaphore, #tpu.memory_space<semaphore_mem>> -> memref<1x!tpu.dma_semaphore, #tpu.memory_space<semaphore_mem>>
            %dma_start3A_305 = tpu.memref_squeeze %dma_start3A_304 : memref<1x!tpu.dma_semaphore, #tpu.memory_space<semaphore_mem>> -> memref<!tpu.dma_semaphore, #tpu.memory_space<semaphore_mem>>
            %dma_start3A_306 = arith.constant 0 : i32
            %dma_start3A_307 = tpu.memref_slice %arg4[%mul3A_297, %dma_start3A_306] : memref<160000x128xf32, #tpu.memory_space<hbm>> -> memref<128x128xf32, #tpu.memory_space<hbm>>
            %dma_start3A_308 = arith.constant 0 : i32
            %dma_start3A_309 = arith.constant 0 : i32
            %dma_start3A_310 = tpu.memref_slice %run_scoped3A_18[%rem3A_295, %dma_start3A_308, %dma_start3A_309] : memref<2x128x128xf32, #tpu.memory_space<vmem>> -> memref<1x128x128xf32, #tpu.memory_space<vmem>>
            %dma_start3A_311 = tpu.memref_squeeze %dma_start3A_310 : memref<1x128x128xf32, #tpu.memory_space<vmem>> -> memref<128x128xf32, #tpu.memory_space<vmem>>
            tpu.enqueue_dma source(%dma_start3A_311 : memref<128x128xf32, #tpu.memory_space<vmem>>) target(%dma_start3A_307 : memref<128x128xf32, #tpu.memory_space<hbm>>) target_semaphore(%dma_start3A_305 : memref<!tpu.dma_semaphore, #tpu.memory_space<semaphore_mem>>)
            "tpu.trace_stop"() : () -> ()
          } else {
          }
          %and3A_248 = arith.constant true
          %and3A_249 = arith.andi %or3A_244, %and3A_248 : i1
          %add3A_250 = arith.constant 1 : i32
          %add3A_251 = arith.addi %while3A_145, %add3A_250 : i32
          %select_n3A_252 = arith.select %and3A_249, %add3A_251, %while3A_145 : i32
          %ne3A_253 = arith.cmpi ne, %add3A_155, %add3A_165 : i32
          %or3A_254 = arith.constant false
          %or3A_255 = arith.ori %or3A_254, %ne3A_253 : i1
          %not3A_256 = arith.constant true
          %not3A_257 = arith.xori %eq3A_151, %not3A_256 : i1
          %and3A_258 = arith.andi %or3A_255, %not3A_257 : i1
          %convert_element_type3A_259 = arith.extui %and3A_258 : i1 to i32
          %cond3A_260 = arith.constant 0 : i32
          %cond3A_261 = arith.cmpi ne, %convert_element_type3A_259, %cond3A_260 : i32
          scf.if %cond3A_261 {
          } else {
          }
          %and3A_262 = arith.constant false
          %and3A_263 = arith.andi %and3A_258, %and3A_262 : i1
          %ne3A_264 = arith.cmpi ne, %add3A_155, %add3A_165 : i32
          %or3A_265 = arith.constant false
          %or3A_266 = arith.ori %or3A_265, %ne3A_264 : i1
          %or3A_267 = arith.constant false
          %or3A_268 = arith.ori %or3A_266, %or3A_267 : i1
          %not3A_269 = arith.constant true
          %not3A_270 = arith.xori %eq3A_151, %not3A_269 : i1
          %and3A_271 = arith.andi %or3A_268, %not3A_270 : i1
          %convert_element_type3A_272 = arith.extui %and3A_271 : i1 to i32
          %cond3A_273 = arith.constant 0 : i32
          %cond3A_274 = arith.cmpi ne, %convert_element_type3A_272, %cond3A_273 : i32
          scf.if %cond3A_274 {
            "tpu.trace_start"() <{level = 10 : i32, message = "ep_wait_out"}> : () -> ()
            %rem3A_294 = arith.constant 2 : i32
            %rem3A_295 = arith.remui %while3A_146, %rem3A_294 : i32
            %mul3A_296 = arith.constant 128 : i32
            %mul3A_297 = arith.muli %mul3A_296, %add3A_165 : i32
            %dma_wait3A = arith.constant 0 : i32
            %dma_wait3A_298 = arith.constant 0 : i32
            %dma_wait3A_299 = tpu.memref_slice %run_scoped3A_18[%rem3A_295, %dma_wait3A, %dma_wait3A_298] : memref<2x128x128xf32, #tpu.memory_space<vmem>> -> memref<1x128x128xf32, #tpu.memory_space<vmem>>
            %dma_wait3A_300 = tpu.memref_squeeze %dma_wait3A_299 : memref<1x128x128xf32, #tpu.memory_space<vmem>> -> memref<128x128xf32, #tpu.memory_space<vmem>>
            %dma_wait3A_301 = arith.constant 0 : i32
            %dma_wait3A_302 = tpu.memref_slice %arg4[%mul3A_297, %dma_wait3A_301] : memref<160000x128xf32, #tpu.memory_space<hbm>> -> memref<128x128xf32, #tpu.memory_space<hbm>>
            %dma_wait3A_303 = tpu.memref_slice %run_scoped3A_19[%rem3A_295] : memref<2x!tpu.dma_semaphore, #tpu.memory_space<semaphore_mem>> -> memref<1x!tpu.dma_semaphore, #tpu.memory_space<semaphore_mem>>
            %dma_wait3A_304 = tpu.memref_squeeze %dma_wait3A_303 : memref<1x!tpu.dma_semaphore, #tpu.memory_space<semaphore_mem>> -> memref<!tpu.dma_semaphore, #tpu.memory_space<semaphore_mem>>
            %dma_wait3A_305 = arith.constant 0 : i32
            %dma_wait3A_306 = tpu.memref_slice %arg4[%mul3A_297, %dma_wait3A_305] : memref<160000x128xf32, #tpu.memory_space<hbm>> -> memref<128x128xf32, #tpu.memory_space<hbm>>
            %dma_wait3A_307 = arith.constant 0 : i32
            %dma_wait3A_308 = arith.constant 0 : i32
            %dma_wait3A_309 = tpu.memref_slice %run_scoped3A_18[%rem3A_295, %dma_wait3A_307, %dma_wait3A_308] : memref<2x128x128xf32, #tpu.memory_space<vmem>> -> memref<1x128x128xf32, #tpu.memory_space<vmem>>
            %dma_wait3A_310 = tpu.memref_squeeze %dma_wait3A_309 : memref<1x128x128xf32, #tpu.memory_space<vmem>> -> memref<128x128xf32, #tpu.memory_space<vmem>>
            tpu.wait_dma2 semaphore(%dma_wait3A_304 : memref<!tpu.dma_semaphore, #tpu.memory_space<semaphore_mem>>) src(%dma_wait3A_310 : memref<128x128xf32, #tpu.memory_space<vmem>>) dst(%dma_wait3A_306 : memref<128x128xf32, #tpu.memory_space<hbm>>)
            "tpu.trace_stop"() : () -> ()
          } else {
          }
          %and3A_275 = arith.constant true
          %and3A_276 = arith.andi %and3A_271, %and3A_275 : i1
          %add3A_277 = arith.constant 1 : i32
          %add3A_278 = arith.addi %while3A_146, %add3A_277 : i32
          %select_n3A_279 = arith.select %and3A_276, %add3A_278, %while3A_146 : i32
          %ne3A_280 = arith.cmpi ne, %add3A_155, %add3A_173 : i32
          %or3A_281 = arith.constant false
          %or3A_282 = arith.ori %or3A_281, %ne3A_280 : i1
          %or3A_283 = arith.ori %or3A_282, %eq3A_154 : i1
          %add3A_284 = arith.constant 1 : i32
          %add3A_285 = arith.addi %while3A_144, %add3A_284 : i32
          %select_n3A_286 = arith.select %or3A_283, %add3A_285, %while3A_144 : i32
          %add3A_287 = arith.constant 1 : i32
          %add3A_288 = arith.addi %while3A_147, %add3A_287 : i32
          %select_n3A_289 = arith.constant true
          %select_n3A_290 = arith.select %select_n3A_289, %add3A_288, %while3A_147 : i32
          %eq3A_291 = arith.cmpi eq, %select_n3A_290, %select_n3A : i32
          %select_n3A_292 = arith.constant 0 : i32
          %select_n3A_293 = arith.select %eq3A_291, %select_n3A_292, %select_n3A_290 : i32
          scf.yield %select_n3A_195, %select_n3A_286, %select_n3A_252, %select_n3A_279, %select_n3A_293 : i32, i32, i32, i32, i32
        }
        %while3A_89 = arith.constant 1 : i32
        %while3A_90:5 = scf.for %while3A_142 = %while3A_86 to %while3A_82 step %while3A_89 iter_args(%while3A_143 = %while3A_88#0, %while3A_144 = %while3A_88#1, %while3A_145 = %while3A_88#2, %while3A_146 = %while3A_88#3, %while3A_147 = %while3A_88#4) -> (i32, i32, i32, i32, i32)  : i32 {
          %mul3A_148 = arith.constant 1 : i32
          %mul3A_149 = arith.muli %mul3A_148, %select_n3A : i32
          %eq3A_150 = arith.constant 0 : i32
          %eq3A_151 = arith.cmpi eq, %while3A_142, %eq3A_150 : i32
          %sub3A_152 = arith.constant 1 : i32
          %sub3A_153 = arith.subi %mul3A_149, %sub3A_152 : i32
          %eq3A_154 = arith.cmpi eq, %while3A_142, %sub3A_153 : i32
          %add3A_155 = arith.addi %while3A_147, %select_n3A_14 : i32
          %sub3A_156 = arith.constant 1 : i32
          %sub3A_157 = arith.subi %while3A_147, %sub3A_156 : i32
          %select_n3A_158 = arith.constant true
          %select_n3A_159 = arith.select %select_n3A_158, %sub3A_157, %while3A_147 : i32
          %eq3A_160 = arith.constant -1 : i32
          %eq3A_161 = arith.cmpi eq, %select_n3A_159, %eq3A_160 : i32
          %sub3A_162 = arith.constant 1 : i32
          %sub3A_163 = arith.subi %select_n3A, %sub3A_162 : i32
          %select_n3A_164 = arith.select %eq3A_161, %sub3A_163, %select_n3A_159 : i32
          %add3A_165 = arith.addi %select_n3A_164, %select_n3A_14 : i32
          %add3A_166 = arith.constant 1 : i32
          %add3A_167 = arith.addi %while3A_147, %add3A_166 : i32
          %select_n3A_168 = arith.constant true
          %select_n3A_169 = arith.select %select_n3A_168, %add3A_167, %while3A_147 : i32
          %eq3A_170 = arith.cmpi eq, %select_n3A_169, %select_n3A : i32
          %select_n3A_171 = arith.constant 0 : i32
          %select_n3A_172 = arith.select %eq3A_170, %select_n3A_171, %select_n3A_169 : i32
          %add3A_173 = arith.addi %select_n3A_172, %select_n3A_14 : i32
          %add3A_174 = arith.constant 1 : i32
          %add3A_175 = arith.addi %select_n3A_172, %add3A_174 : i32
          %select_n3A_176 = arith.constant true
          %select_n3A_177 = arith.select %select_n3A_176, %add3A_175, %select_n3A_172 : i32
          %eq3A_178 = arith.cmpi eq, %select_n3A_177, %select_n3A : i32
          %select_n3A_179 = arith.constant 0 : i32
          %select_n3A_180 = arith.select %eq3A_178, %select_n3A_179, %select_n3A_177 : i32
          %add3A_181 = arith.addi %select_n3A_180, %select_n3A_14 : i32
          %ne3A = arith.cmpi ne, %add3A_155, %add3A_173 : i32
          %or3A = arith.constant false
          %or3A_182 = arith.ori %or3A, %ne3A : i1
          %sub3A_183 = arith.constant 2 : i32
          %sub3A_184 = arith.subi %mul3A_149, %sub3A_183 : i32
          %add3A_185 = arith.constant 1 : i32
          %add3A_186 = arith.addi %sub3A_184, %add3A_185 : i32
          %ge3A = arith.cmpi sge, %while3A_142, %add3A_186 : i32
          %not3A = arith.constant true
          %not3A_187 = arith.xori %ge3A, %not3A : i1
          %and3A = arith.andi %or3A_182, %not3A_187 : i1
          %convert_element_type3A_188 = arith.extui %and3A : i1 to i32
          %cond3A_189 = arith.constant 0 : i32
          %cond3A_190 = arith.cmpi ne, %convert_element_type3A_188, %cond3A_189 : i32
          scf.if %cond3A_190 {
            "tpu.trace_start"() <{level = 10 : i32, message = "ep_copy_in"}> : () -> ()
            %rem3A_294 = arith.constant 2 : i32
            %rem3A_295 = arith.remui %while3A_143, %rem3A_294 : i32
            %mul3A_296 = arith.constant 128 : i32
            %mul3A_297 = arith.muli %mul3A_296, %add3A_173 : i32
            %dma_start3A_298 = arith.constant 0 : i32
            %dma_start3A_299 = arith.constant 0 : i32
            %dma_start3A_300 = tpu.memref_slice %run_scoped3A[%rem3A_295, %dma_start3A_298, %dma_start3A_299] : memref<2x1x128xi32, #tpu.memory_space<vmem>> -> memref<1x1x128xi32, #tpu.memory_space<vmem>>
            %dma_start3A_301 = tpu.memref_squeeze %dma_start3A_300 : memref<1x1x128xi32, #tpu.memory_space<vmem>> -> memref<1x128xi32, #tpu.memory_space<vmem>>
            %dma_start3A_302 = arith.constant 0 : i32
            %dma_start3A_303 = tpu.memref_slice %arg3[%dma_start3A_302, %mul3A_297] : memref<1x160000xi32, #tpu.memory_space<hbm>> -> memref<1x128xi32, #tpu.memory_space<hbm>>
            %dma_start3A_304 = tpu.memref_slice %run_scoped3A_17[%rem3A_295] : memref<2x!tpu.dma_semaphore, #tpu.memory_space<semaphore_mem>> -> memref<1x!tpu.dma_semaphore, #tpu.memory_space<semaphore_mem>>
            %dma_start3A_305 = tpu.memref_squeeze %dma_start3A_304 : memref<1x!tpu.dma_semaphore, #tpu.memory_space<semaphore_mem>> -> memref<!tpu.dma_semaphore, #tpu.memory_space<semaphore_mem>>
            %dma_start3A_306 = arith.constant 0 : i32
            %dma_start3A_307 = arith.constant 0 : i32
            %dma_start3A_308 = tpu.memref_slice %run_scoped3A[%rem3A_295, %dma_start3A_306, %dma_start3A_307] : memref<2x1x128xi32, #tpu.memory_space<vmem>> -> memref<1x1x128xi32, #tpu.memory_space<vmem>>
            %dma_start3A_309 = tpu.memref_squeeze %dma_start3A_308 : memref<1x1x128xi32, #tpu.memory_space<vmem>> -> memref<1x128xi32, #tpu.memory_space<vmem>>
            %dma_start3A_310 = arith.constant 0 : i32
            %dma_start3A_311 = tpu.memref_slice %arg3[%dma_start3A_310, %mul3A_297] : memref<1x160000xi32, #tpu.memory_space<hbm>> -> memref<1x128xi32, #tpu.memory_space<hbm>>
            tpu.enqueue_dma source(%dma_start3A_311 : memref<1x128xi32, #tpu.memory_space<hbm>>) target(%dma_start3A_309 : memref<1x128xi32, #tpu.memory_space<vmem>>) target_semaphore(%dma_start3A_305 : memref<!tpu.dma_semaphore, #tpu.memory_space<semaphore_mem>>)
            "tpu.trace_stop"() : () -> ()
          } else {
          }
          %and3A_191 = arith.constant true
          %and3A_192 = arith.andi %and3A, %and3A_191 : i1
          %add3A_193 = arith.constant 1 : i32
          %add3A_194 = arith.addi %while3A_143, %add3A_193 : i32
          %select_n3A_195 = arith.select %and3A_192, %add3A_194, %while3A_143 : i32
          %ne3A_196 = arith.cmpi ne, %add3A_155, %add3A_173 : i32
          %or3A_197 = arith.constant false
          %or3A_198 = arith.ori %or3A_197, %ne3A_196 : i1
          %or3A_199 = arith.constant false
          %or3A_200 = arith.ori %or3A_198, %or3A_199 : i1
          %sub3A_201 = arith.constant 2 : i32
          %sub3A_202 = arith.subi %mul3A_149, %sub3A_201 : i32
          %add3A_203 = arith.constant 1 : i32
          %add3A_204 = arith.addi %sub3A_202, %add3A_203 : i32
          %ge3A_205 = arith.cmpi sge, %while3A_142, %add3A_204 : i32
          %not3A_206 = arith.constant true
          %not3A_207 = arith.xori %ge3A_205, %not3A_206 : i1
          %and3A_208 = arith.andi %or3A_200, %not3A_207 : i1
          %ne3A_209 = arith.cmpi ne, %add3A_155, %add3A_165 : i32
          %or3A_210 = arith.constant false
          %or3A_211 = arith.ori %or3A_210, %ne3A_209 : i1
          %or3A_212 = arith.ori %or3A_211, %eq3A_151 : i1
          %convert_element_type3A_213 = arith.extui %or3A_212 : i1 to i32
          %cond3A_214 = arith.constant 0 : i32
          %cond3A_215 = arith.cmpi ne, %convert_element_type3A_213, %cond3A_214 : i32
          scf.if %cond3A_215 {
            "tpu.trace_start"() <{level = 10 : i32, message = "ep_wait_in"}> : () -> ()
            %mul3A_294 = arith.constant 128 : i32
            %mul3A_295 = arith.muli %mul3A_294, %add3A_155 : i32
            %rem3A_296 = arith.constant 2 : i32
            %rem3A_297 = arith.remui %while3A_144, %rem3A_296 : i32
            %dma_wait3A = arith.constant 0 : i32
            %dma_wait3A_298 = arith.constant 0 : i32
            %dma_wait3A_299 = tpu.memref_slice %run_scoped3A[%rem3A_297, %dma_wait3A, %dma_wait3A_298] : memref<2x1x128xi32, #tpu.memory_space<vmem>> -> memref<1x1x128xi32, #tpu.memory_space<vmem>>
            %dma_wait3A_300 = tpu.memref_squeeze %dma_wait3A_299 : memref<1x1x128xi32, #tpu.memory_space<vmem>> -> memref<1x128xi32, #tpu.memory_space<vmem>>
            %dma_wait3A_301 = arith.constant 0 : i32
            %dma_wait3A_302 = tpu.memref_slice %arg3[%dma_wait3A_301, %mul3A_295] : memref<1x160000xi32, #tpu.memory_space<hbm>> -> memref<1x128xi32, #tpu.memory_space<hbm>>
            %dma_wait3A_303 = tpu.memref_slice %run_scoped3A_17[%rem3A_297] : memref<2x!tpu.dma_semaphore, #tpu.memory_space<semaphore_mem>> -> memref<1x!tpu.dma_semaphore, #tpu.memory_space<semaphore_mem>>
            %dma_wait3A_304 = tpu.memref_squeeze %dma_wait3A_303 : memref<1x!tpu.dma_semaphore, #tpu.memory_space<semaphore_mem>> -> memref<!tpu.dma_semaphore, #tpu.memory_space<semaphore_mem>>
            %dma_wait3A_305 = arith.constant 0 : i32
            %dma_wait3A_306 = arith.constant 0 : i32
            %dma_wait3A_307 = tpu.memref_slice %run_scoped3A[%rem3A_297, %dma_wait3A_305, %dma_wait3A_306] : memref<2x1x128xi32, #tpu.memory_space<vmem>> -> memref<1x1x128xi32, #tpu.memory_space<vmem>>
            %dma_wait3A_308 = tpu.memref_squeeze %dma_wait3A_307 : memref<1x1x128xi32, #tpu.memory_space<vmem>> -> memref<1x128xi32, #tpu.memory_space<vmem>>
            %dma_wait3A_309 = arith.constant 0 : i32
            %dma_wait3A_310 = tpu.memref_slice %arg3[%dma_wait3A_309, %mul3A_295] : memref<1x160000xi32, #tpu.memory_space<hbm>> -> memref<1x128xi32, #tpu.memory_space<hbm>>
            tpu.wait_dma2 semaphore(%dma_wait3A_304 : memref<!tpu.dma_semaphore, #tpu.memory_space<semaphore_mem>>) src(%dma_wait3A_310 : memref<1x128xi32, #tpu.memory_space<hbm>>) dst(%dma_wait3A_308 : memref<1x128xi32, #tpu.memory_space<vmem>>)
            "tpu.trace_stop"() : () -> ()
          } else {
          }
          %ne3A_216 = arith.cmpi ne, %add3A_155, %add3A_165 : i32
          %or3A_217 = arith.constant false
          %or3A_218 = arith.ori %or3A_217, %ne3A_216 : i1
          %or3A_219 = arith.constant false
          %or3A_220 = arith.ori %or3A_218, %or3A_219 : i1
          %or3A_221 = arith.ori %or3A_220, %eq3A_151 : i1
          %convert_element_type3A_222 = arith.extui %or3A_221 : i1 to i32
          %cond3A_223 = arith.constant 0 : i32
          %cond3A_224 = arith.cmpi ne, %convert_element_type3A_222, %cond3A_223 : i32
          scf.if %cond3A_224 {
          } else {
          }
          %rem3A_225 = arith.constant 2 : i32
          %rem3A_226 = arith.remui %while3A_144, %rem3A_225 : i32
          %rem3A_227 = arith.constant 2 : i32
          %rem3A_228 = arith.remui %while3A_145, %rem3A_227 : i32
          %run_scoped3A_229 = arith.constant 0 : i32
          "tpu.trace_start"() <{level = 10 : i32, message = "ep_run_kernel"}> : () -> ()
          "tpu.region"() ({
            %run_scoped3A_294 = tpu.sem_alloc : memref<!tpu.dma_semaphore, #tpu.memory_space<semaphore_mem>>
            %dma_start3A_295 = arith.constant 0 : i32
            %dma_start3A_296 = arith.constant 0 : i32
            %dma_start3A_297 = tpu.memref_slice %run_scoped3A_18[%rem3A_228, %dma_start3A_295, %dma_start3A_296] : memref<2x128x128xf32, #tpu.memory_space<vmem>> -> memref<1x128x128xf32, #tpu.memory_space<vmem>>
            %dma_start3A_298 = tpu.memref_squeeze %dma_start3A_297 : memref<1x128x128xf32, #tpu.memory_space<vmem>> -> memref<128x128xf32, #tpu.memory_space<vmem>>
            %dma_start3A_299 = arith.constant 0 : i32
            %dma_start3A_300 = arith.constant 0 : i32
            %dma_start3A_301 = tpu.memref_slice %run_scoped3A[%rem3A_226, %dma_start3A_299, %dma_start3A_300] : memref<2x1x128xi32, #tpu.memory_space<vmem>> -> memref<1x1x128xi32, #tpu.memory_space<vmem>>
            %dma_start3A_302 = tpu.memref_squeeze %dma_start3A_301 : memref<1x1x128xi32, #tpu.memory_space<vmem>> -> memref<1x128xi32, #tpu.memory_space<vmem>>
            %dma_start3A_303 = arith.constant 0 : i32
            %dma_start3A_304 = tpu.memref_slice %dma_start3A_302[%run_scoped3A_229, %dma_start3A_303] : memref<1x128xi32, #tpu.memory_space<vmem>> -> memref<1x128xi32, #tpu.memory_space<vmem>>
            %dma_start3A_305 = tpu.memref_squeeze %dma_start3A_304 : memref<1x128xi32, #tpu.memory_space<vmem>> -> memref<128xi32, #tpu.memory_space<vmem>>
            %dma_start3A_306 = arith.constant 0 : i32
            %dma_start3A_307 = arith.constant 0 : i32
            %dma_start3A_308 = tpu.memref_slice %arg2[%dma_start3A_306, %dma_start3A_307] : memref<50000x128xf32, #tpu.memory_space<hbm>> -> memref<50000x128xf32, #tpu.memory_space<hbm>>
            tpu.enqueue_indirect_dma source(%dma_start3A_308 : memref<50000x128xf32, #tpu.memory_space<hbm>>) target(%dma_start3A_298 : memref<128x128xf32, #tpu.memory_space<vmem>>) offsets(%dma_start3A_305 : memref<128xi32, #tpu.memory_space<vmem>>) semaphore(%run_scoped3A_294 : memref<!tpu.dma_semaphore, #tpu.memory_space<semaphore_mem>>)
            %dma_wait3A = arith.constant 0 : i32
            %dma_wait3A_309 = arith.constant 0 : i32
            %dma_wait3A_310 = tpu.memref_slice %run_scoped3A_18[%rem3A_228, %dma_wait3A, %dma_wait3A_309] : memref<2x128x128xf32, #tpu.memory_space<vmem>> -> memref<1x128x128xf32, #tpu.memory_space<vmem>>
            %dma_wait3A_311 = tpu.memref_squeeze %dma_wait3A_310 : memref<1x128x128xf32, #tpu.memory_space<vmem>> -> memref<128x128xf32, #tpu.memory_space<vmem>>
            %dma_wait3A_312 = arith.constant 0 : i32
            %dma_wait3A_313 = arith.constant 0 : i32
            %dma_wait3A_314 = tpu.memref_slice %run_scoped3A[%rem3A_226, %dma_wait3A_312, %dma_wait3A_313] : memref<2x1x128xi32, #tpu.memory_space<vmem>> -> memref<1x1x128xi32, #tpu.memory_space<vmem>>
            %dma_wait3A_315 = tpu.memref_squeeze %dma_wait3A_314 : memref<1x1x128xi32, #tpu.memory_space<vmem>> -> memref<1x128xi32, #tpu.memory_space<vmem>>
            %dma_wait3A_316 = arith.constant 0 : i32
            %dma_wait3A_317 = tpu.memref_slice %dma_wait3A_315[%run_scoped3A_229, %dma_wait3A_316] : memref<1x128xi32, #tpu.memory_space<vmem>> -> memref<1x128xi32, #tpu.memory_space<vmem>>
            %dma_wait3A_318 = tpu.memref_squeeze %dma_wait3A_317 : memref<1x128xi32, #tpu.memory_space<vmem>> -> memref<128xi32, #tpu.memory_space<vmem>>
            %dma_wait3A_319 = arith.constant 0 : i32
            %dma_wait3A_320 = arith.constant 0 : i32
            %dma_wait3A_321 = tpu.memref_slice %arg2[%dma_wait3A_319, %dma_wait3A_320] : memref<50000x128xf32, #tpu.memory_space<hbm>> -> memref<50000x128xf32, #tpu.memory_space<hbm>>
            tpu.wait_indirect_dma semaphore(%run_scoped3A_294 : memref<!tpu.dma_semaphore, #tpu.memory_space<semaphore_mem>>) src(%dma_wait3A_321 : memref<50000x128xf32, #tpu.memory_space<hbm>>) dst(%dma_wait3A_311 : memref<128x128xf32, #tpu.memory_space<vmem>>)
            tpu.yield
          }) : () -> ()
          "tpu.trace_stop"() : () -> ()
          %ne3A_230 = arith.cmpi ne, %add3A_155, %add3A_173 : i32
          %or3A_231 = arith.constant false
          %or3A_232 = arith.ori %or3A_231, %ne3A_230 : i1
          %or3A_233 = arith.ori %or3A_232, %eq3A_154 : i1
          %convert_element_type3A_234 = arith.extui %or3A_233 : i1 to i32
          %cond3A_235 = arith.constant 0 : i32
          %cond3A_236 = arith.cmpi ne, %convert_element_type3A_234, %cond3A_235 : i32
          scf.if %cond3A_236 {
          } else {
          }
          %and3A_237 = arith.constant false
          %and3A_238 = arith.andi %or3A_233, %and3A_237 : i1
          %ne3A_239 = arith.cmpi ne, %add3A_155, %add3A_173 : i32
          %or3A_240 = arith.constant false
          %or3A_241 = arith.ori %or3A_240, %ne3A_239 : i1
          %or3A_242 = arith.constant false
          %or3A_243 = arith.ori %or3A_241, %or3A_242 : i1
          %or3A_244 = arith.ori %or3A_243, %eq3A_154 : i1
          %convert_element_type3A_245 = arith.extui %or3A_244 : i1 to i32
          %cond3A_246 = arith.constant 0 : i32
          %cond3A_247 = arith.cmpi ne, %convert_element_type3A_245, %cond3A_246 : i32
          scf.if %cond3A_247 {
            "tpu.trace_start"() <{level = 10 : i32, message = "ep_copy_out"}> : () -> ()
            %rem3A_294 = arith.constant 2 : i32
            %rem3A_295 = arith.remui %while3A_145, %rem3A_294 : i32
            %mul3A_296 = arith.constant 128 : i32
            %mul3A_297 = arith.muli %mul3A_296, %add3A_155 : i32
            %dma_start3A_298 = arith.constant 0 : i32
            %dma_start3A_299 = arith.constant 0 : i32
            %dma_start3A_300 = tpu.memref_slice %run_scoped3A_18[%rem3A_295, %dma_start3A_298, %dma_start3A_299] : memref<2x128x128xf32, #tpu.memory_space<vmem>> -> memref<1x128x128xf32, #tpu.memory_space<vmem>>
            %dma_start3A_301 = tpu.memref_squeeze %dma_start3A_300 : memref<1x128x128xf32, #tpu.memory_space<vmem>> -> memref<128x128xf32, #tpu.memory_space<vmem>>
            %dma_start3A_302 = arith.constant 0 : i32
            %dma_start3A_303 = tpu.memref_slice %arg4[%mul3A_297, %dma_start3A_302] : memref<160000x128xf32, #tpu.memory_space<hbm>> -> memref<128x128xf32, #tpu.memory_space<hbm>>
            %dma_start3A_304 = tpu.memref_slice %run_scoped3A_19[%rem3A_295] : memref<2x!tpu.dma_semaphore, #tpu.memory_space<semaphore_mem>> -> memref<1x!tpu.dma_semaphore, #tpu.memory_space<semaphore_mem>>
            %dma_start3A_305 = tpu.memref_squeeze %dma_start3A_304 : memref<1x!tpu.dma_semaphore, #tpu.memory_space<semaphore_mem>> -> memref<!tpu.dma_semaphore, #tpu.memory_space<semaphore_mem>>
            %dma_start3A_306 = arith.constant 0 : i32
            %dma_start3A_307 = tpu.memref_slice %arg4[%mul3A_297, %dma_start3A_306] : memref<160000x128xf32, #tpu.memory_space<hbm>> -> memref<128x128xf32, #tpu.memory_space<hbm>>
            %dma_start3A_308 = arith.constant 0 : i32
            %dma_start3A_309 = arith.constant 0 : i32
            %dma_start3A_310 = tpu.memref_slice %run_scoped3A_18[%rem3A_295, %dma_start3A_308, %dma_start3A_309] : memref<2x128x128xf32, #tpu.memory_space<vmem>> -> memref<1x128x128xf32, #tpu.memory_space<vmem>>
            %dma_start3A_311 = tpu.memref_squeeze %dma_start3A_310 : memref<1x128x128xf32, #tpu.memory_space<vmem>> -> memref<128x128xf32, #tpu.memory_space<vmem>>
            tpu.enqueue_dma source(%dma_start3A_311 : memref<128x128xf32, #tpu.memory_space<vmem>>) target(%dma_start3A_307 : memref<128x128xf32, #tpu.memory_space<hbm>>) target_semaphore(%dma_start3A_305 : memref<!tpu.dma_semaphore, #tpu.memory_space<semaphore_mem>>)
            "tpu.trace_stop"() : () -> ()
          } else {
          }
          %and3A_248 = arith.constant true
          %and3A_249 = arith.andi %or3A_244, %and3A_248 : i1
          %add3A_250 = arith.constant 1 : i32
          %add3A_251 = arith.addi %while3A_145, %add3A_250 : i32
          %select_n3A_252 = arith.select %and3A_249, %add3A_251, %while3A_145 : i32
          %ne3A_253 = arith.cmpi ne, %add3A_155, %add3A_165 : i32
          %or3A_254 = arith.constant false
          %or3A_255 = arith.ori %or3A_254, %ne3A_253 : i1
          %not3A_256 = arith.constant true
          %not3A_257 = arith.xori %eq3A_151, %not3A_256 : i1
          %and3A_258 = arith.andi %or3A_255, %not3A_257 : i1
          %convert_element_type3A_259 = arith.extui %and3A_258 : i1 to i32
          %cond3A_260 = arith.constant 0 : i32
          %cond3A_261 = arith.cmpi ne, %convert_element_type3A_259, %cond3A_260 : i32
          scf.if %cond3A_261 {
          } else {
          }
          %and3A_262 = arith.constant false
          %and3A_263 = arith.andi %and3A_258, %and3A_262 : i1
          %ne3A_264 = arith.cmpi ne, %add3A_155, %add3A_165 : i32
          %or3A_265 = arith.constant false
          %or3A_266 = arith.ori %or3A_265, %ne3A_264 : i1
          %or3A_267 = arith.constant false
          %or3A_268 = arith.ori %or3A_266, %or3A_267 : i1
          %not3A_269 = arith.constant true
          %not3A_270 = arith.xori %eq3A_151, %not3A_269 : i1
          %and3A_271 = arith.andi %or3A_268, %not3A_270 : i1
          %convert_element_type3A_272 = arith.extui %and3A_271 : i1 to i32
          %cond3A_273 = arith.constant 0 : i32
          %cond3A_274 = arith.cmpi ne, %convert_element_type3A_272, %cond3A_273 : i32
          scf.if %cond3A_274 {
            "tpu.trace_start"() <{level = 10 : i32, message = "ep_wait_out"}> : () -> ()
            %rem3A_294 = arith.constant 2 : i32
            %rem3A_295 = arith.remui %while3A_146, %rem3A_294 : i32
            %mul3A_296 = arith.constant 128 : i32
            %mul3A_297 = arith.muli %mul3A_296, %add3A_165 : i32
            %dma_wait3A = arith.constant 0 : i32
            %dma_wait3A_298 = arith.constant 0 : i32
            %dma_wait3A_299 = tpu.memref_slice %run_scoped3A_18[%rem3A_295, %dma_wait3A, %dma_wait3A_298] : memref<2x128x128xf32, #tpu.memory_space<vmem>> -> memref<1x128x128xf32, #tpu.memory_space<vmem>>
            %dma_wait3A_300 = tpu.memref_squeeze %dma_wait3A_299 : memref<1x128x128xf32, #tpu.memory_space<vmem>> -> memref<128x128xf32, #tpu.memory_space<vmem>>
            %dma_wait3A_301 = arith.constant 0 : i32
            %dma_wait3A_302 = tpu.memref_slice %arg4[%mul3A_297, %dma_wait3A_301] : memref<160000x128xf32, #tpu.memory_space<hbm>> -> memref<128x128xf32, #tpu.memory_space<hbm>>
            %dma_wait3A_303 = tpu.memref_slice %run_scoped3A_19[%rem3A_295] : memref<2x!tpu.dma_semaphore, #tpu.memory_space<semaphore_mem>> -> memref<1x!tpu.dma_semaphore, #tpu.memory_space<semaphore_mem>>
            %dma_wait3A_304 = tpu.memref_squeeze %dma_wait3A_303 : memref<1x!tpu.dma_semaphore, #tpu.memory_space<semaphore_mem>> -> memref<!tpu.dma_semaphore, #tpu.memory_space<semaphore_mem>>
            %dma_wait3A_305 = arith.constant 0 : i32
            %dma_wait3A_306 = tpu.memref_slice %arg4[%mul3A_297, %dma_wait3A_305] : memref<160000x128xf32, #tpu.memory_space<hbm>> -> memref<128x128xf32, #tpu.memory_space<hbm>>
            %dma_wait3A_307 = arith.constant 0 : i32
            %dma_wait3A_308 = arith.constant 0 : i32
            %dma_wait3A_309 = tpu.memref_slice %run_scoped3A_18[%rem3A_295, %dma_wait3A_307, %dma_wait3A_308] : memref<2x128x128xf32, #tpu.memory_space<vmem>> -> memref<1x128x128xf32, #tpu.memory_space<vmem>>
            %dma_wait3A_310 = tpu.memref_squeeze %dma_wait3A_309 : memref<1x128x128xf32, #tpu.memory_space<vmem>> -> memref<128x128xf32, #tpu.memory_space<vmem>>
            tpu.wait_dma2 semaphore(%dma_wait3A_304 : memref<!tpu.dma_semaphore, #tpu.memory_space<semaphore_mem>>) src(%dma_wait3A_310 : memref<128x128xf32, #tpu.memory_space<vmem>>) dst(%dma_wait3A_306 : memref<128x128xf32, #tpu.memory_space<hbm>>)
            "tpu.trace_stop"() : () -> ()
          } else {
          }
          %and3A_275 = arith.constant true
          %and3A_276 = arith.andi %and3A_271, %and3A_275 : i1
          %add3A_277 = arith.constant 1 : i32
          %add3A_278 = arith.addi %while3A_146, %add3A_277 : i32
          %select_n3A_279 = arith.select %and3A_276, %add3A_278, %while3A_146 : i32
          %ne3A_280 = arith.cmpi ne, %add3A_155, %add3A_173 : i32
          %or3A_281 = arith.constant false
          %or3A_282 = arith.ori %or3A_281, %ne3A_280 : i1
          %or3A_283 = arith.ori %or3A_282, %eq3A_154 : i1
          %add3A_284 = arith.constant 1 : i32
          %add3A_285 = arith.addi %while3A_144, %add3A_284 : i32
          %select_n3A_286 = arith.select %or3A_283, %add3A_285, %while3A_144 : i32
          %add3A_287 = arith.constant 1 : i32
          %add3A_288 = arith.addi %while3A_147, %add3A_287 : i32
          %select_n3A_289 = arith.constant true
          %select_n3A_290 = arith.select %select_n3A_289, %add3A_288, %while3A_147 : i32
          %eq3A_291 = arith.cmpi eq, %select_n3A_290, %select_n3A : i32
          %select_n3A_292 = arith.constant 0 : i32
          %select_n3A_293 = arith.select %eq3A_291, %select_n3A_292, %select_n3A_290 : i32
          scf.yield %select_n3A_195, %select_n3A_286, %select_n3A_252, %select_n3A_279, %select_n3A_293 : i32, i32, i32, i32, i32
        }
        %sub3A_91 = arith.constant 1 : i32
        %sub3A_92 = arith.subi %while3A_90#4, %sub3A_91 : i32
        %select_n3A_93 = arith.constant true
        %select_n3A_94 = arith.select %select_n3A_93, %sub3A_92, %while3A_90#4 : i32
        %eq3A_95 = arith.constant -1 : i32
        %eq3A_96 = arith.cmpi eq, %select_n3A_94, %eq3A_95 : i32
        %sub3A_97 = arith.constant 1 : i32
        %sub3A_98 = arith.subi %select_n3A, %sub3A_97 : i32
        %select_n3A_99 = arith.select %eq3A_96, %sub3A_98, %select_n3A_94 : i32
        %sub3A_100 = arith.constant 1 : i32
        %sub3A_101 = arith.subi %mul3A_16, %sub3A_100 : i32
        %mul3A_102 = arith.constant 1 : i32
        %mul3A_103 = arith.muli %mul3A_102, %select_n3A : i32
        %eq3A_104 = arith.constant 0 : i32
        %eq3A_105 = arith.cmpi eq, %sub3A_101, %eq3A_104 : i32
        %sub3A_106 = arith.constant 1 : i32
        %sub3A_107 = arith.subi %mul3A_103, %sub3A_106 : i32
        %eq3A_108 = arith.cmpi eq, %sub3A_101, %sub3A_107 : i32
        %add3A_109 = arith.addi %select_n3A_99, %select_n3A_14 : i32
        %sub3A_110 = arith.constant 1 : i32
        %sub3A_111 = arith.subi %select_n3A_99, %sub3A_110 : i32
        %select_n3A_112 = arith.constant true
        %select_n3A_113 = arith.select %select_n3A_112, %sub3A_111, %select_n3A_99 : i32
        %eq3A_114 = arith.constant -1 : i32
        %eq3A_115 = arith.cmpi eq, %select_n3A_113, %eq3A_114 : i32
        %sub3A_116 = arith.constant 1 : i32
        %sub3A_117 = arith.subi %select_n3A, %sub3A_116 : i32
        %select_n3A_118 = arith.select %eq3A_115, %sub3A_117, %select_n3A_113 : i32
        %add3A_119 = arith.addi %select_n3A_118, %select_n3A_14 : i32
        %add3A_120 = arith.constant 1 : i32
        %add3A_121 = arith.addi %select_n3A_99, %add3A_120 : i32
        %select_n3A_122 = arith.constant true
        %select_n3A_123 = arith.select %select_n3A_122, %add3A_121, %select_n3A_99 : i32
        %eq3A_124 = arith.cmpi eq, %select_n3A_123, %select_n3A : i32
        %select_n3A_125 = arith.constant 0 : i32
        %select_n3A_126 = arith.select %eq3A_124, %select_n3A_125, %select_n3A_123 : i32
        %add3A_127 = arith.addi %select_n3A_126, %select_n3A_14 : i32
        %add3A_128 = arith.constant 1 : i32
        %add3A_129 = arith.addi %select_n3A_126, %add3A_128 : i32
        %select_n3A_130 = arith.constant true
        %select_n3A_131 = arith.select %select_n3A_130, %add3A_129, %select_n3A_126 : i32
        %eq3A_132 = arith.cmpi eq, %select_n3A_131, %select_n3A : i32
        %select_n3A_133 = arith.constant 0 : i32
        %select_n3A_134 = arith.select %eq3A_132, %select_n3A_133, %select_n3A_131 : i32
        %add3A_135 = arith.addi %select_n3A_134, %select_n3A_14 : i32
        %convert_element_type3A_136 = arith.extui %eq3A_108 : i1 to i32
        %cond3A_137 = arith.constant 0 : i32
        %cond3A_138 = arith.cmpi ne, %convert_element_type3A_136, %cond3A_137 : i32
        scf.if %cond3A_138 {
        } else {
        }
        %convert_element_type3A_139 = arith.extui %eq3A_108 : i1 to i32
        %cond3A_140 = arith.constant 0 : i32
        %cond3A_141 = arith.cmpi ne, %convert_element_type3A_139, %cond3A_140 : i32
        scf.if %cond3A_141 {
          "tpu.trace_start"() <{level = 10 : i32, message = "ep_finalize"}> : () -> ()
          %rem3A_142 = arith.constant 2 : i32
          %rem3A_143 = arith.remui %while3A_90#3, %rem3A_142 : i32
          %mul3A_144 = arith.constant 128 : i32
          %mul3A_145 = arith.muli %mul3A_144, %add3A_109 : i32
          %dma_wait3A = arith.constant 0 : i32
          %dma_wait3A_146 = arith.constant 0 : i32
          %dma_wait3A_147 = tpu.memref_slice %run_scoped3A_18[%rem3A_143, %dma_wait3A, %dma_wait3A_146] : memref<2x128x128xf32, #tpu.memory_space<vmem>> -> memref<1x128x128xf32, #tpu.memory_space<vmem>>
          %dma_wait3A_148 = tpu.memref_squeeze %dma_wait3A_147 : memref<1x128x128xf32, #tpu.memory_space<vmem>> -> memref<128x128xf32, #tpu.memory_space<vmem>>
          %dma_wait3A_149 = arith.constant 0 : i32
          %dma_wait3A_150 = tpu.memref_slice %arg4[%mul3A_145, %dma_wait3A_149] : memref<160000x128xf32, #tpu.memory_space<hbm>> -> memref<128x128xf32, #tpu.memory_space<hbm>>
          %dma_wait3A_151 = tpu.memref_slice %run_scoped3A_19[%rem3A_143] : memref<2x!tpu.dma_semaphore, #tpu.memory_space<semaphore_mem>> -> memref<1x!tpu.dma_semaphore, #tpu.memory_space<semaphore_mem>>
          %dma_wait3A_152 = tpu.memref_squeeze %dma_wait3A_151 : memref<1x!tpu.dma_semaphore, #tpu.memory_space<semaphore_mem>> -> memref<!tpu.dma_semaphore, #tpu.memory_space<semaphore_mem>>
          %dma_wait3A_153 = arith.constant 0 : i32
          %dma_wait3A_154 = tpu.memref_slice %arg4[%mul3A_145, %dma_wait3A_153] : memref<160000x128xf32, #tpu.memory_space<hbm>> -> memref<128x128xf32, #tpu.memory_space<hbm>>
          %dma_wait3A_155 = arith.constant 0 : i32
          %dma_wait3A_156 = arith.constant 0 : i32
          %dma_wait3A_157 = tpu.memref_slice %run_scoped3A_18[%rem3A_143, %dma_wait3A_155, %dma_wait3A_156] : memref<2x128x128xf32, #tpu.memory_space<vmem>> -> memref<1x128x128xf32, #tpu.memory_space<vmem>>
          %dma_wait3A_158 = tpu.memref_squeeze %dma_wait3A_157 : memref<1x128x128xf32, #tpu.memory_space<vmem>> -> memref<128x128xf32, #tpu.memory_space<vmem>>
          tpu.wait_dma2 semaphore(%dma_wait3A_152 : memref<!tpu.dma_semaphore, #tpu.memory_space<semaphore_mem>>) src(%dma_wait3A_158 : memref<128x128xf32, #tpu.memory_space<vmem>>) dst(%dma_wait3A_154 : memref<128x128xf32, #tpu.memory_space<hbm>>)
          "tpu.trace_stop"() : () -> ()
        } else {
        }
      } else {
      }
      tpu.yield
    }) : () -> ()
    return
  }
}

#map = affine_map<(d0, d1) -> (0, 0)>
module attributes {stable_mosaic.version = 14 : i64} {
  func.func @gather_kernel(%arg0: i32, %arg1: i32, %arg2: memref<50000x128xf32, #tpu.memory_space<hbm>>, %arg3: memref<1x160000xi32, #tpu.memory_space<hbm>>, %arg4: memref<160000x128xf32, #tpu.memory_space<hbm>>) attributes {dimension_semantics = [#tpu.dimension_semantics<core_parallel>, #tpu.dimension_semantics<subcore_parallel>], iteration_bounds = array<i64: 2, 16>, scalar_prefetch = 0 : i64, scratch_operands = 0 : i64, tpu.core_type = #tpu.core_type<sc_vector_subcore>, window_params = [{transform_indices = #map}, {transform_indices = #map}, {transform_indices = #map}]} {
    %mul3A = arith.constant 1 : i32
    %mul3A_0 = arith.muli %arg1, %mul3A : i32
    %add3A = arith.constant 0 : i32
    %add3A_1 = arith.addi %add3A, %mul3A_0 : i32
    %mul3A_2 = arith.constant 16 : i32
    %mul3A_3 = arith.muli %arg0, %mul3A_2 : i32
    %add3A_4 = arith.addi %add3A_1, %mul3A_3 : i32
    %lt3A = arith.constant 2 : i32
    %lt3A_5 = arith.cmpi slt, %add3A_4, %lt3A : i32
    %jit3A = arith.constant 40 : i32
    %jit3A_6 = arith.constant 39 : i32
    %select_n3A = arith.select %lt3A_5, %jit3A, %jit3A_6 : i32
    %lt3A_7 = arith.constant 2 : i32
    %lt3A_8 = arith.cmpi slt, %add3A_4, %lt3A_7 : i32
    %mul3A_9 = arith.muli %add3A_4, %select_n3A : i32
    %mul3A_10 = arith.constant 39 : i32
    %mul3A_11 = arith.muli %add3A_4, %mul3A_10 : i32
    %add3A_12 = arith.constant 2 : i32
    %add3A_13 = arith.addi %mul3A_11, %add3A_12 : i32
    %select_n3A_14 = arith.select %lt3A_8, %mul3A_9, %add3A_13 : i32
    %mul3A_15 = arith.constant 1 : i32
    %mul3A_16 = arith.muli %mul3A_15, %select_n3A : i32
    "tpu.region"() ({
      %run_scoped3A = memref.alloca() : memref<2x1x128xi32, #tpu.memory_space<vmem>>
      %run_scoped3A_17 = tpu.sem_alloc : memref<2x!tpu.dma_semaphore, #tpu.memory_space<semaphore_mem>>
      %run_scoped3A_18 = memref.alloca() : memref<2x128x128xf32, #tpu.memory_space<vmem>>
      %run_scoped3A_19 = tpu.sem_alloc : memref<2x!tpu.dma_semaphore, #tpu.memory_space<semaphore_mem>>
      %gt3A = arith.constant 0 : i32
      %gt3A_20 = arith.cmpi sgt, %mul3A_16, %gt3A : i32
      %convert_element_type3A = arith.extui %gt3A_20 : i1 to i32
      %cond3A = arith.constant 0 : i32
      %cond3A_21 = arith.cmpi ne, %convert_element_type3A, %cond3A : i32
      scf.if %cond3A_21 {
        %mul3A_22 = arith.constant 1 : i32
        %mul3A_23 = arith.muli %mul3A_22, %select_n3A : i32
        %sub3A = arith.constant 1 : i32
        %sub3A_24 = arith.subi %mul3A_23, %sub3A : i32
        %eq3A = arith.constant 0 : i32
        %eq3A_25 = arith.cmpi eq, %sub3A_24, %eq3A : i32
        %add3A_26 = arith.constant 0 : i32
        %add3A_27 = arith.addi %add3A_26, %select_n3A_14 : i32
        %select_n3A_28 = arith.constant true
        %select_n3A_29 = arith.constant 0 : i32
        %select_n3A_30 = arith.constant -1 : i32
        %select_n3A_31 = arith.select %select_n3A_28, %select_n3A_30, %select_n3A_29 : i32
        %eq3A_32 = arith.constant -1 : i32
        %eq3A_33 = arith.cmpi eq, %select_n3A_31, %eq3A_32 : i32
        %sub3A_34 = arith.constant 1 : i32
        %sub3A_35 = arith.subi %select_n3A, %sub3A_34 : i32
        %select_n3A_36 = arith.select %eq3A_33, %sub3A_35, %select_n3A_31 : i32
        %add3A_37 = arith.addi %select_n3A_36, %select_n3A_14 : i32
        %select_n3A_38 = arith.constant true
        %select_n3A_39 = arith.constant 0 : i32
        %select_n3A_40 = arith.constant 1 : i32
        %select_n3A_41 = arith.select %select_n3A_38, %select_n3A_40, %select_n3A_39 : i32
        %eq3A_42 = arith.cmpi eq, %select_n3A_41, %select_n3A : i32
        %select_n3A_43 = arith.constant 0 : i32
        %select_n3A_44 = arith.select %eq3A_42, %select_n3A_43, %select_n3A_41 : i32
        %add3A_45 = arith.addi %select_n3A_44, %select_n3A_14 : i32
        %add3A_46 = arith.constant 1 : i32
        %add3A_47 = arith.addi %select_n3A_44, %add3A_46 : i32
        %select_n3A_48 = arith.constant true
        %select_n3A_49 = arith.select %select_n3A_48, %add3A_47, %select_n3A_44 : i32
        %eq3A_50 = arith.cmpi eq, %select_n3A_49, %select_n3A : i32
        %select_n3A_51 = arith.constant 0 : i32
        %select_n3A_52 = arith.select %eq3A_50, %select_n3A_51, %select_n3A_49 : i32
        %add3A_53 = arith.addi %select_n3A_52, %select_n3A_14 : i32
        "tpu.trace_start"() <{level = 10 : i32, message = "ep_initialize_0"}> : () -> ()
        %rem3A = arith.constant 0 : i32
        %rem3A_54 = arith.constant 2 : i32
        %rem3A_55 = arith.remui %rem3A, %rem3A_54 : i32
        %mul3A_56 = arith.constant 128 : i32
        %mul3A_57 = arith.muli %mul3A_56, %add3A_27 : i32
        %dma_start3A = arith.constant 0 : i32
        %dma_start3A_58 = arith.constant 0 : i32
        %dma_start3A_59 = tpu.memref_slice %run_scoped3A[%rem3A_55, %dma_start3A, %dma_start3A_58] : memref<2x1x128xi32, #tpu.memory_space<vmem>> -> memref<1x1x128xi32, #tpu.memory_space<vmem>>
        %dma_start3A_60 = tpu.memref_squeeze %dma_start3A_59 : memref<1x1x128xi32, #tpu.memory_space<vmem>> -> memref<1x128xi32, #tpu.memory_space<vmem>>
        %dma_start3A_61 = arith.constant 0 : i32
        %dma_start3A_62 = tpu.memref_slice %arg3[%dma_start3A_61, %mul3A_57] : memref<1x160000xi32, #tpu.memory_space<hbm>> -> memref<1x128xi32, #tpu.memory_space<hbm>>
        %dma_start3A_63 = tpu.memref_slice %run_scoped3A_17[%rem3A_55] : memref<2x!tpu.dma_semaphore, #tpu.memory_space<semaphore_mem>> -> memref<1x!tpu.dma_semaphore, #tpu.memory_space<semaphore_mem>>
        %dma_start3A_64 = tpu.memref_squeeze %dma_start3A_63 : memref<1x!tpu.dma_semaphore, #tpu.memory_space<semaphore_mem>> -> memref<!tpu.dma_semaphore, #tpu.memory_space<semaphore_mem>>
        %dma_start3A_65 = arith.constant 0 : i32
        %dma_start3A_66 = arith.constant 0 : i32
        %dma_start3A_67 = tpu.memref_slice %run_scoped3A[%rem3A_55, %dma_start3A_65, %dma_start3A_66] : memref<2x1x128xi32, #tpu.memory_space<vmem>> -> memref<1x1x128xi32, #tpu.memory_space<vmem>>
        %dma_start3A_68 = tpu.memref_squeeze %dma_start3A_67 : memref<1x1x128xi32, #tpu.memory_space<vmem>> -> memref<1x128xi32, #tpu.memory_space<vmem>>
        %dma_start3A_69 = arith.constant 0 : i32
        %dma_start3A_70 = tpu.memref_slice %arg3[%dma_start3A_69, %mul3A_57] : memref<1x160000xi32, #tpu.memory_space<hbm>> -> memref<1x128xi32, #tpu.memory_space<hbm>>
        tpu.enqueue_dma source(%dma_start3A_70 : memref<1x128xi32, #tpu.memory_space<hbm>>) target(%dma_start3A_68 : memref<1x128xi32, #tpu.memory_space<vmem>>) target_semaphore(%dma_start3A_64 : memref<!tpu.dma_semaphore, #tpu.memory_space<semaphore_mem>>)
        %add3A_71 = arith.constant 0 : i32
        %add3A_72 = arith.constant 1 : i32
        %add3A_73 = arith.addi %add3A_71, %add3A_72 : i32
        %select_n3A_74 = arith.constant true
        %select_n3A_75 = arith.constant 0 : i32
        %select_n3A_76 = arith.select %select_n3A_74, %add3A_73, %select_n3A_75 : i32
        %while3A = arith.constant 0 : i32
        %while3A_77 = arith.constant 0 : i32
        %while3A_78 = arith.constant 0 : i32
        %while3A_79 = arith.constant 0 : i32
        %while3A_80 = arith.constant 0 : i32
        "tpu.trace_stop"() : () -> ()
        %while3A_81 = arith.subi %mul3A_16, %while3A : i32
        %while3A_82 = arith.addi %while3A, %while3A_81 : i32
        %while3A_83 = arith.constant 1 : i32
        %while3A_84 = arith.divsi %while3A_81, %while3A_83 : i32
        %while3A_85 = arith.muli %while3A_84, %while3A_83 : i32
        %while3A_86 = arith.addi %while3A, %while3A_85 : i32
        %while3A_87 = arith.constant 1 : i32
        %while3A_88:5 = scf.for %while3A_142 = %while3A to %while3A_86 step %while3A_87 iter_args(%while3A_143 = %select_n3A_76, %while3A_144 = %while3A_77, %while3A_145 = %while3A_78, %while3A_146 = %while3A_79, %while3A_147 = %while3A_80) -> (i32, i32, i32, i32, i32)  : i32 {
          %mul3A_148 = arith.constant 1 : i32
          %mul3A_149 = arith.muli %mul3A_148, %select_n3A : i32
          %eq3A_150 = arith.constant 0 : i32
          %eq3A_151 = arith.cmpi eq, %while3A_142, %eq3A_150 : i32
          %sub3A_152 = arith.constant 1 : i32
          %sub3A_153 = arith.subi %mul3A_149, %sub3A_152 : i32
          %eq3A_154 = arith.cmpi eq, %while3A_142, %sub3A_153 : i32
          %add3A_155 = arith.addi %while3A_147, %select_n3A_14 : i32
          %sub3A_156 = arith.constant 1 : i32
          %sub3A_157 = arith.subi %while3A_147, %sub3A_156 : i32
          %select_n3A_158 = arith.constant true
          %select_n3A_159 = arith.select %select_n3A_158, %sub3A_157, %while3A_147 : i32
          %eq3A_160 = arith.constant -1 : i32
          %eq3A_161 = arith.cmpi eq, %select_n3A_159, %eq3A_160 : i32
          %sub3A_162 = arith.constant 1 : i32
          %sub3A_163 = arith.subi %select_n3A, %sub3A_162 : i32
          %select_n3A_164 = arith.select %eq3A_161, %sub3A_163, %select_n3A_159 : i32
          %add3A_165 = arith.addi %select_n3A_164, %select_n3A_14 : i32
          %add3A_166 = arith.constant 1 : i32
          %add3A_167 = arith.addi %while3A_147, %add3A_166 : i32
          %select_n3A_168 = arith.constant true
          %select_n3A_169 = arith.select %select_n3A_168, %add3A_167, %while3A_147 : i32
          %eq3A_170 = arith.cmpi eq, %select_n3A_169, %select_n3A : i32
          %select_n3A_171 = arith.constant 0 : i32
          %select_n3A_172 = arith.select %eq3A_170, %select_n3A_171, %select_n3A_169 : i32
          %add3A_173 = arith.addi %select_n3A_172, %select_n3A_14 : i32
          %add3A_174 = arith.constant 1 : i32
          %add3A_175 = arith.addi %select_n3A_172, %add3A_174 : i32
          %select_n3A_176 = arith.constant true
          %select_n3A_177 = arith.select %select_n3A_176, %add3A_175, %select_n3A_172 : i32
          %eq3A_178 = arith.cmpi eq, %select_n3A_177, %select_n3A : i32
          %select_n3A_179 = arith.constant 0 : i32
          %select_n3A_180 = arith.select %eq3A_178, %select_n3A_179, %select_n3A_177 : i32
          %add3A_181 = arith.addi %select_n3A_180, %select_n3A_14 : i32
          %ne3A = arith.cmpi ne, %add3A_155, %add3A_173 : i32
          %or3A = arith.constant false
          %or3A_182 = arith.ori %or3A, %ne3A : i1
          %sub3A_183 = arith.constant 2 : i32
          %sub3A_184 = arith.subi %mul3A_149, %sub3A_183 : i32
          %add3A_185 = arith.constant 1 : i32
          %add3A_186 = arith.addi %sub3A_184, %add3A_185 : i32
          %ge3A = arith.cmpi sge, %while3A_142, %add3A_186 : i32
          %not3A = arith.constant true
          %not3A_187 = arith.xori %ge3A, %not3A : i1
          %and3A = arith.andi %or3A_182, %not3A_187 : i1
          %convert_element_type3A_188 = arith.extui %and3A : i1 to i32
          %cond3A_189 = arith.constant 0 : i32
          %cond3A_190 = arith.cmpi ne, %convert_element_type3A_188, %cond3A_189 : i32
          scf.if %cond3A_190 {
            "tpu.trace_start"() <{level = 10 : i32, message = "ep_copy_in"}> : () -> ()
            %rem3A_294 = arith.constant 2 : i32
            %rem3A_295 = arith.remui %while3A_143, %rem3A_294 : i32
            %mul3A_296 = arith.constant 128 : i32
            %mul3A_297 = arith.muli %mul3A_296, %add3A_173 : i32
            %dma_start3A_298 = arith.constant 0 : i32
            %dma_start3A_299 = arith.constant 0 : i32
            %dma_start3A_300 = tpu.memref_slice %run_scoped3A[%rem3A_295, %dma_start3A_298, %dma_start3A_299] : memref<2x1x128xi32, #tpu.memory_space<vmem>> -> memref<1x1x128xi32, #tpu.memory_space<vmem>>
            %dma_start3A_301 = tpu.memref_squeeze %dma_start3A_300 : memref<1x1x128xi32, #tpu.memory_space<vmem>> -> memref<1x128xi32, #tpu.memory_space<vmem>>
            %dma_start3A_302 = arith.constant 0 : i32
            %dma_start3A_303 = tpu.memref_slice %arg3[%dma_start3A_302, %mul3A_297] : memref<1x160000xi32, #tpu.memory_space<hbm>> -> memref<1x128xi32, #tpu.memory_space<hbm>>
            %dma_start3A_304 = tpu.memref_slice %run_scoped3A_17[%rem3A_295] : memref<2x!tpu.dma_semaphore, #tpu.memory_space<semaphore_mem>> -> memref<1x!tpu.dma_semaphore, #tpu.memory_space<semaphore_mem>>
            %dma_start3A_305 = tpu.memref_squeeze %dma_start3A_304 : memref<1x!tpu.dma_semaphore, #tpu.memory_space<semaphore_mem>> -> memref<!tpu.dma_semaphore, #tpu.memory_space<semaphore_mem>>
            %dma_start3A_306 = arith.constant 0 : i32
            %dma_start3A_307 = arith.constant 0 : i32
            %dma_start3A_308 = tpu.memref_slice %run_scoped3A[%rem3A_295, %dma_start3A_306, %dma_start3A_307] : memref<2x1x128xi32, #tpu.memory_space<vmem>> -> memref<1x1x128xi32, #tpu.memory_space<vmem>>
            %dma_start3A_309 = tpu.memref_squeeze %dma_start3A_308 : memref<1x1x128xi32, #tpu.memory_space<vmem>> -> memref<1x128xi32, #tpu.memory_space<vmem>>
            %dma_start3A_310 = arith.constant 0 : i32
            %dma_start3A_311 = tpu.memref_slice %arg3[%dma_start3A_310, %mul3A_297] : memref<1x160000xi32, #tpu.memory_space<hbm>> -> memref<1x128xi32, #tpu.memory_space<hbm>>
            tpu.enqueue_dma source(%dma_start3A_311 : memref<1x128xi32, #tpu.memory_space<hbm>>) target(%dma_start3A_309 : memref<1x128xi32, #tpu.memory_space<vmem>>) target_semaphore(%dma_start3A_305 : memref<!tpu.dma_semaphore, #tpu.memory_space<semaphore_mem>>)
            "tpu.trace_stop"() : () -> ()
          } else {
          }
          %and3A_191 = arith.constant true
          %and3A_192 = arith.andi %and3A, %and3A_191 : i1
          %add3A_193 = arith.constant 1 : i32
          %add3A_194 = arith.addi %while3A_143, %add3A_193 : i32
          %select_n3A_195 = arith.select %and3A_192, %add3A_194, %while3A_143 : i32
          %ne3A_196 = arith.cmpi ne, %add3A_155, %add3A_173 : i32
          %or3A_197 = arith.constant false
          %or3A_198 = arith.ori %or3A_197, %ne3A_196 : i1
          %or3A_199 = arith.constant false
          %or3A_200 = arith.ori %or3A_198, %or3A_199 : i1
          %sub3A_201 = arith.constant 2 : i32
          %sub3A_202 = arith.subi %mul3A_149, %sub3A_201 : i32
          %add3A_203 = arith.constant 1 : i32
          %add3A_204 = arith.addi %sub3A_202, %add3A_203 : i32
          %ge3A_205 = arith.cmpi sge, %while3A_142, %add3A_204 : i32
          %not3A_206 = arith.constant true
          %not3A_207 = arith.xori %ge3A_205, %not3A_206 : i1
          %and3A_208 = arith.andi %or3A_200, %not3A_207 : i1
          %ne3A_209 = arith.cmpi ne, %add3A_155, %add3A_165 : i32
          %or3A_210 = arith.constant false
          %or3A_211 = arith.ori %or3A_210, %ne3A_209 : i1
          %or3A_212 = arith.ori %or3A_211, %eq3A_151 : i1
          %convert_element_type3A_213 = arith.extui %or3A_212 : i1 to i32
          %cond3A_214 = arith.constant 0 : i32
          %cond3A_215 = arith.cmpi ne, %convert_element_type3A_213, %cond3A_214 : i32
          scf.if %cond3A_215 {
            "tpu.trace_start"() <{level = 10 : i32, message = "ep_wait_in"}> : () -> ()
            %mul3A_294 = arith.constant 128 : i32
            %mul3A_295 = arith.muli %mul3A_294, %add3A_155 : i32
            %rem3A_296 = arith.constant 2 : i32
            %rem3A_297 = arith.remui %while3A_144, %rem3A_296 : i32
            %dma_wait3A = arith.constant 0 : i32
            %dma_wait3A_298 = arith.constant 0 : i32
            %dma_wait3A_299 = tpu.memref_slice %run_scoped3A[%rem3A_297, %dma_wait3A, %dma_wait3A_298] : memref<2x1x128xi32, #tpu.memory_space<vmem>> -> memref<1x1x128xi32, #tpu.memory_space<vmem>>
            %dma_wait3A_300 = tpu.memref_squeeze %dma_wait3A_299 : memref<1x1x128xi32, #tpu.memory_space<vmem>> -> memref<1x128xi32, #tpu.memory_space<vmem>>
            %dma_wait3A_301 = arith.constant 0 : i32
            %dma_wait3A_302 = tpu.memref_slice %arg3[%dma_wait3A_301, %mul3A_295] : memref<1x160000xi32, #tpu.memory_space<hbm>> -> memref<1x128xi32, #tpu.memory_space<hbm>>
            %dma_wait3A_303 = tpu.memref_slice %run_scoped3A_17[%rem3A_297] : memref<2x!tpu.dma_semaphore, #tpu.memory_space<semaphore_mem>> -> memref<1x!tpu.dma_semaphore, #tpu.memory_space<semaphore_mem>>
            %dma_wait3A_304 = tpu.memref_squeeze %dma_wait3A_303 : memref<1x!tpu.dma_semaphore, #tpu.memory_space<semaphore_mem>> -> memref<!tpu.dma_semaphore, #tpu.memory_space<semaphore_mem>>
            %dma_wait3A_305 = arith.constant 0 : i32
            %dma_wait3A_306 = arith.constant 0 : i32
            %dma_wait3A_307 = tpu.memref_slice %run_scoped3A[%rem3A_297, %dma_wait3A_305, %dma_wait3A_306] : memref<2x1x128xi32, #tpu.memory_space<vmem>> -> memref<1x1x128xi32, #tpu.memory_space<vmem>>
            %dma_wait3A_308 = tpu.memref_squeeze %dma_wait3A_307 : memref<1x1x128xi32, #tpu.memory_space<vmem>> -> memref<1x128xi32, #tpu.memory_space<vmem>>
            %dma_wait3A_309 = arith.constant 0 : i32
            %dma_wait3A_310 = tpu.memref_slice %arg3[%dma_wait3A_309, %mul3A_295] : memref<1x160000xi32, #tpu.memory_space<hbm>> -> memref<1x128xi32, #tpu.memory_space<hbm>>
            tpu.wait_dma2 semaphore(%dma_wait3A_304 : memref<!tpu.dma_semaphore, #tpu.memory_space<semaphore_mem>>) src(%dma_wait3A_310 : memref<1x128xi32, #tpu.memory_space<hbm>>) dst(%dma_wait3A_308 : memref<1x128xi32, #tpu.memory_space<vmem>>)
            "tpu.trace_stop"() : () -> ()
          } else {
          }
          %ne3A_216 = arith.cmpi ne, %add3A_155, %add3A_165 : i32
          %or3A_217 = arith.constant false
          %or3A_218 = arith.ori %or3A_217, %ne3A_216 : i1
          %or3A_219 = arith.constant false
          %or3A_220 = arith.ori %or3A_218, %or3A_219 : i1
          %or3A_221 = arith.ori %or3A_220, %eq3A_151 : i1
          %convert_element_type3A_222 = arith.extui %or3A_221 : i1 to i32
          %cond3A_223 = arith.constant 0 : i32
          %cond3A_224 = arith.cmpi ne, %convert_element_type3A_222, %cond3A_223 : i32
          scf.if %cond3A_224 {
          } else {
          }
          %rem3A_225 = arith.constant 2 : i32
          %rem3A_226 = arith.remui %while3A_144, %rem3A_225 : i32
          %rem3A_227 = arith.constant 2 : i32
          %rem3A_228 = arith.remui %while3A_145, %rem3A_227 : i32
          %run_scoped3A_229 = arith.constant 0 : i32
          "tpu.trace_start"() <{level = 10 : i32, message = "ep_run_kernel"}> : () -> ()
          "tpu.region"() ({
            %run_scoped3A_294 = tpu.sem_alloc : memref<!tpu.dma_semaphore, #tpu.memory_space<semaphore_mem>>
            %dma_start3A_295 = arith.constant 0 : i32
            %dma_start3A_296 = arith.constant 0 : i32
            %dma_start3A_297 = tpu.memref_slice %run_scoped3A_18[%rem3A_228, %dma_start3A_295, %dma_start3A_296] : memref<2x128x128xf32, #tpu.memory_space<vmem>> -> memref<1x128x128xf32, #tpu.memory_space<vmem>>
            %dma_start3A_298 = tpu.memref_squeeze %dma_start3A_297 : memref<1x128x128xf32, #tpu.memory_space<vmem>> -> memref<128x128xf32, #tpu.memory_space<vmem>>
            %dma_start3A_299 = arith.constant 0 : i32
            %dma_start3A_300 = arith.constant 0 : i32
            %dma_start3A_301 = tpu.memref_slice %run_scoped3A[%rem3A_226, %dma_start3A_299, %dma_start3A_300] : memref<2x1x128xi32, #tpu.memory_space<vmem>> -> memref<1x1x128xi32, #tpu.memory_space<vmem>>
            %dma_start3A_302 = tpu.memref_squeeze %dma_start3A_301 : memref<1x1x128xi32, #tpu.memory_space<vmem>> -> memref<1x128xi32, #tpu.memory_space<vmem>>
            %dma_start3A_303 = arith.constant 0 : i32
            %dma_start3A_304 = tpu.memref_slice %dma_start3A_302[%run_scoped3A_229, %dma_start3A_303] : memref<1x128xi32, #tpu.memory_space<vmem>> -> memref<1x128xi32, #tpu.memory_space<vmem>>
            %dma_start3A_305 = tpu.memref_squeeze %dma_start3A_304 : memref<1x128xi32, #tpu.memory_space<vmem>> -> memref<128xi32, #tpu.memory_space<vmem>>
            %dma_start3A_306 = arith.constant 0 : i32
            %dma_start3A_307 = arith.constant 0 : i32
            %dma_start3A_308 = tpu.memref_slice %arg2[%dma_start3A_306, %dma_start3A_307] : memref<50000x128xf32, #tpu.memory_space<hbm>> -> memref<50000x128xf32, #tpu.memory_space<hbm>>
            tpu.enqueue_indirect_dma source(%dma_start3A_308 : memref<50000x128xf32, #tpu.memory_space<hbm>>) target(%dma_start3A_298 : memref<128x128xf32, #tpu.memory_space<vmem>>) offsets(%dma_start3A_305 : memref<128xi32, #tpu.memory_space<vmem>>) semaphore(%run_scoped3A_294 : memref<!tpu.dma_semaphore, #tpu.memory_space<semaphore_mem>>)
            %dma_wait3A = arith.constant 0 : i32
            %dma_wait3A_309 = arith.constant 0 : i32
            %dma_wait3A_310 = tpu.memref_slice %run_scoped3A_18[%rem3A_228, %dma_wait3A, %dma_wait3A_309] : memref<2x128x128xf32, #tpu.memory_space<vmem>> -> memref<1x128x128xf32, #tpu.memory_space<vmem>>
            %dma_wait3A_311 = tpu.memref_squeeze %dma_wait3A_310 : memref<1x128x128xf32, #tpu.memory_space<vmem>> -> memref<128x128xf32, #tpu.memory_space<vmem>>
            %dma_wait3A_312 = arith.constant 0 : i32
            %dma_wait3A_313 = arith.constant 0 : i32
            %dma_wait3A_314 = tpu.memref_slice %run_scoped3A[%rem3A_226, %dma_wait3A_312, %dma_wait3A_313] : memref<2x1x128xi32, #tpu.memory_space<vmem>> -> memref<1x1x128xi32, #tpu.memory_space<vmem>>
            %dma_wait3A_315 = tpu.memref_squeeze %dma_wait3A_314 : memref<1x1x128xi32, #tpu.memory_space<vmem>> -> memref<1x128xi32, #tpu.memory_space<vmem>>
            %dma_wait3A_316 = arith.constant 0 : i32
            %dma_wait3A_317 = tpu.memref_slice %dma_wait3A_315[%run_scoped3A_229, %dma_wait3A_316] : memref<1x128xi32, #tpu.memory_space<vmem>> -> memref<1x128xi32, #tpu.memory_space<vmem>>
            %dma_wait3A_318 = tpu.memref_squeeze %dma_wait3A_317 : memref<1x128xi32, #tpu.memory_space<vmem>> -> memref<128xi32, #tpu.memory_space<vmem>>
            %dma_wait3A_319 = arith.constant 0 : i32
            %dma_wait3A_320 = arith.constant 0 : i32
            %dma_wait3A_321 = tpu.memref_slice %arg2[%dma_wait3A_319, %dma_wait3A_320] : memref<50000x128xf32, #tpu.memory_space<hbm>> -> memref<50000x128xf32, #tpu.memory_space<hbm>>
            tpu.wait_indirect_dma semaphore(%run_scoped3A_294 : memref<!tpu.dma_semaphore, #tpu.memory_space<semaphore_mem>>) src(%dma_wait3A_321 : memref<50000x128xf32, #tpu.memory_space<hbm>>) dst(%dma_wait3A_311 : memref<128x128xf32, #tpu.memory_space<vmem>>)
            tpu.yield
          }) : () -> ()
          "tpu.trace_stop"() : () -> ()
          %ne3A_230 = arith.cmpi ne, %add3A_155, %add3A_173 : i32
          %or3A_231 = arith.constant false
          %or3A_232 = arith.ori %or3A_231, %ne3A_230 : i1
          %or3A_233 = arith.ori %or3A_232, %eq3A_154 : i1
          %convert_element_type3A_234 = arith.extui %or3A_233 : i1 to i32
          %cond3A_235 = arith.constant 0 : i32
          %cond3A_236 = arith.cmpi ne, %convert_element_type3A_234, %cond3A_235 : i32
          scf.if %cond3A_236 {
          } else {
          }
          %and3A_237 = arith.constant false
          %and3A_238 = arith.andi %or3A_233, %and3A_237 : i1
          %ne3A_239 = arith.cmpi ne, %add3A_155, %add3A_173 : i32
          %or3A_240 = arith.constant false
          %or3A_241 = arith.ori %or3A_240, %ne3A_239 : i1
          %or3A_242 = arith.constant false
          %or3A_243 = arith.ori %or3A_241, %or3A_242 : i1
          %or3A_244 = arith.ori %or3A_243, %eq3A_154 : i1
          %convert_element_type3A_245 = arith.extui %or3A_244 : i1 to i32
          %cond3A_246 = arith.constant 0 : i32
          %cond3A_247 = arith.cmpi ne, %convert_element_type3A_245, %cond3A_246 : i32
          scf.if %cond3A_247 {
            "tpu.trace_start"() <{level = 10 : i32, message = "ep_copy_out"}> : () -> ()
            %rem3A_294 = arith.constant 2 : i32
            %rem3A_295 = arith.remui %while3A_145, %rem3A_294 : i32
            %mul3A_296 = arith.constant 128 : i32
            %mul3A_297 = arith.muli %mul3A_296, %add3A_155 : i32
            %dma_start3A_298 = arith.constant 0 : i32
            %dma_start3A_299 = arith.constant 0 : i32
            %dma_start3A_300 = tpu.memref_slice %run_scoped3A_18[%rem3A_295, %dma_start3A_298, %dma_start3A_299] : memref<2x128x128xf32, #tpu.memory_space<vmem>> -> memref<1x128x128xf32, #tpu.memory_space<vmem>>
            %dma_start3A_301 = tpu.memref_squeeze %dma_start3A_300 : memref<1x128x128xf32, #tpu.memory_space<vmem>> -> memref<128x128xf32, #tpu.memory_space<vmem>>
            %dma_start3A_302 = arith.constant 0 : i32
            %dma_start3A_303 = tpu.memref_slice %arg4[%mul3A_297, %dma_start3A_302] : memref<160000x128xf32, #tpu.memory_space<hbm>> -> memref<128x128xf32, #tpu.memory_space<hbm>>
            %dma_start3A_304 = tpu.memref_slice %run_scoped3A_19[%rem3A_295] : memref<2x!tpu.dma_semaphore, #tpu.memory_space<semaphore_mem>> -> memref<1x!tpu.dma_semaphore, #tpu.memory_space<semaphore_mem>>
            %dma_start3A_305 = tpu.memref_squeeze %dma_start3A_304 : memref<1x!tpu.dma_semaphore, #tpu.memory_space<semaphore_mem>> -> memref<!tpu.dma_semaphore, #tpu.memory_space<semaphore_mem>>
            %dma_start3A_306 = arith.constant 0 : i32
            %dma_start3A_307 = tpu.memref_slice %arg4[%mul3A_297, %dma_start3A_306] : memref<160000x128xf32, #tpu.memory_space<hbm>> -> memref<128x128xf32, #tpu.memory_space<hbm>>
            %dma_start3A_308 = arith.constant 0 : i32
            %dma_start3A_309 = arith.constant 0 : i32
            %dma_start3A_310 = tpu.memref_slice %run_scoped3A_18[%rem3A_295, %dma_start3A_308, %dma_start3A_309] : memref<2x128x128xf32, #tpu.memory_space<vmem>> -> memref<1x128x128xf32, #tpu.memory_space<vmem>>
            %dma_start3A_311 = tpu.memref_squeeze %dma_start3A_310 : memref<1x128x128xf32, #tpu.memory_space<vmem>> -> memref<128x128xf32, #tpu.memory_space<vmem>>
            tpu.enqueue_dma source(%dma_start3A_311 : memref<128x128xf32, #tpu.memory_space<vmem>>) target(%dma_start3A_307 : memref<128x128xf32, #tpu.memory_space<hbm>>) target_semaphore(%dma_start3A_305 : memref<!tpu.dma_semaphore, #tpu.memory_space<semaphore_mem>>)
            "tpu.trace_stop"() : () -> ()
          } else {
          }
          %and3A_248 = arith.constant true
          %and3A_249 = arith.andi %or3A_244, %and3A_248 : i1
          %add3A_250 = arith.constant 1 : i32
          %add3A_251 = arith.addi %while3A_145, %add3A_250 : i32
          %select_n3A_252 = arith.select %and3A_249, %add3A_251, %while3A_145 : i32
          %ne3A_253 = arith.cmpi ne, %add3A_155, %add3A_165 : i32
          %or3A_254 = arith.constant false
          %or3A_255 = arith.ori %or3A_254, %ne3A_253 : i1
          %not3A_256 = arith.constant true
          %not3A_257 = arith.xori %eq3A_151, %not3A_256 : i1
          %and3A_258 = arith.andi %or3A_255, %not3A_257 : i1
          %convert_element_type3A_259 = arith.extui %and3A_258 : i1 to i32
          %cond3A_260 = arith.constant 0 : i32
          %cond3A_261 = arith.cmpi ne, %convert_element_type3A_259, %cond3A_260 : i32
          scf.if %cond3A_261 {
          } else {
          }
          %and3A_262 = arith.constant false
          %and3A_263 = arith.andi %and3A_258, %and3A_262 : i1
          %ne3A_264 = arith.cmpi ne, %add3A_155, %add3A_165 : i32
          %or3A_265 = arith.constant false
          %or3A_266 = arith.ori %or3A_265, %ne3A_264 : i1
          %or3A_267 = arith.constant false
          %or3A_268 = arith.ori %or3A_266, %or3A_267 : i1
          %not3A_269 = arith.constant true
          %not3A_270 = arith.xori %eq3A_151, %not3A_269 : i1
          %and3A_271 = arith.andi %or3A_268, %not3A_270 : i1
          %convert_element_type3A_272 = arith.extui %and3A_271 : i1 to i32
          %cond3A_273 = arith.constant 0 : i32
          %cond3A_274 = arith.cmpi ne, %convert_element_type3A_272, %cond3A_273 : i32
          scf.if %cond3A_274 {
            "tpu.trace_start"() <{level = 10 : i32, message = "ep_wait_out"}> : () -> ()
            %rem3A_294 = arith.constant 2 : i32
            %rem3A_295 = arith.remui %while3A_146, %rem3A_294 : i32
            %mul3A_296 = arith.constant 128 : i32
            %mul3A_297 = arith.muli %mul3A_296, %add3A_165 : i32
            %dma_wait3A = arith.constant 0 : i32
            %dma_wait3A_298 = arith.constant 0 : i32
            %dma_wait3A_299 = tpu.memref_slice %run_scoped3A_18[%rem3A_295, %dma_wait3A, %dma_wait3A_298] : memref<2x128x128xf32, #tpu.memory_space<vmem>> -> memref<1x128x128xf32, #tpu.memory_space<vmem>>
            %dma_wait3A_300 = tpu.memref_squeeze %dma_wait3A_299 : memref<1x128x128xf32, #tpu.memory_space<vmem>> -> memref<128x128xf32, #tpu.memory_space<vmem>>
            %dma_wait3A_301 = arith.constant 0 : i32
            %dma_wait3A_302 = tpu.memref_slice %arg4[%mul3A_297, %dma_wait3A_301] : memref<160000x128xf32, #tpu.memory_space<hbm>> -> memref<128x128xf32, #tpu.memory_space<hbm>>
            %dma_wait3A_303 = tpu.memref_slice %run_scoped3A_19[%rem3A_295] : memref<2x!tpu.dma_semaphore, #tpu.memory_space<semaphore_mem>> -> memref<1x!tpu.dma_semaphore, #tpu.memory_space<semaphore_mem>>
            %dma_wait3A_304 = tpu.memref_squeeze %dma_wait3A_303 : memref<1x!tpu.dma_semaphore, #tpu.memory_space<semaphore_mem>> -> memref<!tpu.dma_semaphore, #tpu.memory_space<semaphore_mem>>
            %dma_wait3A_305 = arith.constant 0 : i32
            %dma_wait3A_306 = tpu.memref_slice %arg4[%mul3A_297, %dma_wait3A_305] : memref<160000x128xf32, #tpu.memory_space<hbm>> -> memref<128x128xf32, #tpu.memory_space<hbm>>
            %dma_wait3A_307 = arith.constant 0 : i32
            %dma_wait3A_308 = arith.constant 0 : i32
            %dma_wait3A_309 = tpu.memref_slice %run_scoped3A_18[%rem3A_295, %dma_wait3A_307, %dma_wait3A_308] : memref<2x128x128xf32, #tpu.memory_space<vmem>> -> memref<1x128x128xf32, #tpu.memory_space<vmem>>
            %dma_wait3A_310 = tpu.memref_squeeze %dma_wait3A_309 : memref<1x128x128xf32, #tpu.memory_space<vmem>> -> memref<128x128xf32, #tpu.memory_space<vmem>>
            tpu.wait_dma2 semaphore(%dma_wait3A_304 : memref<!tpu.dma_semaphore, #tpu.memory_space<semaphore_mem>>) src(%dma_wait3A_310 : memref<128x128xf32, #tpu.memory_space<vmem>>) dst(%dma_wait3A_306 : memref<128x128xf32, #tpu.memory_space<hbm>>)
            "tpu.trace_stop"() : () -> ()
          } else {
          }
          %and3A_275 = arith.constant true
          %and3A_276 = arith.andi %and3A_271, %and3A_275 : i1
          %add3A_277 = arith.constant 1 : i32
          %add3A_278 = arith.addi %while3A_146, %add3A_277 : i32
          %select_n3A_279 = arith.select %and3A_276, %add3A_278, %while3A_146 : i32
          %ne3A_280 = arith.cmpi ne, %add3A_155, %add3A_173 : i32
          %or3A_281 = arith.constant false
          %or3A_282 = arith.ori %or3A_281, %ne3A_280 : i1
          %or3A_283 = arith.ori %or3A_282, %eq3A_154 : i1
          %add3A_284 = arith.constant 1 : i32
          %add3A_285 = arith.addi %while3A_144, %add3A_284 : i32
          %select_n3A_286 = arith.select %or3A_283, %add3A_285, %while3A_144 : i32
          %add3A_287 = arith.constant 1 : i32
          %add3A_288 = arith.addi %while3A_147, %add3A_287 : i32
          %select_n3A_289 = arith.constant true
          %select_n3A_290 = arith.select %select_n3A_289, %add3A_288, %while3A_147 : i32
          %eq3A_291 = arith.cmpi eq, %select_n3A_290, %select_n3A : i32
          %select_n3A_292 = arith.constant 0 : i32
          %select_n3A_293 = arith.select %eq3A_291, %select_n3A_292, %select_n3A_290 : i32
          scf.yield %select_n3A_195, %select_n3A_286, %select_n3A_252, %select_n3A_279, %select_n3A_293 : i32, i32, i32, i32, i32
        }
        %while3A_89 = arith.constant 1 : i32
        %while3A_90:5 = scf.for %while3A_142 = %while3A_86 to %while3A_82 step %while3A_89 iter_args(%while3A_143 = %while3A_88#0, %while3A_144 = %while3A_88#1, %while3A_145 = %while3A_88#2, %while3A_146 = %while3A_88#3, %while3A_147 = %while3A_88#4) -> (i32, i32, i32, i32, i32)  : i32 {
          %mul3A_148 = arith.constant 1 : i32
          %mul3A_149 = arith.muli %mul3A_148, %select_n3A : i32
          %eq3A_150 = arith.constant 0 : i32
          %eq3A_151 = arith.cmpi eq, %while3A_142, %eq3A_150 : i32
          %sub3A_152 = arith.constant 1 : i32
          %sub3A_153 = arith.subi %mul3A_149, %sub3A_152 : i32
          %eq3A_154 = arith.cmpi eq, %while3A_142, %sub3A_153 : i32
          %add3A_155 = arith.addi %while3A_147, %select_n3A_14 : i32
          %sub3A_156 = arith.constant 1 : i32
          %sub3A_157 = arith.subi %while3A_147, %sub3A_156 : i32
          %select_n3A_158 = arith.constant true
          %select_n3A_159 = arith.select %select_n3A_158, %sub3A_157, %while3A_147 : i32
          %eq3A_160 = arith.constant -1 : i32
          %eq3A_161 = arith.cmpi eq, %select_n3A_159, %eq3A_160 : i32
          %sub3A_162 = arith.constant 1 : i32
          %sub3A_163 = arith.subi %select_n3A, %sub3A_162 : i32
          %select_n3A_164 = arith.select %eq3A_161, %sub3A_163, %select_n3A_159 : i32
          %add3A_165 = arith.addi %select_n3A_164, %select_n3A_14 : i32
          %add3A_166 = arith.constant 1 : i32
          %add3A_167 = arith.addi %while3A_147, %add3A_166 : i32
          %select_n3A_168 = arith.constant true
          %select_n3A_169 = arith.select %select_n3A_168, %add3A_167, %while3A_147 : i32
          %eq3A_170 = arith.cmpi eq, %select_n3A_169, %select_n3A : i32
          %select_n3A_171 = arith.constant 0 : i32
          %select_n3A_172 = arith.select %eq3A_170, %select_n3A_171, %select_n3A_169 : i32
          %add3A_173 = arith.addi %select_n3A_172, %select_n3A_14 : i32
          %add3A_174 = arith.constant 1 : i32
          %add3A_175 = arith.addi %select_n3A_172, %add3A_174 : i32
          %select_n3A_176 = arith.constant true
          %select_n3A_177 = arith.select %select_n3A_176, %add3A_175, %select_n3A_172 : i32
          %eq3A_178 = arith.cmpi eq, %select_n3A_177, %select_n3A : i32
          %select_n3A_179 = arith.constant 0 : i32
          %select_n3A_180 = arith.select %eq3A_178, %select_n3A_179, %select_n3A_177 : i32
          %add3A_181 = arith.addi %select_n3A_180, %select_n3A_14 : i32
          %ne3A = arith.cmpi ne, %add3A_155, %add3A_173 : i32
          %or3A = arith.constant false
          %or3A_182 = arith.ori %or3A, %ne3A : i1
          %sub3A_183 = arith.constant 2 : i32
          %sub3A_184 = arith.subi %mul3A_149, %sub3A_183 : i32
          %add3A_185 = arith.constant 1 : i32
          %add3A_186 = arith.addi %sub3A_184, %add3A_185 : i32
          %ge3A = arith.cmpi sge, %while3A_142, %add3A_186 : i32
          %not3A = arith.constant true
          %not3A_187 = arith.xori %ge3A, %not3A : i1
          %and3A = arith.andi %or3A_182, %not3A_187 : i1
          %convert_element_type3A_188 = arith.extui %and3A : i1 to i32
          %cond3A_189 = arith.constant 0 : i32
          %cond3A_190 = arith.cmpi ne, %convert_element_type3A_188, %cond3A_189 : i32
          scf.if %cond3A_190 {
            "tpu.trace_start"() <{level = 10 : i32, message = "ep_copy_in"}> : () -> ()
            %rem3A_294 = arith.constant 2 : i32
            %rem3A_295 = arith.remui %while3A_143, %rem3A_294 : i32
            %mul3A_296 = arith.constant 128 : i32
            %mul3A_297 = arith.muli %mul3A_296, %add3A_173 : i32
            %dma_start3A_298 = arith.constant 0 : i32
            %dma_start3A_299 = arith.constant 0 : i32
            %dma_start3A_300 = tpu.memref_slice %run_scoped3A[%rem3A_295, %dma_start3A_298, %dma_start3A_299] : memref<2x1x128xi32, #tpu.memory_space<vmem>> -> memref<1x1x128xi32, #tpu.memory_space<vmem>>
            %dma_start3A_301 = tpu.memref_squeeze %dma_start3A_300 : memref<1x1x128xi32, #tpu.memory_space<vmem>> -> memref<1x128xi32, #tpu.memory_space<vmem>>
            %dma_start3A_302 = arith.constant 0 : i32
            %dma_start3A_303 = tpu.memref_slice %arg3[%dma_start3A_302, %mul3A_297] : memref<1x160000xi32, #tpu.memory_space<hbm>> -> memref<1x128xi32, #tpu.memory_space<hbm>>
            %dma_start3A_304 = tpu.memref_slice %run_scoped3A_17[%rem3A_295] : memref<2x!tpu.dma_semaphore, #tpu.memory_space<semaphore_mem>> -> memref<1x!tpu.dma_semaphore, #tpu.memory_space<semaphore_mem>>
            %dma_start3A_305 = tpu.memref_squeeze %dma_start3A_304 : memref<1x!tpu.dma_semaphore, #tpu.memory_space<semaphore_mem>> -> memref<!tpu.dma_semaphore, #tpu.memory_space<semaphore_mem>>
            %dma_start3A_306 = arith.constant 0 : i32
            %dma_start3A_307 = arith.constant 0 : i32
            %dma_start3A_308 = tpu.memref_slice %run_scoped3A[%rem3A_295, %dma_start3A_306, %dma_start3A_307] : memref<2x1x128xi32, #tpu.memory_space<vmem>> -> memref<1x1x128xi32, #tpu.memory_space<vmem>>
            %dma_start3A_309 = tpu.memref_squeeze %dma_start3A_308 : memref<1x1x128xi32, #tpu.memory_space<vmem>> -> memref<1x128xi32, #tpu.memory_space<vmem>>
            %dma_start3A_310 = arith.constant 0 : i32
            %dma_start3A_311 = tpu.memref_slice %arg3[%dma_start3A_310, %mul3A_297] : memref<1x160000xi32, #tpu.memory_space<hbm>> -> memref<1x128xi32, #tpu.memory_space<hbm>>
            tpu.enqueue_dma source(%dma_start3A_311 : memref<1x128xi32, #tpu.memory_space<hbm>>) target(%dma_start3A_309 : memref<1x128xi32, #tpu.memory_space<vmem>>) target_semaphore(%dma_start3A_305 : memref<!tpu.dma_semaphore, #tpu.memory_space<semaphore_mem>>)
            "tpu.trace_stop"() : () -> ()
          } else {
          }
          %and3A_191 = arith.constant true
          %and3A_192 = arith.andi %and3A, %and3A_191 : i1
          %add3A_193 = arith.constant 1 : i32
          %add3A_194 = arith.addi %while3A_143, %add3A_193 : i32
          %select_n3A_195 = arith.select %and3A_192, %add3A_194, %while3A_143 : i32
          %ne3A_196 = arith.cmpi ne, %add3A_155, %add3A_173 : i32
          %or3A_197 = arith.constant false
          %or3A_198 = arith.ori %or3A_197, %ne3A_196 : i1
          %or3A_199 = arith.constant false
          %or3A_200 = arith.ori %or3A_198, %or3A_199 : i1
          %sub3A_201 = arith.constant 2 : i32
          %sub3A_202 = arith.subi %mul3A_149, %sub3A_201 : i32
          %add3A_203 = arith.constant 1 : i32
          %add3A_204 = arith.addi %sub3A_202, %add3A_203 : i32
          %ge3A_205 = arith.cmpi sge, %while3A_142, %add3A_204 : i32
          %not3A_206 = arith.constant true
          %not3A_207 = arith.xori %ge3A_205, %not3A_206 : i1
          %and3A_208 = arith.andi %or3A_200, %not3A_207 : i1
          %ne3A_209 = arith.cmpi ne, %add3A_155, %add3A_165 : i32
          %or3A_210 = arith.constant false
          %or3A_211 = arith.ori %or3A_210, %ne3A_209 : i1
          %or3A_212 = arith.ori %or3A_211, %eq3A_151 : i1
          %convert_element_type3A_213 = arith.extui %or3A_212 : i1 to i32
          %cond3A_214 = arith.constant 0 : i32
          %cond3A_215 = arith.cmpi ne, %convert_element_type3A_213, %cond3A_214 : i32
          scf.if %cond3A_215 {
            "tpu.trace_start"() <{level = 10 : i32, message = "ep_wait_in"}> : () -> ()
            %mul3A_294 = arith.constant 128 : i32
            %mul3A_295 = arith.muli %mul3A_294, %add3A_155 : i32
            %rem3A_296 = arith.constant 2 : i32
            %rem3A_297 = arith.remui %while3A_144, %rem3A_296 : i32
            %dma_wait3A = arith.constant 0 : i32
            %dma_wait3A_298 = arith.constant 0 : i32
            %dma_wait3A_299 = tpu.memref_slice %run_scoped3A[%rem3A_297, %dma_wait3A, %dma_wait3A_298] : memref<2x1x128xi32, #tpu.memory_space<vmem>> -> memref<1x1x128xi32, #tpu.memory_space<vmem>>
            %dma_wait3A_300 = tpu.memref_squeeze %dma_wait3A_299 : memref<1x1x128xi32, #tpu.memory_space<vmem>> -> memref<1x128xi32, #tpu.memory_space<vmem>>
            %dma_wait3A_301 = arith.constant 0 : i32
            %dma_wait3A_302 = tpu.memref_slice %arg3[%dma_wait3A_301, %mul3A_295] : memref<1x160000xi32, #tpu.memory_space<hbm>> -> memref<1x128xi32, #tpu.memory_space<hbm>>
            %dma_wait3A_303 = tpu.memref_slice %run_scoped3A_17[%rem3A_297] : memref<2x!tpu.dma_semaphore, #tpu.memory_space<semaphore_mem>> -> memref<1x!tpu.dma_semaphore, #tpu.memory_space<semaphore_mem>>
            %dma_wait3A_304 = tpu.memref_squeeze %dma_wait3A_303 : memref<1x!tpu.dma_semaphore, #tpu.memory_space<semaphore_mem>> -> memref<!tpu.dma_semaphore, #tpu.memory_space<semaphore_mem>>
            %dma_wait3A_305 = arith.constant 0 : i32
            %dma_wait3A_306 = arith.constant 0 : i32
            %dma_wait3A_307 = tpu.memref_slice %run_scoped3A[%rem3A_297, %dma_wait3A_305, %dma_wait3A_306] : memref<2x1x128xi32, #tpu.memory_space<vmem>> -> memref<1x1x128xi32, #tpu.memory_space<vmem>>
            %dma_wait3A_308 = tpu.memref_squeeze %dma_wait3A_307 : memref<1x1x128xi32, #tpu.memory_space<vmem>> -> memref<1x128xi32, #tpu.memory_space<vmem>>
            %dma_wait3A_309 = arith.constant 0 : i32
            %dma_wait3A_310 = tpu.memref_slice %arg3[%dma_wait3A_309, %mul3A_295] : memref<1x160000xi32, #tpu.memory_space<hbm>> -> memref<1x128xi32, #tpu.memory_space<hbm>>
            tpu.wait_dma2 semaphore(%dma_wait3A_304 : memref<!tpu.dma_semaphore, #tpu.memory_space<semaphore_mem>>) src(%dma_wait3A_310 : memref<1x128xi32, #tpu.memory_space<hbm>>) dst(%dma_wait3A_308 : memref<1x128xi32, #tpu.memory_space<vmem>>)
            "tpu.trace_stop"() : () -> ()
          } else {
          }
          %ne3A_216 = arith.cmpi ne, %add3A_155, %add3A_165 : i32
          %or3A_217 = arith.constant false
          %or3A_218 = arith.ori %or3A_217, %ne3A_216 : i1
          %or3A_219 = arith.constant false
          %or3A_220 = arith.ori %or3A_218, %or3A_219 : i1
          %or3A_221 = arith.ori %or3A_220, %eq3A_151 : i1
          %convert_element_type3A_222 = arith.extui %or3A_221 : i1 to i32
          %cond3A_223 = arith.constant 0 : i32
          %cond3A_224 = arith.cmpi ne, %convert_element_type3A_222, %cond3A_223 : i32
          scf.if %cond3A_224 {
          } else {
          }
          %rem3A_225 = arith.constant 2 : i32
          %rem3A_226 = arith.remui %while3A_144, %rem3A_225 : i32
          %rem3A_227 = arith.constant 2 : i32
          %rem3A_228 = arith.remui %while3A_145, %rem3A_227 : i32
          %run_scoped3A_229 = arith.constant 0 : i32
          "tpu.trace_start"() <{level = 10 : i32, message = "ep_run_kernel"}> : () -> ()
          "tpu.region"() ({
            %run_scoped3A_294 = tpu.sem_alloc : memref<!tpu.dma_semaphore, #tpu.memory_space<semaphore_mem>>
            %dma_start3A_295 = arith.constant 0 : i32
            %dma_start3A_296 = arith.constant 0 : i32
            %dma_start3A_297 = tpu.memref_slice %run_scoped3A_18[%rem3A_228, %dma_start3A_295, %dma_start3A_296] : memref<2x128x128xf32, #tpu.memory_space<vmem>> -> memref<1x128x128xf32, #tpu.memory_space<vmem>>
            %dma_start3A_298 = tpu.memref_squeeze %dma_start3A_297 : memref<1x128x128xf32, #tpu.memory_space<vmem>> -> memref<128x128xf32, #tpu.memory_space<vmem>>
            %dma_start3A_299 = arith.constant 0 : i32
            %dma_start3A_300 = arith.constant 0 : i32
            %dma_start3A_301 = tpu.memref_slice %run_scoped3A[%rem3A_226, %dma_start3A_299, %dma_start3A_300] : memref<2x1x128xi32, #tpu.memory_space<vmem>> -> memref<1x1x128xi32, #tpu.memory_space<vmem>>
            %dma_start3A_302 = tpu.memref_squeeze %dma_start3A_301 : memref<1x1x128xi32, #tpu.memory_space<vmem>> -> memref<1x128xi32, #tpu.memory_space<vmem>>
            %dma_start3A_303 = arith.constant 0 : i32
            %dma_start3A_304 = tpu.memref_slice %dma_start3A_302[%run_scoped3A_229, %dma_start3A_303] : memref<1x128xi32, #tpu.memory_space<vmem>> -> memref<1x128xi32, #tpu.memory_space<vmem>>
            %dma_start3A_305 = tpu.memref_squeeze %dma_start3A_304 : memref<1x128xi32, #tpu.memory_space<vmem>> -> memref<128xi32, #tpu.memory_space<vmem>>
            %dma_start3A_306 = arith.constant 0 : i32
            %dma_start3A_307 = arith.constant 0 : i32
            %dma_start3A_308 = tpu.memref_slice %arg2[%dma_start3A_306, %dma_start3A_307] : memref<50000x128xf32, #tpu.memory_space<hbm>> -> memref<50000x128xf32, #tpu.memory_space<hbm>>
            tpu.enqueue_indirect_dma source(%dma_start3A_308 : memref<50000x128xf32, #tpu.memory_space<hbm>>) target(%dma_start3A_298 : memref<128x128xf32, #tpu.memory_space<vmem>>) offsets(%dma_start3A_305 : memref<128xi32, #tpu.memory_space<vmem>>) semaphore(%run_scoped3A_294 : memref<!tpu.dma_semaphore, #tpu.memory_space<semaphore_mem>>)
            %dma_wait3A = arith.constant 0 : i32
            %dma_wait3A_309 = arith.constant 0 : i32
            %dma_wait3A_310 = tpu.memref_slice %run_scoped3A_18[%rem3A_228, %dma_wait3A, %dma_wait3A_309] : memref<2x128x128xf32, #tpu.memory_space<vmem>> -> memref<1x128x128xf32, #tpu.memory_space<vmem>>
            %dma_wait3A_311 = tpu.memref_squeeze %dma_wait3A_310 : memref<1x128x128xf32, #tpu.memory_space<vmem>> -> memref<128x128xf32, #tpu.memory_space<vmem>>
            %dma_wait3A_312 = arith.constant 0 : i32
            %dma_wait3A_313 = arith.constant 0 : i32
            %dma_wait3A_314 = tpu.memref_slice %run_scoped3A[%rem3A_226, %dma_wait3A_312, %dma_wait3A_313] : memref<2x1x128xi32, #tpu.memory_space<vmem>> -> memref<1x1x128xi32, #tpu.memory_space<vmem>>
            %dma_wait3A_315 = tpu.memref_squeeze %dma_wait3A_314 : memref<1x1x128xi32, #tpu.memory_space<vmem>> -> memref<1x128xi32, #tpu.memory_space<vmem>>
            %dma_wait3A_316 = arith.constant 0 : i32
            %dma_wait3A_317 = tpu.memref_slice %dma_wait3A_315[%run_scoped3A_229, %dma_wait3A_316] : memref<1x128xi32, #tpu.memory_space<vmem>> -> memref<1x128xi32, #tpu.memory_space<vmem>>
            %dma_wait3A_318 = tpu.memref_squeeze %dma_wait3A_317 : memref<1x128xi32, #tpu.memory_space<vmem>> -> memref<128xi32, #tpu.memory_space<vmem>>
            %dma_wait3A_319 = arith.constant 0 : i32
            %dma_wait3A_320 = arith.constant 0 : i32
            %dma_wait3A_321 = tpu.memref_slice %arg2[%dma_wait3A_319, %dma_wait3A_320] : memref<50000x128xf32, #tpu.memory_space<hbm>> -> memref<50000x128xf32, #tpu.memory_space<hbm>>
            tpu.wait_indirect_dma semaphore(%run_scoped3A_294 : memref<!tpu.dma_semaphore, #tpu.memory_space<semaphore_mem>>) src(%dma_wait3A_321 : memref<50000x128xf32, #tpu.memory_space<hbm>>) dst(%dma_wait3A_311 : memref<128x128xf32, #tpu.memory_space<vmem>>)
            tpu.yield
          }) : () -> ()
          "tpu.trace_stop"() : () -> ()
          %ne3A_230 = arith.cmpi ne, %add3A_155, %add3A_173 : i32
          %or3A_231 = arith.constant false
          %or3A_232 = arith.ori %or3A_231, %ne3A_230 : i1
          %or3A_233 = arith.ori %or3A_232, %eq3A_154 : i1
          %convert_element_type3A_234 = arith.extui %or3A_233 : i1 to i32
          %cond3A_235 = arith.constant 0 : i32
          %cond3A_236 = arith.cmpi ne, %convert_element_type3A_234, %cond3A_235 : i32
          scf.if %cond3A_236 {
          } else {
          }
          %and3A_237 = arith.constant false
          %and3A_238 = arith.andi %or3A_233, %and3A_237 : i1
          %ne3A_239 = arith.cmpi ne, %add3A_155, %add3A_173 : i32
          %or3A_240 = arith.constant false
          %or3A_241 = arith.ori %or3A_240, %ne3A_239 : i1
          %or3A_242 = arith.constant false
          %or3A_243 = arith.ori %or3A_241, %or3A_242 : i1
          %or3A_244 = arith.ori %or3A_243, %eq3A_154 : i1
          %convert_element_type3A_245 = arith.extui %or3A_244 : i1 to i32
          %cond3A_246 = arith.constant 0 : i32
          %cond3A_247 = arith.cmpi ne, %convert_element_type3A_245, %cond3A_246 : i32
          scf.if %cond3A_247 {
            "tpu.trace_start"() <{level = 10 : i32, message = "ep_copy_out"}> : () -> ()
            %rem3A_294 = arith.constant 2 : i32
            %rem3A_295 = arith.remui %while3A_145, %rem3A_294 : i32
            %mul3A_296 = arith.constant 128 : i32
            %mul3A_297 = arith.muli %mul3A_296, %add3A_155 : i32
            %dma_start3A_298 = arith.constant 0 : i32
            %dma_start3A_299 = arith.constant 0 : i32
            %dma_start3A_300 = tpu.memref_slice %run_scoped3A_18[%rem3A_295, %dma_start3A_298, %dma_start3A_299] : memref<2x128x128xf32, #tpu.memory_space<vmem>> -> memref<1x128x128xf32, #tpu.memory_space<vmem>>
            %dma_start3A_301 = tpu.memref_squeeze %dma_start3A_300 : memref<1x128x128xf32, #tpu.memory_space<vmem>> -> memref<128x128xf32, #tpu.memory_space<vmem>>
            %dma_start3A_302 = arith.constant 0 : i32
            %dma_start3A_303 = tpu.memref_slice %arg4[%mul3A_297, %dma_start3A_302] : memref<160000x128xf32, #tpu.memory_space<hbm>> -> memref<128x128xf32, #tpu.memory_space<hbm>>
            %dma_start3A_304 = tpu.memref_slice %run_scoped3A_19[%rem3A_295] : memref<2x!tpu.dma_semaphore, #tpu.memory_space<semaphore_mem>> -> memref<1x!tpu.dma_semaphore, #tpu.memory_space<semaphore_mem>>
            %dma_start3A_305 = tpu.memref_squeeze %dma_start3A_304 : memref<1x!tpu.dma_semaphore, #tpu.memory_space<semaphore_mem>> -> memref<!tpu.dma_semaphore, #tpu.memory_space<semaphore_mem>>
            %dma_start3A_306 = arith.constant 0 : i32
            %dma_start3A_307 = tpu.memref_slice %arg4[%mul3A_297, %dma_start3A_306] : memref<160000x128xf32, #tpu.memory_space<hbm>> -> memref<128x128xf32, #tpu.memory_space<hbm>>
            %dma_start3A_308 = arith.constant 0 : i32
            %dma_start3A_309 = arith.constant 0 : i32
            %dma_start3A_310 = tpu.memref_slice %run_scoped3A_18[%rem3A_295, %dma_start3A_308, %dma_start3A_309] : memref<2x128x128xf32, #tpu.memory_space<vmem>> -> memref<1x128x128xf32, #tpu.memory_space<vmem>>
            %dma_start3A_311 = tpu.memref_squeeze %dma_start3A_310 : memref<1x128x128xf32, #tpu.memory_space<vmem>> -> memref<128x128xf32, #tpu.memory_space<vmem>>
            tpu.enqueue_dma source(%dma_start3A_311 : memref<128x128xf32, #tpu.memory_space<vmem>>) target(%dma_start3A_307 : memref<128x128xf32, #tpu.memory_space<hbm>>) target_semaphore(%dma_start3A_305 : memref<!tpu.dma_semaphore, #tpu.memory_space<semaphore_mem>>)
            "tpu.trace_stop"() : () -> ()
          } else {
          }
          %and3A_248 = arith.constant true
          %and3A_249 = arith.andi %or3A_244, %and3A_248 : i1
          %add3A_250 = arith.constant 1 : i32
          %add3A_251 = arith.addi %while3A_145, %add3A_250 : i32
          %select_n3A_252 = arith.select %and3A_249, %add3A_251, %while3A_145 : i32
          %ne3A_253 = arith.cmpi ne, %add3A_155, %add3A_165 : i32
          %or3A_254 = arith.constant false
          %or3A_255 = arith.ori %or3A_254, %ne3A_253 : i1
          %not3A_256 = arith.constant true
          %not3A_257 = arith.xori %eq3A_151, %not3A_256 : i1
          %and3A_258 = arith.andi %or3A_255, %not3A_257 : i1
          %convert_element_type3A_259 = arith.extui %and3A_258 : i1 to i32
          %cond3A_260 = arith.constant 0 : i32
          %cond3A_261 = arith.cmpi ne, %convert_element_type3A_259, %cond3A_260 : i32
          scf.if %cond3A_261 {
          } else {
          }
          %and3A_262 = arith.constant false
          %and3A_263 = arith.andi %and3A_258, %and3A_262 : i1
          %ne3A_264 = arith.cmpi ne, %add3A_155, %add3A_165 : i32
          %or3A_265 = arith.constant false
          %or3A_266 = arith.ori %or3A_265, %ne3A_264 : i1
          %or3A_267 = arith.constant false
          %or3A_268 = arith.ori %or3A_266, %or3A_267 : i1
          %not3A_269 = arith.constant true
          %not3A_270 = arith.xori %eq3A_151, %not3A_269 : i1
          %and3A_271 = arith.andi %or3A_268, %not3A_270 : i1
          %convert_element_type3A_272 = arith.extui %and3A_271 : i1 to i32
          %cond3A_273 = arith.constant 0 : i32
          %cond3A_274 = arith.cmpi ne, %convert_element_type3A_272, %cond3A_273 : i32
          scf.if %cond3A_274 {
            "tpu.trace_start"() <{level = 10 : i32, message = "ep_wait_out"}> : () -> ()
            %rem3A_294 = arith.constant 2 : i32
            %rem3A_295 = arith.remui %while3A_146, %rem3A_294 : i32
            %mul3A_296 = arith.constant 128 : i32
            %mul3A_297 = arith.muli %mul3A_296, %add3A_165 : i32
            %dma_wait3A = arith.constant 0 : i32
            %dma_wait3A_298 = arith.constant 0 : i32
            %dma_wait3A_299 = tpu.memref_slice %run_scoped3A_18[%rem3A_295, %dma_wait3A, %dma_wait3A_298] : memref<2x128x128xf32, #tpu.memory_space<vmem>> -> memref<1x128x128xf32, #tpu.memory_space<vmem>>
            %dma_wait3A_300 = tpu.memref_squeeze %dma_wait3A_299 : memref<1x128x128xf32, #tpu.memory_space<vmem>> -> memref<128x128xf32, #tpu.memory_space<vmem>>
            %dma_wait3A_301 = arith.constant 0 : i32
            %dma_wait3A_302 = tpu.memref_slice %arg4[%mul3A_297, %dma_wait3A_301] : memref<160000x128xf32, #tpu.memory_space<hbm>> -> memref<128x128xf32, #tpu.memory_space<hbm>>
            %dma_wait3A_303 = tpu.memref_slice %run_scoped3A_19[%rem3A_295] : memref<2x!tpu.dma_semaphore, #tpu.memory_space<semaphore_mem>> -> memref<1x!tpu.dma_semaphore, #tpu.memory_space<semaphore_mem>>
            %dma_wait3A_304 = tpu.memref_squeeze %dma_wait3A_303 : memref<1x!tpu.dma_semaphore, #tpu.memory_space<semaphore_mem>> -> memref<!tpu.dma_semaphore, #tpu.memory_space<semaphore_mem>>
            %dma_wait3A_305 = arith.constant 0 : i32
            %dma_wait3A_306 = tpu.memref_slice %arg4[%mul3A_297, %dma_wait3A_305] : memref<160000x128xf32, #tpu.memory_space<hbm>> -> memref<128x128xf32, #tpu.memory_space<hbm>>
            %dma_wait3A_307 = arith.constant 0 : i32
            %dma_wait3A_308 = arith.constant 0 : i32
            %dma_wait3A_309 = tpu.memref_slice %run_scoped3A_18[%rem3A_295, %dma_wait3A_307, %dma_wait3A_308] : memref<2x128x128xf32, #tpu.memory_space<vmem>> -> memref<1x128x128xf32, #tpu.memory_space<vmem>>
            %dma_wait3A_310 = tpu.memref_squeeze %dma_wait3A_309 : memref<1x128x128xf32, #tpu.memory_space<vmem>> -> memref<128x128xf32, #tpu.memory_space<vmem>>
            tpu.wait_dma2 semaphore(%dma_wait3A_304 : memref<!tpu.dma_semaphore, #tpu.memory_space<semaphore_mem>>) src(%dma_wait3A_310 : memref<128x128xf32, #tpu.memory_space<vmem>>) dst(%dma_wait3A_306 : memref<128x128xf32, #tpu.memory_space<hbm>>)
            "tpu.trace_stop"() : () -> ()
          } else {
          }
          %and3A_275 = arith.constant true
          %and3A_276 = arith.andi %and3A_271, %and3A_275 : i1
          %add3A_277 = arith.constant 1 : i32
          %add3A_278 = arith.addi %while3A_146, %add3A_277 : i32
          %select_n3A_279 = arith.select %and3A_276, %add3A_278, %while3A_146 : i32
          %ne3A_280 = arith.cmpi ne, %add3A_155, %add3A_173 : i32
          %or3A_281 = arith.constant false
          %or3A_282 = arith.ori %or3A_281, %ne3A_280 : i1
          %or3A_283 = arith.ori %or3A_282, %eq3A_154 : i1
          %add3A_284 = arith.constant 1 : i32
          %add3A_285 = arith.addi %while3A_144, %add3A_284 : i32
          %select_n3A_286 = arith.select %or3A_283, %add3A_285, %while3A_144 : i32
          %add3A_287 = arith.constant 1 : i32
          %add3A_288 = arith.addi %while3A_147, %add3A_287 : i32
          %select_n3A_289 = arith.constant true
          %select_n3A_290 = arith.select %select_n3A_289, %add3A_288, %while3A_147 : i32
          %eq3A_291 = arith.cmpi eq, %select_n3A_290, %select_n3A : i32
          %select_n3A_292 = arith.constant 0 : i32
          %select_n3A_293 = arith.select %eq3A_291, %select_n3A_292, %select_n3A_290 : i32
          scf.yield %select_n3A_195, %select_n3A_286, %select_n3A_252, %select_n3A_279, %select_n3A_293 : i32, i32, i32, i32, i32
        }
        %sub3A_91 = arith.constant 1 : i32
        %sub3A_92 = arith.subi %while3A_90#4, %sub3A_91 : i32
        %select_n3A_93 = arith.constant true
        %select_n3A_94 = arith.select %select_n3A_93, %sub3A_92, %while3A_90#4 : i32
        %eq3A_95 = arith.constant -1 : i32
        %eq3A_96 = arith.cmpi eq, %select_n3A_94, %eq3A_95 : i32
        %sub3A_97 = arith.constant 1 : i32
        %sub3A_98 = arith.subi %select_n3A, %sub3A_97 : i32
        %select_n3A_99 = arith.select %eq3A_96, %sub3A_98, %select_n3A_94 : i32
        %sub3A_100 = arith.constant 1 : i32
        %sub3A_101 = arith.subi %mul3A_16, %sub3A_100 : i32
        %mul3A_102 = arith.constant 1 : i32
        %mul3A_103 = arith.muli %mul3A_102, %select_n3A : i32
        %eq3A_104 = arith.constant 0 : i32
        %eq3A_105 = arith.cmpi eq, %sub3A_101, %eq3A_104 : i32
        %sub3A_106 = arith.constant 1 : i32
        %sub3A_107 = arith.subi %mul3A_103, %sub3A_106 : i32
        %eq3A_108 = arith.cmpi eq, %sub3A_101, %sub3A_107 : i32
        %add3A_109 = arith.addi %select_n3A_99, %select_n3A_14 : i32
        %sub3A_110 = arith.constant 1 : i32
        %sub3A_111 = arith.subi %select_n3A_99, %sub3A_110 : i32
        %select_n3A_112 = arith.constant true
        %select_n3A_113 = arith.select %select_n3A_112, %sub3A_111, %select_n3A_99 : i32
        %eq3A_114 = arith.constant -1 : i32
        %eq3A_115 = arith.cmpi eq, %select_n3A_113, %eq3A_114 : i32
        %sub3A_116 = arith.constant 1 : i32
        %sub3A_117 = arith.subi %select_n3A, %sub3A_116 : i32
        %select_n3A_118 = arith.select %eq3A_115, %sub3A_117, %select_n3A_113 : i32
        %add3A_119 = arith.addi %select_n3A_118, %select_n3A_14 : i32
        %add3A_120 = arith.constant 1 : i32
        %add3A_121 = arith.addi %select_n3A_99, %add3A_120 : i32
        %select_n3A_122 = arith.constant true
        %select_n3A_123 = arith.select %select_n3A_122, %add3A_121, %select_n3A_99 : i32
        %eq3A_124 = arith.cmpi eq, %select_n3A_123, %select_n3A : i32
        %select_n3A_125 = arith.constant 0 : i32
        %select_n3A_126 = arith.select %eq3A_124, %select_n3A_125, %select_n3A_123 : i32
        %add3A_127 = arith.addi %select_n3A_126, %select_n3A_14 : i32
        %add3A_128 = arith.constant 1 : i32
        %add3A_129 = arith.addi %select_n3A_126, %add3A_128 : i32
        %select_n3A_130 = arith.constant true
        %select_n3A_131 = arith.select %select_n3A_130, %add3A_129, %select_n3A_126 : i32
        %eq3A_132 = arith.cmpi eq, %select_n3A_131, %select_n3A : i32
        %select_n3A_133 = arith.constant 0 : i32
        %select_n3A_134 = arith.select %eq3A_132, %select_n3A_133, %select_n3A_131 : i32
        %add3A_135 = arith.addi %select_n3A_134, %select_n3A_14 : i32
        %convert_element_type3A_136 = arith.extui %eq3A_108 : i1 to i32
        %cond3A_137 = arith.constant 0 : i32
        %cond3A_138 = arith.cmpi ne, %convert_element_type3A_136, %cond3A_137 : i32
        scf.if %cond3A_138 {
        } else {
        }
        %convert_element_type3A_139 = arith.extui %eq3A_108 : i1 to i32
        %cond3A_140 = arith.constant 0 : i32
        %cond3A_141 = arith.cmpi ne, %convert_element_type3A_139, %cond3A_140 : i32
        scf.if %cond3A_141 {
          "tpu.trace_start"() <{level = 10 : i32, message = "ep_finalize"}> : () -> ()
          %rem3A_142 = arith.constant 2 : i32
          %rem3A_143 = arith.remui %while3A_90#3, %rem3A_142 : i32
          %mul3A_144 = arith.constant 128 : i32
          %mul3A_145 = arith.muli %mul3A_144, %add3A_109 : i32
          %dma_wait3A = arith.constant 0 : i32
          %dma_wait3A_146 = arith.constant 0 : i32
          %dma_wait3A_147 = tpu.memref_slice %run_scoped3A_18[%rem3A_143, %dma_wait3A, %dma_wait3A_146] : memref<2x128x128xf32, #tpu.memory_space<vmem>> -> memref<1x128x128xf32, #tpu.memory_space<vmem>>
          %dma_wait3A_148 = tpu.memref_squeeze %dma_wait3A_147 : memref<1x128x128xf32, #tpu.memory_space<vmem>> -> memref<128x128xf32, #tpu.memory_space<vmem>>
          %dma_wait3A_149 = arith.constant 0 : i32
          %dma_wait3A_150 = tpu.memref_slice %arg4[%mul3A_145, %dma_wait3A_149] : memref<160000x128xf32, #tpu.memory_space<hbm>> -> memref<128x128xf32, #tpu.memory_space<hbm>>
          %dma_wait3A_151 = tpu.memref_slice %run_scoped3A_19[%rem3A_143] : memref<2x!tpu.dma_semaphore, #tpu.memory_space<semaphore_mem>> -> memref<1x!tpu.dma_semaphore, #tpu.memory_space<semaphore_mem>>
          %dma_wait3A_152 = tpu.memref_squeeze %dma_wait3A_151 : memref<1x!tpu.dma_semaphore, #tpu.memory_space<semaphore_mem>> -> memref<!tpu.dma_semaphore, #tpu.memory_space<semaphore_mem>>
          %dma_wait3A_153 = arith.constant 0 : i32
          %dma_wait3A_154 = tpu.memref_slice %arg4[%mul3A_145, %dma_wait3A_153] : memref<160000x128xf32, #tpu.memory_space<hbm>> -> memref<128x128xf32, #tpu.memory_space<hbm>>
          %dma_wait3A_155 = arith.constant 0 : i32
          %dma_wait3A_156 = arith.constant 0 : i32
          %dma_wait3A_157 = tpu.memref_slice %run_scoped3A_18[%rem3A_143, %dma_wait3A_155, %dma_wait3A_156] : memref<2x128x128xf32, #tpu.memory_space<vmem>> -> memref<1x128x128xf32, #tpu.memory_space<vmem>>
          %dma_wait3A_158 = tpu.memref_squeeze %dma_wait3A_157 : memref<1x128x128xf32, #tpu.memory_space<vmem>> -> memref<128x128xf32, #tpu.memory_space<vmem>>
          tpu.wait_dma2 semaphore(%dma_wait3A_152 : memref<!tpu.dma_semaphore, #tpu.memory_space<semaphore_mem>>) src(%dma_wait3A_158 : memref<128x128xf32, #tpu.memory_space<vmem>>) dst(%dma_wait3A_154 : memref<128x128xf32, #tpu.memory_space<hbm>>)
          "tpu.trace_stop"() : () -> ()
        } else {
        }
      } else {
      }
      tpu.yield
    }) : () -> ()
    return
  }
}

#map = affine_map<(d0, d1) -> (0, 0)>
module attributes {stable_mosaic.version = 14 : i64} {
  func.func @gather_kernel(%arg0: i32, %arg1: i32, %arg2: memref<50000x128xf32, #tpu.memory_space<hbm>>, %arg3: memref<1x160000xi32, #tpu.memory_space<hbm>>, %arg4: memref<160000x128xf32, #tpu.memory_space<hbm>>) attributes {dimension_semantics = [#tpu.dimension_semantics<core_parallel>, #tpu.dimension_semantics<subcore_parallel>], iteration_bounds = array<i64: 2, 16>, scalar_prefetch = 0 : i64, scratch_operands = 0 : i64, tpu.core_type = #tpu.core_type<sc_vector_subcore>, window_params = [{transform_indices = #map}, {transform_indices = #map}, {transform_indices = #map}]} {
    %mul3A = arith.constant 1 : i32
    %mul3A_0 = arith.muli %arg1, %mul3A : i32
    %add3A = arith.constant 0 : i32
    %add3A_1 = arith.addi %add3A, %mul3A_0 : i32
    %mul3A_2 = arith.constant 16 : i32
    %mul3A_3 = arith.muli %arg0, %mul3A_2 : i32
    %add3A_4 = arith.addi %add3A_1, %mul3A_3 : i32
    %lt3A = arith.constant 2 : i32
    %lt3A_5 = arith.cmpi slt, %add3A_4, %lt3A : i32
    %jit3A = arith.constant 40 : i32
    %jit3A_6 = arith.constant 39 : i32
    %select_n3A = arith.select %lt3A_5, %jit3A, %jit3A_6 : i32
    %lt3A_7 = arith.constant 2 : i32
    %lt3A_8 = arith.cmpi slt, %add3A_4, %lt3A_7 : i32
    %mul3A_9 = arith.muli %add3A_4, %select_n3A : i32
    %mul3A_10 = arith.constant 39 : i32
    %mul3A_11 = arith.muli %add3A_4, %mul3A_10 : i32
    %add3A_12 = arith.constant 2 : i32
    %add3A_13 = arith.addi %mul3A_11, %add3A_12 : i32
    %select_n3A_14 = arith.select %lt3A_8, %mul3A_9, %add3A_13 : i32
    %mul3A_15 = arith.constant 1 : i32
    %mul3A_16 = arith.muli %mul3A_15, %select_n3A : i32
    "tpu.region"() ({
      %run_scoped3A = memref.alloca() : memref<2x1x128xi32, #tpu.memory_space<vmem>>
      %run_scoped3A_17 = tpu.sem_alloc : memref<2x!tpu.dma_semaphore, #tpu.memory_space<semaphore_mem>>
      %run_scoped3A_18 = memref.alloca() : memref<2x128x128xf32, #tpu.memory_space<vmem>>
      %run_scoped3A_19 = tpu.sem_alloc : memref<2x!tpu.dma_semaphore, #tpu.memory_space<semaphore_mem>>
      %gt3A = arith.constant 0 : i32
      %gt3A_20 = arith.cmpi sgt, %mul3A_16, %gt3A : i32
      %convert_element_type3A = arith.extui %gt3A_20 : i1 to i32
      %cond3A = arith.constant 0 : i32
      %cond3A_21 = arith.cmpi ne, %convert_element_type3A, %cond3A : i32
      scf.if %cond3A_21 {
        %mul3A_22 = arith.constant 1 : i32
        %mul3A_23 = arith.muli %mul3A_22, %select_n3A : i32
        %sub3A = arith.constant 1 : i32
        %sub3A_24 = arith.subi %mul3A_23, %sub3A : i32
        %eq3A = arith.constant 0 : i32
        %eq3A_25 = arith.cmpi eq, %sub3A_24, %eq3A : i32
        %add3A_26 = arith.constant 0 : i32
        %add3A_27 = arith.addi %add3A_26, %select_n3A_14 : i32
        %select_n3A_28 = arith.constant true
        %select_n3A_29 = arith.constant 0 : i32
        %select_n3A_30 = arith.constant -1 : i32
        %select_n3A_31 = arith.select %select_n3A_28, %select_n3A_30, %select_n3A_29 : i32
        %eq3A_32 = arith.constant -1 : i32
        %eq3A_33 = arith.cmpi eq, %select_n3A_31, %eq3A_32 : i32
        %sub3A_34 = arith.constant 1 : i32
        %sub3A_35 = arith.subi %select_n3A, %sub3A_34 : i32
        %select_n3A_36 = arith.select %eq3A_33, %sub3A_35, %select_n3A_31 : i32
        %add3A_37 = arith.addi %select_n3A_36, %select_n3A_14 : i32
        %select_n3A_38 = arith.constant true
        %select_n3A_39 = arith.constant 0 : i32
        %select_n3A_40 = arith.constant 1 : i32
        %select_n3A_41 = arith.select %select_n3A_38, %select_n3A_40, %select_n3A_39 : i32
        %eq3A_42 = arith.cmpi eq, %select_n3A_41, %select_n3A : i32
        %select_n3A_43 = arith.constant 0 : i32
        %select_n3A_44 = arith.select %eq3A_42, %select_n3A_43, %select_n3A_41 : i32
        %add3A_45 = arith.addi %select_n3A_44, %select_n3A_14 : i32
        %add3A_46 = arith.constant 1 : i32
        %add3A_47 = arith.addi %select_n3A_44, %add3A_46 : i32
        %select_n3A_48 = arith.constant true
        %select_n3A_49 = arith.select %select_n3A_48, %add3A_47, %select_n3A_44 : i32
        %eq3A_50 = arith.cmpi eq, %select_n3A_49, %select_n3A : i32
        %select_n3A_51 = arith.constant 0 : i32
        %select_n3A_52 = arith.select %eq3A_50, %select_n3A_51, %select_n3A_49 : i32
        %add3A_53 = arith.addi %select_n3A_52, %select_n3A_14 : i32
        "tpu.trace_start"() <{level = 10 : i32, message = "ep_initialize_0"}> : () -> ()
        %rem3A = arith.constant 0 : i32
        %rem3A_54 = arith.constant 2 : i32
        %rem3A_55 = arith.remui %rem3A, %rem3A_54 : i32
        %mul3A_56 = arith.constant 128 : i32
        %mul3A_57 = arith.muli %mul3A_56, %add3A_27 : i32
        %dma_start3A = arith.constant 0 : i32
        %dma_start3A_58 = arith.constant 0 : i32
        %dma_start3A_59 = tpu.memref_slice %run_scoped3A[%rem3A_55, %dma_start3A, %dma_start3A_58] : memref<2x1x128xi32, #tpu.memory_space<vmem>> -> memref<1x1x128xi32, #tpu.memory_space<vmem>>
        %dma_start3A_60 = tpu.memref_squeeze %dma_start3A_59 : memref<1x1x128xi32, #tpu.memory_space<vmem>> -> memref<1x128xi32, #tpu.memory_space<vmem>>
        %dma_start3A_61 = arith.constant 0 : i32
        %dma_start3A_62 = tpu.memref_slice %arg3[%dma_start3A_61, %mul3A_57] : memref<1x160000xi32, #tpu.memory_space<hbm>> -> memref<1x128xi32, #tpu.memory_space<hbm>>
        %dma_start3A_63 = tpu.memref_slice %run_scoped3A_17[%rem3A_55] : memref<2x!tpu.dma_semaphore, #tpu.memory_space<semaphore_mem>> -> memref<1x!tpu.dma_semaphore, #tpu.memory_space<semaphore_mem>>
        %dma_start3A_64 = tpu.memref_squeeze %dma_start3A_63 : memref<1x!tpu.dma_semaphore, #tpu.memory_space<semaphore_mem>> -> memref<!tpu.dma_semaphore, #tpu.memory_space<semaphore_mem>>
        %dma_start3A_65 = arith.constant 0 : i32
        %dma_start3A_66 = arith.constant 0 : i32
        %dma_start3A_67 = tpu.memref_slice %run_scoped3A[%rem3A_55, %dma_start3A_65, %dma_start3A_66] : memref<2x1x128xi32, #tpu.memory_space<vmem>> -> memref<1x1x128xi32, #tpu.memory_space<vmem>>
        %dma_start3A_68 = tpu.memref_squeeze %dma_start3A_67 : memref<1x1x128xi32, #tpu.memory_space<vmem>> -> memref<1x128xi32, #tpu.memory_space<vmem>>
        %dma_start3A_69 = arith.constant 0 : i32
        %dma_start3A_70 = tpu.memref_slice %arg3[%dma_start3A_69, %mul3A_57] : memref<1x160000xi32, #tpu.memory_space<hbm>> -> memref<1x128xi32, #tpu.memory_space<hbm>>
        tpu.enqueue_dma source(%dma_start3A_70 : memref<1x128xi32, #tpu.memory_space<hbm>>) target(%dma_start3A_68 : memref<1x128xi32, #tpu.memory_space<vmem>>) target_semaphore(%dma_start3A_64 : memref<!tpu.dma_semaphore, #tpu.memory_space<semaphore_mem>>)
        %add3A_71 = arith.constant 0 : i32
        %add3A_72 = arith.constant 1 : i32
        %add3A_73 = arith.addi %add3A_71, %add3A_72 : i32
        %select_n3A_74 = arith.constant true
        %select_n3A_75 = arith.constant 0 : i32
        %select_n3A_76 = arith.select %select_n3A_74, %add3A_73, %select_n3A_75 : i32
        %while3A = arith.constant 0 : i32
        %while3A_77 = arith.constant 0 : i32
        %while3A_78 = arith.constant 0 : i32
        %while3A_79 = arith.constant 0 : i32
        %while3A_80 = arith.constant 0 : i32
        "tpu.trace_stop"() : () -> ()
        %while3A_81 = arith.subi %mul3A_16, %while3A : i32
        %while3A_82 = arith.addi %while3A, %while3A_81 : i32
        %while3A_83 = arith.constant 1 : i32
        %while3A_84 = arith.divsi %while3A_81, %while3A_83 : i32
        %while3A_85 = arith.muli %while3A_84, %while3A_83 : i32
        %while3A_86 = arith.addi %while3A, %while3A_85 : i32
        %while3A_87 = arith.constant 1 : i32
        %while3A_88:5 = scf.for %while3A_142 = %while3A to %while3A_86 step %while3A_87 iter_args(%while3A_143 = %select_n3A_76, %while3A_144 = %while3A_77, %while3A_145 = %while3A_78, %while3A_146 = %while3A_79, %while3A_147 = %while3A_80) -> (i32, i32, i32, i32, i32)  : i32 {
          %mul3A_148 = arith.constant 1 : i32
          %mul3A_149 = arith.muli %mul3A_148, %select_n3A : i32
          %eq3A_150 = arith.constant 0 : i32
          %eq3A_151 = arith.cmpi eq, %while3A_142, %eq3A_150 : i32
          %sub3A_152 = arith.constant 1 : i32
          %sub3A_153 = arith.subi %mul3A_149, %sub3A_152 : i32
          %eq3A_154 = arith.cmpi eq, %while3A_142, %sub3A_153 : i32
          %add3A_155 = arith.addi %while3A_147, %select_n3A_14 : i32
          %sub3A_156 = arith.constant 1 : i32
          %sub3A_157 = arith.subi %while3A_147, %sub3A_156 : i32
          %select_n3A_158 = arith.constant true
          %select_n3A_159 = arith.select %select_n3A_158, %sub3A_157, %while3A_147 : i32
          %eq3A_160 = arith.constant -1 : i32
          %eq3A_161 = arith.cmpi eq, %select_n3A_159, %eq3A_160 : i32
          %sub3A_162 = arith.constant 1 : i32
          %sub3A_163 = arith.subi %select_n3A, %sub3A_162 : i32
          %select_n3A_164 = arith.select %eq3A_161, %sub3A_163, %select_n3A_159 : i32
          %add3A_165 = arith.addi %select_n3A_164, %select_n3A_14 : i32
          %add3A_166 = arith.constant 1 : i32
          %add3A_167 = arith.addi %while3A_147, %add3A_166 : i32
          %select_n3A_168 = arith.constant true
          %select_n3A_169 = arith.select %select_n3A_168, %add3A_167, %while3A_147 : i32
          %eq3A_170 = arith.cmpi eq, %select_n3A_169, %select_n3A : i32
          %select_n3A_171 = arith.constant 0 : i32
          %select_n3A_172 = arith.select %eq3A_170, %select_n3A_171, %select_n3A_169 : i32
          %add3A_173 = arith.addi %select_n3A_172, %select_n3A_14 : i32
          %add3A_174 = arith.constant 1 : i32
          %add3A_175 = arith.addi %select_n3A_172, %add3A_174 : i32
          %select_n3A_176 = arith.constant true
          %select_n3A_177 = arith.select %select_n3A_176, %add3A_175, %select_n3A_172 : i32
          %eq3A_178 = arith.cmpi eq, %select_n3A_177, %select_n3A : i32
          %select_n3A_179 = arith.constant 0 : i32
          %select_n3A_180 = arith.select %eq3A_178, %select_n3A_179, %select_n3A_177 : i32
          %add3A_181 = arith.addi %select_n3A_180, %select_n3A_14 : i32
          %ne3A = arith.cmpi ne, %add3A_155, %add3A_173 : i32
          %or3A = arith.constant false
          %or3A_182 = arith.ori %or3A, %ne3A : i1
          %sub3A_183 = arith.constant 2 : i32
          %sub3A_184 = arith.subi %mul3A_149, %sub3A_183 : i32
          %add3A_185 = arith.constant 1 : i32
          %add3A_186 = arith.addi %sub3A_184, %add3A_185 : i32
          %ge3A = arith.cmpi sge, %while3A_142, %add3A_186 : i32
          %not3A = arith.constant true
          %not3A_187 = arith.xori %ge3A, %not3A : i1
          %and3A = arith.andi %or3A_182, %not3A_187 : i1
          %convert_element_type3A_188 = arith.extui %and3A : i1 to i32
          %cond3A_189 = arith.constant 0 : i32
          %cond3A_190 = arith.cmpi ne, %convert_element_type3A_188, %cond3A_189 : i32
          scf.if %cond3A_190 {
            "tpu.trace_start"() <{level = 10 : i32, message = "ep_copy_in"}> : () -> ()
            %rem3A_294 = arith.constant 2 : i32
            %rem3A_295 = arith.remui %while3A_143, %rem3A_294 : i32
            %mul3A_296 = arith.constant 128 : i32
            %mul3A_297 = arith.muli %mul3A_296, %add3A_173 : i32
            %dma_start3A_298 = arith.constant 0 : i32
            %dma_start3A_299 = arith.constant 0 : i32
            %dma_start3A_300 = tpu.memref_slice %run_scoped3A[%rem3A_295, %dma_start3A_298, %dma_start3A_299] : memref<2x1x128xi32, #tpu.memory_space<vmem>> -> memref<1x1x128xi32, #tpu.memory_space<vmem>>
            %dma_start3A_301 = tpu.memref_squeeze %dma_start3A_300 : memref<1x1x128xi32, #tpu.memory_space<vmem>> -> memref<1x128xi32, #tpu.memory_space<vmem>>
            %dma_start3A_302 = arith.constant 0 : i32
            %dma_start3A_303 = tpu.memref_slice %arg3[%dma_start3A_302, %mul3A_297] : memref<1x160000xi32, #tpu.memory_space<hbm>> -> memref<1x128xi32, #tpu.memory_space<hbm>>
            %dma_start3A_304 = tpu.memref_slice %run_scoped3A_17[%rem3A_295] : memref<2x!tpu.dma_semaphore, #tpu.memory_space<semaphore_mem>> -> memref<1x!tpu.dma_semaphore, #tpu.memory_space<semaphore_mem>>
            %dma_start3A_305 = tpu.memref_squeeze %dma_start3A_304 : memref<1x!tpu.dma_semaphore, #tpu.memory_space<semaphore_mem>> -> memref<!tpu.dma_semaphore, #tpu.memory_space<semaphore_mem>>
            %dma_start3A_306 = arith.constant 0 : i32
            %dma_start3A_307 = arith.constant 0 : i32
            %dma_start3A_308 = tpu.memref_slice %run_scoped3A[%rem3A_295, %dma_start3A_306, %dma_start3A_307] : memref<2x1x128xi32, #tpu.memory_space<vmem>> -> memref<1x1x128xi32, #tpu.memory_space<vmem>>
            %dma_start3A_309 = tpu.memref_squeeze %dma_start3A_308 : memref<1x1x128xi32, #tpu.memory_space<vmem>> -> memref<1x128xi32, #tpu.memory_space<vmem>>
            %dma_start3A_310 = arith.constant 0 : i32
            %dma_start3A_311 = tpu.memref_slice %arg3[%dma_start3A_310, %mul3A_297] : memref<1x160000xi32, #tpu.memory_space<hbm>> -> memref<1x128xi32, #tpu.memory_space<hbm>>
            tpu.enqueue_dma source(%dma_start3A_311 : memref<1x128xi32, #tpu.memory_space<hbm>>) target(%dma_start3A_309 : memref<1x128xi32, #tpu.memory_space<vmem>>) target_semaphore(%dma_start3A_305 : memref<!tpu.dma_semaphore, #tpu.memory_space<semaphore_mem>>)
            "tpu.trace_stop"() : () -> ()
          } else {
          }
          %and3A_191 = arith.constant true
          %and3A_192 = arith.andi %and3A, %and3A_191 : i1
          %add3A_193 = arith.constant 1 : i32
          %add3A_194 = arith.addi %while3A_143, %add3A_193 : i32
          %select_n3A_195 = arith.select %and3A_192, %add3A_194, %while3A_143 : i32
          %ne3A_196 = arith.cmpi ne, %add3A_155, %add3A_173 : i32
          %or3A_197 = arith.constant false
          %or3A_198 = arith.ori %or3A_197, %ne3A_196 : i1
          %or3A_199 = arith.constant false
          %or3A_200 = arith.ori %or3A_198, %or3A_199 : i1
          %sub3A_201 = arith.constant 2 : i32
          %sub3A_202 = arith.subi %mul3A_149, %sub3A_201 : i32
          %add3A_203 = arith.constant 1 : i32
          %add3A_204 = arith.addi %sub3A_202, %add3A_203 : i32
          %ge3A_205 = arith.cmpi sge, %while3A_142, %add3A_204 : i32
          %not3A_206 = arith.constant true
          %not3A_207 = arith.xori %ge3A_205, %not3A_206 : i1
          %and3A_208 = arith.andi %or3A_200, %not3A_207 : i1
          %ne3A_209 = arith.cmpi ne, %add3A_155, %add3A_165 : i32
          %or3A_210 = arith.constant false
          %or3A_211 = arith.ori %or3A_210, %ne3A_209 : i1
          %or3A_212 = arith.ori %or3A_211, %eq3A_151 : i1
          %convert_element_type3A_213 = arith.extui %or3A_212 : i1 to i32
          %cond3A_214 = arith.constant 0 : i32
          %cond3A_215 = arith.cmpi ne, %convert_element_type3A_213, %cond3A_214 : i32
          scf.if %cond3A_215 {
            "tpu.trace_start"() <{level = 10 : i32, message = "ep_wait_in"}> : () -> ()
            %mul3A_294 = arith.constant 128 : i32
            %mul3A_295 = arith.muli %mul3A_294, %add3A_155 : i32
            %rem3A_296 = arith.constant 2 : i32
            %rem3A_297 = arith.remui %while3A_144, %rem3A_296 : i32
            %dma_wait3A = arith.constant 0 : i32
            %dma_wait3A_298 = arith.constant 0 : i32
            %dma_wait3A_299 = tpu.memref_slice %run_scoped3A[%rem3A_297, %dma_wait3A, %dma_wait3A_298] : memref<2x1x128xi32, #tpu.memory_space<vmem>> -> memref<1x1x128xi32, #tpu.memory_space<vmem>>
            %dma_wait3A_300 = tpu.memref_squeeze %dma_wait3A_299 : memref<1x1x128xi32, #tpu.memory_space<vmem>> -> memref<1x128xi32, #tpu.memory_space<vmem>>
            %dma_wait3A_301 = arith.constant 0 : i32
            %dma_wait3A_302 = tpu.memref_slice %arg3[%dma_wait3A_301, %mul3A_295] : memref<1x160000xi32, #tpu.memory_space<hbm>> -> memref<1x128xi32, #tpu.memory_space<hbm>>
            %dma_wait3A_303 = tpu.memref_slice %run_scoped3A_17[%rem3A_297] : memref<2x!tpu.dma_semaphore, #tpu.memory_space<semaphore_mem>> -> memref<1x!tpu.dma_semaphore, #tpu.memory_space<semaphore_mem>>
            %dma_wait3A_304 = tpu.memref_squeeze %dma_wait3A_303 : memref<1x!tpu.dma_semaphore, #tpu.memory_space<semaphore_mem>> -> memref<!tpu.dma_semaphore, #tpu.memory_space<semaphore_mem>>
            %dma_wait3A_305 = arith.constant 0 : i32
            %dma_wait3A_306 = arith.constant 0 : i32
            %dma_wait3A_307 = tpu.memref_slice %run_scoped3A[%rem3A_297, %dma_wait3A_305, %dma_wait3A_306] : memref<2x1x128xi32, #tpu.memory_space<vmem>> -> memref<1x1x128xi32, #tpu.memory_space<vmem>>
            %dma_wait3A_308 = tpu.memref_squeeze %dma_wait3A_307 : memref<1x1x128xi32, #tpu.memory_space<vmem>> -> memref<1x128xi32, #tpu.memory_space<vmem>>
            %dma_wait3A_309 = arith.constant 0 : i32
            %dma_wait3A_310 = tpu.memref_slice %arg3[%dma_wait3A_309, %mul3A_295] : memref<1x160000xi32, #tpu.memory_space<hbm>> -> memref<1x128xi32, #tpu.memory_space<hbm>>
            tpu.wait_dma2 semaphore(%dma_wait3A_304 : memref<!tpu.dma_semaphore, #tpu.memory_space<semaphore_mem>>) src(%dma_wait3A_310 : memref<1x128xi32, #tpu.memory_space<hbm>>) dst(%dma_wait3A_308 : memref<1x128xi32, #tpu.memory_space<vmem>>)
            "tpu.trace_stop"() : () -> ()
          } else {
          }
          %ne3A_216 = arith.cmpi ne, %add3A_155, %add3A_165 : i32
          %or3A_217 = arith.constant false
          %or3A_218 = arith.ori %or3A_217, %ne3A_216 : i1
          %or3A_219 = arith.constant false
          %or3A_220 = arith.ori %or3A_218, %or3A_219 : i1
          %or3A_221 = arith.ori %or3A_220, %eq3A_151 : i1
          %convert_element_type3A_222 = arith.extui %or3A_221 : i1 to i32
          %cond3A_223 = arith.constant 0 : i32
          %cond3A_224 = arith.cmpi ne, %convert_element_type3A_222, %cond3A_223 : i32
          scf.if %cond3A_224 {
          } else {
          }
          %rem3A_225 = arith.constant 2 : i32
          %rem3A_226 = arith.remui %while3A_144, %rem3A_225 : i32
          %rem3A_227 = arith.constant 2 : i32
          %rem3A_228 = arith.remui %while3A_145, %rem3A_227 : i32
          %run_scoped3A_229 = arith.constant 0 : i32
          "tpu.trace_start"() <{level = 10 : i32, message = "ep_run_kernel"}> : () -> ()
          "tpu.region"() ({
            %run_scoped3A_294 = tpu.sem_alloc : memref<!tpu.dma_semaphore, #tpu.memory_space<semaphore_mem>>
            %dma_start3A_295 = arith.constant 0 : i32
            %dma_start3A_296 = arith.constant 0 : i32
            %dma_start3A_297 = tpu.memref_slice %run_scoped3A_18[%rem3A_228, %dma_start3A_295, %dma_start3A_296] : memref<2x128x128xf32, #tpu.memory_space<vmem>> -> memref<1x128x128xf32, #tpu.memory_space<vmem>>
            %dma_start3A_298 = tpu.memref_squeeze %dma_start3A_297 : memref<1x128x128xf32, #tpu.memory_space<vmem>> -> memref<128x128xf32, #tpu.memory_space<vmem>>
            %dma_start3A_299 = arith.constant 0 : i32
            %dma_start3A_300 = arith.constant 0 : i32
            %dma_start3A_301 = tpu.memref_slice %run_scoped3A[%rem3A_226, %dma_start3A_299, %dma_start3A_300] : memref<2x1x128xi32, #tpu.memory_space<vmem>> -> memref<1x1x128xi32, #tpu.memory_space<vmem>>
            %dma_start3A_302 = tpu.memref_squeeze %dma_start3A_301 : memref<1x1x128xi32, #tpu.memory_space<vmem>> -> memref<1x128xi32, #tpu.memory_space<vmem>>
            %dma_start3A_303 = arith.constant 0 : i32
            %dma_start3A_304 = tpu.memref_slice %dma_start3A_302[%run_scoped3A_229, %dma_start3A_303] : memref<1x128xi32, #tpu.memory_space<vmem>> -> memref<1x128xi32, #tpu.memory_space<vmem>>
            %dma_start3A_305 = tpu.memref_squeeze %dma_start3A_304 : memref<1x128xi32, #tpu.memory_space<vmem>> -> memref<128xi32, #tpu.memory_space<vmem>>
            %dma_start3A_306 = arith.constant 0 : i32
            %dma_start3A_307 = arith.constant 0 : i32
            %dma_start3A_308 = tpu.memref_slice %arg2[%dma_start3A_306, %dma_start3A_307] : memref<50000x128xf32, #tpu.memory_space<hbm>> -> memref<50000x128xf32, #tpu.memory_space<hbm>>
            tpu.enqueue_indirect_dma source(%dma_start3A_308 : memref<50000x128xf32, #tpu.memory_space<hbm>>) target(%dma_start3A_298 : memref<128x128xf32, #tpu.memory_space<vmem>>) offsets(%dma_start3A_305 : memref<128xi32, #tpu.memory_space<vmem>>) semaphore(%run_scoped3A_294 : memref<!tpu.dma_semaphore, #tpu.memory_space<semaphore_mem>>)
            %dma_wait3A = arith.constant 0 : i32
            %dma_wait3A_309 = arith.constant 0 : i32
            %dma_wait3A_310 = tpu.memref_slice %run_scoped3A_18[%rem3A_228, %dma_wait3A, %dma_wait3A_309] : memref<2x128x128xf32, #tpu.memory_space<vmem>> -> memref<1x128x128xf32, #tpu.memory_space<vmem>>
            %dma_wait3A_311 = tpu.memref_squeeze %dma_wait3A_310 : memref<1x128x128xf32, #tpu.memory_space<vmem>> -> memref<128x128xf32, #tpu.memory_space<vmem>>
            %dma_wait3A_312 = arith.constant 0 : i32
            %dma_wait3A_313 = arith.constant 0 : i32
            %dma_wait3A_314 = tpu.memref_slice %run_scoped3A[%rem3A_226, %dma_wait3A_312, %dma_wait3A_313] : memref<2x1x128xi32, #tpu.memory_space<vmem>> -> memref<1x1x128xi32, #tpu.memory_space<vmem>>
            %dma_wait3A_315 = tpu.memref_squeeze %dma_wait3A_314 : memref<1x1x128xi32, #tpu.memory_space<vmem>> -> memref<1x128xi32, #tpu.memory_space<vmem>>
            %dma_wait3A_316 = arith.constant 0 : i32
            %dma_wait3A_317 = tpu.memref_slice %dma_wait3A_315[%run_scoped3A_229, %dma_wait3A_316] : memref<1x128xi32, #tpu.memory_space<vmem>> -> memref<1x128xi32, #tpu.memory_space<vmem>>
            %dma_wait3A_318 = tpu.memref_squeeze %dma_wait3A_317 : memref<1x128xi32, #tpu.memory_space<vmem>> -> memref<128xi32, #tpu.memory_space<vmem>>
            %dma_wait3A_319 = arith.constant 0 : i32
            %dma_wait3A_320 = arith.constant 0 : i32
            %dma_wait3A_321 = tpu.memref_slice %arg2[%dma_wait3A_319, %dma_wait3A_320] : memref<50000x128xf32, #tpu.memory_space<hbm>> -> memref<50000x128xf32, #tpu.memory_space<hbm>>
            tpu.wait_indirect_dma semaphore(%run_scoped3A_294 : memref<!tpu.dma_semaphore, #tpu.memory_space<semaphore_mem>>) src(%dma_wait3A_321 : memref<50000x128xf32, #tpu.memory_space<hbm>>) dst(%dma_wait3A_311 : memref<128x128xf32, #tpu.memory_space<vmem>>)
            tpu.yield
          }) : () -> ()
          "tpu.trace_stop"() : () -> ()
          %ne3A_230 = arith.cmpi ne, %add3A_155, %add3A_173 : i32
          %or3A_231 = arith.constant false
          %or3A_232 = arith.ori %or3A_231, %ne3A_230 : i1
          %or3A_233 = arith.ori %or3A_232, %eq3A_154 : i1
          %convert_element_type3A_234 = arith.extui %or3A_233 : i1 to i32
          %cond3A_235 = arith.constant 0 : i32
          %cond3A_236 = arith.cmpi ne, %convert_element_type3A_234, %cond3A_235 : i32
          scf.if %cond3A_236 {
          } else {
          }
          %and3A_237 = arith.constant false
          %and3A_238 = arith.andi %or3A_233, %and3A_237 : i1
          %ne3A_239 = arith.cmpi ne, %add3A_155, %add3A_173 : i32
          %or3A_240 = arith.constant false
          %or3A_241 = arith.ori %or3A_240, %ne3A_239 : i1
          %or3A_242 = arith.constant false
          %or3A_243 = arith.ori %or3A_241, %or3A_242 : i1
          %or3A_244 = arith.ori %or3A_243, %eq3A_154 : i1
          %convert_element_type3A_245 = arith.extui %or3A_244 : i1 to i32
          %cond3A_246 = arith.constant 0 : i32
          %cond3A_247 = arith.cmpi ne, %convert_element_type3A_245, %cond3A_246 : i32
          scf.if %cond3A_247 {
            "tpu.trace_start"() <{level = 10 : i32, message = "ep_copy_out"}> : () -> ()
            %rem3A_294 = arith.constant 2 : i32
            %rem3A_295 = arith.remui %while3A_145, %rem3A_294 : i32
            %mul3A_296 = arith.constant 128 : i32
            %mul3A_297 = arith.muli %mul3A_296, %add3A_155 : i32
            %dma_start3A_298 = arith.constant 0 : i32
            %dma_start3A_299 = arith.constant 0 : i32
            %dma_start3A_300 = tpu.memref_slice %run_scoped3A_18[%rem3A_295, %dma_start3A_298, %dma_start3A_299] : memref<2x128x128xf32, #tpu.memory_space<vmem>> -> memref<1x128x128xf32, #tpu.memory_space<vmem>>
            %dma_start3A_301 = tpu.memref_squeeze %dma_start3A_300 : memref<1x128x128xf32, #tpu.memory_space<vmem>> -> memref<128x128xf32, #tpu.memory_space<vmem>>
            %dma_start3A_302 = arith.constant 0 : i32
            %dma_start3A_303 = tpu.memref_slice %arg4[%mul3A_297, %dma_start3A_302] : memref<160000x128xf32, #tpu.memory_space<hbm>> -> memref<128x128xf32, #tpu.memory_space<hbm>>
            %dma_start3A_304 = tpu.memref_slice %run_scoped3A_19[%rem3A_295] : memref<2x!tpu.dma_semaphore, #tpu.memory_space<semaphore_mem>> -> memref<1x!tpu.dma_semaphore, #tpu.memory_space<semaphore_mem>>
            %dma_start3A_305 = tpu.memref_squeeze %dma_start3A_304 : memref<1x!tpu.dma_semaphore, #tpu.memory_space<semaphore_mem>> -> memref<!tpu.dma_semaphore, #tpu.memory_space<semaphore_mem>>
            %dma_start3A_306 = arith.constant 0 : i32
            %dma_start3A_307 = tpu.memref_slice %arg4[%mul3A_297, %dma_start3A_306] : memref<160000x128xf32, #tpu.memory_space<hbm>> -> memref<128x128xf32, #tpu.memory_space<hbm>>
            %dma_start3A_308 = arith.constant 0 : i32
            %dma_start3A_309 = arith.constant 0 : i32
            %dma_start3A_310 = tpu.memref_slice %run_scoped3A_18[%rem3A_295, %dma_start3A_308, %dma_start3A_309] : memref<2x128x128xf32, #tpu.memory_space<vmem>> -> memref<1x128x128xf32, #tpu.memory_space<vmem>>
            %dma_start3A_311 = tpu.memref_squeeze %dma_start3A_310 : memref<1x128x128xf32, #tpu.memory_space<vmem>> -> memref<128x128xf32, #tpu.memory_space<vmem>>
            tpu.enqueue_dma source(%dma_start3A_311 : memref<128x128xf32, #tpu.memory_space<vmem>>) target(%dma_start3A_307 : memref<128x128xf32, #tpu.memory_space<hbm>>) target_semaphore(%dma_start3A_305 : memref<!tpu.dma_semaphore, #tpu.memory_space<semaphore_mem>>)
            "tpu.trace_stop"() : () -> ()
          } else {
          }
          %and3A_248 = arith.constant true
          %and3A_249 = arith.andi %or3A_244, %and3A_248 : i1
          %add3A_250 = arith.constant 1 : i32
          %add3A_251 = arith.addi %while3A_145, %add3A_250 : i32
          %select_n3A_252 = arith.select %and3A_249, %add3A_251, %while3A_145 : i32
          %ne3A_253 = arith.cmpi ne, %add3A_155, %add3A_165 : i32
          %or3A_254 = arith.constant false
          %or3A_255 = arith.ori %or3A_254, %ne3A_253 : i1
          %not3A_256 = arith.constant true
          %not3A_257 = arith.xori %eq3A_151, %not3A_256 : i1
          %and3A_258 = arith.andi %or3A_255, %not3A_257 : i1
          %convert_element_type3A_259 = arith.extui %and3A_258 : i1 to i32
          %cond3A_260 = arith.constant 0 : i32
          %cond3A_261 = arith.cmpi ne, %convert_element_type3A_259, %cond3A_260 : i32
          scf.if %cond3A_261 {
          } else {
          }
          %and3A_262 = arith.constant false
          %and3A_263 = arith.andi %and3A_258, %and3A_262 : i1
          %ne3A_264 = arith.cmpi ne, %add3A_155, %add3A_165 : i32
          %or3A_265 = arith.constant false
          %or3A_266 = arith.ori %or3A_265, %ne3A_264 : i1
          %or3A_267 = arith.constant false
          %or3A_268 = arith.ori %or3A_266, %or3A_267 : i1
          %not3A_269 = arith.constant true
          %not3A_270 = arith.xori %eq3A_151, %not3A_269 : i1
          %and3A_271 = arith.andi %or3A_268, %not3A_270 : i1
          %convert_element_type3A_272 = arith.extui %and3A_271 : i1 to i32
          %cond3A_273 = arith.constant 0 : i32
          %cond3A_274 = arith.cmpi ne, %convert_element_type3A_272, %cond3A_273 : i32
          scf.if %cond3A_274 {
            "tpu.trace_start"() <{level = 10 : i32, message = "ep_wait_out"}> : () -> ()
            %rem3A_294 = arith.constant 2 : i32
            %rem3A_295 = arith.remui %while3A_146, %rem3A_294 : i32
            %mul3A_296 = arith.constant 128 : i32
            %mul3A_297 = arith.muli %mul3A_296, %add3A_165 : i32
            %dma_wait3A = arith.constant 0 : i32
            %dma_wait3A_298 = arith.constant 0 : i32
            %dma_wait3A_299 = tpu.memref_slice %run_scoped3A_18[%rem3A_295, %dma_wait3A, %dma_wait3A_298] : memref<2x128x128xf32, #tpu.memory_space<vmem>> -> memref<1x128x128xf32, #tpu.memory_space<vmem>>
            %dma_wait3A_300 = tpu.memref_squeeze %dma_wait3A_299 : memref<1x128x128xf32, #tpu.memory_space<vmem>> -> memref<128x128xf32, #tpu.memory_space<vmem>>
            %dma_wait3A_301 = arith.constant 0 : i32
            %dma_wait3A_302 = tpu.memref_slice %arg4[%mul3A_297, %dma_wait3A_301] : memref<160000x128xf32, #tpu.memory_space<hbm>> -> memref<128x128xf32, #tpu.memory_space<hbm>>
            %dma_wait3A_303 = tpu.memref_slice %run_scoped3A_19[%rem3A_295] : memref<2x!tpu.dma_semaphore, #tpu.memory_space<semaphore_mem>> -> memref<1x!tpu.dma_semaphore, #tpu.memory_space<semaphore_mem>>
            %dma_wait3A_304 = tpu.memref_squeeze %dma_wait3A_303 : memref<1x!tpu.dma_semaphore, #tpu.memory_space<semaphore_mem>> -> memref<!tpu.dma_semaphore, #tpu.memory_space<semaphore_mem>>
            %dma_wait3A_305 = arith.constant 0 : i32
            %dma_wait3A_306 = tpu.memref_slice %arg4[%mul3A_297, %dma_wait3A_305] : memref<160000x128xf32, #tpu.memory_space<hbm>> -> memref<128x128xf32, #tpu.memory_space<hbm>>
            %dma_wait3A_307 = arith.constant 0 : i32
            %dma_wait3A_308 = arith.constant 0 : i32
            %dma_wait3A_309 = tpu.memref_slice %run_scoped3A_18[%rem3A_295, %dma_wait3A_307, %dma_wait3A_308] : memref<2x128x128xf32, #tpu.memory_space<vmem>> -> memref<1x128x128xf32, #tpu.memory_space<vmem>>
            %dma_wait3A_310 = tpu.memref_squeeze %dma_wait3A_309 : memref<1x128x128xf32, #tpu.memory_space<vmem>> -> memref<128x128xf32, #tpu.memory_space<vmem>>
            tpu.wait_dma2 semaphore(%dma_wait3A_304 : memref<!tpu.dma_semaphore, #tpu.memory_space<semaphore_mem>>) src(%dma_wait3A_310 : memref<128x128xf32, #tpu.memory_space<vmem>>) dst(%dma_wait3A_306 : memref<128x128xf32, #tpu.memory_space<hbm>>)
            "tpu.trace_stop"() : () -> ()
          } else {
          }
          %and3A_275 = arith.constant true
          %and3A_276 = arith.andi %and3A_271, %and3A_275 : i1
          %add3A_277 = arith.constant 1 : i32
          %add3A_278 = arith.addi %while3A_146, %add3A_277 : i32
          %select_n3A_279 = arith.select %and3A_276, %add3A_278, %while3A_146 : i32
          %ne3A_280 = arith.cmpi ne, %add3A_155, %add3A_173 : i32
          %or3A_281 = arith.constant false
          %or3A_282 = arith.ori %or3A_281, %ne3A_280 : i1
          %or3A_283 = arith.ori %or3A_282, %eq3A_154 : i1
          %add3A_284 = arith.constant 1 : i32
          %add3A_285 = arith.addi %while3A_144, %add3A_284 : i32
          %select_n3A_286 = arith.select %or3A_283, %add3A_285, %while3A_144 : i32
          %add3A_287 = arith.constant 1 : i32
          %add3A_288 = arith.addi %while3A_147, %add3A_287 : i32
          %select_n3A_289 = arith.constant true
          %select_n3A_290 = arith.select %select_n3A_289, %add3A_288, %while3A_147 : i32
          %eq3A_291 = arith.cmpi eq, %select_n3A_290, %select_n3A : i32
          %select_n3A_292 = arith.constant 0 : i32
          %select_n3A_293 = arith.select %eq3A_291, %select_n3A_292, %select_n3A_290 : i32
          scf.yield %select_n3A_195, %select_n3A_286, %select_n3A_252, %select_n3A_279, %select_n3A_293 : i32, i32, i32, i32, i32
        }
        %while3A_89 = arith.constant 1 : i32
        %while3A_90:5 = scf.for %while3A_142 = %while3A_86 to %while3A_82 step %while3A_89 iter_args(%while3A_143 = %while3A_88#0, %while3A_144 = %while3A_88#1, %while3A_145 = %while3A_88#2, %while3A_146 = %while3A_88#3, %while3A_147 = %while3A_88#4) -> (i32, i32, i32, i32, i32)  : i32 {
          %mul3A_148 = arith.constant 1 : i32
          %mul3A_149 = arith.muli %mul3A_148, %select_n3A : i32
          %eq3A_150 = arith.constant 0 : i32
          %eq3A_151 = arith.cmpi eq, %while3A_142, %eq3A_150 : i32
          %sub3A_152 = arith.constant 1 : i32
          %sub3A_153 = arith.subi %mul3A_149, %sub3A_152 : i32
          %eq3A_154 = arith.cmpi eq, %while3A_142, %sub3A_153 : i32
          %add3A_155 = arith.addi %while3A_147, %select_n3A_14 : i32
          %sub3A_156 = arith.constant 1 : i32
          %sub3A_157 = arith.subi %while3A_147, %sub3A_156 : i32
          %select_n3A_158 = arith.constant true
          %select_n3A_159 = arith.select %select_n3A_158, %sub3A_157, %while3A_147 : i32
          %eq3A_160 = arith.constant -1 : i32
          %eq3A_161 = arith.cmpi eq, %select_n3A_159, %eq3A_160 : i32
          %sub3A_162 = arith.constant 1 : i32
          %sub3A_163 = arith.subi %select_n3A, %sub3A_162 : i32
          %select_n3A_164 = arith.select %eq3A_161, %sub3A_163, %select_n3A_159 : i32
          %add3A_165 = arith.addi %select_n3A_164, %select_n3A_14 : i32
          %add3A_166 = arith.constant 1 : i32
          %add3A_167 = arith.addi %while3A_147, %add3A_166 : i32
          %select_n3A_168 = arith.constant true
          %select_n3A_169 = arith.select %select_n3A_168, %add3A_167, %while3A_147 : i32
          %eq3A_170 = arith.cmpi eq, %select_n3A_169, %select_n3A : i32
          %select_n3A_171 = arith.constant 0 : i32
          %select_n3A_172 = arith.select %eq3A_170, %select_n3A_171, %select_n3A_169 : i32
          %add3A_173 = arith.addi %select_n3A_172, %select_n3A_14 : i32
          %add3A_174 = arith.constant 1 : i32
          %add3A_175 = arith.addi %select_n3A_172, %add3A_174 : i32
          %select_n3A_176 = arith.constant true
          %select_n3A_177 = arith.select %select_n3A_176, %add3A_175, %select_n3A_172 : i32
          %eq3A_178 = arith.cmpi eq, %select_n3A_177, %select_n3A : i32
          %select_n3A_179 = arith.constant 0 : i32
          %select_n3A_180 = arith.select %eq3A_178, %select_n3A_179, %select_n3A_177 : i32
          %add3A_181 = arith.addi %select_n3A_180, %select_n3A_14 : i32
          %ne3A = arith.cmpi ne, %add3A_155, %add3A_173 : i32
          %or3A = arith.constant false
          %or3A_182 = arith.ori %or3A, %ne3A : i1
          %sub3A_183 = arith.constant 2 : i32
          %sub3A_184 = arith.subi %mul3A_149, %sub3A_183 : i32
          %add3A_185 = arith.constant 1 : i32
          %add3A_186 = arith.addi %sub3A_184, %add3A_185 : i32
          %ge3A = arith.cmpi sge, %while3A_142, %add3A_186 : i32
          %not3A = arith.constant true
          %not3A_187 = arith.xori %ge3A, %not3A : i1
          %and3A = arith.andi %or3A_182, %not3A_187 : i1
          %convert_element_type3A_188 = arith.extui %and3A : i1 to i32
          %cond3A_189 = arith.constant 0 : i32
          %cond3A_190 = arith.cmpi ne, %convert_element_type3A_188, %cond3A_189 : i32
          scf.if %cond3A_190 {
            "tpu.trace_start"() <{level = 10 : i32, message = "ep_copy_in"}> : () -> ()
            %rem3A_294 = arith.constant 2 : i32
            %rem3A_295 = arith.remui %while3A_143, %rem3A_294 : i32
            %mul3A_296 = arith.constant 128 : i32
            %mul3A_297 = arith.muli %mul3A_296, %add3A_173 : i32
            %dma_start3A_298 = arith.constant 0 : i32
            %dma_start3A_299 = arith.constant 0 : i32
            %dma_start3A_300 = tpu.memref_slice %run_scoped3A[%rem3A_295, %dma_start3A_298, %dma_start3A_299] : memref<2x1x128xi32, #tpu.memory_space<vmem>> -> memref<1x1x128xi32, #tpu.memory_space<vmem>>
            %dma_start3A_301 = tpu.memref_squeeze %dma_start3A_300 : memref<1x1x128xi32, #tpu.memory_space<vmem>> -> memref<1x128xi32, #tpu.memory_space<vmem>>
            %dma_start3A_302 = arith.constant 0 : i32
            %dma_start3A_303 = tpu.memref_slice %arg3[%dma_start3A_302, %mul3A_297] : memref<1x160000xi32, #tpu.memory_space<hbm>> -> memref<1x128xi32, #tpu.memory_space<hbm>>
            %dma_start3A_304 = tpu.memref_slice %run_scoped3A_17[%rem3A_295] : memref<2x!tpu.dma_semaphore, #tpu.memory_space<semaphore_mem>> -> memref<1x!tpu.dma_semaphore, #tpu.memory_space<semaphore_mem>>
            %dma_start3A_305 = tpu.memref_squeeze %dma_start3A_304 : memref<1x!tpu.dma_semaphore, #tpu.memory_space<semaphore_mem>> -> memref<!tpu.dma_semaphore, #tpu.memory_space<semaphore_mem>>
            %dma_start3A_306 = arith.constant 0 : i32
            %dma_start3A_307 = arith.constant 0 : i32
            %dma_start3A_308 = tpu.memref_slice %run_scoped3A[%rem3A_295, %dma_start3A_306, %dma_start3A_307] : memref<2x1x128xi32, #tpu.memory_space<vmem>> -> memref<1x1x128xi32, #tpu.memory_space<vmem>>
            %dma_start3A_309 = tpu.memref_squeeze %dma_start3A_308 : memref<1x1x128xi32, #tpu.memory_space<vmem>> -> memref<1x128xi32, #tpu.memory_space<vmem>>
            %dma_start3A_310 = arith.constant 0 : i32
            %dma_start3A_311 = tpu.memref_slice %arg3[%dma_start3A_310, %mul3A_297] : memref<1x160000xi32, #tpu.memory_space<hbm>> -> memref<1x128xi32, #tpu.memory_space<hbm>>
            tpu.enqueue_dma source(%dma_start3A_311 : memref<1x128xi32, #tpu.memory_space<hbm>>) target(%dma_start3A_309 : memref<1x128xi32, #tpu.memory_space<vmem>>) target_semaphore(%dma_start3A_305 : memref<!tpu.dma_semaphore, #tpu.memory_space<semaphore_mem>>)
            "tpu.trace_stop"() : () -> ()
          } else {
          }
          %and3A_191 = arith.constant true
          %and3A_192 = arith.andi %and3A, %and3A_191 : i1
          %add3A_193 = arith.constant 1 : i32
          %add3A_194 = arith.addi %while3A_143, %add3A_193 : i32
          %select_n3A_195 = arith.select %and3A_192, %add3A_194, %while3A_143 : i32
          %ne3A_196 = arith.cmpi ne, %add3A_155, %add3A_173 : i32
          %or3A_197 = arith.constant false
          %or3A_198 = arith.ori %or3A_197, %ne3A_196 : i1
          %or3A_199 = arith.constant false
          %or3A_200 = arith.ori %or3A_198, %or3A_199 : i1
          %sub3A_201 = arith.constant 2 : i32
          %sub3A_202 = arith.subi %mul3A_149, %sub3A_201 : i32
          %add3A_203 = arith.constant 1 : i32
          %add3A_204 = arith.addi %sub3A_202, %add3A_203 : i32
          %ge3A_205 = arith.cmpi sge, %while3A_142, %add3A_204 : i32
          %not3A_206 = arith.constant true
          %not3A_207 = arith.xori %ge3A_205, %not3A_206 : i1
          %and3A_208 = arith.andi %or3A_200, %not3A_207 : i1
          %ne3A_209 = arith.cmpi ne, %add3A_155, %add3A_165 : i32
          %or3A_210 = arith.constant false
          %or3A_211 = arith.ori %or3A_210, %ne3A_209 : i1
          %or3A_212 = arith.ori %or3A_211, %eq3A_151 : i1
          %convert_element_type3A_213 = arith.extui %or3A_212 : i1 to i32
          %cond3A_214 = arith.constant 0 : i32
          %cond3A_215 = arith.cmpi ne, %convert_element_type3A_213, %cond3A_214 : i32
          scf.if %cond3A_215 {
            "tpu.trace_start"() <{level = 10 : i32, message = "ep_wait_in"}> : () -> ()
            %mul3A_294 = arith.constant 128 : i32
            %mul3A_295 = arith.muli %mul3A_294, %add3A_155 : i32
            %rem3A_296 = arith.constant 2 : i32
            %rem3A_297 = arith.remui %while3A_144, %rem3A_296 : i32
            %dma_wait3A = arith.constant 0 : i32
            %dma_wait3A_298 = arith.constant 0 : i32
            %dma_wait3A_299 = tpu.memref_slice %run_scoped3A[%rem3A_297, %dma_wait3A, %dma_wait3A_298] : memref<2x1x128xi32, #tpu.memory_space<vmem>> -> memref<1x1x128xi32, #tpu.memory_space<vmem>>
            %dma_wait3A_300 = tpu.memref_squeeze %dma_wait3A_299 : memref<1x1x128xi32, #tpu.memory_space<vmem>> -> memref<1x128xi32, #tpu.memory_space<vmem>>
            %dma_wait3A_301 = arith.constant 0 : i32
            %dma_wait3A_302 = tpu.memref_slice %arg3[%dma_wait3A_301, %mul3A_295] : memref<1x160000xi32, #tpu.memory_space<hbm>> -> memref<1x128xi32, #tpu.memory_space<hbm>>
            %dma_wait3A_303 = tpu.memref_slice %run_scoped3A_17[%rem3A_297] : memref<2x!tpu.dma_semaphore, #tpu.memory_space<semaphore_mem>> -> memref<1x!tpu.dma_semaphore, #tpu.memory_space<semaphore_mem>>
            %dma_wait3A_304 = tpu.memref_squeeze %dma_wait3A_303 : memref<1x!tpu.dma_semaphore, #tpu.memory_space<semaphore_mem>> -> memref<!tpu.dma_semaphore, #tpu.memory_space<semaphore_mem>>
            %dma_wait3A_305 = arith.constant 0 : i32
            %dma_wait3A_306 = arith.constant 0 : i32
            %dma_wait3A_307 = tpu.memref_slice %run_scoped3A[%rem3A_297, %dma_wait3A_305, %dma_wait3A_306] : memref<2x1x128xi32, #tpu.memory_space<vmem>> -> memref<1x1x128xi32, #tpu.memory_space<vmem>>
            %dma_wait3A_308 = tpu.memref_squeeze %dma_wait3A_307 : memref<1x1x128xi32, #tpu.memory_space<vmem>> -> memref<1x128xi32, #tpu.memory_space<vmem>>
            %dma_wait3A_309 = arith.constant 0 : i32
            %dma_wait3A_310 = tpu.memref_slice %arg3[%dma_wait3A_309, %mul3A_295] : memref<1x160000xi32, #tpu.memory_space<hbm>> -> memref<1x128xi32, #tpu.memory_space<hbm>>
            tpu.wait_dma2 semaphore(%dma_wait3A_304 : memref<!tpu.dma_semaphore, #tpu.memory_space<semaphore_mem>>) src(%dma_wait3A_310 : memref<1x128xi32, #tpu.memory_space<hbm>>) dst(%dma_wait3A_308 : memref<1x128xi32, #tpu.memory_space<vmem>>)
            "tpu.trace_stop"() : () -> ()
          } else {
          }
          %ne3A_216 = arith.cmpi ne, %add3A_155, %add3A_165 : i32
          %or3A_217 = arith.constant false
          %or3A_218 = arith.ori %or3A_217, %ne3A_216 : i1
          %or3A_219 = arith.constant false
          %or3A_220 = arith.ori %or3A_218, %or3A_219 : i1
          %or3A_221 = arith.ori %or3A_220, %eq3A_151 : i1
          %convert_element_type3A_222 = arith.extui %or3A_221 : i1 to i32
          %cond3A_223 = arith.constant 0 : i32
          %cond3A_224 = arith.cmpi ne, %convert_element_type3A_222, %cond3A_223 : i32
          scf.if %cond3A_224 {
          } else {
          }
          %rem3A_225 = arith.constant 2 : i32
          %rem3A_226 = arith.remui %while3A_144, %rem3A_225 : i32
          %rem3A_227 = arith.constant 2 : i32
          %rem3A_228 = arith.remui %while3A_145, %rem3A_227 : i32
          %run_scoped3A_229 = arith.constant 0 : i32
          "tpu.trace_start"() <{level = 10 : i32, message = "ep_run_kernel"}> : () -> ()
          "tpu.region"() ({
            %run_scoped3A_294 = tpu.sem_alloc : memref<!tpu.dma_semaphore, #tpu.memory_space<semaphore_mem>>
            %dma_start3A_295 = arith.constant 0 : i32
            %dma_start3A_296 = arith.constant 0 : i32
            %dma_start3A_297 = tpu.memref_slice %run_scoped3A_18[%rem3A_228, %dma_start3A_295, %dma_start3A_296] : memref<2x128x128xf32, #tpu.memory_space<vmem>> -> memref<1x128x128xf32, #tpu.memory_space<vmem>>
            %dma_start3A_298 = tpu.memref_squeeze %dma_start3A_297 : memref<1x128x128xf32, #tpu.memory_space<vmem>> -> memref<128x128xf32, #tpu.memory_space<vmem>>
            %dma_start3A_299 = arith.constant 0 : i32
            %dma_start3A_300 = arith.constant 0 : i32
            %dma_start3A_301 = tpu.memref_slice %run_scoped3A[%rem3A_226, %dma_start3A_299, %dma_start3A_300] : memref<2x1x128xi32, #tpu.memory_space<vmem>> -> memref<1x1x128xi32, #tpu.memory_space<vmem>>
            %dma_start3A_302 = tpu.memref_squeeze %dma_start3A_301 : memref<1x1x128xi32, #tpu.memory_space<vmem>> -> memref<1x128xi32, #tpu.memory_space<vmem>>
            %dma_start3A_303 = arith.constant 0 : i32
            %dma_start3A_304 = tpu.memref_slice %dma_start3A_302[%run_scoped3A_229, %dma_start3A_303] : memref<1x128xi32, #tpu.memory_space<vmem>> -> memref<1x128xi32, #tpu.memory_space<vmem>>
            %dma_start3A_305 = tpu.memref_squeeze %dma_start3A_304 : memref<1x128xi32, #tpu.memory_space<vmem>> -> memref<128xi32, #tpu.memory_space<vmem>>
            %dma_start3A_306 = arith.constant 0 : i32
            %dma_start3A_307 = arith.constant 0 : i32
            %dma_start3A_308 = tpu.memref_slice %arg2[%dma_start3A_306, %dma_start3A_307] : memref<50000x128xf32, #tpu.memory_space<hbm>> -> memref<50000x128xf32, #tpu.memory_space<hbm>>
            tpu.enqueue_indirect_dma source(%dma_start3A_308 : memref<50000x128xf32, #tpu.memory_space<hbm>>) target(%dma_start3A_298 : memref<128x128xf32, #tpu.memory_space<vmem>>) offsets(%dma_start3A_305 : memref<128xi32, #tpu.memory_space<vmem>>) semaphore(%run_scoped3A_294 : memref<!tpu.dma_semaphore, #tpu.memory_space<semaphore_mem>>)
            %dma_wait3A = arith.constant 0 : i32
            %dma_wait3A_309 = arith.constant 0 : i32
            %dma_wait3A_310 = tpu.memref_slice %run_scoped3A_18[%rem3A_228, %dma_wait3A, %dma_wait3A_309] : memref<2x128x128xf32, #tpu.memory_space<vmem>> -> memref<1x128x128xf32, #tpu.memory_space<vmem>>
            %dma_wait3A_311 = tpu.memref_squeeze %dma_wait3A_310 : memref<1x128x128xf32, #tpu.memory_space<vmem>> -> memref<128x128xf32, #tpu.memory_space<vmem>>
            %dma_wait3A_312 = arith.constant 0 : i32
            %dma_wait3A_313 = arith.constant 0 : i32
            %dma_wait3A_314 = tpu.memref_slice %run_scoped3A[%rem3A_226, %dma_wait3A_312, %dma_wait3A_313] : memref<2x1x128xi32, #tpu.memory_space<vmem>> -> memref<1x1x128xi32, #tpu.memory_space<vmem>>
            %dma_wait3A_315 = tpu.memref_squeeze %dma_wait3A_314 : memref<1x1x128xi32, #tpu.memory_space<vmem>> -> memref<1x128xi32, #tpu.memory_space<vmem>>
            %dma_wait3A_316 = arith.constant 0 : i32
            %dma_wait3A_317 = tpu.memref_slice %dma_wait3A_315[%run_scoped3A_229, %dma_wait3A_316] : memref<1x128xi32, #tpu.memory_space<vmem>> -> memref<1x128xi32, #tpu.memory_space<vmem>>
            %dma_wait3A_318 = tpu.memref_squeeze %dma_wait3A_317 : memref<1x128xi32, #tpu.memory_space<vmem>> -> memref<128xi32, #tpu.memory_space<vmem>>
            %dma_wait3A_319 = arith.constant 0 : i32
            %dma_wait3A_320 = arith.constant 0 : i32
            %dma_wait3A_321 = tpu.memref_slice %arg2[%dma_wait3A_319, %dma_wait3A_320] : memref<50000x128xf32, #tpu.memory_space<hbm>> -> memref<50000x128xf32, #tpu.memory_space<hbm>>
            tpu.wait_indirect_dma semaphore(%run_scoped3A_294 : memref<!tpu.dma_semaphore, #tpu.memory_space<semaphore_mem>>) src(%dma_wait3A_321 : memref<50000x128xf32, #tpu.memory_space<hbm>>) dst(%dma_wait3A_311 : memref<128x128xf32, #tpu.memory_space<vmem>>)
            tpu.yield
          }) : () -> ()
          "tpu.trace_stop"() : () -> ()
          %ne3A_230 = arith.cmpi ne, %add3A_155, %add3A_173 : i32
          %or3A_231 = arith.constant false
          %or3A_232 = arith.ori %or3A_231, %ne3A_230 : i1
          %or3A_233 = arith.ori %or3A_232, %eq3A_154 : i1
          %convert_element_type3A_234 = arith.extui %or3A_233 : i1 to i32
          %cond3A_235 = arith.constant 0 : i32
          %cond3A_236 = arith.cmpi ne, %convert_element_type3A_234, %cond3A_235 : i32
          scf.if %cond3A_236 {
          } else {
          }
          %and3A_237 = arith.constant false
          %and3A_238 = arith.andi %or3A_233, %and3A_237 : i1
          %ne3A_239 = arith.cmpi ne, %add3A_155, %add3A_173 : i32
          %or3A_240 = arith.constant false
          %or3A_241 = arith.ori %or3A_240, %ne3A_239 : i1
          %or3A_242 = arith.constant false
          %or3A_243 = arith.ori %or3A_241, %or3A_242 : i1
          %or3A_244 = arith.ori %or3A_243, %eq3A_154 : i1
          %convert_element_type3A_245 = arith.extui %or3A_244 : i1 to i32
          %cond3A_246 = arith.constant 0 : i32
          %cond3A_247 = arith.cmpi ne, %convert_element_type3A_245, %cond3A_246 : i32
          scf.if %cond3A_247 {
            "tpu.trace_start"() <{level = 10 : i32, message = "ep_copy_out"}> : () -> ()
            %rem3A_294 = arith.constant 2 : i32
            %rem3A_295 = arith.remui %while3A_145, %rem3A_294 : i32
            %mul3A_296 = arith.constant 128 : i32
            %mul3A_297 = arith.muli %mul3A_296, %add3A_155 : i32
            %dma_start3A_298 = arith.constant 0 : i32
            %dma_start3A_299 = arith.constant 0 : i32
            %dma_start3A_300 = tpu.memref_slice %run_scoped3A_18[%rem3A_295, %dma_start3A_298, %dma_start3A_299] : memref<2x128x128xf32, #tpu.memory_space<vmem>> -> memref<1x128x128xf32, #tpu.memory_space<vmem>>
            %dma_start3A_301 = tpu.memref_squeeze %dma_start3A_300 : memref<1x128x128xf32, #tpu.memory_space<vmem>> -> memref<128x128xf32, #tpu.memory_space<vmem>>
            %dma_start3A_302 = arith.constant 0 : i32
            %dma_start3A_303 = tpu.memref_slice %arg4[%mul3A_297, %dma_start3A_302] : memref<160000x128xf32, #tpu.memory_space<hbm>> -> memref<128x128xf32, #tpu.memory_space<hbm>>
            %dma_start3A_304 = tpu.memref_slice %run_scoped3A_19[%rem3A_295] : memref<2x!tpu.dma_semaphore, #tpu.memory_space<semaphore_mem>> -> memref<1x!tpu.dma_semaphore, #tpu.memory_space<semaphore_mem>>
            %dma_start3A_305 = tpu.memref_squeeze %dma_start3A_304 : memref<1x!tpu.dma_semaphore, #tpu.memory_space<semaphore_mem>> -> memref<!tpu.dma_semaphore, #tpu.memory_space<semaphore_mem>>
            %dma_start3A_306 = arith.constant 0 : i32
            %dma_start3A_307 = tpu.memref_slice %arg4[%mul3A_297, %dma_start3A_306] : memref<160000x128xf32, #tpu.memory_space<hbm>> -> memref<128x128xf32, #tpu.memory_space<hbm>>
            %dma_start3A_308 = arith.constant 0 : i32
            %dma_start3A_309 = arith.constant 0 : i32
            %dma_start3A_310 = tpu.memref_slice %run_scoped3A_18[%rem3A_295, %dma_start3A_308, %dma_start3A_309] : memref<2x128x128xf32, #tpu.memory_space<vmem>> -> memref<1x128x128xf32, #tpu.memory_space<vmem>>
            %dma_start3A_311 = tpu.memref_squeeze %dma_start3A_310 : memref<1x128x128xf32, #tpu.memory_space<vmem>> -> memref<128x128xf32, #tpu.memory_space<vmem>>
            tpu.enqueue_dma source(%dma_start3A_311 : memref<128x128xf32, #tpu.memory_space<vmem>>) target(%dma_start3A_307 : memref<128x128xf32, #tpu.memory_space<hbm>>) target_semaphore(%dma_start3A_305 : memref<!tpu.dma_semaphore, #tpu.memory_space<semaphore_mem>>)
            "tpu.trace_stop"() : () -> ()
          } else {
          }
          %and3A_248 = arith.constant true
          %and3A_249 = arith.andi %or3A_244, %and3A_248 : i1
          %add3A_250 = arith.constant 1 : i32
          %add3A_251 = arith.addi %while3A_145, %add3A_250 : i32
          %select_n3A_252 = arith.select %and3A_249, %add3A_251, %while3A_145 : i32
          %ne3A_253 = arith.cmpi ne, %add3A_155, %add3A_165 : i32
          %or3A_254 = arith.constant false
          %or3A_255 = arith.ori %or3A_254, %ne3A_253 : i1
          %not3A_256 = arith.constant true
          %not3A_257 = arith.xori %eq3A_151, %not3A_256 : i1
          %and3A_258 = arith.andi %or3A_255, %not3A_257 : i1
          %convert_element_type3A_259 = arith.extui %and3A_258 : i1 to i32
          %cond3A_260 = arith.constant 0 : i32
          %cond3A_261 = arith.cmpi ne, %convert_element_type3A_259, %cond3A_260 : i32
          scf.if %cond3A_261 {
          } else {
          }
          %and3A_262 = arith.constant false
          %and3A_263 = arith.andi %and3A_258, %and3A_262 : i1
          %ne3A_264 = arith.cmpi ne, %add3A_155, %add3A_165 : i32
          %or3A_265 = arith.constant false
          %or3A_266 = arith.ori %or3A_265, %ne3A_264 : i1
          %or3A_267 = arith.constant false
          %or3A_268 = arith.ori %or3A_266, %or3A_267 : i1
          %not3A_269 = arith.constant true
          %not3A_270 = arith.xori %eq3A_151, %not3A_269 : i1
          %and3A_271 = arith.andi %or3A_268, %not3A_270 : i1
          %convert_element_type3A_272 = arith.extui %and3A_271 : i1 to i32
          %cond3A_273 = arith.constant 0 : i32
          %cond3A_274 = arith.cmpi ne, %convert_element_type3A_272, %cond3A_273 : i32
          scf.if %cond3A_274 {
            "tpu.trace_start"() <{level = 10 : i32, message = "ep_wait_out"}> : () -> ()
            %rem3A_294 = arith.constant 2 : i32
            %rem3A_295 = arith.remui %while3A_146, %rem3A_294 : i32
            %mul3A_296 = arith.constant 128 : i32
            %mul3A_297 = arith.muli %mul3A_296, %add3A_165 : i32
            %dma_wait3A = arith.constant 0 : i32
            %dma_wait3A_298 = arith.constant 0 : i32
            %dma_wait3A_299 = tpu.memref_slice %run_scoped3A_18[%rem3A_295, %dma_wait3A, %dma_wait3A_298] : memref<2x128x128xf32, #tpu.memory_space<vmem>> -> memref<1x128x128xf32, #tpu.memory_space<vmem>>
            %dma_wait3A_300 = tpu.memref_squeeze %dma_wait3A_299 : memref<1x128x128xf32, #tpu.memory_space<vmem>> -> memref<128x128xf32, #tpu.memory_space<vmem>>
            %dma_wait3A_301 = arith.constant 0 : i32
            %dma_wait3A_302 = tpu.memref_slice %arg4[%mul3A_297, %dma_wait3A_301] : memref<160000x128xf32, #tpu.memory_space<hbm>> -> memref<128x128xf32, #tpu.memory_space<hbm>>
            %dma_wait3A_303 = tpu.memref_slice %run_scoped3A_19[%rem3A_295] : memref<2x!tpu.dma_semaphore, #tpu.memory_space<semaphore_mem>> -> memref<1x!tpu.dma_semaphore, #tpu.memory_space<semaphore_mem>>
            %dma_wait3A_304 = tpu.memref_squeeze %dma_wait3A_303 : memref<1x!tpu.dma_semaphore, #tpu.memory_space<semaphore_mem>> -> memref<!tpu.dma_semaphore, #tpu.memory_space<semaphore_mem>>
            %dma_wait3A_305 = arith.constant 0 : i32
            %dma_wait3A_306 = tpu.memref_slice %arg4[%mul3A_297, %dma_wait3A_305] : memref<160000x128xf32, #tpu.memory_space<hbm>> -> memref<128x128xf32, #tpu.memory_space<hbm>>
            %dma_wait3A_307 = arith.constant 0 : i32
            %dma_wait3A_308 = arith.constant 0 : i32
            %dma_wait3A_309 = tpu.memref_slice %run_scoped3A_18[%rem3A_295, %dma_wait3A_307, %dma_wait3A_308] : memref<2x128x128xf32, #tpu.memory_space<vmem>> -> memref<1x128x128xf32, #tpu.memory_space<vmem>>
            %dma_wait3A_310 = tpu.memref_squeeze %dma_wait3A_309 : memref<1x128x128xf32, #tpu.memory_space<vmem>> -> memref<128x128xf32, #tpu.memory_space<vmem>>
            tpu.wait_dma2 semaphore(%dma_wait3A_304 : memref<!tpu.dma_semaphore, #tpu.memory_space<semaphore_mem>>) src(%dma_wait3A_310 : memref<128x128xf32, #tpu.memory_space<vmem>>) dst(%dma_wait3A_306 : memref<128x128xf32, #tpu.memory_space<hbm>>)
            "tpu.trace_stop"() : () -> ()
          } else {
          }
          %and3A_275 = arith.constant true
          %and3A_276 = arith.andi %and3A_271, %and3A_275 : i1
          %add3A_277 = arith.constant 1 : i32
          %add3A_278 = arith.addi %while3A_146, %add3A_277 : i32
          %select_n3A_279 = arith.select %and3A_276, %add3A_278, %while3A_146 : i32
          %ne3A_280 = arith.cmpi ne, %add3A_155, %add3A_173 : i32
          %or3A_281 = arith.constant false
          %or3A_282 = arith.ori %or3A_281, %ne3A_280 : i1
          %or3A_283 = arith.ori %or3A_282, %eq3A_154 : i1
          %add3A_284 = arith.constant 1 : i32
          %add3A_285 = arith.addi %while3A_144, %add3A_284 : i32
          %select_n3A_286 = arith.select %or3A_283, %add3A_285, %while3A_144 : i32
          %add3A_287 = arith.constant 1 : i32
          %add3A_288 = arith.addi %while3A_147, %add3A_287 : i32
          %select_n3A_289 = arith.constant true
          %select_n3A_290 = arith.select %select_n3A_289, %add3A_288, %while3A_147 : i32
          %eq3A_291 = arith.cmpi eq, %select_n3A_290, %select_n3A : i32
          %select_n3A_292 = arith.constant 0 : i32
          %select_n3A_293 = arith.select %eq3A_291, %select_n3A_292, %select_n3A_290 : i32
          scf.yield %select_n3A_195, %select_n3A_286, %select_n3A_252, %select_n3A_279, %select_n3A_293 : i32, i32, i32, i32, i32
        }
        %sub3A_91 = arith.constant 1 : i32
        %sub3A_92 = arith.subi %while3A_90#4, %sub3A_91 : i32
        %select_n3A_93 = arith.constant true
        %select_n3A_94 = arith.select %select_n3A_93, %sub3A_92, %while3A_90#4 : i32
        %eq3A_95 = arith.constant -1 : i32
        %eq3A_96 = arith.cmpi eq, %select_n3A_94, %eq3A_95 : i32
        %sub3A_97 = arith.constant 1 : i32
        %sub3A_98 = arith.subi %select_n3A, %sub3A_97 : i32
        %select_n3A_99 = arith.select %eq3A_96, %sub3A_98, %select_n3A_94 : i32
        %sub3A_100 = arith.constant 1 : i32
        %sub3A_101 = arith.subi %mul3A_16, %sub3A_100 : i32
        %mul3A_102 = arith.constant 1 : i32
        %mul3A_103 = arith.muli %mul3A_102, %select_n3A : i32
        %eq3A_104 = arith.constant 0 : i32
        %eq3A_105 = arith.cmpi eq, %sub3A_101, %eq3A_104 : i32
        %sub3A_106 = arith.constant 1 : i32
        %sub3A_107 = arith.subi %mul3A_103, %sub3A_106 : i32
        %eq3A_108 = arith.cmpi eq, %sub3A_101, %sub3A_107 : i32
        %add3A_109 = arith.addi %select_n3A_99, %select_n3A_14 : i32
        %sub3A_110 = arith.constant 1 : i32
        %sub3A_111 = arith.subi %select_n3A_99, %sub3A_110 : i32
        %select_n3A_112 = arith.constant true
        %select_n3A_113 = arith.select %select_n3A_112, %sub3A_111, %select_n3A_99 : i32
        %eq3A_114 = arith.constant -1 : i32
        %eq3A_115 = arith.cmpi eq, %select_n3A_113, %eq3A_114 : i32
        %sub3A_116 = arith.constant 1 : i32
        %sub3A_117 = arith.subi %select_n3A, %sub3A_116 : i32
        %select_n3A_118 = arith.select %eq3A_115, %sub3A_117, %select_n3A_113 : i32
        %add3A_119 = arith.addi %select_n3A_118, %select_n3A_14 : i32
        %add3A_120 = arith.constant 1 : i32
        %add3A_121 = arith.addi %select_n3A_99, %add3A_120 : i32
        %select_n3A_122 = arith.constant true
        %select_n3A_123 = arith.select %select_n3A_122, %add3A_121, %select_n3A_99 : i32
        %eq3A_124 = arith.cmpi eq, %select_n3A_123, %select_n3A : i32
        %select_n3A_125 = arith.constant 0 : i32
        %select_n3A_126 = arith.select %eq3A_124, %select_n3A_125, %select_n3A_123 : i32
        %add3A_127 = arith.addi %select_n3A_126, %select_n3A_14 : i32
        %add3A_128 = arith.constant 1 : i32
        %add3A_129 = arith.addi %select_n3A_126, %add3A_128 : i32
        %select_n3A_130 = arith.constant true
        %select_n3A_131 = arith.select %select_n3A_130, %add3A_129, %select_n3A_126 : i32
        %eq3A_132 = arith.cmpi eq, %select_n3A_131, %select_n3A : i32
        %select_n3A_133 = arith.constant 0 : i32
        %select_n3A_134 = arith.select %eq3A_132, %select_n3A_133, %select_n3A_131 : i32
        %add3A_135 = arith.addi %select_n3A_134, %select_n3A_14 : i32
        %convert_element_type3A_136 = arith.extui %eq3A_108 : i1 to i32
        %cond3A_137 = arith.constant 0 : i32
        %cond3A_138 = arith.cmpi ne, %convert_element_type3A_136, %cond3A_137 : i32
        scf.if %cond3A_138 {
        } else {
        }
        %convert_element_type3A_139 = arith.extui %eq3A_108 : i1 to i32
        %cond3A_140 = arith.constant 0 : i32
        %cond3A_141 = arith.cmpi ne, %convert_element_type3A_139, %cond3A_140 : i32
        scf.if %cond3A_141 {
          "tpu.trace_start"() <{level = 10 : i32, message = "ep_finalize"}> : () -> ()
          %rem3A_142 = arith.constant 2 : i32
          %rem3A_143 = arith.remui %while3A_90#3, %rem3A_142 : i32
          %mul3A_144 = arith.constant 128 : i32
          %mul3A_145 = arith.muli %mul3A_144, %add3A_109 : i32
          %dma_wait3A = arith.constant 0 : i32
          %dma_wait3A_146 = arith.constant 0 : i32
          %dma_wait3A_147 = tpu.memref_slice %run_scoped3A_18[%rem3A_143, %dma_wait3A, %dma_wait3A_146] : memref<2x128x128xf32, #tpu.memory_space<vmem>> -> memref<1x128x128xf32, #tpu.memory_space<vmem>>
          %dma_wait3A_148 = tpu.memref_squeeze %dma_wait3A_147 : memref<1x128x128xf32, #tpu.memory_space<vmem>> -> memref<128x128xf32, #tpu.memory_space<vmem>>
          %dma_wait3A_149 = arith.constant 0 : i32
          %dma_wait3A_150 = tpu.memref_slice %arg4[%mul3A_145, %dma_wait3A_149] : memref<160000x128xf32, #tpu.memory_space<hbm>> -> memref<128x128xf32, #tpu.memory_space<hbm>>
          %dma_wait3A_151 = tpu.memref_slice %run_scoped3A_19[%rem3A_143] : memref<2x!tpu.dma_semaphore, #tpu.memory_space<semaphore_mem>> -> memref<1x!tpu.dma_semaphore, #tpu.memory_space<semaphore_mem>>
          %dma_wait3A_152 = tpu.memref_squeeze %dma_wait3A_151 : memref<1x!tpu.dma_semaphore, #tpu.memory_space<semaphore_mem>> -> memref<!tpu.dma_semaphore, #tpu.memory_space<semaphore_mem>>
          %dma_wait3A_153 = arith.constant 0 : i32
          %dma_wait3A_154 = tpu.memref_slice %arg4[%mul3A_145, %dma_wait3A_153] : memref<160000x128xf32, #tpu.memory_space<hbm>> -> memref<128x128xf32, #tpu.memory_space<hbm>>
          %dma_wait3A_155 = arith.constant 0 : i32
          %dma_wait3A_156 = arith.constant 0 : i32
          %dma_wait3A_157 = tpu.memref_slice %run_scoped3A_18[%rem3A_143, %dma_wait3A_155, %dma_wait3A_156] : memref<2x128x128xf32, #tpu.memory_space<vmem>> -> memref<1x128x128xf32, #tpu.memory_space<vmem>>
          %dma_wait3A_158 = tpu.memref_squeeze %dma_wait3A_157 : memref<1x128x128xf32, #tpu.memory_space<vmem>> -> memref<128x128xf32, #tpu.memory_space<vmem>>
          tpu.wait_dma2 semaphore(%dma_wait3A_152 : memref<!tpu.dma_semaphore, #tpu.memory_space<semaphore_mem>>) src(%dma_wait3A_158 : memref<128x128xf32, #tpu.memory_space<vmem>>) dst(%dma_wait3A_154 : memref<128x128xf32, #tpu.memory_space<hbm>>)
          "tpu.trace_stop"() : () -> ()
        } else {
        }
      } else {
      }
      tpu.yield
    }) : () -> ()
    return
  }
}

module attributes {stable_mosaic.version = 14 : i64} {
  func.func @_tc_body(%arg0: i32, %arg1: memref<16x400x128xf32, #tpu.memory_space<vmem>>, %arg2: memref<400x16xf32, #tpu.memory_space<vmem>>, %arg3: memref<512x256xf32, #tpu.memory_space<vmem>>, %arg4: memref<1x256xf32, #tpu.memory_space<vmem>>, %arg5: memref<16x960xbf16, #tpu.memory_space<vmem>>, %arg6: memref<960x64xbf16, #tpu.memory_space<vmem>>, %arg7: memref<960x64xbf16, #tpu.memory_space<vmem>>, %arg8: memref<400x64xf32, #tpu.memory_space<vmem>>) attributes {dimension_semantics = [#tpu.dimension_semantics<arbitrary>], iteration_bounds = array<i64: 25>, scalar_prefetch = 0 : i64, scratch_operands = 0 : i64, tpu.core_type = #tpu.core_type<tc>, window_params = [{transform_indices = @transform_0, window_bounds = array<i64: 16, 400, 128>}, {transform_indices = @transform_1, window_bounds = array<i64: 400, 16>}, {pipeline_mode = #tpu.pipeline_mode<synchronous>, transform_indices = @transform_2, window_bounds = array<i64: 512, 256>}, {pipeline_mode = #tpu.pipeline_mode<synchronous>, transform_indices = @transform_3, window_bounds = array<i64: 1, 256>}, {pipeline_mode = #tpu.pipeline_mode<synchronous>, transform_indices = @transform_4, window_bounds = array<i64: 16, 960>}, {pipeline_mode = #tpu.pipeline_mode<synchronous>, transform_indices = @transform_5, window_bounds = array<i64: 960, 64>}, {pipeline_mode = #tpu.pipeline_mode<synchronous>, transform_indices = @transform_6, window_bounds = array<i64: 960, 64>}, {transform_indices = @transform_7, window_bounds = array<i64: 400, 64>}]} {
    %get3A = arith.constant 0 : index
    %get3A_0 = arith.constant 0 : index
    %get3A_1 = vector.load %arg2[%get3A, %get3A_0] : memref<400x16xf32, #tpu.memory_space<vmem>>, vector<400x16xf32>
    %get3A_2 = arith.constant 0 : index
    %get3A_3 = arith.constant 0 : index
    %get3A_4 = vector.load %arg5[%get3A_2, %get3A_3] : memref<16x960xbf16, #tpu.memory_space<vmem>>, vector<16x960xbf16>
    %get3A_5 = arith.constant 0 : index
    %get3A_6 = arith.constant 0 : index
    %get3A_7 = arith.constant 0 : index
    %get3A_8 = vector.load %arg1[%get3A_5, %get3A_6, %get3A_7] : memref<16x400x128xf32, #tpu.memory_space<vmem>>, vector<1x400x128xf32>
    %get3A_9 = vector.shape_cast %get3A_8 : vector<1x400x128xf32> to vector<400x128xf32>
    %slice3A = vector.extract_strided_slice %get3A_9 {offsets = [0, 64], sizes = [400, 16], strides = [1, 1]} : vector<400x128xf32> to vector<400x16xf32>
    %sub3A = arith.subf %slice3A, %get3A_1 : vector<400x16xf32>
    %get3A_10 = arith.constant 1 : index
    %get3A_11 = arith.constant 0 : index
    %get3A_12 = arith.constant 0 : index
    %get3A_13 = vector.load %arg1[%get3A_10, %get3A_11, %get3A_12] : memref<16x400x128xf32, #tpu.memory_space<vmem>>, vector<1x400x128xf32>
    %get3A_14 = vector.shape_cast %get3A_13 : vector<1x400x128xf32> to vector<400x128xf32>
    %slice3A_15 = vector.extract_strided_slice %get3A_14 {offsets = [0, 64], sizes = [400, 16], strides = [1, 1]} : vector<400x128xf32> to vector<400x16xf32>
    %sub3A_16 = arith.subf %slice3A_15, %get3A_1 : vector<400x16xf32>
    %get3A_17 = arith.constant 2 : index
    %get3A_18 = arith.constant 0 : index
    %get3A_19 = arith.constant 0 : index
    %get3A_20 = vector.load %arg1[%get3A_17, %get3A_18, %get3A_19] : memref<16x400x128xf32, #tpu.memory_space<vmem>>, vector<1x400x128xf32>
    %get3A_21 = vector.shape_cast %get3A_20 : vector<1x400x128xf32> to vector<400x128xf32>
    %slice3A_22 = vector.extract_strided_slice %get3A_21 {offsets = [0, 64], sizes = [400, 16], strides = [1, 1]} : vector<400x128xf32> to vector<400x16xf32>
    %sub3A_23 = arith.subf %slice3A_22, %get3A_1 : vector<400x16xf32>
    %get3A_24 = arith.constant 3 : index
    %get3A_25 = arith.constant 0 : index
    %get3A_26 = arith.constant 0 : index
    %get3A_27 = vector.load %arg1[%get3A_24, %get3A_25, %get3A_26] : memref<16x400x128xf32, #tpu.memory_space<vmem>>, vector<1x400x128xf32>
    %get3A_28 = vector.shape_cast %get3A_27 : vector<1x400x128xf32> to vector<400x128xf32>
    %slice3A_29 = vector.extract_strided_slice %get3A_28 {offsets = [0, 64], sizes = [400, 16], strides = [1, 1]} : vector<400x128xf32> to vector<400x16xf32>
    %sub3A_30 = arith.subf %slice3A_29, %get3A_1 : vector<400x16xf32>
    %get3A_31 = arith.constant 4 : index
    %get3A_32 = arith.constant 0 : index
    %get3A_33 = arith.constant 0 : index
    %get3A_34 = vector.load %arg1[%get3A_31, %get3A_32, %get3A_33] : memref<16x400x128xf32, #tpu.memory_space<vmem>>, vector<1x400x128xf32>
    %get3A_35 = vector.shape_cast %get3A_34 : vector<1x400x128xf32> to vector<400x128xf32>
    %slice3A_36 = vector.extract_strided_slice %get3A_35 {offsets = [0, 64], sizes = [400, 16], strides = [1, 1]} : vector<400x128xf32> to vector<400x16xf32>
    %sub3A_37 = arith.subf %slice3A_36, %get3A_1 : vector<400x16xf32>
    %get3A_38 = arith.constant 5 : index
    %get3A_39 = arith.constant 0 : index
    %get3A_40 = arith.constant 0 : index
    %get3A_41 = vector.load %arg1[%get3A_38, %get3A_39, %get3A_40] : memref<16x400x128xf32, #tpu.memory_space<vmem>>, vector<1x400x128xf32>
    %get3A_42 = vector.shape_cast %get3A_41 : vector<1x400x128xf32> to vector<400x128xf32>
    %slice3A_43 = vector.extract_strided_slice %get3A_42 {offsets = [0, 64], sizes = [400, 16], strides = [1, 1]} : vector<400x128xf32> to vector<400x16xf32>
    %sub3A_44 = arith.subf %slice3A_43, %get3A_1 : vector<400x16xf32>
    %get3A_45 = arith.constant 6 : index
    %get3A_46 = arith.constant 0 : index
    %get3A_47 = arith.constant 0 : index
    %get3A_48 = vector.load %arg1[%get3A_45, %get3A_46, %get3A_47] : memref<16x400x128xf32, #tpu.memory_space<vmem>>, vector<1x400x128xf32>
    %get3A_49 = vector.shape_cast %get3A_48 : vector<1x400x128xf32> to vector<400x128xf32>
    %slice3A_50 = vector.extract_strided_slice %get3A_49 {offsets = [0, 64], sizes = [400, 16], strides = [1, 1]} : vector<400x128xf32> to vector<400x16xf32>
    %sub3A_51 = arith.subf %slice3A_50, %get3A_1 : vector<400x16xf32>
    %get3A_52 = arith.constant 7 : index
    %get3A_53 = arith.constant 0 : index
    %get3A_54 = arith.constant 0 : index
    %get3A_55 = vector.load %arg1[%get3A_52, %get3A_53, %get3A_54] : memref<16x400x128xf32, #tpu.memory_space<vmem>>, vector<1x400x128xf32>
    %get3A_56 = vector.shape_cast %get3A_55 : vector<1x400x128xf32> to vector<400x128xf32>
    %slice3A_57 = vector.extract_strided_slice %get3A_56 {offsets = [0, 64], sizes = [400, 16], strides = [1, 1]} : vector<400x128xf32> to vector<400x16xf32>
    %sub3A_58 = arith.subf %slice3A_57, %get3A_1 : vector<400x16xf32>
    %get3A_59 = arith.constant 8 : index
    %get3A_60 = arith.constant 0 : index
    %get3A_61 = arith.constant 0 : index
    %get3A_62 = vector.load %arg1[%get3A_59, %get3A_60, %get3A_61] : memref<16x400x128xf32, #tpu.memory_space<vmem>>, vector<1x400x128xf32>
    %get3A_63 = vector.shape_cast %get3A_62 : vector<1x400x128xf32> to vector<400x128xf32>
    %slice3A_64 = vector.extract_strided_slice %get3A_63 {offsets = [0, 64], sizes = [400, 16], strides = [1, 1]} : vector<400x128xf32> to vector<400x16xf32>
    %sub3A_65 = arith.subf %slice3A_64, %get3A_1 : vector<400x16xf32>
    %get3A_66 = arith.constant 9 : index
    %get3A_67 = arith.constant 0 : index
    %get3A_68 = arith.constant 0 : index
    %get3A_69 = vector.load %arg1[%get3A_66, %get3A_67, %get3A_68] : memref<16x400x128xf32, #tpu.memory_space<vmem>>, vector<1x400x128xf32>
    %get3A_70 = vector.shape_cast %get3A_69 : vector<1x400x128xf32> to vector<400x128xf32>
    %slice3A_71 = vector.extract_strided_slice %get3A_70 {offsets = [0, 64], sizes = [400, 16], strides = [1, 1]} : vector<400x128xf32> to vector<400x16xf32>
    %sub3A_72 = arith.subf %slice3A_71, %get3A_1 : vector<400x16xf32>
    %get3A_73 = arith.constant 10 : index
    %get3A_74 = arith.constant 0 : index
    %get3A_75 = arith.constant 0 : index
    %get3A_76 = vector.load %arg1[%get3A_73, %get3A_74, %get3A_75] : memref<16x400x128xf32, #tpu.memory_space<vmem>>, vector<1x400x128xf32>
    %get3A_77 = vector.shape_cast %get3A_76 : vector<1x400x128xf32> to vector<400x128xf32>
    %slice3A_78 = vector.extract_strided_slice %get3A_77 {offsets = [0, 64], sizes = [400, 16], strides = [1, 1]} : vector<400x128xf32> to vector<400x16xf32>
    %sub3A_79 = arith.subf %slice3A_78, %get3A_1 : vector<400x16xf32>
    %get3A_80 = arith.constant 11 : index
    %get3A_81 = arith.constant 0 : index
    %get3A_82 = arith.constant 0 : index
    %get3A_83 = vector.load %arg1[%get3A_80, %get3A_81, %get3A_82] : memref<16x400x128xf32, #tpu.memory_space<vmem>>, vector<1x400x128xf32>
    %get3A_84 = vector.shape_cast %get3A_83 : vector<1x400x128xf32> to vector<400x128xf32>
    %slice3A_85 = vector.extract_strided_slice %get3A_84 {offsets = [0, 64], sizes = [400, 16], strides = [1, 1]} : vector<400x128xf32> to vector<400x16xf32>
    %sub3A_86 = arith.subf %slice3A_85, %get3A_1 : vector<400x16xf32>
    %get3A_87 = arith.constant 12 : index
    %get3A_88 = arith.constant 0 : index
    %get3A_89 = arith.constant 0 : index
    %get3A_90 = vector.load %arg1[%get3A_87, %get3A_88, %get3A_89] : memref<16x400x128xf32, #tpu.memory_space<vmem>>, vector<1x400x128xf32>
    %get3A_91 = vector.shape_cast %get3A_90 : vector<1x400x128xf32> to vector<400x128xf32>
    %slice3A_92 = vector.extract_strided_slice %get3A_91 {offsets = [0, 64], sizes = [400, 16], strides = [1, 1]} : vector<400x128xf32> to vector<400x16xf32>
    %sub3A_93 = arith.subf %slice3A_92, %get3A_1 : vector<400x16xf32>
    %get3A_94 = arith.constant 13 : index
    %get3A_95 = arith.constant 0 : index
    %get3A_96 = arith.constant 0 : index
    %get3A_97 = vector.load %arg1[%get3A_94, %get3A_95, %get3A_96] : memref<16x400x128xf32, #tpu.memory_space<vmem>>, vector<1x400x128xf32>
    %get3A_98 = vector.shape_cast %get3A_97 : vector<1x400x128xf32> to vector<400x128xf32>
    %slice3A_99 = vector.extract_strided_slice %get3A_98 {offsets = [0, 64], sizes = [400, 16], strides = [1, 1]} : vector<400x128xf32> to vector<400x16xf32>
    %sub3A_100 = arith.subf %slice3A_99, %get3A_1 : vector<400x16xf32>
    %get3A_101 = arith.constant 14 : index
    %get3A_102 = arith.constant 0 : index
    %get3A_103 = arith.constant 0 : index
    %get3A_104 = vector.load %arg1[%get3A_101, %get3A_102, %get3A_103] : memref<16x400x128xf32, #tpu.memory_space<vmem>>, vector<1x400x128xf32>
    %get3A_105 = vector.shape_cast %get3A_104 : vector<1x400x128xf32> to vector<400x128xf32>
    %slice3A_106 = vector.extract_strided_slice %get3A_105 {offsets = [0, 64], sizes = [400, 16], strides = [1, 1]} : vector<400x128xf32> to vector<400x16xf32>
    %sub3A_107 = arith.subf %slice3A_106, %get3A_1 : vector<400x16xf32>
    %get3A_108 = arith.constant 15 : index
    %get3A_109 = arith.constant 0 : index
    %get3A_110 = arith.constant 0 : index
    %get3A_111 = vector.load %arg1[%get3A_108, %get3A_109, %get3A_110] : memref<16x400x128xf32, #tpu.memory_space<vmem>>, vector<1x400x128xf32>
    %get3A_112 = vector.shape_cast %get3A_111 : vector<1x400x128xf32> to vector<400x128xf32>
    %slice3A_113 = vector.extract_strided_slice %get3A_112 {offsets = [0, 64], sizes = [400, 16], strides = [1, 1]} : vector<400x128xf32> to vector<400x16xf32>
    %sub3A_114 = arith.subf %slice3A_113, %get3A_1 : vector<400x16xf32>
    %concatenate3A = tpu.concatenate %sub3A, %sub3A_16, %sub3A_23, %sub3A_30, %sub3A_37, %sub3A_44, %sub3A_51, %sub3A_58, %sub3A_65, %sub3A_72, %sub3A_79, %sub3A_86, %sub3A_93, %sub3A_100, %sub3A_107, %sub3A_114 in 1 : vector<400x16xf32>, vector<400x16xf32>, vector<400x16xf32>, vector<400x16xf32>, vector<400x16xf32>, vector<400x16xf32>, vector<400x16xf32>, vector<400x16xf32>, vector<400x16xf32>, vector<400x16xf32>, vector<400x16xf32>, vector<400x16xf32>, vector<400x16xf32>, vector<400x16xf32>, vector<400x16xf32>, vector<400x16xf32> -> vector<400x256xf32>
    %mul3A = arith.mulf %concatenate3A, %concatenate3A : vector<400x256xf32>
    %concatenate3A_115 = tpu.concatenate %concatenate3A, %mul3A in 1 : vector<400x256xf32>, vector<400x256xf32> -> vector<400x512xf32>
    %get3A_116 = arith.constant 0 : index
    %get3A_117 = arith.constant 0 : index
    %get3A_118 = vector.load %arg3[%get3A_116, %get3A_117] : memref<512x256xf32, #tpu.memory_space<vmem>>, vector<512x256xf32>
    %dot_general3A = arith.constant dense<0.000000e+00> : vector<400x256xf32>
    %dot_general3A_119 = tpu.matmul %concatenate3A_115, %get3A_118, %dot_general3A {dimension_numbers = #tpu.dot_dimension_numbers<[1], [0], [0], [1], [0, 0, 1, 1], [], []>, precision = #tpu.contract_precision<fp32>, transpose_lhs_hint = false} : vector<400x512xf32>, vector<512x256xf32>, vector<400x256xf32> -> vector<400x256xf32>
    %get3A_120 = arith.constant 0 : index
    %get3A_121 = arith.constant 0 : index
    %get3A_122 = vector.load %arg4[%get3A_120, %get3A_121] : memref<1x256xf32, #tpu.memory_space<vmem>>, vector<1x256xf32>
    %add3A = vector.broadcast %get3A_122 : vector<1x256xf32> to vector<400x256xf32>
    %add3A_123 = arith.addf %dot_general3A_119, %add3A : vector<400x256xf32>
    %max3A = arith.constant 0.000000e+00 : f32
    %max3A_124 = vector.broadcast %max3A : f32 to vector<400x256xf32>
    %max3A_125 = arith.maximumf %add3A_123, %max3A_124 : vector<400x256xf32>
    %sqrt3A = math.sqrt %max3A_125 : vector<400x256xf32>
    %mul3A_126 = arith.constant 5.000000e-01 : f32
    %mul3A_127 = vector.broadcast %mul3A_126 : f32 to vector<400x256xf32>
    %mul3A_128 = arith.mulf %sqrt3A, %mul3A_127 : vector<400x256xf32>
    %sub3A_129 = arith.constant 1.000000e+00 : f32
    %sub3A_130 = vector.broadcast %sub3A_129 : f32 to vector<400x256xf32>
    %sub3A_131 = arith.subf %sub3A_130, %mul3A_128 : vector<400x256xf32>
    %max3A_132 = arith.constant 0.000000e+00 : f32
    %max3A_133 = vector.broadcast %max3A_132 : f32 to vector<400x256xf32>
    %max3A_134 = arith.maximumf %sub3A_131, %max3A_133 : vector<400x256xf32>
    %broadcast_in_dim3A = arith.constant 0.000000e+00 : f32
    %broadcast_in_dim3A_135 = vector.broadcast %broadcast_in_dim3A : f32 to vector<400x1xf32>
    %broadcast_in_dim3A_136 = arith.constant 0.000000e+00 : f32
    %broadcast_in_dim3A_137 = vector.broadcast %broadcast_in_dim3A_136 : f32 to vector<400x960xf32>
    %get3A_138 = arith.constant 0 : index
    %get3A_139 = arith.constant 0 : index
    %get3A_140 = arith.constant 0 : index
    %get3A_141 = vector.load %arg1[%get3A_138, %get3A_139, %get3A_140] : memref<16x400x128xf32, #tpu.memory_space<vmem>>, vector<1x400x128xf32>
    %get3A_142 = vector.shape_cast %get3A_141 : vector<1x400x128xf32> to vector<400x128xf32>
    %slice3A_143 = vector.extract_strided_slice %get3A_142 {offsets = [0, 0], sizes = [400, 64], strides = [1, 1]} : vector<400x128xf32> to vector<400x64xf32>
    %slice3A_144 = vector.extract_strided_slice %max3A_134 {offsets = [0, 0], sizes = [400, 16], strides = [1, 1]} : vector<400x256xf32> to vector<400x16xf32>
    %convert_element_type3A = arith.truncf %slice3A_144 : vector<400x16xf32> to vector<400x16xbf16>
    %dot_general3A_145 = arith.constant dense<0.000000e+00> : vector<400x960xf32>
    %dot_general3A_146 = tpu.matmul %convert_element_type3A, %get3A_4, %dot_general3A_145 {dimension_numbers = #tpu.dot_dimension_numbers<[1], [0], [0], [1], [0, 0, 1, 1], [], []>, transpose_lhs_hint = false} : vector<400x16xbf16>, vector<16x960xbf16>, vector<400x960xf32> -> vector<400x960xf32>
    %concatenate3A_147 = tpu.concatenate %slice3A_143, %slice3A_143, %slice3A_143, %slice3A_143, %slice3A_143, %slice3A_143, %slice3A_143, %slice3A_143, %slice3A_143, %slice3A_143, %slice3A_143, %slice3A_143, %slice3A_143, %slice3A_143, %slice3A_143 in 1 : vector<400x64xf32>, vector<400x64xf32>, vector<400x64xf32>, vector<400x64xf32>, vector<400x64xf32>, vector<400x64xf32>, vector<400x64xf32>, vector<400x64xf32>, vector<400x64xf32>, vector<400x64xf32>, vector<400x64xf32>, vector<400x64xf32>, vector<400x64xf32>, vector<400x64xf32>, vector<400x64xf32> -> vector<400x960xf32>
    %mul3A_148 = arith.mulf %dot_general3A_146, %concatenate3A_147 : vector<400x960xf32>
    %add3A_149 = arith.addf %broadcast_in_dim3A_137, %mul3A_148 : vector<400x960xf32>
    %reduce_sum3A = arith.constant dense<0.000000e+00> : vector<400xf32>
    %reduce_sum3A_150 = vector.multi_reduction <add>, %slice3A_143, %reduce_sum3A [1] : vector<400x64xf32> to vector<400xf32>
    %broadcast_in_dim3A_151 = vector.shape_cast %reduce_sum3A_150 : vector<400xf32> to vector<400x1xf32>
    %gt3A = arith.constant 0.000000e+00 : f32
    %gt3A_152 = vector.broadcast %gt3A : f32 to vector<400x1xf32>
    %gt3A_153 = arith.cmpf ogt, %broadcast_in_dim3A_151, %gt3A_152 : vector<400x1xf32>
    %convert_element_type3A_154 = arith.extui %gt3A_153 : vector<400x1xi1> to vector<400x1xi32>
    %convert_element_type3A_155 = arith.sitofp %convert_element_type3A_154 : vector<400x1xi32> to vector<400x1xf32>
    %add3A_156 = arith.addf %broadcast_in_dim3A_135, %convert_element_type3A_155 : vector<400x1xf32>
    %get3A_157 = arith.constant 1 : index
    %get3A_158 = arith.constant 0 : index
    %get3A_159 = arith.constant 0 : index
    %get3A_160 = vector.load %arg1[%get3A_157, %get3A_158, %get3A_159] : memref<16x400x128xf32, #tpu.memory_space<vmem>>, vector<1x400x128xf32>
    %get3A_161 = vector.shape_cast %get3A_160 : vector<1x400x128xf32> to vector<400x128xf32>
    %slice3A_162 = vector.extract_strided_slice %get3A_161 {offsets = [0, 0], sizes = [400, 64], strides = [1, 1]} : vector<400x128xf32> to vector<400x64xf32>
    %slice3A_163 = vector.extract_strided_slice %max3A_134 {offsets = [0, 16], sizes = [400, 16], strides = [1, 1]} : vector<400x256xf32> to vector<400x16xf32>
    %convert_element_type3A_164 = arith.truncf %slice3A_163 : vector<400x16xf32> to vector<400x16xbf16>
    %dot_general3A_165 = arith.constant dense<0.000000e+00> : vector<400x960xf32>
    %dot_general3A_166 = tpu.matmul %convert_element_type3A_164, %get3A_4, %dot_general3A_165 {dimension_numbers = #tpu.dot_dimension_numbers<[1], [0], [0], [1], [0, 0, 1, 1], [], []>, transpose_lhs_hint = false} : vector<400x16xbf16>, vector<16x960xbf16>, vector<400x960xf32> -> vector<400x960xf32>
    %concatenate3A_167 = tpu.concatenate %slice3A_162, %slice3A_162, %slice3A_162, %slice3A_162, %slice3A_162, %slice3A_162, %slice3A_162, %slice3A_162, %slice3A_162, %slice3A_162, %slice3A_162, %slice3A_162, %slice3A_162, %slice3A_162, %slice3A_162 in 1 : vector<400x64xf32>, vector<400x64xf32>, vector<400x64xf32>, vector<400x64xf32>, vector<400x64xf32>, vector<400x64xf32>, vector<400x64xf32>, vector<400x64xf32>, vector<400x64xf32>, vector<400x64xf32>, vector<400x64xf32>, vector<400x64xf32>, vector<400x64xf32>, vector<400x64xf32>, vector<400x64xf32> -> vector<400x960xf32>
    %mul3A_168 = arith.mulf %dot_general3A_166, %concatenate3A_167 : vector<400x960xf32>
    %add3A_169 = arith.addf %add3A_149, %mul3A_168 : vector<400x960xf32>
    %reduce_sum3A_170 = arith.constant dense<0.000000e+00> : vector<400xf32>
    %reduce_sum3A_171 = vector.multi_reduction <add>, %slice3A_162, %reduce_sum3A_170 [1] : vector<400x64xf32> to vector<400xf32>
    %broadcast_in_dim3A_172 = vector.shape_cast %reduce_sum3A_171 : vector<400xf32> to vector<400x1xf32>
    %gt3A_173 = arith.constant 0.000000e+00 : f32
    %gt3A_174 = vector.broadcast %gt3A_173 : f32 to vector<400x1xf32>
    %gt3A_175 = arith.cmpf ogt, %broadcast_in_dim3A_172, %gt3A_174 : vector<400x1xf32>
    %convert_element_type3A_176 = arith.extui %gt3A_175 : vector<400x1xi1> to vector<400x1xi32>
    %convert_element_type3A_177 = arith.sitofp %convert_element_type3A_176 : vector<400x1xi32> to vector<400x1xf32>
    %add3A_178 = arith.addf %add3A_156, %convert_element_type3A_177 : vector<400x1xf32>
    %get3A_179 = arith.constant 2 : index
    %get3A_180 = arith.constant 0 : index
    %get3A_181 = arith.constant 0 : index
    %get3A_182 = vector.load %arg1[%get3A_179, %get3A_180, %get3A_181] : memref<16x400x128xf32, #tpu.memory_space<vmem>>, vector<1x400x128xf32>
    %get3A_183 = vector.shape_cast %get3A_182 : vector<1x400x128xf32> to vector<400x128xf32>
    %slice3A_184 = vector.extract_strided_slice %get3A_183 {offsets = [0, 0], sizes = [400, 64], strides = [1, 1]} : vector<400x128xf32> to vector<400x64xf32>
    %slice3A_185 = vector.extract_strided_slice %max3A_134 {offsets = [0, 32], sizes = [400, 16], strides = [1, 1]} : vector<400x256xf32> to vector<400x16xf32>
    %convert_element_type3A_186 = arith.truncf %slice3A_185 : vector<400x16xf32> to vector<400x16xbf16>
    %dot_general3A_187 = arith.constant dense<0.000000e+00> : vector<400x960xf32>
    %dot_general3A_188 = tpu.matmul %convert_element_type3A_186, %get3A_4, %dot_general3A_187 {dimension_numbers = #tpu.dot_dimension_numbers<[1], [0], [0], [1], [0, 0, 1, 1], [], []>, transpose_lhs_hint = false} : vector<400x16xbf16>, vector<16x960xbf16>, vector<400x960xf32> -> vector<400x960xf32>
    %concatenate3A_189 = tpu.concatenate %slice3A_184, %slice3A_184, %slice3A_184, %slice3A_184, %slice3A_184, %slice3A_184, %slice3A_184, %slice3A_184, %slice3A_184, %slice3A_184, %slice3A_184, %slice3A_184, %slice3A_184, %slice3A_184, %slice3A_184 in 1 : vector<400x64xf32>, vector<400x64xf32>, vector<400x64xf32>, vector<400x64xf32>, vector<400x64xf32>, vector<400x64xf32>, vector<400x64xf32>, vector<400x64xf32>, vector<400x64xf32>, vector<400x64xf32>, vector<400x64xf32>, vector<400x64xf32>, vector<400x64xf32>, vector<400x64xf32>, vector<400x64xf32> -> vector<400x960xf32>
    %mul3A_190 = arith.mulf %dot_general3A_188, %concatenate3A_189 : vector<400x960xf32>
    %add3A_191 = arith.addf %add3A_169, %mul3A_190 : vector<400x960xf32>
    %reduce_sum3A_192 = arith.constant dense<0.000000e+00> : vector<400xf32>
    %reduce_sum3A_193 = vector.multi_reduction <add>, %slice3A_184, %reduce_sum3A_192 [1] : vector<400x64xf32> to vector<400xf32>
    %broadcast_in_dim3A_194 = vector.shape_cast %reduce_sum3A_193 : vector<400xf32> to vector<400x1xf32>
    %gt3A_195 = arith.constant 0.000000e+00 : f32
    %gt3A_196 = vector.broadcast %gt3A_195 : f32 to vector<400x1xf32>
    %gt3A_197 = arith.cmpf ogt, %broadcast_in_dim3A_194, %gt3A_196 : vector<400x1xf32>
    %convert_element_type3A_198 = arith.extui %gt3A_197 : vector<400x1xi1> to vector<400x1xi32>
    %convert_element_type3A_199 = arith.sitofp %convert_element_type3A_198 : vector<400x1xi32> to vector<400x1xf32>
    %add3A_200 = arith.addf %add3A_178, %convert_element_type3A_199 : vector<400x1xf32>
    %get3A_201 = arith.constant 3 : index
    %get3A_202 = arith.constant 0 : index
    %get3A_203 = arith.constant 0 : index
    %get3A_204 = vector.load %arg1[%get3A_201, %get3A_202, %get3A_203] : memref<16x400x128xf32, #tpu.memory_space<vmem>>, vector<1x400x128xf32>
    %get3A_205 = vector.shape_cast %get3A_204 : vector<1x400x128xf32> to vector<400x128xf32>
    %slice3A_206 = vector.extract_strided_slice %get3A_205 {offsets = [0, 0], sizes = [400, 64], strides = [1, 1]} : vector<400x128xf32> to vector<400x64xf32>
    %slice3A_207 = vector.extract_strided_slice %max3A_134 {offsets = [0, 48], sizes = [400, 16], strides = [1, 1]} : vector<400x256xf32> to vector<400x16xf32>
    %convert_element_type3A_208 = arith.truncf %slice3A_207 : vector<400x16xf32> to vector<400x16xbf16>
    %dot_general3A_209 = arith.constant dense<0.000000e+00> : vector<400x960xf32>
    %dot_general3A_210 = tpu.matmul %convert_element_type3A_208, %get3A_4, %dot_general3A_209 {dimension_numbers = #tpu.dot_dimension_numbers<[1], [0], [0], [1], [0, 0, 1, 1], [], []>, transpose_lhs_hint = false} : vector<400x16xbf16>, vector<16x960xbf16>, vector<400x960xf32> -> vector<400x960xf32>
    %concatenate3A_211 = tpu.concatenate %slice3A_206, %slice3A_206, %slice3A_206, %slice3A_206, %slice3A_206, %slice3A_206, %slice3A_206, %slice3A_206, %slice3A_206, %slice3A_206, %slice3A_206, %slice3A_206, %slice3A_206, %slice3A_206, %slice3A_206 in 1 : vector<400x64xf32>, vector<400x64xf32>, vector<400x64xf32>, vector<400x64xf32>, vector<400x64xf32>, vector<400x64xf32>, vector<400x64xf32>, vector<400x64xf32>, vector<400x64xf32>, vector<400x64xf32>, vector<400x64xf32>, vector<400x64xf32>, vector<400x64xf32>, vector<400x64xf32>, vector<400x64xf32> -> vector<400x960xf32>
    %mul3A_212 = arith.mulf %dot_general3A_210, %concatenate3A_211 : vector<400x960xf32>
    %add3A_213 = arith.addf %add3A_191, %mul3A_212 : vector<400x960xf32>
    %reduce_sum3A_214 = arith.constant dense<0.000000e+00> : vector<400xf32>
    %reduce_sum3A_215 = vector.multi_reduction <add>, %slice3A_206, %reduce_sum3A_214 [1] : vector<400x64xf32> to vector<400xf32>
    %broadcast_in_dim3A_216 = vector.shape_cast %reduce_sum3A_215 : vector<400xf32> to vector<400x1xf32>
    %gt3A_217 = arith.constant 0.000000e+00 : f32
    %gt3A_218 = vector.broadcast %gt3A_217 : f32 to vector<400x1xf32>
    %gt3A_219 = arith.cmpf ogt, %broadcast_in_dim3A_216, %gt3A_218 : vector<400x1xf32>
    %convert_element_type3A_220 = arith.extui %gt3A_219 : vector<400x1xi1> to vector<400x1xi32>
    %convert_element_type3A_221 = arith.sitofp %convert_element_type3A_220 : vector<400x1xi32> to vector<400x1xf32>
    %add3A_222 = arith.addf %add3A_200, %convert_element_type3A_221 : vector<400x1xf32>
    %get3A_223 = arith.constant 4 : index
    %get3A_224 = arith.constant 0 : index
    %get3A_225 = arith.constant 0 : index
    %get3A_226 = vector.load %arg1[%get3A_223, %get3A_224, %get3A_225] : memref<16x400x128xf32, #tpu.memory_space<vmem>>, vector<1x400x128xf32>
    %get3A_227 = vector.shape_cast %get3A_226 : vector<1x400x128xf32> to vector<400x128xf32>
    %slice3A_228 = vector.extract_strided_slice %get3A_227 {offsets = [0, 0], sizes = [400, 64], strides = [1, 1]} : vector<400x128xf32> to vector<400x64xf32>
    %slice3A_229 = vector.extract_strided_slice %max3A_134 {offsets = [0, 64], sizes = [400, 16], strides = [1, 1]} : vector<400x256xf32> to vector<400x16xf32>
    %convert_element_type3A_230 = arith.truncf %slice3A_229 : vector<400x16xf32> to vector<400x16xbf16>
    %dot_general3A_231 = arith.constant dense<0.000000e+00> : vector<400x960xf32>
    %dot_general3A_232 = tpu.matmul %convert_element_type3A_230, %get3A_4, %dot_general3A_231 {dimension_numbers = #tpu.dot_dimension_numbers<[1], [0], [0], [1], [0, 0, 1, 1], [], []>, transpose_lhs_hint = false} : vector<400x16xbf16>, vector<16x960xbf16>, vector<400x960xf32> -> vector<400x960xf32>
    %concatenate3A_233 = tpu.concatenate %slice3A_228, %slice3A_228, %slice3A_228, %slice3A_228, %slice3A_228, %slice3A_228, %slice3A_228, %slice3A_228, %slice3A_228, %slice3A_228, %slice3A_228, %slice3A_228, %slice3A_228, %slice3A_228, %slice3A_228 in 1 : vector<400x64xf32>, vector<400x64xf32>, vector<400x64xf32>, vector<400x64xf32>, vector<400x64xf32>, vector<400x64xf32>, vector<400x64xf32>, vector<400x64xf32>, vector<400x64xf32>, vector<400x64xf32>, vector<400x64xf32>, vector<400x64xf32>, vector<400x64xf32>, vector<400x64xf32>, vector<400x64xf32> -> vector<400x960xf32>
    %mul3A_234 = arith.mulf %dot_general3A_232, %concatenate3A_233 : vector<400x960xf32>
    %add3A_235 = arith.addf %add3A_213, %mul3A_234 : vector<400x960xf32>
    %reduce_sum3A_236 = arith.constant dense<0.000000e+00> : vector<400xf32>
    %reduce_sum3A_237 = vector.multi_reduction <add>, %slice3A_228, %reduce_sum3A_236 [1] : vector<400x64xf32> to vector<400xf32>
    %broadcast_in_dim3A_238 = vector.shape_cast %reduce_sum3A_237 : vector<400xf32> to vector<400x1xf32>
    %gt3A_239 = arith.constant 0.000000e+00 : f32
    %gt3A_240 = vector.broadcast %gt3A_239 : f32 to vector<400x1xf32>
    %gt3A_241 = arith.cmpf ogt, %broadcast_in_dim3A_238, %gt3A_240 : vector<400x1xf32>
    %convert_element_type3A_242 = arith.extui %gt3A_241 : vector<400x1xi1> to vector<400x1xi32>
    %convert_element_type3A_243 = arith.sitofp %convert_element_type3A_242 : vector<400x1xi32> to vector<400x1xf32>
    %add3A_244 = arith.addf %add3A_222, %convert_element_type3A_243 : vector<400x1xf32>
    %get3A_245 = arith.constant 5 : index
    %get3A_246 = arith.constant 0 : index
    %get3A_247 = arith.constant 0 : index
    %get3A_248 = vector.load %arg1[%get3A_245, %get3A_246, %get3A_247] : memref<16x400x128xf32, #tpu.memory_space<vmem>>, vector<1x400x128xf32>
    %get3A_249 = vector.shape_cast %get3A_248 : vector<1x400x128xf32> to vector<400x128xf32>
    %slice3A_250 = vector.extract_strided_slice %get3A_249 {offsets = [0, 0], sizes = [400, 64], strides = [1, 1]} : vector<400x128xf32> to vector<400x64xf32>
    %slice3A_251 = vector.extract_strided_slice %max3A_134 {offsets = [0, 80], sizes = [400, 16], strides = [1, 1]} : vector<400x256xf32> to vector<400x16xf32>
    %convert_element_type3A_252 = arith.truncf %slice3A_251 : vector<400x16xf32> to vector<400x16xbf16>
    %dot_general3A_253 = arith.constant dense<0.000000e+00> : vector<400x960xf32>
    %dot_general3A_254 = tpu.matmul %convert_element_type3A_252, %get3A_4, %dot_general3A_253 {dimension_numbers = #tpu.dot_dimension_numbers<[1], [0], [0], [1], [0, 0, 1, 1], [], []>, transpose_lhs_hint = false} : vector<400x16xbf16>, vector<16x960xbf16>, vector<400x960xf32> -> vector<400x960xf32>
    %concatenate3A_255 = tpu.concatenate %slice3A_250, %slice3A_250, %slice3A_250, %slice3A_250, %slice3A_250, %slice3A_250, %slice3A_250, %slice3A_250, %slice3A_250, %slice3A_250, %slice3A_250, %slice3A_250, %slice3A_250, %slice3A_250, %slice3A_250 in 1 : vector<400x64xf32>, vector<400x64xf32>, vector<400x64xf32>, vector<400x64xf32>, vector<400x64xf32>, vector<400x64xf32>, vector<400x64xf32>, vector<400x64xf32>, vector<400x64xf32>, vector<400x64xf32>, vector<400x64xf32>, vector<400x64xf32>, vector<400x64xf32>, vector<400x64xf32>, vector<400x64xf32> -> vector<400x960xf32>
    %mul3A_256 = arith.mulf %dot_general3A_254, %concatenate3A_255 : vector<400x960xf32>
    %add3A_257 = arith.addf %add3A_235, %mul3A_256 : vector<400x960xf32>
    %reduce_sum3A_258 = arith.constant dense<0.000000e+00> : vector<400xf32>
    %reduce_sum3A_259 = vector.multi_reduction <add>, %slice3A_250, %reduce_sum3A_258 [1] : vector<400x64xf32> to vector<400xf32>
    %broadcast_in_dim3A_260 = vector.shape_cast %reduce_sum3A_259 : vector<400xf32> to vector<400x1xf32>
    %gt3A_261 = arith.constant 0.000000e+00 : f32
    %gt3A_262 = vector.broadcast %gt3A_261 : f32 to vector<400x1xf32>
    %gt3A_263 = arith.cmpf ogt, %broadcast_in_dim3A_260, %gt3A_262 : vector<400x1xf32>
    %convert_element_type3A_264 = arith.extui %gt3A_263 : vector<400x1xi1> to vector<400x1xi32>
    %convert_element_type3A_265 = arith.sitofp %convert_element_type3A_264 : vector<400x1xi32> to vector<400x1xf32>
    %add3A_266 = arith.addf %add3A_244, %convert_element_type3A_265 : vector<400x1xf32>
    %get3A_267 = arith.constant 6 : index
    %get3A_268 = arith.constant 0 : index
    %get3A_269 = arith.constant 0 : index
    %get3A_270 = vector.load %arg1[%get3A_267, %get3A_268, %get3A_269] : memref<16x400x128xf32, #tpu.memory_space<vmem>>, vector<1x400x128xf32>
    %get3A_271 = vector.shape_cast %get3A_270 : vector<1x400x128xf32> to vector<400x128xf32>
    %slice3A_272 = vector.extract_strided_slice %get3A_271 {offsets = [0, 0], sizes = [400, 64], strides = [1, 1]} : vector<400x128xf32> to vector<400x64xf32>
    %slice3A_273 = vector.extract_strided_slice %max3A_134 {offsets = [0, 96], sizes = [400, 16], strides = [1, 1]} : vector<400x256xf32> to vector<400x16xf32>
    %convert_element_type3A_274 = arith.truncf %slice3A_273 : vector<400x16xf32> to vector<400x16xbf16>
    %dot_general3A_275 = arith.constant dense<0.000000e+00> : vector<400x960xf32>
    %dot_general3A_276 = tpu.matmul %convert_element_type3A_274, %get3A_4, %dot_general3A_275 {dimension_numbers = #tpu.dot_dimension_numbers<[1], [0], [0], [1], [0, 0, 1, 1], [], []>, transpose_lhs_hint = false} : vector<400x16xbf16>, vector<16x960xbf16>, vector<400x960xf32> -> vector<400x960xf32>
    %concatenate3A_277 = tpu.concatenate %slice3A_272, %slice3A_272, %slice3A_272, %slice3A_272, %slice3A_272, %slice3A_272, %slice3A_272, %slice3A_272, %slice3A_272, %slice3A_272, %slice3A_272, %slice3A_272, %slice3A_272, %slice3A_272, %slice3A_272 in 1 : vector<400x64xf32>, vector<400x64xf32>, vector<400x64xf32>, vector<400x64xf32>, vector<400x64xf32>, vector<400x64xf32>, vector<400x64xf32>, vector<400x64xf32>, vector<400x64xf32>, vector<400x64xf32>, vector<400x64xf32>, vector<400x64xf32>, vector<400x64xf32>, vector<400x64xf32>, vector<400x64xf32> -> vector<400x960xf32>
    %mul3A_278 = arith.mulf %dot_general3A_276, %concatenate3A_277 : vector<400x960xf32>
    %add3A_279 = arith.addf %add3A_257, %mul3A_278 : vector<400x960xf32>
    %reduce_sum3A_280 = arith.constant dense<0.000000e+00> : vector<400xf32>
    %reduce_sum3A_281 = vector.multi_reduction <add>, %slice3A_272, %reduce_sum3A_280 [1] : vector<400x64xf32> to vector<400xf32>
    %broadcast_in_dim3A_282 = vector.shape_cast %reduce_sum3A_281 : vector<400xf32> to vector<400x1xf32>
    %gt3A_283 = arith.constant 0.000000e+00 : f32
    %gt3A_284 = vector.broadcast %gt3A_283 : f32 to vector<400x1xf32>
    %gt3A_285 = arith.cmpf ogt, %broadcast_in_dim3A_282, %gt3A_284 : vector<400x1xf32>
    %convert_element_type3A_286 = arith.extui %gt3A_285 : vector<400x1xi1> to vector<400x1xi32>
    %convert_element_type3A_287 = arith.sitofp %convert_element_type3A_286 : vector<400x1xi32> to vector<400x1xf32>
    %add3A_288 = arith.addf %add3A_266, %convert_element_type3A_287 : vector<400x1xf32>
    %get3A_289 = arith.constant 7 : index
    %get3A_290 = arith.constant 0 : index
    %get3A_291 = arith.constant 0 : index
    %get3A_292 = vector.load %arg1[%get3A_289, %get3A_290, %get3A_291] : memref<16x400x128xf32, #tpu.memory_space<vmem>>, vector<1x400x128xf32>
    %get3A_293 = vector.shape_cast %get3A_292 : vector<1x400x128xf32> to vector<400x128xf32>
    %slice3A_294 = vector.extract_strided_slice %get3A_293 {offsets = [0, 0], sizes = [400, 64], strides = [1, 1]} : vector<400x128xf32> to vector<400x64xf32>
    %slice3A_295 = vector.extract_strided_slice %max3A_134 {offsets = [0, 112], sizes = [400, 16], strides = [1, 1]} : vector<400x256xf32> to vector<400x16xf32>
    %convert_element_type3A_296 = arith.truncf %slice3A_295 : vector<400x16xf32> to vector<400x16xbf16>
    %dot_general3A_297 = arith.constant dense<0.000000e+00> : vector<400x960xf32>
    %dot_general3A_298 = tpu.matmul %convert_element_type3A_296, %get3A_4, %dot_general3A_297 {dimension_numbers = #tpu.dot_dimension_numbers<[1], [0], [0], [1], [0, 0, 1, 1], [], []>, transpose_lhs_hint = false} : vector<400x16xbf16>, vector<16x960xbf16>, vector<400x960xf32> -> vector<400x960xf32>
    %concatenate3A_299 = tpu.concatenate %slice3A_294, %slice3A_294, %slice3A_294, %slice3A_294, %slice3A_294, %slice3A_294, %slice3A_294, %slice3A_294, %slice3A_294, %slice3A_294, %slice3A_294, %slice3A_294, %slice3A_294, %slice3A_294, %slice3A_294 in 1 : vector<400x64xf32>, vector<400x64xf32>, vector<400x64xf32>, vector<400x64xf32>, vector<400x64xf32>, vector<400x64xf32>, vector<400x64xf32>, vector<400x64xf32>, vector<400x64xf32>, vector<400x64xf32>, vector<400x64xf32>, vector<400x64xf32>, vector<400x64xf32>, vector<400x64xf32>, vector<400x64xf32> -> vector<400x960xf32>
    %mul3A_300 = arith.mulf %dot_general3A_298, %concatenate3A_299 : vector<400x960xf32>
    %add3A_301 = arith.addf %add3A_279, %mul3A_300 : vector<400x960xf32>
    %reduce_sum3A_302 = arith.constant dense<0.000000e+00> : vector<400xf32>
    %reduce_sum3A_303 = vector.multi_reduction <add>, %slice3A_294, %reduce_sum3A_302 [1] : vector<400x64xf32> to vector<400xf32>
    %broadcast_in_dim3A_304 = vector.shape_cast %reduce_sum3A_303 : vector<400xf32> to vector<400x1xf32>
    %gt3A_305 = arith.constant 0.000000e+00 : f32
    %gt3A_306 = vector.broadcast %gt3A_305 : f32 to vector<400x1xf32>
    %gt3A_307 = arith.cmpf ogt, %broadcast_in_dim3A_304, %gt3A_306 : vector<400x1xf32>
    %convert_element_type3A_308 = arith.extui %gt3A_307 : vector<400x1xi1> to vector<400x1xi32>
    %convert_element_type3A_309 = arith.sitofp %convert_element_type3A_308 : vector<400x1xi32> to vector<400x1xf32>
    %add3A_310 = arith.addf %add3A_288, %convert_element_type3A_309 : vector<400x1xf32>
    %get3A_311 = arith.constant 8 : index
    %get3A_312 = arith.constant 0 : index
    %get3A_313 = arith.constant 0 : index
    %get3A_314 = vector.load %arg1[%get3A_311, %get3A_312, %get3A_313] : memref<16x400x128xf32, #tpu.memory_space<vmem>>, vector<1x400x128xf32>
    %get3A_315 = vector.shape_cast %get3A_314 : vector<1x400x128xf32> to vector<400x128xf32>
    %slice3A_316 = vector.extract_strided_slice %get3A_315 {offsets = [0, 0], sizes = [400, 64], strides = [1, 1]} : vector<400x128xf32> to vector<400x64xf32>
    %slice3A_317 = vector.extract_strided_slice %max3A_134 {offsets = [0, 128], sizes = [400, 16], strides = [1, 1]} : vector<400x256xf32> to vector<400x16xf32>
    %convert_element_type3A_318 = arith.truncf %slice3A_317 : vector<400x16xf32> to vector<400x16xbf16>
    %dot_general3A_319 = arith.constant dense<0.000000e+00> : vector<400x960xf32>
    %dot_general3A_320 = tpu.matmul %convert_element_type3A_318, %get3A_4, %dot_general3A_319 {dimension_numbers = #tpu.dot_dimension_numbers<[1], [0], [0], [1], [0, 0, 1, 1], [], []>, transpose_lhs_hint = false} : vector<400x16xbf16>, vector<16x960xbf16>, vector<400x960xf32> -> vector<400x960xf32>
    %concatenate3A_321 = tpu.concatenate %slice3A_316, %slice3A_316, %slice3A_316, %slice3A_316, %slice3A_316, %slice3A_316, %slice3A_316, %slice3A_316, %slice3A_316, %slice3A_316, %slice3A_316, %slice3A_316, %slice3A_316, %slice3A_316, %slice3A_316 in 1 : vector<400x64xf32>, vector<400x64xf32>, vector<400x64xf32>, vector<400x64xf32>, vector<400x64xf32>, vector<400x64xf32>, vector<400x64xf32>, vector<400x64xf32>, vector<400x64xf32>, vector<400x64xf32>, vector<400x64xf32>, vector<400x64xf32>, vector<400x64xf32>, vector<400x64xf32>, vector<400x64xf32> -> vector<400x960xf32>
    %mul3A_322 = arith.mulf %dot_general3A_320, %concatenate3A_321 : vector<400x960xf32>
    %add3A_323 = arith.addf %add3A_301, %mul3A_322 : vector<400x960xf32>
    %reduce_sum3A_324 = arith.constant dense<0.000000e+00> : vector<400xf32>
    %reduce_sum3A_325 = vector.multi_reduction <add>, %slice3A_316, %reduce_sum3A_324 [1] : vector<400x64xf32> to vector<400xf32>
    %broadcast_in_dim3A_326 = vector.shape_cast %reduce_sum3A_325 : vector<400xf32> to vector<400x1xf32>
    %gt3A_327 = arith.constant 0.000000e+00 : f32
    %gt3A_328 = vector.broadcast %gt3A_327 : f32 to vector<400x1xf32>
    %gt3A_329 = arith.cmpf ogt, %broadcast_in_dim3A_326, %gt3A_328 : vector<400x1xf32>
    %convert_element_type3A_330 = arith.extui %gt3A_329 : vector<400x1xi1> to vector<400x1xi32>
    %convert_element_type3A_331 = arith.sitofp %convert_element_type3A_330 : vector<400x1xi32> to vector<400x1xf32>
    %add3A_332 = arith.addf %add3A_310, %convert_element_type3A_331 : vector<400x1xf32>
    %get3A_333 = arith.constant 9 : index
    %get3A_334 = arith.constant 0 : index
    %get3A_335 = arith.constant 0 : index
    %get3A_336 = vector.load %arg1[%get3A_333, %get3A_334, %get3A_335] : memref<16x400x128xf32, #tpu.memory_space<vmem>>, vector<1x400x128xf32>
    %get3A_337 = vector.shape_cast %get3A_336 : vector<1x400x128xf32> to vector<400x128xf32>
    %slice3A_338 = vector.extract_strided_slice %get3A_337 {offsets = [0, 0], sizes = [400, 64], strides = [1, 1]} : vector<400x128xf32> to vector<400x64xf32>
    %slice3A_339 = vector.extract_strided_slice %max3A_134 {offsets = [0, 144], sizes = [400, 16], strides = [1, 1]} : vector<400x256xf32> to vector<400x16xf32>
    %convert_element_type3A_340 = arith.truncf %slice3A_339 : vector<400x16xf32> to vector<400x16xbf16>
    %dot_general3A_341 = arith.constant dense<0.000000e+00> : vector<400x960xf32>
    %dot_general3A_342 = tpu.matmul %convert_element_type3A_340, %get3A_4, %dot_general3A_341 {dimension_numbers = #tpu.dot_dimension_numbers<[1], [0], [0], [1], [0, 0, 1, 1], [], []>, transpose_lhs_hint = false} : vector<400x16xbf16>, vector<16x960xbf16>, vector<400x960xf32> -> vector<400x960xf32>
    %concatenate3A_343 = tpu.concatenate %slice3A_338, %slice3A_338, %slice3A_338, %slice3A_338, %slice3A_338, %slice3A_338, %slice3A_338, %slice3A_338, %slice3A_338, %slice3A_338, %slice3A_338, %slice3A_338, %slice3A_338, %slice3A_338, %slice3A_338 in 1 : vector<400x64xf32>, vector<400x64xf32>, vector<400x64xf32>, vector<400x64xf32>, vector<400x64xf32>, vector<400x64xf32>, vector<400x64xf32>, vector<400x64xf32>, vector<400x64xf32>, vector<400x64xf32>, vector<400x64xf32>, vector<400x64xf32>, vector<400x64xf32>, vector<400x64xf32>, vector<400x64xf32> -> vector<400x960xf32>
    %mul3A_344 = arith.mulf %dot_general3A_342, %concatenate3A_343 : vector<400x960xf32>
    %add3A_345 = arith.addf %add3A_323, %mul3A_344 : vector<400x960xf32>
    %reduce_sum3A_346 = arith.constant dense<0.000000e+00> : vector<400xf32>
    %reduce_sum3A_347 = vector.multi_reduction <add>, %slice3A_338, %reduce_sum3A_346 [1] : vector<400x64xf32> to vector<400xf32>
    %broadcast_in_dim3A_348 = vector.shape_cast %reduce_sum3A_347 : vector<400xf32> to vector<400x1xf32>
    %gt3A_349 = arith.constant 0.000000e+00 : f32
    %gt3A_350 = vector.broadcast %gt3A_349 : f32 to vector<400x1xf32>
    %gt3A_351 = arith.cmpf ogt, %broadcast_in_dim3A_348, %gt3A_350 : vector<400x1xf32>
    %convert_element_type3A_352 = arith.extui %gt3A_351 : vector<400x1xi1> to vector<400x1xi32>
    %convert_element_type3A_353 = arith.sitofp %convert_element_type3A_352 : vector<400x1xi32> to vector<400x1xf32>
    %add3A_354 = arith.addf %add3A_332, %convert_element_type3A_353 : vector<400x1xf32>
    %get3A_355 = arith.constant 10 : index
    %get3A_356 = arith.constant 0 : index
    %get3A_357 = arith.constant 0 : index
    %get3A_358 = vector.load %arg1[%get3A_355, %get3A_356, %get3A_357] : memref<16x400x128xf32, #tpu.memory_space<vmem>>, vector<1x400x128xf32>
    %get3A_359 = vector.shape_cast %get3A_358 : vector<1x400x128xf32> to vector<400x128xf32>
    %slice3A_360 = vector.extract_strided_slice %get3A_359 {offsets = [0, 0], sizes = [400, 64], strides = [1, 1]} : vector<400x128xf32> to vector<400x64xf32>
    %slice3A_361 = vector.extract_strided_slice %max3A_134 {offsets = [0, 160], sizes = [400, 16], strides = [1, 1]} : vector<400x256xf32> to vector<400x16xf32>
    %convert_element_type3A_362 = arith.truncf %slice3A_361 : vector<400x16xf32> to vector<400x16xbf16>
    %dot_general3A_363 = arith.constant dense<0.000000e+00> : vector<400x960xf32>
    %dot_general3A_364 = tpu.matmul %convert_element_type3A_362, %get3A_4, %dot_general3A_363 {dimension_numbers = #tpu.dot_dimension_numbers<[1], [0], [0], [1], [0, 0, 1, 1], [], []>, transpose_lhs_hint = false} : vector<400x16xbf16>, vector<16x960xbf16>, vector<400x960xf32> -> vector<400x960xf32>
    %concatenate3A_365 = tpu.concatenate %slice3A_360, %slice3A_360, %slice3A_360, %slice3A_360, %slice3A_360, %slice3A_360, %slice3A_360, %slice3A_360, %slice3A_360, %slice3A_360, %slice3A_360, %slice3A_360, %slice3A_360, %slice3A_360, %slice3A_360 in 1 : vector<400x64xf32>, vector<400x64xf32>, vector<400x64xf32>, vector<400x64xf32>, vector<400x64xf32>, vector<400x64xf32>, vector<400x64xf32>, vector<400x64xf32>, vector<400x64xf32>, vector<400x64xf32>, vector<400x64xf32>, vector<400x64xf32>, vector<400x64xf32>, vector<400x64xf32>, vector<400x64xf32> -> vector<400x960xf32>
    %mul3A_366 = arith.mulf %dot_general3A_364, %concatenate3A_365 : vector<400x960xf32>
    %add3A_367 = arith.addf %add3A_345, %mul3A_366 : vector<400x960xf32>
    %reduce_sum3A_368 = arith.constant dense<0.000000e+00> : vector<400xf32>
    %reduce_sum3A_369 = vector.multi_reduction <add>, %slice3A_360, %reduce_sum3A_368 [1] : vector<400x64xf32> to vector<400xf32>
    %broadcast_in_dim3A_370 = vector.shape_cast %reduce_sum3A_369 : vector<400xf32> to vector<400x1xf32>
    %gt3A_371 = arith.constant 0.000000e+00 : f32
    %gt3A_372 = vector.broadcast %gt3A_371 : f32 to vector<400x1xf32>
    %gt3A_373 = arith.cmpf ogt, %broadcast_in_dim3A_370, %gt3A_372 : vector<400x1xf32>
    %convert_element_type3A_374 = arith.extui %gt3A_373 : vector<400x1xi1> to vector<400x1xi32>
    %convert_element_type3A_375 = arith.sitofp %convert_element_type3A_374 : vector<400x1xi32> to vector<400x1xf32>
    %add3A_376 = arith.addf %add3A_354, %convert_element_type3A_375 : vector<400x1xf32>
    %get3A_377 = arith.constant 11 : index
    %get3A_378 = arith.constant 0 : index
    %get3A_379 = arith.constant 0 : index
    %get3A_380 = vector.load %arg1[%get3A_377, %get3A_378, %get3A_379] : memref<16x400x128xf32, #tpu.memory_space<vmem>>, vector<1x400x128xf32>
    %get3A_381 = vector.shape_cast %get3A_380 : vector<1x400x128xf32> to vector<400x128xf32>
    %slice3A_382 = vector.extract_strided_slice %get3A_381 {offsets = [0, 0], sizes = [400, 64], strides = [1, 1]} : vector<400x128xf32> to vector<400x64xf32>
    %slice3A_383 = vector.extract_strided_slice %max3A_134 {offsets = [0, 176], sizes = [400, 16], strides = [1, 1]} : vector<400x256xf32> to vector<400x16xf32>
    %convert_element_type3A_384 = arith.truncf %slice3A_383 : vector<400x16xf32> to vector<400x16xbf16>
    %dot_general3A_385 = arith.constant dense<0.000000e+00> : vector<400x960xf32>
    %dot_general3A_386 = tpu.matmul %convert_element_type3A_384, %get3A_4, %dot_general3A_385 {dimension_numbers = #tpu.dot_dimension_numbers<[1], [0], [0], [1], [0, 0, 1, 1], [], []>, transpose_lhs_hint = false} : vector<400x16xbf16>, vector<16x960xbf16>, vector<400x960xf32> -> vector<400x960xf32>
    %concatenate3A_387 = tpu.concatenate %slice3A_382, %slice3A_382, %slice3A_382, %slice3A_382, %slice3A_382, %slice3A_382, %slice3A_382, %slice3A_382, %slice3A_382, %slice3A_382, %slice3A_382, %slice3A_382, %slice3A_382, %slice3A_382, %slice3A_382 in 1 : vector<400x64xf32>, vector<400x64xf32>, vector<400x64xf32>, vector<400x64xf32>, vector<400x64xf32>, vector<400x64xf32>, vector<400x64xf32>, vector<400x64xf32>, vector<400x64xf32>, vector<400x64xf32>, vector<400x64xf32>, vector<400x64xf32>, vector<400x64xf32>, vector<400x64xf32>, vector<400x64xf32> -> vector<400x960xf32>
    %mul3A_388 = arith.mulf %dot_general3A_386, %concatenate3A_387 : vector<400x960xf32>
    %add3A_389 = arith.addf %add3A_367, %mul3A_388 : vector<400x960xf32>
    %reduce_sum3A_390 = arith.constant dense<0.000000e+00> : vector<400xf32>
    %reduce_sum3A_391 = vector.multi_reduction <add>, %slice3A_382, %reduce_sum3A_390 [1] : vector<400x64xf32> to vector<400xf32>
    %broadcast_in_dim3A_392 = vector.shape_cast %reduce_sum3A_391 : vector<400xf32> to vector<400x1xf32>
    %gt3A_393 = arith.constant 0.000000e+00 : f32
    %gt3A_394 = vector.broadcast %gt3A_393 : f32 to vector<400x1xf32>
    %gt3A_395 = arith.cmpf ogt, %broadcast_in_dim3A_392, %gt3A_394 : vector<400x1xf32>
    %convert_element_type3A_396 = arith.extui %gt3A_395 : vector<400x1xi1> to vector<400x1xi32>
    %convert_element_type3A_397 = arith.sitofp %convert_element_type3A_396 : vector<400x1xi32> to vector<400x1xf32>
    %add3A_398 = arith.addf %add3A_376, %convert_element_type3A_397 : vector<400x1xf32>
    %get3A_399 = arith.constant 12 : index
    %get3A_400 = arith.constant 0 : index
    %get3A_401 = arith.constant 0 : index
    %get3A_402 = vector.load %arg1[%get3A_399, %get3A_400, %get3A_401] : memref<16x400x128xf32, #tpu.memory_space<vmem>>, vector<1x400x128xf32>
    %get3A_403 = vector.shape_cast %get3A_402 : vector<1x400x128xf32> to vector<400x128xf32>
    %slice3A_404 = vector.extract_strided_slice %get3A_403 {offsets = [0, 0], sizes = [400, 64], strides = [1, 1]} : vector<400x128xf32> to vector<400x64xf32>
    %slice3A_405 = vector.extract_strided_slice %max3A_134 {offsets = [0, 192], sizes = [400, 16], strides = [1, 1]} : vector<400x256xf32> to vector<400x16xf32>
    %convert_element_type3A_406 = arith.truncf %slice3A_405 : vector<400x16xf32> to vector<400x16xbf16>
    %dot_general3A_407 = arith.constant dense<0.000000e+00> : vector<400x960xf32>
    %dot_general3A_408 = tpu.matmul %convert_element_type3A_406, %get3A_4, %dot_general3A_407 {dimension_numbers = #tpu.dot_dimension_numbers<[1], [0], [0], [1], [0, 0, 1, 1], [], []>, transpose_lhs_hint = false} : vector<400x16xbf16>, vector<16x960xbf16>, vector<400x960xf32> -> vector<400x960xf32>
    %concatenate3A_409 = tpu.concatenate %slice3A_404, %slice3A_404, %slice3A_404, %slice3A_404, %slice3A_404, %slice3A_404, %slice3A_404, %slice3A_404, %slice3A_404, %slice3A_404, %slice3A_404, %slice3A_404, %slice3A_404, %slice3A_404, %slice3A_404 in 1 : vector<400x64xf32>, vector<400x64xf32>, vector<400x64xf32>, vector<400x64xf32>, vector<400x64xf32>, vector<400x64xf32>, vector<400x64xf32>, vector<400x64xf32>, vector<400x64xf32>, vector<400x64xf32>, vector<400x64xf32>, vector<400x64xf32>, vector<400x64xf32>, vector<400x64xf32>, vector<400x64xf32> -> vector<400x960xf32>
    %mul3A_410 = arith.mulf %dot_general3A_408, %concatenate3A_409 : vector<400x960xf32>
    %add3A_411 = arith.addf %add3A_389, %mul3A_410 : vector<400x960xf32>
    %reduce_sum3A_412 = arith.constant dense<0.000000e+00> : vector<400xf32>
    %reduce_sum3A_413 = vector.multi_reduction <add>, %slice3A_404, %reduce_sum3A_412 [1] : vector<400x64xf32> to vector<400xf32>
    %broadcast_in_dim3A_414 = vector.shape_cast %reduce_sum3A_413 : vector<400xf32> to vector<400x1xf32>
    %gt3A_415 = arith.constant 0.000000e+00 : f32
    %gt3A_416 = vector.broadcast %gt3A_415 : f32 to vector<400x1xf32>
    %gt3A_417 = arith.cmpf ogt, %broadcast_in_dim3A_414, %gt3A_416 : vector<400x1xf32>
    %convert_element_type3A_418 = arith.extui %gt3A_417 : vector<400x1xi1> to vector<400x1xi32>
    %convert_element_type3A_419 = arith.sitofp %convert_element_type3A_418 : vector<400x1xi32> to vector<400x1xf32>
    %add3A_420 = arith.addf %add3A_398, %convert_element_type3A_419 : vector<400x1xf32>
    %get3A_421 = arith.constant 13 : index
    %get3A_422 = arith.constant 0 : index
    %get3A_423 = arith.constant 0 : index
    %get3A_424 = vector.load %arg1[%get3A_421, %get3A_422, %get3A_423] : memref<16x400x128xf32, #tpu.memory_space<vmem>>, vector<1x400x128xf32>
    %get3A_425 = vector.shape_cast %get3A_424 : vector<1x400x128xf32> to vector<400x128xf32>
    %slice3A_426 = vector.extract_strided_slice %get3A_425 {offsets = [0, 0], sizes = [400, 64], strides = [1, 1]} : vector<400x128xf32> to vector<400x64xf32>
    %slice3A_427 = vector.extract_strided_slice %max3A_134 {offsets = [0, 208], sizes = [400, 16], strides = [1, 1]} : vector<400x256xf32> to vector<400x16xf32>
    %convert_element_type3A_428 = arith.truncf %slice3A_427 : vector<400x16xf32> to vector<400x16xbf16>
    %dot_general3A_429 = arith.constant dense<0.000000e+00> : vector<400x960xf32>
    %dot_general3A_430 = tpu.matmul %convert_element_type3A_428, %get3A_4, %dot_general3A_429 {dimension_numbers = #tpu.dot_dimension_numbers<[1], [0], [0], [1], [0, 0, 1, 1], [], []>, transpose_lhs_hint = false} : vector<400x16xbf16>, vector<16x960xbf16>, vector<400x960xf32> -> vector<400x960xf32>
    %concatenate3A_431 = tpu.concatenate %slice3A_426, %slice3A_426, %slice3A_426, %slice3A_426, %slice3A_426, %slice3A_426, %slice3A_426, %slice3A_426, %slice3A_426, %slice3A_426, %slice3A_426, %slice3A_426, %slice3A_426, %slice3A_426, %slice3A_426 in 1 : vector<400x64xf32>, vector<400x64xf32>, vector<400x64xf32>, vector<400x64xf32>, vector<400x64xf32>, vector<400x64xf32>, vector<400x64xf32>, vector<400x64xf32>, vector<400x64xf32>, vector<400x64xf32>, vector<400x64xf32>, vector<400x64xf32>, vector<400x64xf32>, vector<400x64xf32>, vector<400x64xf32> -> vector<400x960xf32>
    %mul3A_432 = arith.mulf %dot_general3A_430, %concatenate3A_431 : vector<400x960xf32>
    %add3A_433 = arith.addf %add3A_411, %mul3A_432 : vector<400x960xf32>
    %reduce_sum3A_434 = arith.constant dense<0.000000e+00> : vector<400xf32>
    %reduce_sum3A_435 = vector.multi_reduction <add>, %slice3A_426, %reduce_sum3A_434 [1] : vector<400x64xf32> to vector<400xf32>
    %broadcast_in_dim3A_436 = vector.shape_cast %reduce_sum3A_435 : vector<400xf32> to vector<400x1xf32>
    %gt3A_437 = arith.constant 0.000000e+00 : f32
    %gt3A_438 = vector.broadcast %gt3A_437 : f32 to vector<400x1xf32>
    %gt3A_439 = arith.cmpf ogt, %broadcast_in_dim3A_436, %gt3A_438 : vector<400x1xf32>
    %convert_element_type3A_440 = arith.extui %gt3A_439 : vector<400x1xi1> to vector<400x1xi32>
    %convert_element_type3A_441 = arith.sitofp %convert_element_type3A_440 : vector<400x1xi32> to vector<400x1xf32>
    %add3A_442 = arith.addf %add3A_420, %convert_element_type3A_441 : vector<400x1xf32>
    %get3A_443 = arith.constant 14 : index
    %get3A_444 = arith.constant 0 : index
    %get3A_445 = arith.constant 0 : index
    %get3A_446 = vector.load %arg1[%get3A_443, %get3A_444, %get3A_445] : memref<16x400x128xf32, #tpu.memory_space<vmem>>, vector<1x400x128xf32>
    %get3A_447 = vector.shape_cast %get3A_446 : vector<1x400x128xf32> to vector<400x128xf32>
    %slice3A_448 = vector.extract_strided_slice %get3A_447 {offsets = [0, 0], sizes = [400, 64], strides = [1, 1]} : vector<400x128xf32> to vector<400x64xf32>
    %slice3A_449 = vector.extract_strided_slice %max3A_134 {offsets = [0, 224], sizes = [400, 16], strides = [1, 1]} : vector<400x256xf32> to vector<400x16xf32>
    %convert_element_type3A_450 = arith.truncf %slice3A_449 : vector<400x16xf32> to vector<400x16xbf16>
    %dot_general3A_451 = arith.constant dense<0.000000e+00> : vector<400x960xf32>
    %dot_general3A_452 = tpu.matmul %convert_element_type3A_450, %get3A_4, %dot_general3A_451 {dimension_numbers = #tpu.dot_dimension_numbers<[1], [0], [0], [1], [0, 0, 1, 1], [], []>, transpose_lhs_hint = false} : vector<400x16xbf16>, vector<16x960xbf16>, vector<400x960xf32> -> vector<400x960xf32>
    %concatenate3A_453 = tpu.concatenate %slice3A_448, %slice3A_448, %slice3A_448, %slice3A_448, %slice3A_448, %slice3A_448, %slice3A_448, %slice3A_448, %slice3A_448, %slice3A_448, %slice3A_448, %slice3A_448, %slice3A_448, %slice3A_448, %slice3A_448 in 1 : vector<400x64xf32>, vector<400x64xf32>, vector<400x64xf32>, vector<400x64xf32>, vector<400x64xf32>, vector<400x64xf32>, vector<400x64xf32>, vector<400x64xf32>, vector<400x64xf32>, vector<400x64xf32>, vector<400x64xf32>, vector<400x64xf32>, vector<400x64xf32>, vector<400x64xf32>, vector<400x64xf32> -> vector<400x960xf32>
    %mul3A_454 = arith.mulf %dot_general3A_452, %concatenate3A_453 : vector<400x960xf32>
    %add3A_455 = arith.addf %add3A_433, %mul3A_454 : vector<400x960xf32>
    %reduce_sum3A_456 = arith.constant dense<0.000000e+00> : vector<400xf32>
    %reduce_sum3A_457 = vector.multi_reduction <add>, %slice3A_448, %reduce_sum3A_456 [1] : vector<400x64xf32> to vector<400xf32>
    %broadcast_in_dim3A_458 = vector.shape_cast %reduce_sum3A_457 : vector<400xf32> to vector<400x1xf32>
    %gt3A_459 = arith.constant 0.000000e+00 : f32
    %gt3A_460 = vector.broadcast %gt3A_459 : f32 to vector<400x1xf32>
    %gt3A_461 = arith.cmpf ogt, %broadcast_in_dim3A_458, %gt3A_460 : vector<400x1xf32>
    %convert_element_type3A_462 = arith.extui %gt3A_461 : vector<400x1xi1> to vector<400x1xi32>
    %convert_element_type3A_463 = arith.sitofp %convert_element_type3A_462 : vector<400x1xi32> to vector<400x1xf32>
    %add3A_464 = arith.addf %add3A_442, %convert_element_type3A_463 : vector<400x1xf32>
    %get3A_465 = arith.constant 15 : index
    %get3A_466 = arith.constant 0 : index
    %get3A_467 = arith.constant 0 : index
    %get3A_468 = vector.load %arg1[%get3A_465, %get3A_466, %get3A_467] : memref<16x400x128xf32, #tpu.memory_space<vmem>>, vector<1x400x128xf32>
    %get3A_469 = vector.shape_cast %get3A_468 : vector<1x400x128xf32> to vector<400x128xf32>
    %slice3A_470 = vector.extract_strided_slice %get3A_469 {offsets = [0, 0], sizes = [400, 64], strides = [1, 1]} : vector<400x128xf32> to vector<400x64xf32>
    %slice3A_471 = vector.extract_strided_slice %max3A_134 {offsets = [0, 240], sizes = [400, 16], strides = [1, 1]} : vector<400x256xf32> to vector<400x16xf32>
    %convert_element_type3A_472 = arith.truncf %slice3A_471 : vector<400x16xf32> to vector<400x16xbf16>
    %dot_general3A_473 = arith.constant dense<0.000000e+00> : vector<400x960xf32>
    %dot_general3A_474 = tpu.matmul %convert_element_type3A_472, %get3A_4, %dot_general3A_473 {dimension_numbers = #tpu.dot_dimension_numbers<[1], [0], [0], [1], [0, 0, 1, 1], [], []>, transpose_lhs_hint = false} : vector<400x16xbf16>, vector<16x960xbf16>, vector<400x960xf32> -> vector<400x960xf32>
    %concatenate3A_475 = tpu.concatenate %slice3A_470, %slice3A_470, %slice3A_470, %slice3A_470, %slice3A_470, %slice3A_470, %slice3A_470, %slice3A_470, %slice3A_470, %slice3A_470, %slice3A_470, %slice3A_470, %slice3A_470, %slice3A_470, %slice3A_470 in 1 : vector<400x64xf32>, vector<400x64xf32>, vector<400x64xf32>, vector<400x64xf32>, vector<400x64xf32>, vector<400x64xf32>, vector<400x64xf32>, vector<400x64xf32>, vector<400x64xf32>, vector<400x64xf32>, vector<400x64xf32>, vector<400x64xf32>, vector<400x64xf32>, vector<400x64xf32>, vector<400x64xf32> -> vector<400x960xf32>
    %mul3A_476 = arith.mulf %dot_general3A_474, %concatenate3A_475 : vector<400x960xf32>
    %add3A_477 = arith.addf %add3A_455, %mul3A_476 : vector<400x960xf32>
    %reduce_sum3A_478 = arith.constant dense<0.000000e+00> : vector<400xf32>
    %reduce_sum3A_479 = vector.multi_reduction <add>, %slice3A_470, %reduce_sum3A_478 [1] : vector<400x64xf32> to vector<400xf32>
    %broadcast_in_dim3A_480 = vector.shape_cast %reduce_sum3A_479 : vector<400xf32> to vector<400x1xf32>
    %gt3A_481 = arith.constant 0.000000e+00 : f32
    %gt3A_482 = vector.broadcast %gt3A_481 : f32 to vector<400x1xf32>
    %gt3A_483 = arith.cmpf ogt, %broadcast_in_dim3A_480, %gt3A_482 : vector<400x1xf32>
    %convert_element_type3A_484 = arith.extui %gt3A_483 : vector<400x1xi1> to vector<400x1xi32>
    %convert_element_type3A_485 = arith.sitofp %convert_element_type3A_484 : vector<400x1xi32> to vector<400x1xf32>
    %add3A_486 = arith.addf %add3A_464, %convert_element_type3A_485 : vector<400x1xf32>
    %convert_element_type3A_487 = arith.truncf %add3A_477 : vector<400x960xf32> to vector<400x960xbf16>
    %convert_element_type3A_488 = arith.extf %convert_element_type3A_487 : vector<400x960xbf16> to vector<400x960xf32>
    %sub3A_489 = arith.subf %add3A_477, %convert_element_type3A_488 : vector<400x960xf32>
    %convert_element_type3A_490 = arith.truncf %sub3A_489 : vector<400x960xf32> to vector<400x960xbf16>
    %get3A_491 = arith.constant 0 : index
    %get3A_492 = arith.constant 0 : index
    %get3A_493 = vector.load %arg6[%get3A_491, %get3A_492] : memref<960x64xbf16, #tpu.memory_space<vmem>>, vector<960x64xbf16>
    %dot_general3A_494 = arith.constant dense<0.000000e+00> : vector<400x64xf32>
    %dot_general3A_495 = tpu.matmul %convert_element_type3A_487, %get3A_493, %dot_general3A_494 {dimension_numbers = #tpu.dot_dimension_numbers<[1], [0], [0], [1], [0, 0, 1, 1], [], []>, transpose_lhs_hint = false} : vector<400x960xbf16>, vector<960x64xbf16>, vector<400x64xf32> -> vector<400x64xf32>
    %get3A_496 = arith.constant 0 : index
    %get3A_497 = arith.constant 0 : index
    %get3A_498 = vector.load %arg7[%get3A_496, %get3A_497] : memref<960x64xbf16, #tpu.memory_space<vmem>>, vector<960x64xbf16>
    %dot_general3A_499 = arith.constant dense<0.000000e+00> : vector<400x64xf32>
    %dot_general3A_500 = tpu.matmul %convert_element_type3A_487, %get3A_498, %dot_general3A_499 {dimension_numbers = #tpu.dot_dimension_numbers<[1], [0], [0], [1], [0, 0, 1, 1], [], []>, transpose_lhs_hint = false} : vector<400x960xbf16>, vector<960x64xbf16>, vector<400x64xf32> -> vector<400x64xf32>
    %add3A_501 = arith.addf %dot_general3A_495, %dot_general3A_500 : vector<400x64xf32>
    %get3A_502 = arith.constant 0 : index
    %get3A_503 = arith.constant 0 : index
    %get3A_504 = vector.load %arg6[%get3A_502, %get3A_503] : memref<960x64xbf16, #tpu.memory_space<vmem>>, vector<960x64xbf16>
    %dot_general3A_505 = arith.constant dense<0.000000e+00> : vector<400x64xf32>
    %dot_general3A_506 = tpu.matmul %convert_element_type3A_490, %get3A_504, %dot_general3A_505 {dimension_numbers = #tpu.dot_dimension_numbers<[1], [0], [0], [1], [0, 0, 1, 1], [], []>, transpose_lhs_hint = false} : vector<400x960xbf16>, vector<960x64xbf16>, vector<400x64xf32> -> vector<400x64xf32>
    %add3A_507 = arith.addf %add3A_501, %dot_general3A_506 : vector<400x64xf32>
    %max3A_508 = arith.constant 1.000000e+00 : f32
    %max3A_509 = vector.broadcast %max3A_508 : f32 to vector<400x1xf32>
    %max3A_510 = arith.maximumf %add3A_486, %max3A_509 : vector<400x1xf32>
    %div3A = vector.broadcast %max3A_510 : vector<400x1xf32> to vector<400x64xf32>
    %div3A_511 = arith.divf %add3A_507, %div3A : vector<400x64xf32>
    %swap3A = arith.constant 0 : index
    %swap3A_512 = arith.constant 0 : index
    %swap3A_513 = vector.load %arg8[%swap3A, %swap3A_512] : memref<400x64xf32, #tpu.memory_space<vmem>>, vector<400x64xf32>
    tpu.vector_store %arg8[%swap3A, %swap3A_512], %div3A_511 {strides = array<i32>} : memref<400x64xf32, #tpu.memory_space<vmem>>, vector<400x64xf32>,
    return
  }
  func.func @transform_0(%arg0: i32) -> (i32, i32, i32) {
    %c0_i32 = arith.constant 0 : i32
    %c0_i32_0 = arith.constant 0 : i32
    %c0_i32_1 = arith.constant 0 : i32
    return %c0_i32, %arg0, %c0_i32_0 : i32, i32, i32
  }
  func.func @transform_1(%arg0: i32) -> (i32, i32) {
    %c0_i32 = arith.constant 0 : i32
    %c0_i32_0 = arith.constant 0 : i32
    return %arg0, %c0_i32 : i32, i32
  }
  func.func @transform_2(%arg0: i32) -> (i32, i32) {
    %c0_i32 = arith.constant 0 : i32
    %c0_i32_0 = arith.constant 0 : i32
    %c0_i32_1 = arith.constant 0 : i32
    return %c0_i32, %c0_i32_0 : i32, i32
  }
  func.func @transform_3(%arg0: i32) -> (i32, i32) {
    %c0_i32 = arith.constant 0 : i32
    %c0_i32_0 = arith.constant 0 : i32
    %c0_i32_1 = arith.constant 0 : i32
    return %c0_i32, %c0_i32_0 : i32, i32
  }
  func.func @transform_4(%arg0: i32) -> (i32, i32) {
    %c0_i32 = arith.constant 0 : i32
    %c0_i32_0 = arith.constant 0 : i32
    %c0_i32_1 = arith.constant 0 : i32
    return %c0_i32, %c0_i32_0 : i32, i32
  }
  func.func @transform_5(%arg0: i32) -> (i32, i32) {
    %c0_i32 = arith.constant 0 : i32
    %c0_i32_0 = arith.constant 0 : i32
    %c0_i32_1 = arith.constant 0 : i32
    return %c0_i32, %c0_i32_0 : i32, i32
  }
  func.func @transform_6(%arg0: i32) -> (i32, i32) {
    %c0_i32 = arith.constant 0 : i32
    %c0_i32_0 = arith.constant 0 : i32
    %c0_i32_1 = arith.constant 0 : i32
    return %c0_i32, %c0_i32_0 : i32, i32
  }
  func.func @transform_7(%arg0: i32) -> (i32, i32) {
    %c0_i32 = arith.constant 0 : i32
    %c0_i32_0 = arith.constant 0 : i32
    return %arg0, %c0_i32 : i32, i32
  }
}

</mosaic_0001>

<sc_bundles>
// kernel: kernel.12.cloned.1.call-start
scs
__scs_entry_jumppad:
0x0: {  	(pc) =	sbr.rel $0x88, $3  }
0x1: {  	(tag) =	ssettag $0x0;
	lr =	simm.s32 $0x1  }
0x2: {  	[smem:$0x3F9B] =	sst lr;
	_ =	strace $0xD0000000  }
0x3: {  	_ = 	snop  }
0x4: {  	_ = 	snop  }
0x5: {  	_ = 	snop  }
0x6: {  	_ = 	snop  }
0x7: {  	_ = 	snop  }
__scs_overlays_trampoline_lowered:
0x8: {  	[smem:$0x3FAA] =	sst s0  }
0x9: {  	[smem:$0x3FAB] =	sst s1  }
0xa: {  	[smem:$0x3FAC] =	sst s2  }
0xb: {  	[smem:$0x3FAD] =	sst s3  }
0xc: {  	[smem:$0x3FAE] =	sst s4  }
0xd: {  	[smem:$0x3FAF] =	sst s5  }
0xe: {  	[smem:$0x3FB0] =	sst s6  }
0xf: {  	[smem:$0x3FB1] =	sst s7  }
0x10: {  	[smem:$0x3FB2] =	sst s8  }
0x11: {  	[smem:$0x3FB3] =	sst s9;
	s0 =	simm.s32 @!p0 $0x0  }
0x12: {  	s1 =	sld [smem:$0x3F99];
	s0 =	simm.s32 @p0 $0x1  }
0x13: {  	[smem:$0x3FB4] =	sst s0;
	s0 =	simm.s32 @!p1 $0x0  }
0x14: {  	s2 =	sld [smem:$0x3F98];
	s0 =	simm.s32 @p1 $0x1  }
0x15: {  	[smem:$0x3FB5] =	sst s0;
	s0 =	simm.s32 @!p2 $0x0  }
0x16: {  	s3 =	sld [smem:$0x3FDB];
	s0 =	simm.s32 @p2 $0x1  }
0x17: {  	s4 =	simm.s32 $0x1BF5;
	[smem:$0x3FB7] =	sst s0  }
0x18: {  	s0 =	sld [smem:$0x3F9A];
	_ =	swait.ge [sflag:s4], $0x0  }
0x19: {  	s7 =	sld [smem:$0x3F9B]  }
0x1a: {  	s8 =	sadd.s32 $0xFFFFE003, lr  }
0x1b: {  	s9 =	sadd.s32 $0xFFFFFEF7, lr;
	s5 =	simm.s32 $0xFFFFFFFF;
	p2 =	slt.u32 s8, $0xFFFFF086  }
0x1c: {  	p1 =	slt.u32 s9, $0xF7A;
	s5 =	simm.s32 @!p2 $0x0  }
0x1d: {  	s5 =	simm.s32 @p1 $0x1;
	p0 =	seq.s32 s7, s2  }
0x1e: {  	s7 =	smul.u32 @!p0 $0xF7A, s2;
	p2 =	seq.s32 @!p0 s5, $0x0  }
0x1f: {  	s9 =	smul.u32 $0xF7A, s1;
	s8 =	simm.s32 @!p0 $0x1BF5;
	p2 =	por !p2, p0  }
0x20: {  	[sflag:s8] =	ssyncset.s32 @!p0 $0xFFFFF086;
	s6 =	sadd.s32 @!p0 s3, s7;
	s7 =	simm.s32 @!p0 $0x108  }
0x21: {  	s3 =	sadd.s32 s3, s9;
	s6 =	sadd.s32 @!p0 $0x88, s6;
	s7 =	simm.s32 @p2 $0x1082  }
0x22: {  	[simem:s7], [sflag:s8] =	dma.local @!p0 [hbm:s6], $0xF7A  }
0x23: {  	s9 =	sor.u32 $0xD0000000, s2;
	s6 =	simm.s32 $0x108;
	_ =	swait.ge @!p0 [sflag:s8], $0x0  }
0x24: {  	s3 =	sadd.s32 $0x88, s3;
	s6 =	simm.s32 @!p1 $0x1082;
	[sflag:s4] =	ssyncset.s32 $0xFFFFF086  }
0x25: {  	[simem:s6], [sflag:s4] =	dma.local [hbm:s3], $0xF7A  }
0x26: {  	[smem:$0x3F9B] =	sst s1;
	(tag) =	ssettag s2;
	_ =	strace s9  }
0x27: {  	s1 =	sld [smem:$0x3FAB]  }
0x28: {  	s2 =	sld [smem:$0x3FAC]  }
0x29: {  	s4 =	sld [smem:$0x3FAE]  }
0x2a: {  	p0 =	seq.s32 s5, $0x0;
	s5 =	sld [smem:$0x3FAF]  }
0x2b: {  	s6 =	sld [smem:$0x3FB0]  }
0x2c: {  	s7 =	sld [smem:$0x3FB1]  }
0x2d: {  	s3 =	simm.s32 $0x108;
	s8 =	sld [smem:$0x3FB2]  }
0x2e: {  	s3 =	simm.s32 @!p0 $0x1082;
	s9 =	sld [smem:$0x3FB3]  }
0x2f: {  	lr =	sadd.s32 s0, s3;
	s0 =	sld [smem:$0x3FAA]  }
0x30: {  	s3 =	sld [smem:$0x3FAD]  }
0x31: {  	[smem:$0x3FB6] =	sst s10  }
0x32: {  	s10 =	sld [smem:$0x3FB4];
	_ =	sdelay $0x3  }
0x33: {  	p0 =	seq.s32 s10, $0x1;
	s10 =	sld [smem:$0x3FB6];
	_ =	sdelay $0x3  }
0x34: {  	[smem:$0x3FB6] =	sst s10  }
0x35: {  	s10 =	sld [smem:$0x3FB5];
	_ =	sdelay $0x3  }
0x36: {  	p1 =	seq.s32 s10, $0x1;
	s10 =	sld [smem:$0x3FB6];
	_ =	sdelay $0x3  }
0x37: {  	[smem:$0x3FB6] =	sst s10  }
0x38: {  	s10 =	sld [smem:$0x3FB7]  }
0x39: {  	_ = 	snop;
	(pc) =	sbr.ind lr, $3  }
0x3a: {  	_ = 	snop  }
0x3b: {  	_ = 	snop  }
0x3c: {  	p2 =	seq.s32 s10, $0x1;
	s10 =	sld [smem:$0x3FB6]  }
0x3d: {  	_ =	shalt  }
0x3e: {  	_ =	shalt  }
0x3f: {  	_ =	shalt  }
0x40: {  	_ =	shalt  }
0x41: {  	_ =	shalt  }
0x42: {  	_ =	shalt  }
0x43: {  	_ =	shalt  }
0x44: {  	_ =	shalt  }
0x45: {  	_ =	shalt  }
0x46: {  	_ =	shalt  }
0x47: {  	_ =	shalt  }
0x48: {  	_ =	shalt  }
0x49: {  	_ =	shalt  }
0x4a: {  	_ =	shalt  }
0x4b: {  	_ =	shalt  }
0x4c: {  	_ =	shalt  }
0x4d: {  	_ =	shalt  }
0x4e: {  	_ =	shalt  }
0x4f: {  	_ =	shalt  }
0x50: {  	_ =	shalt  }
0x51: {  	_ =	shalt  }
0x52: {  	_ =	shalt  }
0x53: {  	_ =	shalt  }
0x54: {  	_ =	shalt  }
0x55: {  	_ =	shalt  }
0x56: {  	_ =	shalt  }
0x57: {  	_ =	shalt  }
0x58: {  	_ =	shalt  }
0x59: {  	_ =	shalt  }
0x5a: {  	_ =	shalt  }
0x5b: {  	_ =	shalt  }
0x5c: {  	_ =	shalt  }
0x5d: {  	_ =	shalt  }
0x5e: {  	_ =	shalt  }
0x5f: {  	_ =	shalt  }
0x60: {  	_ =	shalt  }
0x61: {  	_ =	shalt  }
0x62: {  	_ =	shalt  }
0x63: {  	_ =	shalt  }
0x64: {  	_ =	shalt  }
0x65: {  	_ =	shalt  }
0x66: {  	_ =	shalt  }
0x67: {  	_ =	shalt  }
0x68: {  	_ =	shalt  }
0x69: {  	_ =	shalt  }
0x6a: {  	_ =	shalt  }
0x6b: {  	_ =	shalt  }
0x6c: {  	_ =	shalt  }
0x6d: {  	_ =	shalt  }
0x6e: {  	_ =	shalt  }
0x6f: {  	_ =	shalt  }
0x70: {  	_ =	shalt  }
0x71: {  	_ =	shalt  }
0x72: {  	_ =	shalt  }
0x73: {  	_ =	shalt  }
0x74: {  	_ =	shalt  }
0x75: {  	_ =	shalt  }
0x76: {  	_ =	shalt  }
0x77: {  	_ =	shalt  }
0x78: {  	_ =	shalt  }
0x79: {  	_ =	shalt  }
0x7a: {  	_ =	shalt  }
0x7b: {  	_ =	shalt  }
0x7c: {  	_ =	shalt  }
0x7d: {  	_ =	shalt  }
0x7e: {  	_ =	shalt  }
0x7f: {  	_ =	shalt  }
0x80: {  	_ =	shalt  }
0x81: {  	_ =	shalt  }
0x82: {  	_ =	shalt  }
0x83: {  	_ =	shalt  }
0x84: {  	_ =	shalt  }
0x85: {  	_ =	shalt  }
0x86: {  	_ =	shalt  }
0x87: {  	_ =	shalt  }
.Lfunc_end0:
.L_simem_size_0:
called_computation_lowered:
.L_overlay_start_0:
0x88: {  	s2 =	sld [smem:$0x3FD9]  }
0x89: {  	s3 =	sld [smem:$0x3FFE];
	_ =	sdelay $0x1  }
0x8a: {  	s1 =	srdreg.scid  }
0x8b: {  	s0 =	sand.u32 $0x1, s1  }
0x8c: {  	s17 =	sshll.u32 s0, $0xA;
	s2 =	sadd.s32 s3, s2  }
0x8d: {  	s2 =	sadd.s32 s2, s17  }
0x8e: {  	[smem:$0x3FC2] =	sst s2  }
0x8f: {  	_ = 	snop  }
0x90: {  	(tm) =	ssettm $0x1  }
0x91: {  	s18 =	sld [smem:$0x3FFB];
	_ =	sdelay $0x3  }
0x92: {  	_ =	strace s18  }
0x93: {  	s2 =	sld [smem:$0x3FFC];
	_ =	sdelay $0x3  }
0x94: {  	_ =	strace s2  }
0x95: {  	s2 =	sld [smem:$0x3FFD];
	_ =	sdelay $0x3  }
0x96: {  	_ =	strace s2  }
0x97: {  	_ =	strace $0x8FFFFFFF  }
0x98: {  	s19 =	sld [smem:$0x3FDB];
	_ =	sdelay $0x1  }
0x99: {  	s20 =	simm.s32 $_scs_section_size  }
0x9a: {  	s4 =	simm.s32 $_size__tile_overlayer_lowered;
	s5 =	simm.s32 $_tile_overlayer_lowered  }
0x9b: {  	s6 =	simm.s32 $0x1BFF;
	s21 =	sshll.u32 s5, $0x1;
	s3 =	sadd.s32 s20, s19  }
0x9c: {  	s22 =	simm.s32 $0x0;
	s4 =	sshll.u32 s4, $0x1;
	s5 =	sadd.s32 s21, s3  }
0x9d: {  	[timem:s22], [sflag:s6] =	dma.local [hbm:s5], s4  }
0x9e: {  	_ =	swait.ge [sflag:s6], s4  }
0x9f: {  	s4 =	ssub.s32 $0x0, s4;
	[sflag:s6] =	ssyncset.done $0x0  }
0xa0: {  	[sflag:s6] =	ssyncadd.s32 s4;
	_ =	sdelay $0x1  }
0xa1: {  	s23 =	simm.s32 $0x1B8B  }
0xa2: {  	_ =	swait.ge [sflag:s23], $0x1  }
0xa3: {  	[sflag:s23] =	ssyncset.done $0x0  }
0xa4: {  	[sflag:s23] =	ssyncadd.s32 $0xFFFFFFFF  }
0xa5: {  	s4 =	sld [smem:$0x0]  }
0xa6: {  	s5 =	sand.u32 $0xFFFFFFFE, s1  }
0xa7: {  	p0 =	sne.s32 s1, s5  }
0xa8: {  	s5 =	sshll.u32 @p0 s5, $0xE  }
0xa9: {  	s5 =	sadd.s32 @p0 $0x11B8D, s5;
	s6 =	sshll.u32 @p0 s4, $0x11  }
0xaa: {  	s5 =	sor.u32 @p0 s6, s5  }
0xab: {  	[sflag:s5] =	ssyncadd.remote.s32 @p0 $0x1;
	_ =	sdelay $0x1  }
0xac: {  	s5 =	simm.s32 @p0 $0x1B8D  }
0xad: {  	_ =	swait.eq @p0 [sflag:s5], $0x1  }
0xae: {  	[sflag:s5] =	ssyncadd.s32 @p0 $0xFFFFFFFF  }
0xaf: {  	s6 =	sshll.u32 @!p0 s1, $0xE  }
0xb0: {  	s6 =	sor.u32 @!p0 $0x4000, s6;
	s5 =	simm.s32 @!p0 $0x1B8D  }
0xb1: {  	s4 =	sshll.u32 @!p0 s4, $0x11;
	s6 =	sadd.s32 @!p0 $0x11B8D, s6;
	_ =	swait.eq @!p0 [sflag:s5], $0x1  }
0xb2: {  	s4 =	sor.u32 @!p0 s4, s6;
	[sflag:s5] =	ssyncadd.s32 @!p0 $0xFFFFFFFF  }
0xb3: {  	s25 =	simm.s32 $0x1B8E;
	s24 =	sld [smem:$0x3FFE];
	[sflag:s4] =	ssyncadd.remote.s32 @!p0 $0x1  }
0xb4: {  	s26 =	simm.s32 $execute0_lowered;
	[smem:$0x3FD2] =	sst s25  }
0xb5: {  	s5 =	sshll.u32 s26, $0x1;
	_ =	strace $0x80000064;
	[dreg:$0x1] =	wrdreg $0xFFFFFFFF  }
0xb6: {  	s28 =	simm.s32 $_size_execute0_lowered;
	s3 =	sadd.s32 s3, s5;
	[dreg:$0x0] =	wrdreg $0x0  }
0xb7: {  	s5 =	sshll.u32 s28, $0x1;
	[dreg:$0x2] =	wrdreg s3  }
0xb8: {  	[dreg:$0x3] =	wrdreg s5  }
0xb9: {  	[dreg:$0x4] =	wrdreg $0xC0  }
0xba: {  	_ =	task [dreg:s22], $0x5FFFF  }
0xbb: {  	[dreg:$0x1] =	wrdreg $0xFFFFFFFF  }
0xbc: {  	[dreg:$0x0] =	wrdreg $0x60  }
0xbd: {  	[dreg:$0x2] =	wrdreg s24  }
0xbe: {  	[dreg:$0x3] =	wrdreg $0x9  }
0xbf: {  	_ =	task.clear_ibuf [dreg:s22], $0x4FFFF;
	_ =	strace $0x90000064  }
0xc0: {  	s29 =	simm.s32 $0x9;
	_ =	strace $0x8000006D  }
0xc1: {  	_ =	swait.ge [sflag:s29], $0x1  }
0xc2: {  	[sflag:s29] =	ssyncadd.s32 $0xFFFFFFFF  }
0xc3: {  	_ =	strace $0x9000006D  }
0xc4: {  	_ =	sfence  }
0xc5: {  	s30 =	sld [smem:$0x0];
	_ =	sdelay $0x2  }
0xc6: {  	s31 =	sshll.u32 s1, $0xD;
	s1 =	sshrl.u32 s1, $0x2  }
0xc7: {  	s4 =	sand.u32 $0x4000, s31;
	s1 =	sadd.s32 s1, s30  }
0xc8: {  	s0 =	sor.u32 s4, s0;
	s1 =	sshll.u32 s1, $0x11  }
0xc9: {  	s0 =	sor.u32 s1, s0  }
0xca: {  	s0 =	sadd.s32 $0x8F2B, s0  }
0xcb: {  	[sflag:s0] =	ssyncadd.remote.s32 $0x1  }
0xcc: {  	_ =	sfence.sel $0xFFFF  }
0xcd: {  	[dreg:$0x0] =	wrdreg $0xFFFFFFFF;
	(pc) =	sbr.abs _section_cstart, $3  }
0xce: {  	[dreg:$0x1] =	wrdreg $0xFFFFFFFF  }
0xcf: {  	_ =	task.clear_ibuf [dreg:s22], $0x2FFFF;
	_ =	strace $0x9FFFFFFF  }
0xd0: {  	(tm) =	ssettm $0x7FFFFFFF  }
0xd1: {  	_ =	shalt  }
tec
execute0_lowered:
.L_overlay_start_1:
0x0: {  	(tag) =	ssettag $0x1  }
0x1: {  	s4 =	rddreg [dreg:$0x0];
	s1 =	srdreg.scid  }
0x2: {  	s0 =	rddreg [dreg:$0x1];
	s2 =	simm.s32 $0x0;
	s9 =	simm.s32 $0x1  }
0x3: {  	s10 =	simm.s32 $0x80;
	s11 =	simm.s32 $0x0;
	s5 =	sand.u32 $0x1, s1  }
0x4: {  	s1 =	stileid.u32;
	[smem:$0x7FF] =	sst s2;
	s3 =	sshll.u32 s5, $0x4  }
0x5: {  	s6 =	sadd.s32 $0xDAA00, s4;
	s8 =	sadd.s32 $0x8F1000, s4;
	s3 =	sor.u32 s1, s3  }
0x6: {  	_ =	strace $0x80000065;
	[dreg:$0x2] =	wrdreg s6;
	s7 =	smul.u32 $0x27, s3  }
0x7: {  	s4 =	sadd.s32 $0x8400, s4;
	[dreg:$0x4] =	wrdreg s8;
	s6 =	smul.u32 $0x28, s3  }
0x8: {  	s29 =	ssub.s32 $0x2, s5;
	p0 =	slt.u32 s3, $0x2;
	s3 =	sadd.s32 $0x2, s7  }
0x9: {  	s5 =	simm.s32 $0x28;
	[dreg:$0x3] =	wrdreg s10;
	s3 =	smov.u32 @p0 s6  }
0xa: {  	s10 =	simm.s32 $0x5;
	s31 =	sshrl.u32 s29, $0x1;
	s30 =	sshll.u32 s3, $0x4  }
0xb: {  	s8 =	ssub.s32 s29, s31;
	s5 =	simm.s32 @!p0 $0x27;
	s7 =	sand.u32 $0x1FFFFFF0, s30  }
0xc: {  	s8 =	smax.u32 s8, $0x1;
	s6 =	sadd.s32 s4, s7;
	s7 =	sadd.s32 $0xFFFFFFFF, s5  }
.LBB2_1:
0xd: {  	_ =	strace $0x80000066;
	p2 =	sne.s32 s5, $0x1  }
.Ltmp0:
0xe: {  	p0 =	seq.s32 s5, $0x1;
	s13 =	simm.s32 $0x1;
	(pc) =	sbr.rel @!p2 .LBB2_2-.Ltmp0, $4  }
0xf: {  	[tilespmem:s2], [sflag:$0x1] =	stream.linear.gather [hbm4b:s6+s2], $0x80, $0x200038;
	[tilespmem:$0x8100] =	vst v63  }
0x10: {  	s12 =	simm.s32 $0x1;
	p1 =	por $0x1, $0x1;
	s13 =	simm.s32 @p0 $0x0  }
0x11: {  	p6 =	sgt.u32 s7, $0x0;
	p4 =	por p1, p1;
	p3 =	sne.s32 s13, $0x0  }
0x12: {  	_ =	strace $0x90000066;
	p5 =	por !p6, !p3;
	p6 =	por $0x0, $0x0  }
0x13: {  	p2 =	por !p5, !p5  }
0x14: {  	s21 =	sand.u32 $0x1, s2;
	s19 =	simm.s32 $0x2;
	s14 =	sadd.s32 @p2 s3, s13  }
0x15: {  	p1 =	por p3, p3;
	s15 =	sand.u32 @p2 $0x1, s9;
	s14 =	sshll.u32 @p2 s14, $0x4  }
0x16: {  	_ =	strace @p2 $0x80000067;
	s17 =	simm.s32 @p2 $0x0;
	s14 =	sand.u32 @p2 $0x1FFFFFF0, s14  }
0x17: {  	s16 =	sshll.u32 @p2 s15, $0x7;
	s15 =	sadd.s32 @p2 $0x1, s15;
	s14 =	sadd.s32 @p2 s4, s14  }
0x18: {  	[tilespmem:s16], [sflag:s15] =	stream.linear.gather @p2 [hbm4b:s14+s17], $0x80, $0x200038;
	[tilespmem:$0x8100] =	vst v63  }
0x19: {  	s30 =	simm.s32 $0x0;
	p6 =	por $0x0, $0x0;
	_ =	strace @p2 $0x90000067  }
0x1a: {  	p0 =	sne.s32 s5, $0x2;
	s29 =	sadd.s32 $0x1, s21;
	_ =	strace $0x80000068  }
0x1b: {  	s24 =	sadd.s32 $0x0, s3;
	p5 =	sgt.u32 s7, $0x1;
	_ =	swait.ge [sflag:s29], $0x80  }
0x1c: {  	s23 =	simm.s32 $0x1;
	s22 =	sshll.u32 s21, $0xE;
	[sflag:s29] =	ssyncset.done $0x0  }
0x1d: {  	s22 =	sor.u32 $0x100, s22;
	s16 =	sand.u32 @!p4 $0x1, s2;
	[sflag:s29] =	ssyncadd.s32 $0xFFFFFF80  }
0x1e: {  	s15 =	simm.s32 $0x1;
	s17 =	sadd.s32 $0x1, s13;
	_ =	strace $0x90000068  }
0x1f: {  	s14 =	sand.u32 $0x80, s30;
	s15 =	simm.s32 @!p2 $0x0;
	_ =	strace $0x80000069  }
0x20: {  	p2 =	por p4, p4;
	p4 =	por p6, p6;
	s20 =	rddreg [dreg:$0x3]  }
0x21: {  	p3 =	seq.s32 s17, s5;
	p6 =	seq.s32 s7, $0x0;
	s31 =	rddreg [dreg:$0x2]  }
0x22: {  	[tilespmem:s22], [sflag:$0x5] =	stream.indirect.gather [hbm4b:s31+s20], $0x80, s14, s20, $0x2000b8;
	[tilespmem:$0x8100] =	vst v63  }
.Ltmp1:
0x23: {  	s18 =	sadd.s32 $0x1, s15;
	s17 =	simm.s32 @p3 $0x0;
	(pc) =	sbr.rel @!p0 .LBB2_4-.Ltmp1, $4  }
0x24: {  	p1 =	por p6, p1;
	p6 =	por $0x0, $0x0;
	_ =	swait.ge [sflag:s10], $0x4000  }
0x25: {  	s15 =	simm.s32 $0x0;
	p3 =	sne.s32 s13, s17;
	[sflag:s10] =	ssyncset.done $0x0  }
0x26: {  	s23 =	simm.s32 @!p6 $0x0;
	p5 =	por !p5, !p3;
	[sflag:s10] =	ssyncadd.s32 $0xFFFFC000  }
0x27: {  	s14 =	simm.s32 $0x0;
	s20 =	simm.s32 $0x0;
	_ =	strace $0x90000069  }
.LBB2_5:
0x28: {  	_ =	strace @p1 $0x8000006A;
	s14 =	sadd.s32 s23, s14;
	s23 =	smov.u32 s12  }
0x29: {  	s12 =	smov.u32 s19;
	s19 =	sadd.s32 $0x1, s19;
	p0 =	por p3, p3  }
0x2a: {  	s29 =	sshll.u32 @p1 s24, $0xB;
	s21 =	sadd.s32 @p1 $0x3, s21;
	s25 =	simm.s32 @!p0 $0x0  }
0x2b: {  	s26 =	rddreg [dreg:$0x4];
	s29 =	sand.u32 @p1 $0x1FFFF800, s29;
	s25 =	simm.s32 @p0 $0x1  }
0x2c: {  	s26 =	sadd.s32 @p1 s26, s29;
	s29 =	simm.s32 @p1 $0x0;
	p0 =	sne.s32 s5, s19  }
0x2d: {  	[hbm4b:s26+s29] =	stream.linear.scatter @p1 [tilespmem:s22], [sflag:s21], $0x4000, $0x200038;
	[tilespmem:$0x8100] =	vst v63  }
0x2e: {  	s21 =	sadd.s32 @!p2 $0x3, s16;
	s16 =	simm.s32 @!p0 $0x0  }
0x2f: {  	s28 =	simm.s32 $0x1;
	[smem:$0x7FC] =	sst s25;
	s16 =	simm.s32 @p0 $0x1  }
0x30: {  	s28 =	simm.s32 @!p1 $0x0;
	_ =	strace @p1 $0x9000006A;
	[smem:$0x7FD] =	sst s16  }
0x31: {  	s20 =	sadd.s32 s28, s20;
	s25 =	sand.u32 @!p4 $0x1, s14;
	_ =	strace @!p2 $0x8000006B  }
0x32: {  	p1 =	por !p5, !p5;
	s16 =	smov.u32 s25;
	_ =	swait.ge @!p2 [sflag:s21], $0x4000  }
0x33: {  	s22 =	sand.u32 @p1 $0x1, s18;
	s25 =	sadd.s32 @p1 s3, s17;
	[sflag:s21] =	ssyncset.done @!p2 $0x0  }
0x34: {  	s26 =	sshll.u32 @p1 s22, $0x7;
	s25 =	sshll.u32 @p1 s25, $0x4;
	[sflag:s21] =	ssyncadd.s32 @!p2 $0xFFFFC000  }
0x35: {  	s21 =	sadd.s32 @p1 $0x1, s22;
	s22 =	sand.u32 @p1 $0x1FFFFFF0, s25;
	_ =	strace @!p2 $0x9000006B  }
0x36: {  	s25 =	simm.s32 @p1 $0x0;
	s22 =	sadd.s32 @p1 s4, s22;
	_ =	strace @p1 $0x80000067  }
0x37: {  	[tilespmem:s26], [sflag:s21] =	stream.linear.gather @p1 [hbm4b:s22+s25], $0x80, $0x200038;
	[tilespmem:$0x8100] =	vst v63  }
0x38: {  	s15 =	sadd.s32 s28, s15;
	s28 =	sand.u32 $0x1, s20;
	_ =	strace @p1 $0x90000067  }
0x39: {  	s28 =	sadd.s32 $0x1, s28;
	_ =	strace $0x80000068  }
0x3a: {  	_ =	swait.ge [sflag:s28], $0x80  }
0x3b: {  	[sflag:s28] =	ssyncset.done $0x0  }
0x3c: {  	s21 =	simm.s32 $0x1;
	[sflag:s28] =	ssyncadd.s32 $0xFFFFFF80  }
0x3d: {  	s21 =	simm.s32 @!p1 $0x0;
	_ =	strace $0x90000068  }
0x3e: {  	s18 =	sadd.s32 s21, s18;
	s21 =	sand.u32 $0x1, s15;
	_ =	strace $0x80000069  }
0x3f: {  	s31 =	sshll.u32 s20, $0x7;
	s29 =	sshll.u32 s21, $0xE;
	s25 =	rddreg [dreg:$0x3]  }
0x40: {  	s31 =	sand.u32 $0x80, s31;
	s22 =	sor.u32 $0x100, s29;
	s26 =	rddreg [dreg:$0x2]  }
0x41: {  	[tilespmem:s22], [sflag:$0x5] =	stream.indirect.gather [hbm4b:s26+s25], $0x80, s31, s25, $0x2000b8;
	[tilespmem:$0x8100] =	vst v63  }
0x42: {  	_ =	swait.ge [sflag:s10], $0x4000  }
0x43: {  	[sflag:s10] =	ssyncset.done $0x0  }
0x44: {  	[sflag:s10] =	ssyncadd.s32 $0xFFFFC000  }
0x45: {  	s30 =	sadd.s32 $0x1, s17;
	_ =	strace $0x90000069  }
0x46: {  	s24 =	sadd.s32 s3, s13;
	s13 =	smov.u32 s17;
	s31 =	sld [smem:$0x7FD]  }
0x47: {  	p0 =	sne.s32 s23, $0x0;
	s17 =	smov.u32 s30;
	p1 =	seq.s32 s30, s5  }
0x48: {  	s17 =	simm.s32 @p1 $0x0;
	p1 =	seq.s32 s7, s23;
	s23 =	simm.s32 $0x1  }
0x49: {  	s23 =	simm.s32 @!p0 $0x0;
	p0 =	seq.s32 s31, $0x1  }
.Ltmp2:
0x4a: {  	s30 =	sld [smem:$0x7FC];
	(pc) =	sbr.rel @p0 .LBB2_5-.Ltmp2, $4  }
0x4b: {  	p3 =	seq.s32 s12, $0x0  }
0x4c: {  	p6 =	por p3, p3;
	p5 =	slt.u32 s12, s7  }
0x4d: {  	p2 =	por p4, p4;
	p3 =	sne.s32 s13, s17;
	p4 =	seq.s32 s30, $0x1  }
0x4e: {  	p5 =	por !p5, !p3;
	p1 =	por p1, p4;
	p4 =	por p6, p6  }
0x4f: {  	p6 =	por $0x1, $0x1  }
.LBB2_7:
0x50: {  	p0 =	por !p1, !p6  }
0x51: {  	s25 =	simm.s32 $0x1;
	_ =	strace @!p0 $0x8000006A;
	s24 =	sshll.u32 @!p0 s24, $0xB  }
0x52: {  	p2 =	por p2, !p6;
	s19 =	rddreg [dreg:$0x4];
	s24 =	sand.u32 @!p0 $0x1FFFF800, s24  }
0x53: {  	s21 =	sadd.s32 @!p0 $0x3, s21;
	s19 =	sadd.s32 @!p0 s19, s24;
	s24 =	simm.s32 @!p0 $0x0  }
0x54: {  	[hbm4b:s19+s24] =	stream.linear.scatter @!p0 [tilespmem:s22], [sflag:s21], $0x4000, $0x200038;
	[tilespmem:$0x8100] =	vst v63  }
0x55: {  	p1 =	por !p5, !p5;
	s25 =	simm.s32 @p0 $0x0;
	_ =	strace @!p0 $0x9000006A  }
0x56: {  	s16 =	sadd.s32 @!p2 $0x3, s16;
	s17 =	sadd.s32 @p1 s3, s17;
	_ =	strace @!p2 $0x8000006B  }
0x57: {  	s18 =	sand.u32 @p1 $0x1, s18;
	s17 =	sshll.u32 @p1 s17, $0x4;
	_ =	swait.ge @!p2 [sflag:s16], $0x4000  }
0x58: {  	s17 =	sand.u32 @p1 $0x1FFFFFF0, s17;
	s19 =	sadd.s32 @p6 s25, s20;
	[sflag:s16] =	ssyncset.done @!p2 $0x0  }
0x59: {  	s20 =	simm.s32 $0x0;
	s17 =	sadd.s32 @p1 s4, s17;
	[sflag:s16] =	ssyncadd.s32 @!p2 $0xFFFFC000  }
0x5a: {  	s20 =	smov.u32 @p6 s19;
	s19 =	sshll.u32 @p1 s18, $0x7;
	_ =	strace @!p2 $0x9000006B  }
0x5b: {  	s16 =	sadd.s32 @p1 $0x1, s18;
	s18 =	simm.s32 @p1 $0x0;
	_ =	strace @p1 $0x80000067  }
0x5c: {  	[tilespmem:s19], [sflag:s16] =	stream.linear.gather @p1 [hbm4b:s17+s18], $0x80, $0x200038;
	[tilespmem:$0x8100] =	vst v63  }
0x5d: {  	s26 =	sand.u32 $0x1, s20;
	_ =	strace @p1 $0x90000067  }
0x5e: {  	s16 =	sadd.s32 $0x1, s26;
	_ =	strace $0x80000068  }
0x5f: {  	_ =	swait.ge [sflag:s16], $0x80  }
0x60: {  	[sflag:s16] =	ssyncset.done $0x0  }
0x61: {  	s15 =	sadd.s32 @p6 s25, s15;
	[sflag:s16] =	ssyncadd.s32 $0xFFFFFF80;
	s16 =	simm.s32 $0x0  }
0x62: {  	_ =	strace $0x90000068;
	s16 =	smov.u32 @p6 s15  }
0x63: {  	_ =	strace $0x80000069;
	s16 =	sand.u32 $0x1, s16  }
0x64: {  	s30 =	sshll.u32 s20, $0x7;
	s28 =	rddreg [dreg:$0x3];
	s31 =	sshll.u32 s16, $0xE  }
0x65: {  	s18 =	sand.u32 $0x80, s30;
	s29 =	rddreg [dreg:$0x2];
	s19 =	sor.u32 $0x100, s31  }
0x66: {  	[tilespmem:s19], [sflag:$0x5] =	stream.indirect.gather [hbm4b:s29+s28], $0x80, s18, s28, $0x2000b8;
	[tilespmem:$0x8100] =	vst v63  }
0x67: {  	_ =	swait.ge [sflag:s10], $0x4000  }
0x68: {  	p3 =	por p3, p3;
	[sflag:s10] =	ssyncset.done $0x0  }
0x69: {  	p5 =	seq.s32 s7, s12;
	s13 =	sadd.s32 s3, s13;
	[sflag:s10] =	ssyncadd.s32 $0xFFFFC000  }
0x6a: {  	s14 =	sadd.s32 @p6 s23, s14;
	p1 =	por p5, p3;
	_ =	strace $0x90000069  }
0x6b: {  	s17 =	simm.s32 $0x0;
	s13 =	sshll.u32 @p1 s13, $0xB;
	_ =	strace @p1 $0x8000006A  }
0x6c: {  	s17 =	smov.u32 @p6 s14;
	s13 =	sand.u32 @p1 $0x1FFFF800, s13;
	s15 =	rddreg [dreg:$0x4]  }
0x6d: {  	s14 =	sadd.s32 @p1 $0x3, s16;
	s13 =	sadd.s32 @p1 s15, s13;
	s15 =	simm.s32 @p1 $0x0  }
0x6e: {  	[hbm4b:s13+s15] =	stream.linear.scatter @p1 [tilespmem:s19], [sflag:s14], $0x4000, $0x200038;
	[tilespmem:$0x8100] =	vst v63  }
0x6f: {  	p0 =	por p4, p4;
	s13 =	sand.u32 @!p4 $0x1, s17;
	_ =	strace @p1 $0x9000006A  }
0x70: {  	s13 =	sadd.s32 @!p0 $0x3, s13;
	_ =	strace @!p0 $0x8000006B  }
0x71: {  	p1 =	sne.s32 s12, $0x0;
	s12 =	simm.s32 $0x1;
	_ =	swait.ge @!p0 [sflag:s13], $0x4000  }
0x72: {  	s12 =	simm.s32 @!p1 $0x0;
	[sflag:s13] =	ssyncset.done @!p0 $0x0  }
0x73: {  	s11 =	sadd.s32 $0x1, s11;
	s12 =	sadd.s32 s12, s17;
	[sflag:s13] =	ssyncadd.s32 @!p0 $0xFFFFC000  }
0x74: {  	s12 =	sand.u32 $0x1, s12;
	_ =	strace @!p0 $0x9000006B;
	p0 =	sne.s32 s11, s8  }
.Ltmp3:
0x75: {  	s12 =	sadd.s32 $0x3, s12;
	_ =	strace $0x8000006C;
	(pc) =	sbr.rel @p0 .LBB2_1-.Ltmp3, $4  }
.Ltmp4:
0x76: {  	_ =	swait.ge [sflag:s12], $0x4000;
	(pc) =	sbr.rel @!p0 .LBB2_8-.Ltmp4, $4  }
0x77: {  	[sflag:s12] =	ssyncset.done $0x0  }
0x78: {  	[sflag:s12] =	ssyncadd.s32 $0xFFFFC000  }
0x79: {  	_ =	strace $0x9000006C  }
0x7a: {  	_ = 	snop  }
.LBB2_2:
.Ltmp5:
0x7b: {  	(pc) =	sbr.rel .LBB2_7-.Ltmp5, $4  }
0x7c: {  	_ = 	snop  }
0x7d: {  	s14 =	simm.s32 $0x0  }
0x7e: {  	s12 =	simm.s32 $0x0;
	s15 =	simm.s32 $0x0;
	s17 =	smov.u32 s13  }
0x7f: {  	s20 =	simm.s32 $0x0;
	s18 =	simm.s32 $0x1;
	s13 =	simm.s32 $0x0  }
.LBB2_4:
.Ltmp6:
0x80: {  	(pc) =	sbr.rel .LBB2_7-.Ltmp6, $3  }
0x81: {  	_ =	sdelay $0x1  }
0x82: {  	s14 =	simm.s32 $0x0  }
0x83: {  	s15 =	simm.s32 $0x0;
	s20 =	simm.s32 $0x0;
	p6 =	por $0x1, $0x1  }
.LBB2_8:
0x84: {  	_ =	sfence.sel $0x180000  }
0x85: {  	[bflag:$0x0] =	sbarrier.arrive $0xFFFF  }
0x86: {  	p0 =	sne.s32 s1, $0x0;
	_ =	strace $0x90000065  }
0x87: {  	s0 =	sadd.s32 @!p0 $0x100000, s0;
	[bflag:$0x2] =	sbarrier.arrive $0xFFFF  }
0x88: {  	[sflag:s0] =	ssyncadd.tile.s32 @!p0 $0x1;
	_ =	shalt  }
.Lfunc_end2:
_tile_overlayer_lowered:
.L_overlay_start_2:
0x89: {  	(tag) =	ssettag $0x2  }
0x8a: {  	s0 =	rddreg [dreg:$0x0];
	s2 =	stileid.u32  }
0x8b: {  	s1 =	rddreg [dreg:$0x1];
	p0 =	sne.s32 s2, $0x0  }
0x8c: {  	s3 =	rddreg [dreg:$0x2];
	[bflag:$0x3] =	sbarrier.arrive $0xFFFF;
	s2 =	simm.s32 @!p0 $0x1C01  }
0x8d: {  	[timem:s3], [sflag:s2] =	dma.local @!p0 [hbm:s0], s1  }
0x8e: {  	s0 =	simm.s32 @!p0 $0x1  }
0x8f: {  	_ =	swait.ge @!p0 [sflag:s0], s1  }
0x90: {  	s1 =	ssub.s32 @!p0 $0x0, s1;
	[sflag:s0] =	ssyncset.done @!p0 $0x0  }
0x91: {  	[sflag:s0] =	ssyncadd.s32 @!p0 s1  }
0x92: {  	[bflag:$0x3] =	sbarrier.arrive $0xFFFF  }
0x93: {  	_ =	shalt  }

// kernel: kernel.15.cloned.1.call-start
scs
__scs_entry_jumppad:
0x0: {  	(pc) =	sbr.rel $0x88, $3  }
0x1: {  	(tag) =	ssettag $0x0;
	lr =	simm.s32 $0x1  }
0x2: {  	[smem:$0x3F9B] =	sst lr;
	_ =	strace $0xD0000000  }
0x3: {  	_ = 	snop  }
0x4: {  	_ = 	snop  }
0x5: {  	_ = 	snop  }
0x6: {  	_ = 	snop  }
0x7: {  	_ = 	snop  }
__scs_overlays_trampoline_lowered:
0x8: {  	[smem:$0x3FAA] =	sst s0  }
0x9: {  	[smem:$0x3FAB] =	sst s1  }
0xa: {  	[smem:$0x3FAC] =	sst s2  }
0xb: {  	[smem:$0x3FAD] =	sst s3  }
0xc: {  	[smem:$0x3FAE] =	sst s4  }
0xd: {  	[smem:$0x3FAF] =	sst s5  }
0xe: {  	[smem:$0x3FB0] =	sst s6  }
0xf: {  	[smem:$0x3FB1] =	sst s7  }
0x10: {  	[smem:$0x3FB2] =	sst s8  }
0x11: {  	[smem:$0x3FB3] =	sst s9;
	s0 =	simm.s32 @!p0 $0x0  }
0x12: {  	s1 =	sld [smem:$0x3F99];
	s0 =	simm.s32 @p0 $0x1  }
0x13: {  	[smem:$0x3FB4] =	sst s0;
	s0 =	simm.s32 @!p1 $0x0  }
0x14: {  	s2 =	sld [smem:$0x3F98];
	s0 =	simm.s32 @p1 $0x1  }
0x15: {  	[smem:$0x3FB5] =	sst s0;
	s0 =	simm.s32 @!p2 $0x0  }
0x16: {  	s3 =	sld [smem:$0x3FDB];
	s0 =	simm.s32 @p2 $0x1  }
0x17: {  	s4 =	simm.s32 $0x1BF5;
	[smem:$0x3FB7] =	sst s0  }
0x18: {  	s0 =	sld [smem:$0x3F9A];
	_ =	swait.ge [sflag:s4], $0x0  }
0x19: {  	s7 =	sld [smem:$0x3F9B]  }
0x1a: {  	s8 =	sadd.s32 $0xFFFFE003, lr  }
0x1b: {  	s9 =	sadd.s32 $0xFFFFFEF7, lr;
	s5 =	simm.s32 $0xFFFFFFFF;
	p2 =	slt.u32 s8, $0xFFFFF086  }
0x1c: {  	p1 =	slt.u32 s9, $0xF7A;
	s5 =	simm.s32 @!p2 $0x0  }
0x1d: {  	s5 =	simm.s32 @p1 $0x1;
	p0 =	seq.s32 s7, s2  }
0x1e: {  	s7 =	smul.u32 @!p0 $0xF7A, s2;
	p2 =	seq.s32 @!p0 s5, $0x0  }
0x1f: {  	s9 =	smul.u32 $0xF7A, s1;
	s8 =	simm.s32 @!p0 $0x1BF5;
	p2 =	por !p2, p0  }
0x20: {  	[sflag:s8] =	ssyncset.s32 @!p0 $0xFFFFF086;
	s6 =	sadd.s32 @!p0 s3, s7;
	s7 =	simm.s32 @!p0 $0x108  }
0x21: {  	s3 =	sadd.s32 s3, s9;
	s6 =	sadd.s32 @!p0 $0x88, s6;
	s7 =	simm.s32 @p2 $0x1082  }
0x22: {  	[simem:s7], [sflag:s8] =	dma.local @!p0 [hbm:s6], $0xF7A  }
0x23: {  	s9 =	sor.u32 $0xD0000000, s2;
	s6 =	simm.s32 $0x108;
	_ =	swait.ge @!p0 [sflag:s8], $0x0  }
0x24: {  	s3 =	sadd.s32 $0x88, s3;
	s6 =	simm.s32 @!p1 $0x1082;
	[sflag:s4] =	ssyncset.s32 $0xFFFFF086  }
0x25: {  	[simem:s6], [sflag:s4] =	dma.local [hbm:s3], $0xF7A  }
0x26: {  	[smem:$0x3F9B] =	sst s1;
	(tag) =	ssettag s2;
	_ =	strace s9  }
0x27: {  	s1 =	sld [smem:$0x3FAB]  }
0x28: {  	s2 =	sld [smem:$0x3FAC]  }
0x29: {  	s4 =	sld [smem:$0x3FAE]  }
0x2a: {  	p0 =	seq.s32 s5, $0x0;
	s5 =	sld [smem:$0x3FAF]  }
0x2b: {  	s6 =	sld [smem:$0x3FB0]  }
0x2c: {  	s7 =	sld [smem:$0x3FB1]  }
0x2d: {  	s3 =	simm.s32 $0x108;
	s8 =	sld [smem:$0x3FB2]  }
0x2e: {  	s3 =	simm.s32 @!p0 $0x1082;
	s9 =	sld [smem:$0x3FB3]  }
0x2f: {  	lr =	sadd.s32 s0, s3;
	s0 =	sld [smem:$0x3FAA]  }
0x30: {  	s3 =	sld [smem:$0x3FAD]  }
0x31: {  	[smem:$0x3FB6] =	sst s10  }
0x32: {  	s10 =	sld [smem:$0x3FB4];
	_ =	sdelay $0x3  }
0x33: {  	p0 =	seq.s32 s10, $0x1;
	s10 =	sld [smem:$0x3FB6];
	_ =	sdelay $0x3  }
0x34: {  	[smem:$0x3FB6] =	sst s10  }
0x35: {  	s10 =	sld [smem:$0x3FB5];
	_ =	sdelay $0x3  }
0x36: {  	p1 =	seq.s32 s10, $0x1;
	s10 =	sld [smem:$0x3FB6];
	_ =	sdelay $0x3  }
0x37: {  	[smem:$0x3FB6] =	sst s10  }
0x38: {  	s10 =	sld [smem:$0x3FB7]  }
0x39: {  	_ = 	snop;
	(pc) =	sbr.ind lr, $3  }
0x3a: {  	_ = 	snop  }
0x3b: {  	_ = 	snop  }
0x3c: {  	p2 =	seq.s32 s10, $0x1;
	s10 =	sld [smem:$0x3FB6]  }
0x3d: {  	_ =	shalt  }
0x3e: {  	_ =	shalt  }
0x3f: {  	_ =	shalt  }
0x40: {  	_ =	shalt  }
0x41: {  	_ =	shalt  }
0x42: {  	_ =	shalt  }
0x43: {  	_ =	shalt  }
0x44: {  	_ =	shalt  }
0x45: {  	_ =	shalt  }
0x46: {  	_ =	shalt  }
0x47: {  	_ =	shalt  }
0x48: {  	_ =	shalt  }
0x49: {  	_ =	shalt  }
0x4a: {  	_ =	shalt  }
0x4b: {  	_ =	shalt  }
0x4c: {  	_ =	shalt  }
0x4d: {  	_ =	shalt  }
0x4e: {  	_ =	shalt  }
0x4f: {  	_ =	shalt  }
0x50: {  	_ =	shalt  }
0x51: {  	_ =	shalt  }
0x52: {  	_ =	shalt  }
0x53: {  	_ =	shalt  }
0x54: {  	_ =	shalt  }
0x55: {  	_ =	shalt  }
0x56: {  	_ =	shalt  }
0x57: {  	_ =	shalt  }
0x58: {  	_ =	shalt  }
0x59: {  	_ =	shalt  }
0x5a: {  	_ =	shalt  }
0x5b: {  	_ =	shalt  }
0x5c: {  	_ =	shalt  }
0x5d: {  	_ =	shalt  }
0x5e: {  	_ =	shalt  }
0x5f: {  	_ =	shalt  }
0x60: {  	_ =	shalt  }
0x61: {  	_ =	shalt  }
0x62: {  	_ =	shalt  }
0x63: {  	_ =	shalt  }
0x64: {  	_ =	shalt  }
0x65: {  	_ =	shalt  }
0x66: {  	_ =	shalt  }
0x67: {  	_ =	shalt  }
0x68: {  	_ =	shalt  }
0x69: {  	_ =	shalt  }
0x6a: {  	_ =	shalt  }
0x6b: {  	_ =	shalt  }
0x6c: {  	_ =	shalt  }
0x6d: {  	_ =	shalt  }
0x6e: {  	_ =	shalt  }
0x6f: {  	_ =	shalt  }
0x70: {  	_ =	shalt  }
0x71: {  	_ =	shalt  }
0x72: {  	_ =	shalt  }
0x73: {  	_ =	shalt  }
0x74: {  	_ =	shalt  }
0x75: {  	_ =	shalt  }
0x76: {  	_ =	shalt  }
0x77: {  	_ =	shalt  }
0x78: {  	_ =	shalt  }
0x79: {  	_ =	shalt  }
0x7a: {  	_ =	shalt  }
0x7b: {  	_ =	shalt  }
0x7c: {  	_ =	shalt  }
0x7d: {  	_ =	shalt  }
0x7e: {  	_ =	shalt  }
0x7f: {  	_ =	shalt  }
0x80: {  	_ =	shalt  }
0x81: {  	_ =	shalt  }
0x82: {  	_ =	shalt  }
0x83: {  	_ =	shalt  }
0x84: {  	_ =	shalt  }
0x85: {  	_ =	shalt  }
0x86: {  	_ =	shalt  }
0x87: {  	_ =	shalt  }
.Lfunc_end0:
.L_simem_size_0:
called_computation.1_lowered:
.L_overlay_start_0:
0x88: {  	s2 =	sld [smem:$0x3FD9]  }
0x89: {  	s3 =	sld [smem:$0x3FFE];
	_ =	sdelay $0x1  }
0x8a: {  	s1 =	srdreg.scid  }
0x8b: {  	s0 =	sand.u32 $0x1, s1  }
0x8c: {  	s17 =	sshll.u32 s0, $0xA;
	s2 =	sadd.s32 s3, s2  }
0x8d: {  	s2 =	sadd.s32 s2, s17  }
0x8e: {  	[smem:$0x3FC2] =	sst s2  }
0x8f: {  	_ = 	snop  }
0x90: {  	(tm) =	ssettm $0x1  }
0x91: {  	s18 =	sld [smem:$0x3FFB];
	_ =	sdelay $0x3  }
0x92: {  	_ =	strace s18  }
0x93: {  	s2 =	sld [smem:$0x3FFC];
	_ =	sdelay $0x3  }
0x94: {  	_ =	strace s2  }
0x95: {  	s2 =	sld [smem:$0x3FFD];
	_ =	sdelay $0x3  }
0x96: {  	_ =	strace s2  }
0x97: {  	_ =	strace $0x8FFFFFFF  }
0x98: {  	s19 =	sld [smem:$0x3FDB];
	_ =	sdelay $0x1  }
0x99: {  	s20 =	simm.s32 $_scs_section_size  }
0x9a: {  	s4 =	simm.s32 $_size__tile_overlayer_lowered;
	s5 =	simm.s32 $_tile_overlayer_lowered  }
0x9b: {  	s6 =	simm.s32 $0x1BFF;
	s21 =	sshll.u32 s5, $0x1;
	s3 =	sadd.s32 s20, s19  }
0x9c: {  	s22 =	simm.s32 $0x0;
	s4 =	sshll.u32 s4, $0x1;
	s5 =	sadd.s32 s21, s3  }
0x9d: {  	[timem:s22], [sflag:s6] =	dma.local [hbm:s5], s4  }
0x9e: {  	_ =	swait.ge [sflag:s6], s4  }
0x9f: {  	s4 =	ssub.s32 $0x0, s4;
	[sflag:s6] =	ssyncset.done $0x0  }
0xa0: {  	[sflag:s6] =	ssyncadd.s32 s4;
	_ =	sdelay $0x1  }
0xa1: {  	s23 =	simm.s32 $0x1B8B  }
0xa2: {  	_ =	swait.ge [sflag:s23], $0x1  }
0xa3: {  	[sflag:s23] =	ssyncset.done $0x0  }
0xa4: {  	[sflag:s23] =	ssyncadd.s32 $0xFFFFFFFF  }
0xa5: {  	s4 =	sld [smem:$0x0]  }
0xa6: {  	s5 =	sand.u32 $0xFFFFFFFE, s1  }
0xa7: {  	p0 =	sne.s32 s1, s5  }
0xa8: {  	s5 =	sshll.u32 @p0 s5, $0xE  }
0xa9: {  	s5 =	sadd.s32 @p0 $0x11B8D, s5;
	s6 =	sshll.u32 @p0 s4, $0x11  }
0xaa: {  	s5 =	sor.u32 @p0 s6, s5  }
0xab: {  	[sflag:s5] =	ssyncadd.remote.s32 @p0 $0x1;
	_ =	sdelay $0x1  }
0xac: {  	s5 =	simm.s32 @p0 $0x1B8D  }
0xad: {  	_ =	swait.eq @p0 [sflag:s5], $0x1  }
0xae: {  	[sflag:s5] =	ssyncadd.s32 @p0 $0xFFFFFFFF  }
0xaf: {  	s6 =	sshll.u32 @!p0 s1, $0xE  }
0xb0: {  	s6 =	sor.u32 @!p0 $0x4000, s6;
	s5 =	simm.s32 @!p0 $0x1B8D  }
0xb1: {  	s4 =	sshll.u32 @!p0 s4, $0x11;
	s6 =	sadd.s32 @!p0 $0x11B8D, s6;
	_ =	swait.eq @!p0 [sflag:s5], $0x1  }
0xb2: {  	s4 =	sor.u32 @!p0 s4, s6;
	[sflag:s5] =	ssyncadd.s32 @!p0 $0xFFFFFFFF  }
0xb3: {  	s25 =	simm.s32 $0x1B8E;
	s24 =	sld [smem:$0x3FFE];
	[sflag:s4] =	ssyncadd.remote.s32 @!p0 $0x1  }
0xb4: {  	s26 =	simm.s32 $execute0_lowered;
	[smem:$0x3FD2] =	sst s25  }
0xb5: {  	s5 =	sshll.u32 s26, $0x1;
	_ =	strace $0x8000006E;
	[dreg:$0x1] =	wrdreg $0xFFFFFFFF  }
0xb6: {  	s28 =	simm.s32 $_size_execute0_lowered;
	s3 =	sadd.s32 s3, s5;
	[dreg:$0x0] =	wrdreg $0x0  }
0xb7: {  	s5 =	sshll.u32 s28, $0x1;
	[dreg:$0x2] =	wrdreg s3  }
0xb8: {  	[dreg:$0x3] =	wrdreg s5  }
0xb9: {  	[dreg:$0x4] =	wrdreg $0xC0  }
0xba: {  	_ =	task [dreg:s22], $0x5FFFF  }
0xbb: {  	[dreg:$0x1] =	wrdreg $0xFFFFFFFF  }
0xbc: {  	[dreg:$0x0] =	wrdreg $0x60  }
0xbd: {  	[dreg:$0x2] =	wrdreg s24  }
0xbe: {  	[dreg:$0x3] =	wrdreg $0xA  }
0xbf: {  	_ =	task.clear_ibuf [dreg:s22], $0x4FFFF;
	_ =	strace $0x9000006E  }
0xc0: {  	s29 =	simm.s32 $0xA;
	_ =	strace $0x80000077  }
0xc1: {  	_ =	swait.ge [sflag:s29], $0x1  }
0xc2: {  	[sflag:s29] =	ssyncadd.s32 $0xFFFFFFFF  }
0xc3: {  	_ =	strace $0x90000077  }
0xc4: {  	_ =	sfence  }
0xc5: {  	s30 =	sld [smem:$0x0];
	_ =	sdelay $0x2  }
0xc6: {  	s31 =	sshll.u32 s1, $0xD;
	s1 =	sshrl.u32 s1, $0x2  }
0xc7: {  	s4 =	sand.u32 $0x4000, s31;
	s1 =	sadd.s32 s1, s30  }
0xc8: {  	s0 =	sor.u32 s4, s0;
	s1 =	sshll.u32 s1, $0x11  }
0xc9: {  	s0 =	sor.u32 s1, s0  }
0xca: {  	s0 =	sadd.s32 $0x8F2B, s0  }
0xcb: {  	[sflag:s0] =	ssyncadd.remote.s32 $0x1  }
0xcc: {  	_ =	sfence.sel $0xFFFF  }
0xcd: {  	[dreg:$0x0] =	wrdreg $0xFFFFFFFF;
	(pc) =	sbr.abs _section_cstart, $3  }
0xce: {  	[dreg:$0x1] =	wrdreg $0xFFFFFFFF  }
0xcf: {  	_ =	task.clear_ibuf [dreg:s22], $0x2FFFF;
	_ =	strace $0x9FFFFFFF  }
0xd0: {  	(tm) =	ssettm $0x7FFFFFFF  }
0xd1: {  	_ =	shalt  }
tec
execute0_lowered:
.L_overlay_start_1:
0x0: {  	(tag) =	ssettag $0x1  }
0x1: {  	s4 =	rddreg [dreg:$0x0];
	s1 =	srdreg.scid  }
0x2: {  	s0 =	rddreg [dreg:$0x1];
	s2 =	simm.s32 $0x0;
	s9 =	simm.s32 $0x1  }
0x3: {  	s10 =	simm.s32 $0x80;
	s11 =	simm.s32 $0x0;
	s5 =	sand.u32 $0x1, s1  }
0x4: {  	s1 =	stileid.u32;
	[smem:$0x7FF] =	sst s2;
	s3 =	sshll.u32 s5, $0x4  }
0x5: {  	s6 =	sadd.s32 $0xDAA00, s4;
	s8 =	sadd.s32 $0xB62000, s4;
	s3 =	sor.u32 s1, s3  }
0x6: {  	_ =	strace $0x8000006F;
	[dreg:$0x2] =	wrdreg s6;
	s7 =	smul.u32 $0x27, s3  }
0x7: {  	s4 =	sadd.s32 $0xD400, s4;
	[dreg:$0x4] =	wrdreg s8;
	s6 =	smul.u32 $0x28, s3  }
0x8: {  	s29 =	ssub.s32 $0x2, s5;
	p0 =	slt.u32 s3, $0x2;
	s3 =	sadd.s32 $0x2, s7  }
0x9: {  	s5 =	simm.s32 $0x28;
	[dreg:$0x3] =	wrdreg s10;
	s3 =	smov.u32 @p0 s6  }
0xa: {  	s10 =	simm.s32 $0x5;
	s31 =	sshrl.u32 s29, $0x1;
	s30 =	sshll.u32 s3, $0x4  }
0xb: {  	s8 =	ssub.s32 s29, s31;
	s5 =	simm.s32 @!p0 $0x27;
	s7 =	sand.u32 $0x1FFFFFF0, s30  }
0xc: {  	s8 =	smax.u32 s8, $0x1;
	s6 =	sadd.s32 s4, s7;
	s7 =	sadd.s32 $0xFFFFFFFF, s5  }
.LBB2_1:
0xd: {  	_ =	strace $0x80000070;
	p2 =	sne.s32 s5, $0x1  }
.Ltmp0:
0xe: {  	p0 =	seq.s32 s5, $0x1;
	s13 =	simm.s32 $0x1;
	(pc) =	sbr.rel @!p2 .LBB2_2-.Ltmp0, $4  }
0xf: {  	[tilespmem:s2], [sflag:$0x1] =	stream.linear.gather [hbm4b:s6+s2], $0x80, $0x200038;
	[tilespmem:$0x8100] =	vst v63  }
0x10: {  	s12 =	simm.s32 $0x1;
	p1 =	por $0x1, $0x1;
	s13 =	simm.s32 @p0 $0x0  }
0x11: {  	p6 =	sgt.u32 s7, $0x0;
	p4 =	por p1, p1;
	p3 =	sne.s32 s13, $0x0  }
0x12: {  	_ =	strace $0x90000070;
	p5 =	por !p6, !p3;
	p6 =	por $0x0, $0x0  }
0x13: {  	p2 =	por !p5, !p5  }
0x14: {  	s21 =	sand.u32 $0x1, s2;
	s19 =	simm.s32 $0x2;
	s14 =	sadd.s32 @p2 s3, s13  }
0x15: {  	p1 =	por p3, p3;
	s15 =	sand.u32 @p2 $0x1, s9;
	s14 =	sshll.u32 @p2 s14, $0x4  }
0x16: {  	_ =	strace @p2 $0x80000071;
	s17 =	simm.s32 @p2 $0x0;
	s14 =	sand.u32 @p2 $0x1FFFFFF0, s14  }
0x17: {  	s16 =	sshll.u32 @p2 s15, $0x7;
	s15 =	sadd.s32 @p2 $0x1, s15;
	s14 =	sadd.s32 @p2 s4, s14  }
0x18: {  	[tilespmem:s16], [sflag:s15] =	stream.linear.gather @p2 [hbm4b:s14+s17], $0x80, $0x200038;
	[tilespmem:$0x8100] =	vst v63  }
0x19: {  	s30 =	simm.s32 $0x0;
	p6 =	por $0x0, $0x0;
	_ =	strace @p2 $0x90000071  }
0x1a: {  	p0 =	sne.s32 s5, $0x2;
	s29 =	sadd.s32 $0x1, s21;
	_ =	strace $0x80000072  }
0x1b: {  	s24 =	sadd.s32 $0x0, s3;
	p5 =	sgt.u32 s7, $0x1;
	_ =	swait.ge [sflag:s29], $0x80  }
0x1c: {  	s23 =	simm.s32 $0x1;
	s22 =	sshll.u32 s21, $0xE;
	[sflag:s29] =	ssyncset.done $0x0  }
0x1d: {  	s22 =	sor.u32 $0x100, s22;
	s16 =	sand.u32 @!p4 $0x1, s2;
	[sflag:s29] =	ssyncadd.s32 $0xFFFFFF80  }
0x1e: {  	s15 =	simm.s32 $0x1;
	s17 =	sadd.s32 $0x1, s13;
	_ =	strace $0x90000072  }
0x1f: {  	s14 =	sand.u32 $0x80, s30;
	s15 =	simm.s32 @!p2 $0x0;
	_ =	strace $0x80000073  }
0x20: {  	p2 =	por p4, p4;
	p4 =	por p6, p6;
	s20 =	rddreg [dreg:$0x3]  }
0x21: {  	p3 =	seq.s32 s17, s5;
	p6 =	seq.s32 s7, $0x0;
	s31 =	rddreg [dreg:$0x2]  }
0x22: {  	[tilespmem:s22], [sflag:$0x5] =	stream.indirect.gather [hbm4b:s31+s20], $0x80, s14, s20, $0x2000b8;
	[tilespmem:$0x8100] =	vst v63  }
.Ltmp1:
0x23: {  	s18 =	sadd.s32 $0x1, s15;
	s17 =	simm.s32 @p3 $0x0;
	(pc) =	sbr.rel @!p0 .LBB2_4-.Ltmp1, $4  }
0x24: {  	p1 =	por p6, p1;
	p6 =	por $0x0, $0x0;
	_ =	swait.ge [sflag:s10], $0x4000  }
0x25: {  	s15 =	simm.s32 $0x0;
	p3 =	sne.s32 s13, s17;
	[sflag:s10] =	ssyncset.done $0x0  }
0x26: {  	s23 =	simm.s32 @!p6 $0x0;
	p5 =	por !p5, !p3;
	[sflag:s10] =	ssyncadd.s32 $0xFFFFC000  }
0x27: {  	s14 =	simm.s32 $0x0;
	s20 =	simm.s32 $0x0;
	_ =	strace $0x90000073  }
.LBB2_5:
0x28: {  	_ =	strace @p1 $0x80000074;
	s14 =	sadd.s32 s23, s14;
	s23 =	smov.u32 s12  }
0x29: {  	s12 =	smov.u32 s19;
	s19 =	sadd.s32 $0x1, s19;
	p0 =	por p3, p3  }
0x2a: {  	s29 =	sshll.u32 @p1 s24, $0xB;
	s21 =	sadd.s32 @p1 $0x3, s21;
	s25 =	simm.s32 @!p0 $0x0  }
0x2b: {  	s26 =	rddreg [dreg:$0x4];
	s29 =	sand.u32 @p1 $0x1FFFF800, s29;
	s25 =	simm.s32 @p0 $0x1  }
0x2c: {  	s26 =	sadd.s32 @p1 s26, s29;
	s29 =	simm.s32 @p1 $0x0;
	p0 =	sne.s32 s5, s19  }
0x2d: {  	[hbm4b:s26+s29] =	stream.linear.scatter @p1 [tilespmem:s22], [sflag:s21], $0x4000, $0x200038;
	[tilespmem:$0x8100] =	vst v63  }
0x2e: {  	s21 =	sadd.s32 @!p2 $0x3, s16;
	s16 =	simm.s32 @!p0 $0x0  }
0x2f: {  	s28 =	simm.s32 $0x1;
	[smem:$0x7FC] =	sst s25;
	s16 =	simm.s32 @p0 $0x1  }
0x30: {  	s28 =	simm.s32 @!p1 $0x0;
	_ =	strace @p1 $0x90000074;
	[smem:$0x7FD] =	sst s16  }
0x31: {  	s20 =	sadd.s32 s28, s20;
	s25 =	sand.u32 @!p4 $0x1, s14;
	_ =	strace @!p2 $0x80000075  }
0x32: {  	p1 =	por !p5, !p5;
	s16 =	smov.u32 s25;
	_ =	swait.ge @!p2 [sflag:s21], $0x4000  }
0x33: {  	s22 =	sand.u32 @p1 $0x1, s18;
	s25 =	sadd.s32 @p1 s3, s17;
	[sflag:s21] =	ssyncset.done @!p2 $0x0  }
0x34: {  	s26 =	sshll.u32 @p1 s22, $0x7;
	s25 =	sshll.u32 @p1 s25, $0x4;
	[sflag:s21] =	ssyncadd.s32 @!p2 $0xFFFFC000  }
0x35: {  	s21 =	sadd.s32 @p1 $0x1, s22;
	s22 =	sand.u32 @p1 $0x1FFFFFF0, s25;
	_ =	strace @!p2 $0x90000075  }
0x36: {  	s25 =	simm.s32 @p1 $0x0;
	s22 =	sadd.s32 @p1 s4, s22;
	_ =	strace @p1 $0x80000071  }
0x37: {  	[tilespmem:s26], [sflag:s21] =	stream.linear.gather @p1 [hbm4b:s22+s25], $0x80, $0x200038;
	[tilespmem:$0x8100] =	vst v63  }
0x38: {  	s15 =	sadd.s32 s28, s15;
	s28 =	sand.u32 $0x1, s20;
	_ =	strace @p1 $0x90000071  }
0x39: {  	s28 =	sadd.s32 $0x1, s28;
	_ =	strace $0x80000072  }
0x3a: {  	_ =	swait.ge [sflag:s28], $0x80  }
0x3b: {  	[sflag:s28] =	ssyncset.done $0x0  }
0x3c: {  	s21 =	simm.s32 $0x1;
	[sflag:s28] =	ssyncadd.s32 $0xFFFFFF80  }
0x3d: {  	s21 =	simm.s32 @!p1 $0x0;
	_ =	strace $0x90000072  }
0x3e: {  	s18 =	sadd.s32 s21, s18;
	s21 =	sand.u32 $0x1, s15;
	_ =	strace $0x80000073  }
0x3f: {  	s31 =	sshll.u32 s20, $0x7;
	s29 =	sshll.u32 s21, $0xE;
	s25 =	rddreg [dreg:$0x3]  }
0x40: {  	s31 =	sand.u32 $0x80, s31;
	s22 =	sor.u32 $0x100, s29;
	s26 =	rddreg [dreg:$0x2]  }
0x41: {  	[tilespmem:s22], [sflag:$0x5] =	stream.indirect.gather [hbm4b:s26+s25], $0x80, s31, s25, $0x2000b8;
	[tilespmem:$0x8100] =	vst v63  }
0x42: {  	_ =	swait.ge [sflag:s10], $0x4000  }
0x43: {  	[sflag:s10] =	ssyncset.done $0x0  }
0x44: {  	[sflag:s10] =	ssyncadd.s32 $0xFFFFC000  }
0x45: {  	s30 =	sadd.s32 $0x1, s17;
	_ =	strace $0x90000073  }
0x46: {  	s24 =	sadd.s32 s3, s13;
	s13 =	smov.u32 s17;
	s31 =	sld [smem:$0x7FD]  }
0x47: {  	p0 =	sne.s32 s23, $0x0;
	s17 =	smov.u32 s30;
	p1 =	seq.s32 s30, s5  }
0x48: {  	s17 =	simm.s32 @p1 $0x0;
	p1 =	seq.s32 s7, s23;
	s23 =	simm.s32 $0x1  }
0x49: {  	s23 =	simm.s32 @!p0 $0x0;
	p0 =	seq.s32 s31, $0x1  }
.Ltmp2:
0x4a: {  	s30 =	sld [smem:$0x7FC];
	(pc) =	sbr.rel @p0 .LBB2_5-.Ltmp2, $4  }
0x4b: {  	p3 =	seq.s32 s12, $0x0  }
0x4c: {  	p6 =	por p3, p3;
	p5 =	slt.u32 s12, s7  }
0x4d: {  	p2 =	por p4, p4;
	p3 =	sne.s32 s13, s17;
	p4 =	seq.s32 s30, $0x1  }
0x4e: {  	p5 =	por !p5, !p3;
	p1 =	por p1, p4;
	p4 =	por p6, p6  }
0x4f: {  	p6 =	por $0x1, $0x1  }
.LBB2_7:
0x50: {  	p0 =	por !p1, !p6  }
0x51: {  	s25 =	simm.s32 $0x1;
	_ =	strace @!p0 $0x80000074;
	s24 =	sshll.u32 @!p0 s24, $0xB  }
0x52: {  	p2 =	por p2, !p6;
	s19 =	rddreg [dreg:$0x4];
	s24 =	sand.u32 @!p0 $0x1FFFF800, s24  }
0x53: {  	s21 =	sadd.s32 @!p0 $0x3, s21;
	s19 =	sadd.s32 @!p0 s19, s24;
	s24 =	simm.s32 @!p0 $0x0  }
0x54: {  	[hbm4b:s19+s24] =	stream.linear.scatter @!p0 [tilespmem:s22], [sflag:s21], $0x4000, $0x200038;
	[tilespmem:$0x8100] =	vst v63  }
0x55: {  	p1 =	por !p5, !p5;
	s25 =	simm.s32 @p0 $0x0;
	_ =	strace @!p0 $0x90000074  }
0x56: {  	s16 =	sadd.s32 @!p2 $0x3, s16;
	s17 =	sadd.s32 @p1 s3, s17;
	_ =	strace @!p2 $0x80000075  }
0x57: {  	s18 =	sand.u32 @p1 $0x1, s18;
	s17 =	sshll.u32 @p1 s17, $0x4;
	_ =	swait.ge @!p2 [sflag:s16], $0x4000  }
0x58: {  	s17 =	sand.u32 @p1 $0x1FFFFFF0, s17;
	s19 =	sadd.s32 @p6 s25, s20;
	[sflag:s16] =	ssyncset.done @!p2 $0x0  }
0x59: {  	s20 =	simm.s32 $0x0;
	s17 =	sadd.s32 @p1 s4, s17;
	[sflag:s16] =	ssyncadd.s32 @!p2 $0xFFFFC000  }
0x5a: {  	s20 =	smov.u32 @p6 s19;
	s19 =	sshll.u32 @p1 s18, $0x7;
	_ =	strace @!p2 $0x90000075  }
0x5b: {  	s16 =	sadd.s32 @p1 $0x1, s18;
	s18 =	simm.s32 @p1 $0x0;
	_ =	strace @p1 $0x80000071  }
0x5c: {  	[tilespmem:s19], [sflag:s16] =	stream.linear.gather @p1 [hbm4b:s17+s18], $0x80, $0x200038;
	[tilespmem:$0x8100] =	vst v63  }
0x5d: {  	s26 =	sand.u32 $0x1, s20;
	_ =	strace @p1 $0x90000071  }
0x5e: {  	s16 =	sadd.s32 $0x1, s26;
	_ =	strace $0x80000072  }
0x5f: {  	_ =	swait.ge [sflag:s16], $0x80  }
0x60: {  	[sflag:s16] =	ssyncset.done $0x0  }
0x61: {  	s15 =	sadd.s32 @p6 s25, s15;
	[sflag:s16] =	ssyncadd.s32 $0xFFFFFF80;
	s16 =	simm.s32 $0x0  }
0x62: {  	_ =	strace $0x90000072;
	s16 =	smov.u32 @p6 s15  }
0x63: {  	_ =	strace $0x80000073;
	s16 =	sand.u32 $0x1, s16  }
0x64: {  	s30 =	sshll.u32 s20, $0x7;
	s28 =	rddreg [dreg:$0x3];
	s31 =	sshll.u32 s16, $0xE  }
0x65: {  	s18 =	sand.u32 $0x80, s30;
	s29 =	rddreg [dreg:$0x2];
	s19 =	sor.u32 $0x100, s31  }
0x66: {  	[tilespmem:s19], [sflag:$0x5] =	stream.indirect.gather [hbm4b:s29+s28], $0x80, s18, s28, $0x2000b8;
	[tilespmem:$0x8100] =	vst v63  }
0x67: {  	_ =	swait.ge [sflag:s10], $0x4000  }
0x68: {  	p3 =	por p3, p3;
	[sflag:s10] =	ssyncset.done $0x0  }
0x69: {  	p5 =	seq.s32 s7, s12;
	s13 =	sadd.s32 s3, s13;
	[sflag:s10] =	ssyncadd.s32 $0xFFFFC000  }
0x6a: {  	s14 =	sadd.s32 @p6 s23, s14;
	p1 =	por p5, p3;
	_ =	strace $0x90000073  }
0x6b: {  	s17 =	simm.s32 $0x0;
	s13 =	sshll.u32 @p1 s13, $0xB;
	_ =	strace @p1 $0x80000074  }
0x6c: {  	s17 =	smov.u32 @p6 s14;
	s13 =	sand.u32 @p1 $0x1FFFF800, s13;
	s15 =	rddreg [dreg:$0x4]  }
0x6d: {  	s14 =	sadd.s32 @p1 $0x3, s16;
	s13 =	sadd.s32 @p1 s15, s13;
	s15 =	simm.s32 @p1 $0x0  }
0x6e: {  	[hbm4b:s13+s15] =	stream.linear.scatter @p1 [tilespmem:s19], [sflag:s14], $0x4000, $0x200038;
	[tilespmem:$0x8100] =	vst v63  }
0x6f: {  	p0 =	por p4, p4;
	s13 =	sand.u32 @!p4 $0x1, s17;
	_ =	strace @p1 $0x90000074  }
0x70: {  	s13 =	sadd.s32 @!p0 $0x3, s13;
	_ =	strace @!p0 $0x80000075  }
0x71: {  	p1 =	sne.s32 s12, $0x0;
	s12 =	simm.s32 $0x1;
	_ =	swait.ge @!p0 [sflag:s13], $0x4000  }
0x72: {  	s12 =	simm.s32 @!p1 $0x0;
	[sflag:s13] =	ssyncset.done @!p0 $0x0  }
0x73: {  	s11 =	sadd.s32 $0x1, s11;
	s12 =	sadd.s32 s12, s17;
	[sflag:s13] =	ssyncadd.s32 @!p0 $0xFFFFC000  }
0x74: {  	s12 =	sand.u32 $0x1, s12;
	_ =	strace @!p0 $0x90000075;
	p0 =	sne.s32 s11, s8  }
.Ltmp3:
0x75: {  	s12 =	sadd.s32 $0x3, s12;
	_ =	strace $0x80000076;
	(pc) =	sbr.rel @p0 .LBB2_1-.Ltmp3, $4  }
.Ltmp4:
0x76: {  	_ =	swait.ge [sflag:s12], $0x4000;
	(pc) =	sbr.rel @!p0 .LBB2_8-.Ltmp4, $4  }
0x77: {  	[sflag:s12] =	ssyncset.done $0x0  }
0x78: {  	[sflag:s12] =	ssyncadd.s32 $0xFFFFC000  }
0x79: {  	_ =	strace $0x90000076  }
0x7a: {  	_ = 	snop  }
.LBB2_2:
.Ltmp5:
0x7b: {  	(pc) =	sbr.rel .LBB2_7-.Ltmp5, $4  }
0x7c: {  	_ = 	snop  }
0x7d: {  	s14 =	simm.s32 $0x0  }
0x7e: {  	s12 =	simm.s32 $0x0;
	s15 =	simm.s32 $0x0;
	s17 =	smov.u32 s13  }
0x7f: {  	s20 =	simm.s32 $0x0;
	s18 =	simm.s32 $0x1;
	s13 =	simm.s32 $0x0  }
.LBB2_4:
.Ltmp6:
0x80: {  	(pc) =	sbr.rel .LBB2_7-.Ltmp6, $3  }
0x81: {  	_ =	sdelay $0x1  }
0x82: {  	s14 =	simm.s32 $0x0  }
0x83: {  	s15 =	simm.s32 $0x0;
	s20 =	simm.s32 $0x0;
	p6 =	por $0x1, $0x1  }
.LBB2_8:
0x84: {  	_ =	sfence.sel $0x180000  }
0x85: {  	[bflag:$0x0] =	sbarrier.arrive $0xFFFF  }
0x86: {  	p0 =	sne.s32 s1, $0x0;
	_ =	strace $0x9000006F  }
0x87: {  	s0 =	sadd.s32 @!p0 $0x100000, s0;
	[bflag:$0x2] =	sbarrier.arrive $0xFFFF  }
0x88: {  	[sflag:s0] =	ssyncadd.tile.s32 @!p0 $0x1;
	_ =	shalt  }
.Lfunc_end2:
_tile_overlayer_lowered:
.L_overlay_start_2:
0x89: {  	(tag) =	ssettag $0x2  }
0x8a: {  	s0 =	rddreg [dreg:$0x0];
	s2 =	stileid.u32  }
0x8b: {  	s1 =	rddreg [dreg:$0x1];
	p0 =	sne.s32 s2, $0x0  }
0x8c: {  	s3 =	rddreg [dreg:$0x2];
	[bflag:$0x3] =	sbarrier.arrive $0xFFFF;
	s2 =	simm.s32 @!p0 $0x1C01  }
0x8d: {  	[timem:s3], [sflag:s2] =	dma.local @!p0 [hbm:s0], s1  }
0x8e: {  	s0 =	simm.s32 @!p0 $0x1  }
0x8f: {  	_ =	swait.ge @!p0 [sflag:s0], s1  }
0x90: {  	s1 =	ssub.s32 @!p0 $0x0, s1;
	[sflag:s0] =	ssyncset.done @!p0 $0x0  }
0x91: {  	[sflag:s0] =	ssyncadd.s32 @!p0 s1  }
0x92: {  	[bflag:$0x3] =	sbarrier.arrive $0xFFFF  }
0x93: {  	_ =	shalt  }

// kernel: kernel.18.cloned.1.call-start
scs
__scs_entry_jumppad:
0x0: {  	(pc) =	sbr.rel $0x88, $3  }
0x1: {  	(tag) =	ssettag $0x0;
	lr =	simm.s32 $0x1  }
0x2: {  	[smem:$0x3F9B] =	sst lr;
	_ =	strace $0xD0000000  }
0x3: {  	_ = 	snop  }
0x4: {  	_ = 	snop  }
0x5: {  	_ = 	snop  }
0x6: {  	_ = 	snop  }
0x7: {  	_ = 	snop  }
__scs_overlays_trampoline_lowered:
0x8: {  	[smem:$0x3FAA] =	sst s0  }
0x9: {  	[smem:$0x3FAB] =	sst s1  }
0xa: {  	[smem:$0x3FAC] =	sst s2  }
0xb: {  	[smem:$0x3FAD] =	sst s3  }
0xc: {  	[smem:$0x3FAE] =	sst s4  }
0xd: {  	[smem:$0x3FAF] =	sst s5  }
0xe: {  	[smem:$0x3FB0] =	sst s6  }
0xf: {  	[smem:$0x3FB1] =	sst s7  }
0x10: {  	[smem:$0x3FB2] =	sst s8  }
0x11: {  	[smem:$0x3FB3] =	sst s9;
	s0 =	simm.s32 @!p0 $0x0  }
0x12: {  	s1 =	sld [smem:$0x3F99];
	s0 =	simm.s32 @p0 $0x1  }
0x13: {  	[smem:$0x3FB4] =	sst s0;
	s0 =	simm.s32 @!p1 $0x0  }
0x14: {  	s2 =	sld [smem:$0x3F98];
	s0 =	simm.s32 @p1 $0x1  }
0x15: {  	[smem:$0x3FB5] =	sst s0;
	s0 =	simm.s32 @!p2 $0x0  }
0x16: {  	s3 =	sld [smem:$0x3FDB];
	s0 =	simm.s32 @p2 $0x1  }
0x17: {  	s4 =	simm.s32 $0x1BF5;
	[smem:$0x3FB7] =	sst s0  }
0x18: {  	s0 =	sld [smem:$0x3F9A];
	_ =	swait.ge [sflag:s4], $0x0  }
0x19: {  	s7 =	sld [smem:$0x3F9B]  }
0x1a: {  	s8 =	sadd.s32 $0xFFFFE003, lr  }
0x1b: {  	s9 =	sadd.s32 $0xFFFFFEF7, lr;
	s5 =	simm.s32 $0xFFFFFFFF;
	p2 =	slt.u32 s8, $0xFFFFF086  }
0x1c: {  	p1 =	slt.u32 s9, $0xF7A;
	s5 =	simm.s32 @!p2 $0x0  }
0x1d: {  	s5 =	simm.s32 @p1 $0x1;
	p0 =	seq.s32 s7, s2  }
0x1e: {  	s7 =	smul.u32 @!p0 $0xF7A, s2;
	p2 =	seq.s32 @!p0 s5, $0x0  }
0x1f: {  	s9 =	smul.u32 $0xF7A, s1;
	s8 =	simm.s32 @!p0 $0x1BF5;
	p2 =	por !p2, p0  }
0x20: {  	[sflag:s8] =	ssyncset.s32 @!p0 $0xFFFFF086;
	s6 =	sadd.s32 @!p0 s3, s7;
	s7 =	simm.s32 @!p0 $0x108  }
0x21: {  	s3 =	sadd.s32 s3, s9;
	s6 =	sadd.s32 @!p0 $0x88, s6;
	s7 =	simm.s32 @p2 $0x1082  }
0x22: {  	[simem:s7], [sflag:s8] =	dma.local @!p0 [hbm:s6], $0xF7A  }
0x23: {  	s9 =	sor.u32 $0xD0000000, s2;
	s6 =	simm.s32 $0x108;
	_ =	swait.ge @!p0 [sflag:s8], $0x0  }
0x24: {  	s3 =	sadd.s32 $0x88, s3;
	s6 =	simm.s32 @!p1 $0x1082;
	[sflag:s4] =	ssyncset.s32 $0xFFFFF086  }
0x25: {  	[simem:s6], [sflag:s4] =	dma.local [hbm:s3], $0xF7A  }
0x26: {  	[smem:$0x3F9B] =	sst s1;
	(tag) =	ssettag s2;
	_ =	strace s9  }
0x27: {  	s1 =	sld [smem:$0x3FAB]  }
0x28: {  	s2 =	sld [smem:$0x3FAC]  }
0x29: {  	s4 =	sld [smem:$0x3FAE]  }
0x2a: {  	p0 =	seq.s32 s5, $0x0;
	s5 =	sld [smem:$0x3FAF]  }
0x2b: {  	s6 =	sld [smem:$0x3FB0]  }
0x2c: {  	s7 =	sld [smem:$0x3FB1]  }
0x2d: {  	s3 =	simm.s32 $0x108;
	s8 =	sld [smem:$0x3FB2]  }
0x2e: {  	s3 =	simm.s32 @!p0 $0x1082;
	s9 =	sld [smem:$0x3FB3]  }
0x2f: {  	lr =	sadd.s32 s0, s3;
	s0 =	sld [smem:$0x3FAA]  }
0x30: {  	s3 =	sld [smem:$0x3FAD]  }
0x31: {  	[smem:$0x3FB6] =	sst s10  }
0x32: {  	s10 =	sld [smem:$0x3FB4];
	_ =	sdelay $0x3  }
0x33: {  	p0 =	seq.s32 s10, $0x1;
	s10 =	sld [smem:$0x3FB6];
	_ =	sdelay $0x3  }
0x34: {  	[smem:$0x3FB6] =	sst s10  }
0x35: {  	s10 =	sld [smem:$0x3FB5];
	_ =	sdelay $0x3  }
0x36: {  	p1 =	seq.s32 s10, $0x1;
	s10 =	sld [smem:$0x3FB6];
	_ =	sdelay $0x3  }
0x37: {  	[smem:$0x3FB6] =	sst s10  }
0x38: {  	s10 =	sld [smem:$0x3FB7]  }
0x39: {  	_ = 	snop;
	(pc) =	sbr.ind lr, $3  }
0x3a: {  	_ = 	snop  }
0x3b: {  	_ = 	snop  }
0x3c: {  	p2 =	seq.s32 s10, $0x1;
	s10 =	sld [smem:$0x3FB6]  }
0x3d: {  	_ =	shalt  }
0x3e: {  	_ =	shalt  }
0x3f: {  	_ =	shalt  }
0x40: {  	_ =	shalt  }
0x41: {  	_ =	shalt  }
0x42: {  	_ =	shalt  }
0x43: {  	_ =	shalt  }
0x44: {  	_ =	shalt  }
0x45: {  	_ =	shalt  }
0x46: {  	_ =	shalt  }
0x47: {  	_ =	shalt  }
0x48: {  	_ =	shalt  }
0x49: {  	_ =	shalt  }
0x4a: {  	_ =	shalt  }
0x4b: {  	_ =	shalt  }
0x4c: {  	_ =	shalt  }
0x4d: {  	_ =	shalt  }
0x4e: {  	_ =	shalt  }
0x4f: {  	_ =	shalt  }
0x50: {  	_ =	shalt  }
0x51: {  	_ =	shalt  }
0x52: {  	_ =	shalt  }
0x53: {  	_ =	shalt  }
0x54: {  	_ =	shalt  }
0x55: {  	_ =	shalt  }
0x56: {  	_ =	shalt  }
0x57: {  	_ =	shalt  }
0x58: {  	_ =	shalt  }
0x59: {  	_ =	shalt  }
0x5a: {  	_ =	shalt  }
0x5b: {  	_ =	shalt  }
0x5c: {  	_ =	shalt  }
0x5d: {  	_ =	shalt  }
0x5e: {  	_ =	shalt  }
0x5f: {  	_ =	shalt  }
0x60: {  	_ =	shalt  }
0x61: {  	_ =	shalt  }
0x62: {  	_ =	shalt  }
0x63: {  	_ =	shalt  }
0x64: {  	_ =	shalt  }
0x65: {  	_ =	shalt  }
0x66: {  	_ =	shalt  }
0x67: {  	_ =	shalt  }
0x68: {  	_ =	shalt  }
0x69: {  	_ =	shalt  }
0x6a: {  	_ =	shalt  }
0x6b: {  	_ =	shalt  }
0x6c: {  	_ =	shalt  }
0x6d: {  	_ =	shalt  }
0x6e: {  	_ =	shalt  }
0x6f: {  	_ =	shalt  }
0x70: {  	_ =	shalt  }
0x71: {  	_ =	shalt  }
0x72: {  	_ =	shalt  }
0x73: {  	_ =	shalt  }
0x74: {  	_ =	shalt  }
0x75: {  	_ =	shalt  }
0x76: {  	_ =	shalt  }
0x77: {  	_ =	shalt  }
0x78: {  	_ =	shalt  }
0x79: {  	_ =	shalt  }
0x7a: {  	_ =	shalt  }
0x7b: {  	_ =	shalt  }
0x7c: {  	_ =	shalt  }
0x7d: {  	_ =	shalt  }
0x7e: {  	_ =	shalt  }
0x7f: {  	_ =	shalt  }
0x80: {  	_ =	shalt  }
0x81: {  	_ =	shalt  }
0x82: {  	_ =	shalt  }
0x83: {  	_ =	shalt  }
0x84: {  	_ =	shalt  }
0x85: {  	_ =	shalt  }
0x86: {  	_ =	shalt  }
0x87: {  	_ =	shalt  }
.Lfunc_end0:
.L_simem_size_0:
called_computation.2_lowered:
.L_overlay_start_0:
0x88: {  	s2 =	sld [smem:$0x3FD9]  }
0x89: {  	s3 =	sld [smem:$0x3FFE];
	_ =	sdelay $0x1  }
0x8a: {  	s1 =	srdreg.scid  }
0x8b: {  	s0 =	sand.u32 $0x1, s1  }
0x8c: {  	s17 =	sshll.u32 s0, $0xA;
	s2 =	sadd.s32 s3, s2  }
0x8d: {  	s2 =	sadd.s32 s2, s17  }
0x8e: {  	[smem:$0x3FC2] =	sst s2  }
0x8f: {  	_ = 	snop  }
0x90: {  	(tm) =	ssettm $0x1  }
0x91: {  	s18 =	sld [smem:$0x3FFB];
	_ =	sdelay $0x3  }
0x92: {  	_ =	strace s18  }
0x93: {  	s2 =	sld [smem:$0x3FFC];
	_ =	sdelay $0x3  }
0x94: {  	_ =	strace s2  }
0x95: {  	s2 =	sld [smem:$0x3FFD];
	_ =	sdelay $0x3  }
0x96: {  	_ =	strace s2  }
0x97: {  	_ =	strace $0x8FFFFFFF  }
0x98: {  	s19 =	sld [smem:$0x3FDB];
	_ =	sdelay $0x1  }
0x99: {  	s20 =	simm.s32 $_scs_section_size  }
0x9a: {  	s4 =	simm.s32 $_size__tile_overlayer_lowered;
	s5 =	simm.s32 $_tile_overlayer_lowered  }
0x9b: {  	s6 =	simm.s32 $0x1BFF;
	s21 =	sshll.u32 s5, $0x1;
	s3 =	sadd.s32 s20, s19  }
0x9c: {  	s22 =	simm.s32 $0x0;
	s4 =	sshll.u32 s4, $0x1;
	s5 =	sadd.s32 s21, s3  }
0x9d: {  	[timem:s22], [sflag:s6] =	dma.local [hbm:s5], s4  }
0x9e: {  	_ =	swait.ge [sflag:s6], s4  }
0x9f: {  	s4 =	ssub.s32 $0x0, s4;
	[sflag:s6] =	ssyncset.done $0x0  }
0xa0: {  	[sflag:s6] =	ssyncadd.s32 s4;
	_ =	sdelay $0x1  }
0xa1: {  	s23 =	simm.s32 $0x1B8B  }
0xa2: {  	_ =	swait.ge [sflag:s23], $0x1  }
0xa3: {  	[sflag:s23] =	ssyncset.done $0x0  }
0xa4: {  	[sflag:s23] =	ssyncadd.s32 $0xFFFFFFFF  }
0xa5: {  	s4 =	sld [smem:$0x0]  }
0xa6: {  	s5 =	sand.u32 $0xFFFFFFFE, s1  }
0xa7: {  	p0 =	sne.s32 s1, s5  }
0xa8: {  	s5 =	sshll.u32 @p0 s5, $0xE  }
0xa9: {  	s5 =	sadd.s32 @p0 $0x11B8D, s5;
	s6 =	sshll.u32 @p0 s4, $0x11  }
0xaa: {  	s5 =	sor.u32 @p0 s6, s5  }
0xab: {  	[sflag:s5] =	ssyncadd.remote.s32 @p0 $0x1;
	_ =	sdelay $0x1  }
0xac: {  	s5 =	simm.s32 @p0 $0x1B8D  }
0xad: {  	_ =	swait.eq @p0 [sflag:s5], $0x1  }
0xae: {  	[sflag:s5] =	ssyncadd.s32 @p0 $0xFFFFFFFF  }
0xaf: {  	s6 =	sshll.u32 @!p0 s1, $0xE  }
0xb0: {  	s6 =	sor.u32 @!p0 $0x4000, s6;
	s5 =	simm.s32 @!p0 $0x1B8D  }
0xb1: {  	s4 =	sshll.u32 @!p0 s4, $0x11;
	s6 =	sadd.s32 @!p0 $0x11B8D, s6;
	_ =	swait.eq @!p0 [sflag:s5], $0x1  }
0xb2: {  	s4 =	sor.u32 @!p0 s4, s6;
	[sflag:s5] =	ssyncadd.s32 @!p0 $0xFFFFFFFF  }
0xb3: {  	s25 =	simm.s32 $0x1B8E;
	s24 =	sld [smem:$0x3FFE];
	[sflag:s4] =	ssyncadd.remote.s32 @!p0 $0x1  }
0xb4: {  	s26 =	simm.s32 $execute0_lowered;
	[smem:$0x3FD2] =	sst s25  }
0xb5: {  	s5 =	sshll.u32 s26, $0x1;
	_ =	strace $0x8000005A;
	[dreg:$0x1] =	wrdreg $0xFFFFFFFF  }
0xb6: {  	s28 =	simm.s32 $_size_execute0_lowered;
	s3 =	sadd.s32 s3, s5;
	[dreg:$0x0] =	wrdreg $0x0  }
0xb7: {  	s5 =	sshll.u32 s28, $0x1;
	[dreg:$0x2] =	wrdreg s3  }
0xb8: {  	[dreg:$0x3] =	wrdreg s5  }
0xb9: {  	[dreg:$0x4] =	wrdreg $0xC0  }
0xba: {  	_ =	task [dreg:s22], $0x5FFFF  }
0xbb: {  	[dreg:$0x1] =	wrdreg $0xFFFFFFFF  }
0xbc: {  	[dreg:$0x0] =	wrdreg $0x60  }
0xbd: {  	[dreg:$0x2] =	wrdreg s24  }
0xbe: {  	[dreg:$0x3] =	wrdreg $0xB  }
0xbf: {  	_ =	task.clear_ibuf [dreg:s22], $0x4FFFF;
	_ =	strace $0x9000005A  }
0xc0: {  	s29 =	simm.s32 $0xB;
	_ =	strace $0x80000063  }
0xc1: {  	_ =	swait.ge [sflag:s29], $0x1  }
0xc2: {  	[sflag:s29] =	ssyncadd.s32 $0xFFFFFFFF  }
0xc3: {  	_ =	strace $0x90000063  }
0xc4: {  	_ =	sfence  }
0xc5: {  	s30 =	sld [smem:$0x0];
	_ =	sdelay $0x2  }
0xc6: {  	s31 =	sshll.u32 s1, $0xD;
	s1 =	sshrl.u32 s1, $0x2  }
0xc7: {  	s4 =	sand.u32 $0x4000, s31;
	s1 =	sadd.s32 s1, s30  }
0xc8: {  	s0 =	sor.u32 s4, s0;
	s1 =	sshll.u32 s1, $0x11  }
0xc9: {  	s0 =	sor.u32 s1, s0  }
0xca: {  	s0 =	sadd.s32 $0x8F2B, s0  }
0xcb: {  	[sflag:s0] =	ssyncadd.remote.s32 $0x1  }
0xcc: {  	_ =	sfence.sel $0xFFFF  }
0xcd: {  	[dreg:$0x0] =	wrdreg $0xFFFFFFFF;
	(pc) =	sbr.abs _section_cstart, $3  }
0xce: {  	[dreg:$0x1] =	wrdreg $0xFFFFFFFF  }
0xcf: {  	_ =	task.clear_ibuf [dreg:s22], $0x2FFFF;
	_ =	strace $0x9FFFFFFF  }
0xd0: {  	(tm) =	ssettm $0x7FFFFFFF  }
0xd1: {  	_ =	shalt  }
tec
execute0_lowered:
.L_overlay_start_1:
0x0: {  	(tag) =	ssettag $0x1  }
0x1: {  	s4 =	rddreg [dreg:$0x0];
	s1 =	srdreg.scid  }
0x2: {  	s0 =	rddreg [dreg:$0x1];
	s2 =	simm.s32 $0x0;
	s9 =	simm.s32 $0x1  }
0x3: {  	s10 =	simm.s32 $0x80;
	s11 =	simm.s32 $0x0;
	s5 =	sand.u32 $0x1, s1  }
0x4: {  	s1 =	stileid.u32;
	[smem:$0x7FF] =	sst s2;
	s3 =	sshll.u32 s5, $0x4  }
0x5: {  	s6 =	sadd.s32 $0xDAA00, s4;
	s8 =	sadd.s32 $0x680000, s4;
	s3 =	sor.u32 s1, s3  }
0x6: {  	_ =	strace $0x8000005B;
	[dreg:$0x2] =	wrdreg s6;
	s7 =	smul.u32 $0x27, s3  }
0x7: {  	s4 =	sadd.s32 $0x3400, s4;
	[dreg:$0x4] =	wrdreg s8;
	s6 =	smul.u32 $0x28, s3  }
0x8: {  	s29 =	ssub.s32 $0x2, s5;
	p0 =	slt.u32 s3, $0x2;
	s3 =	sadd.s32 $0x2, s7  }
0x9: {  	s5 =	simm.s32 $0x28;
	[dreg:$0x3] =	wrdreg s10;
	s3 =	smov.u32 @p0 s6  }
0xa: {  	s10 =	simm.s32 $0x5;
	s31 =	sshrl.u32 s29, $0x1;
	s30 =	sshll.u32 s3, $0x4  }
0xb: {  	s8 =	ssub.s32 s29, s31;
	s5 =	simm.s32 @!p0 $0x27;
	s7 =	sand.u32 $0x1FFFFFF0, s30  }
0xc: {  	s8 =	smax.u32 s8, $0x1;
	s6 =	sadd.s32 s4, s7;
	s7 =	sadd.s32 $0xFFFFFFFF, s5  }
.LBB2_1:
0xd: {  	_ =	strace $0x8000005C;
	p2 =	sne.s32 s5, $0x1  }
.Ltmp0:
0xe: {  	p0 =	seq.s32 s5, $0x1;
	s13 =	simm.s32 $0x1;
	(pc) =	sbr.rel @!p2 .LBB2_2-.Ltmp0, $4  }
0xf: {  	[tilespmem:s2], [sflag:$0x1] =	stream.linear.gather [hbm4b:s6+s2], $0x80, $0x200038;
	[tilespmem:$0x8100] =	vst v63  }
0x10: {  	s12 =	simm.s32 $0x1;
	p1 =	por $0x1, $0x1;
	s13 =	simm.s32 @p0 $0x0  }
0x11: {  	p6 =	sgt.u32 s7, $0x0;
	p4 =	por p1, p1;
	p3 =	sne.s32 s13, $0x0  }
0x12: {  	_ =	strace $0x9000005C;
	p5 =	por !p6, !p3;
	p6 =	por $0x0, $0x0  }
0x13: {  	p2 =	por !p5, !p5  }
0x14: {  	s21 =	sand.u32 $0x1, s2;
	s19 =	simm.s32 $0x2;
	s14 =	sadd.s32 @p2 s3, s13  }
0x15: {  	p1 =	por p3, p3;
	s15 =	sand.u32 @p2 $0x1, s9;
	s14 =	sshll.u32 @p2 s14, $0x4  }
0x16: {  	_ =	strace @p2 $0x8000005D;
	s17 =	simm.s32 @p2 $0x0;
	s14 =	sand.u32 @p2 $0x1FFFFFF0, s14  }
0x17: {  	s16 =	sshll.u32 @p2 s15, $0x7;
	s15 =	sadd.s32 @p2 $0x1, s15;
	s14 =	sadd.s32 @p2 s4, s14  }
0x18: {  	[tilespmem:s16], [sflag:s15] =	stream.linear.gather @p2 [hbm4b:s14+s17], $0x80, $0x200038;
	[tilespmem:$0x8100] =	vst v63  }
0x19: {  	s30 =	simm.s32 $0x0;
	p6 =	por $0x0, $0x0;
	_ =	strace @p2 $0x9000005D  }
0x1a: {  	p0 =	sne.s32 s5, $0x2;
	s29 =	sadd.s32 $0x1, s21;
	_ =	strace $0x8000005E  }
0x1b: {  	s24 =	sadd.s32 $0x0, s3;
	p5 =	sgt.u32 s7, $0x1;
	_ =	swait.ge [sflag:s29], $0x80  }
0x1c: {  	s23 =	simm.s32 $0x1;
	s22 =	sshll.u32 s21, $0xE;
	[sflag:s29] =	ssyncset.done $0x0  }
0x1d: {  	s22 =	sor.u32 $0x100, s22;
	s16 =	sand.u32 @!p4 $0x1, s2;
	[sflag:s29] =	ssyncadd.s32 $0xFFFFFF80  }
0x1e: {  	s15 =	simm.s32 $0x1;
	s17 =	sadd.s32 $0x1, s13;
	_ =	strace $0x9000005E  }
0x1f: {  	s14 =	sand.u32 $0x80, s30;
	s15 =	simm.s32 @!p2 $0x0;
	_ =	strace $0x8000005F  }
0x20: {  	p2 =	por p4, p4;
	p4 =	por p6, p6;
	s20 =	rddreg [dreg:$0x3]  }
0x21: {  	p3 =	seq.s32 s17, s5;
	p6 =	seq.s32 s7, $0x0;
	s31 =	rddreg [dreg:$0x2]  }
0x22: {  	[tilespmem:s22], [sflag:$0x5] =	stream.indirect.gather [hbm4b:s31+s20], $0x80, s14, s20, $0x2000b8;
	[tilespmem:$0x8100] =	vst v63  }
.Ltmp1:
0x23: {  	s18 =	sadd.s32 $0x1, s15;
	s17 =	simm.s32 @p3 $0x0;
	(pc) =	sbr.rel @!p0 .LBB2_4-.Ltmp1, $4  }
0x24: {  	p1 =	por p6, p1;
	p6 =	por $0x0, $0x0;
	_ =	swait.ge [sflag:s10], $0x4000  }
0x25: {  	s15 =	simm.s32 $0x0;
	p3 =	sne.s32 s13, s17;
	[sflag:s10] =	ssyncset.done $0x0  }
0x26: {  	s23 =	simm.s32 @!p6 $0x0;
	p5 =	por !p5, !p3;
	[sflag:s10] =	ssyncadd.s32 $0xFFFFC000  }
0x27: {  	s14 =	simm.s32 $0x0;
	s20 =	simm.s32 $0x0;
	_ =	strace $0x9000005F  }
.LBB2_5:
0x28: {  	_ =	strace @p1 $0x80000060;
	s14 =	sadd.s32 s23, s14;
	s23 =	smov.u32 s12  }
0x29: {  	s12 =	smov.u32 s19;
	s19 =	sadd.s32 $0x1, s19;
	p0 =	por p3, p3  }
0x2a: {  	s29 =	sshll.u32 @p1 s24, $0xB;
	s21 =	sadd.s32 @p1 $0x3, s21;
	s25 =	simm.s32 @!p0 $0x0  }
0x2b: {  	s26 =	rddreg [dreg:$0x4];
	s29 =	sand.u32 @p1 $0x1FFFF800, s29;
	s25 =	simm.s32 @p0 $0x1  }
0x2c: {  	s26 =	sadd.s32 @p1 s26, s29;
	s29 =	simm.s32 @p1 $0x0;
	p0 =	sne.s32 s5, s19  }
0x2d: {  	[hbm4b:s26+s29] =	stream.linear.scatter @p1 [tilespmem:s22], [sflag:s21], $0x4000, $0x200038;
	[tilespmem:$0x8100] =	vst v63  }
0x2e: {  	s21 =	sadd.s32 @!p2 $0x3, s16;
	s16 =	simm.s32 @!p0 $0x0  }
0x2f: {  	s28 =	simm.s32 $0x1;
	[smem:$0x7FC] =	sst s25;
	s16 =	simm.s32 @p0 $0x1  }
0x30: {  	s28 =	simm.s32 @!p1 $0x0;
	_ =	strace @p1 $0x90000060;
	[smem:$0x7FD] =	sst s16  }
0x31: {  	s20 =	sadd.s32 s28, s20;
	s25 =	sand.u32 @!p4 $0x1, s14;
	_ =	strace @!p2 $0x80000061  }
0x32: {  	p1 =	por !p5, !p5;
	s16 =	smov.u32 s25;
	_ =	swait.ge @!p2 [sflag:s21], $0x4000  }
0x33: {  	s22 =	sand.u32 @p1 $0x1, s18;
	s25 =	sadd.s32 @p1 s3, s17;
	[sflag:s21] =	ssyncset.done @!p2 $0x0  }
0x34: {  	s26 =	sshll.u32 @p1 s22, $0x7;
	s25 =	sshll.u32 @p1 s25, $0x4;
	[sflag:s21] =	ssyncadd.s32 @!p2 $0xFFFFC000  }
0x35: {  	s21 =	sadd.s32 @p1 $0x1, s22;
	s22 =	sand.u32 @p1 $0x1FFFFFF0, s25;
	_ =	strace @!p2 $0x90000061  }
0x36: {  	s25 =	simm.s32 @p1 $0x0;
	s22 =	sadd.s32 @p1 s4, s22;
	_ =	strace @p1 $0x8000005D  }
0x37: {  	[tilespmem:s26], [sflag:s21] =	stream.linear.gather @p1 [hbm4b:s22+s25], $0x80, $0x200038;
	[tilespmem:$0x8100] =	vst v63  }
0x38: {  	s15 =	sadd.s32 s28, s15;
	s28 =	sand.u32 $0x1, s20;
	_ =	strace @p1 $0x9000005D  }
0x39: {  	s28 =	sadd.s32 $0x1, s28;
	_ =	strace $0x8000005E  }
0x3a: {  	_ =	swait.ge [sflag:s28], $0x80  }
0x3b: {  	[sflag:s28] =	ssyncset.done $0x0  }
0x3c: {  	s21 =	simm.s32 $0x1;
	[sflag:s28] =	ssyncadd.s32 $0xFFFFFF80  }
0x3d: {  	s21 =	simm.s32 @!p1 $0x0;
	_ =	strace $0x9000005E  }
0x3e: {  	s18 =	sadd.s32 s21, s18;
	s21 =	sand.u32 $0x1, s15;
	_ =	strace $0x8000005F  }
0x3f: {  	s31 =	sshll.u32 s20, $0x7;
	s29 =	sshll.u32 s21, $0xE;
	s25 =	rddreg [dreg:$0x3]  }
0x40: {  	s31 =	sand.u32 $0x80, s31;
	s22 =	sor.u32 $0x100, s29;
	s26 =	rddreg [dreg:$0x2]  }
0x41: {  	[tilespmem:s22], [sflag:$0x5] =	stream.indirect.gather [hbm4b:s26+s25], $0x80, s31, s25, $0x2000b8;
	[tilespmem:$0x8100] =	vst v63  }
0x42: {  	_ =	swait.ge [sflag:s10], $0x4000  }
0x43: {  	[sflag:s10] =	ssyncset.done $0x0  }
0x44: {  	[sflag:s10] =	ssyncadd.s32 $0xFFFFC000  }
0x45: {  	s30 =	sadd.s32 $0x1, s17;
	_ =	strace $0x9000005F  }
0x46: {  	s24 =	sadd.s32 s3, s13;
	s13 =	smov.u32 s17;
	s31 =	sld [smem:$0x7FD]  }
0x47: {  	p0 =	sne.s32 s23, $0x0;
	s17 =	smov.u32 s30;
	p1 =	seq.s32 s30, s5  }
0x48: {  	s17 =	simm.s32 @p1 $0x0;
	p1 =	seq.s32 s7, s23;
	s23 =	simm.s32 $0x1  }
0x49: {  	s23 =	simm.s32 @!p0 $0x0;
	p0 =	seq.s32 s31, $0x1  }
.Ltmp2:
0x4a: {  	s30 =	sld [smem:$0x7FC];
	(pc) =	sbr.rel @p0 .LBB2_5-.Ltmp2, $4  }
0x4b: {  	p3 =	seq.s32 s12, $0x0  }
0x4c: {  	p6 =	por p3, p3;
	p5 =	slt.u32 s12, s7  }
0x4d: {  	p2 =	por p4, p4;
	p3 =	sne.s32 s13, s17;
	p4 =	seq.s32 s30, $0x1  }
0x4e: {  	p5 =	por !p5, !p3;
	p1 =	por p1, p4;
	p4 =	por p6, p6  }
0x4f: {  	p6 =	por $0x1, $0x1  }
.LBB2_7:
0x50: {  	p0 =	por !p1, !p6  }
0x51: {  	s25 =	simm.s32 $0x1;
	_ =	strace @!p0 $0x80000060;
	s24 =	sshll.u32 @!p0 s24, $0xB  }
0x52: {  	p2 =	por p2, !p6;
	s19 =	rddreg [dreg:$0x4];
	s24 =	sand.u32 @!p0 $0x1FFFF800, s24  }
0x53: {  	s21 =	sadd.s32 @!p0 $0x3, s21;
	s19 =	sadd.s32 @!p0 s19, s24;
	s24 =	simm.s32 @!p0 $0x0  }
0x54: {  	[hbm4b:s19+s24] =	stream.linear.scatter @!p0 [tilespmem:s22], [sflag:s21], $0x4000, $0x200038;
	[tilespmem:$0x8100] =	vst v63  }
0x55: {  	p1 =	por !p5, !p5;
	s25 =	simm.s32 @p0 $0x0;
	_ =	strace @!p0 $0x90000060  }
0x56: {  	s16 =	sadd.s32 @!p2 $0x3, s16;
	s17 =	sadd.s32 @p1 s3, s17;
	_ =	strace @!p2 $0x80000061  }
0x57: {  	s18 =	sand.u32 @p1 $0x1, s18;
	s17 =	sshll.u32 @p1 s17, $0x4;
	_ =	swait.ge @!p2 [sflag:s16], $0x4000  }
0x58: {  	s17 =	sand.u32 @p1 $0x1FFFFFF0, s17;
	s19 =	sadd.s32 @p6 s25, s20;
	[sflag:s16] =	ssyncset.done @!p2 $0x0  }
0x59: {  	s20 =	simm.s32 $0x0;
	s17 =	sadd.s32 @p1 s4, s17;
	[sflag:s16] =	ssyncadd.s32 @!p2 $0xFFFFC000  }
0x5a: {  	s20 =	smov.u32 @p6 s19;
	s19 =	sshll.u32 @p1 s18, $0x7;
	_ =	strace @!p2 $0x90000061  }
0x5b: {  	s16 =	sadd.s32 @p1 $0x1, s18;
	s18 =	simm.s32 @p1 $0x0;
	_ =	strace @p1 $0x8000005D  }
0x5c: {  	[tilespmem:s19], [sflag:s16] =	stream.linear.gather @p1 [hbm4b:s17+s18], $0x80, $0x200038;
	[tilespmem:$0x8100] =	vst v63  }
0x5d: {  	s26 =	sand.u32 $0x1, s20;
	_ =	strace @p1 $0x9000005D  }
0x5e: {  	s16 =	sadd.s32 $0x1, s26;
	_ =	strace $0x8000005E  }
0x5f: {  	_ =	swait.ge [sflag:s16], $0x80  }
0x60: {  	[sflag:s16] =	ssyncset.done $0x0  }
0x61: {  	s15 =	sadd.s32 @p6 s25, s15;
	[sflag:s16] =	ssyncadd.s32 $0xFFFFFF80;
	s16 =	simm.s32 $0x0  }
0x62: {  	_ =	strace $0x9000005E;
	s16 =	smov.u32 @p6 s15  }
0x63: {  	_ =	strace $0x8000005F;
	s16 =	sand.u32 $0x1, s16  }
0x64: {  	s30 =	sshll.u32 s20, $0x7;
	s28 =	rddreg [dreg:$0x3];
	s31 =	sshll.u32 s16, $0xE  }
0x65: {  	s18 =	sand.u32 $0x80, s30;
	s29 =	rddreg [dreg:$0x2];
	s19 =	sor.u32 $0x100, s31  }
0x66: {  	[tilespmem:s19], [sflag:$0x5] =	stream.indirect.gather [hbm4b:s29+s28], $0x80, s18, s28, $0x2000b8;
	[tilespmem:$0x8100] =	vst v63  }
0x67: {  	_ =	swait.ge [sflag:s10], $0x4000  }
0x68: {  	p3 =	por p3, p3;
	[sflag:s10] =	ssyncset.done $0x0  }
0x69: {  	p5 =	seq.s32 s7, s12;
	s13 =	sadd.s32 s3, s13;
	[sflag:s10] =	ssyncadd.s32 $0xFFFFC000  }
0x6a: {  	s14 =	sadd.s32 @p6 s23, s14;
	p1 =	por p5, p3;
	_ =	strace $0x9000005F  }
0x6b: {  	s17 =	simm.s32 $0x0;
	s13 =	sshll.u32 @p1 s13, $0xB;
	_ =	strace @p1 $0x80000060  }
0x6c: {  	s17 =	smov.u32 @p6 s14;
	s13 =	sand.u32 @p1 $0x1FFFF800, s13;
	s15 =	rddreg [dreg:$0x4]  }
0x6d: {  	s14 =	sadd.s32 @p1 $0x3, s16;
	s13 =	sadd.s32 @p1 s15, s13;
	s15 =	simm.s32 @p1 $0x0  }
0x6e: {  	[hbm4b:s13+s15] =	stream.linear.scatter @p1 [tilespmem:s19], [sflag:s14], $0x4000, $0x200038;
	[tilespmem:$0x8100] =	vst v63  }
0x6f: {  	p0 =	por p4, p4;
	s13 =	sand.u32 @!p4 $0x1, s17;
	_ =	strace @p1 $0x90000060  }
0x70: {  	s13 =	sadd.s32 @!p0 $0x3, s13;
	_ =	strace @!p0 $0x80000061  }
0x71: {  	p1 =	sne.s32 s12, $0x0;
	s12 =	simm.s32 $0x1;
	_ =	swait.ge @!p0 [sflag:s13], $0x4000  }
0x72: {  	s12 =	simm.s32 @!p1 $0x0;
	[sflag:s13] =	ssyncset.done @!p0 $0x0  }
0x73: {  	s11 =	sadd.s32 $0x1, s11;
	s12 =	sadd.s32 s12, s17;
	[sflag:s13] =	ssyncadd.s32 @!p0 $0xFFFFC000  }
0x74: {  	s12 =	sand.u32 $0x1, s12;
	_ =	strace @!p0 $0x90000061;
	p0 =	sne.s32 s11, s8  }
.Ltmp3:
0x75: {  	s12 =	sadd.s32 $0x3, s12;
	_ =	strace $0x80000062;
	(pc) =	sbr.rel @p0 .LBB2_1-.Ltmp3, $4  }
.Ltmp4:
0x76: {  	_ =	swait.ge [sflag:s12], $0x4000;
	(pc) =	sbr.rel @!p0 .LBB2_8-.Ltmp4, $4  }
0x77: {  	[sflag:s12] =	ssyncset.done $0x0  }
0x78: {  	[sflag:s12] =	ssyncadd.s32 $0xFFFFC000  }
0x79: {  	_ =	strace $0x90000062  }
0x7a: {  	_ = 	snop  }
.LBB2_2:
.Ltmp5:
0x7b: {  	(pc) =	sbr.rel .LBB2_7-.Ltmp5, $4  }
0x7c: {  	_ = 	snop  }
0x7d: {  	s14 =	simm.s32 $0x0  }
0x7e: {  	s12 =	simm.s32 $0x0;
	s15 =	simm.s32 $0x0;
	s17 =	smov.u32 s13  }
0x7f: {  	s20 =	simm.s32 $0x0;
	s18 =	simm.s32 $0x1;
	s13 =	simm.s32 $0x0  }
.LBB2_4:
.Ltmp6:
0x80: {  	(pc) =	sbr.rel .LBB2_7-.Ltmp6, $3  }
0x81: {  	_ =	sdelay $0x1  }
0x82: {  	s14 =	simm.s32 $0x0  }
0x83: {  	s15 =	simm.s32 $0x0;
	s20 =	simm.s32 $0x0;
	p6 =	por $0x1, $0x1  }
.LBB2_8:
0x84: {  	_ =	sfence.sel $0x180000  }
0x85: {  	[bflag:$0x0] =	sbarrier.arrive $0xFFFF  }
0x86: {  	p0 =	sne.s32 s1, $0x0;
	_ =	strace $0x9000005B  }
0x87: {  	s0 =	sadd.s32 @!p0 $0x100000, s0;
	[bflag:$0x2] =	sbarrier.arrive $0xFFFF  }
0x88: {  	[sflag:s0] =	ssyncadd.tile.s32 @!p0 $0x1;
	_ =	shalt  }
.Lfunc_end2:
_tile_overlayer_lowered:
.L_overlay_start_2:
0x89: {  	(tag) =	ssettag $0x2  }
0x8a: {  	s0 =	rddreg [dreg:$0x0];
	s2 =	stileid.u32  }
0x8b: {  	s1 =	rddreg [dreg:$0x1];
	p0 =	sne.s32 s2, $0x0  }
0x8c: {  	s3 =	rddreg [dreg:$0x2];
	[bflag:$0x3] =	sbarrier.arrive $0xFFFF;
	s2 =	simm.s32 @!p0 $0x1C01  }
0x8d: {  	[timem:s3], [sflag:s2] =	dma.local @!p0 [hbm:s0], s1  }
0x8e: {  	s0 =	simm.s32 @!p0 $0x1  }
0x8f: {  	_ =	swait.ge @!p0 [sflag:s0], s1  }
0x90: {  	s1 =	ssub.s32 @!p0 $0x0, s1;
	[sflag:s0] =	ssyncset.done @!p0 $0x0  }
0x91: {  	[sflag:s0] =	ssyncadd.s32 @!p0 s1  }
0x92: {  	[bflag:$0x3] =	sbarrier.arrive $0xFFFF  }
0x93: {  	_ =	shalt  }

// kernel: kernel.21.cloned.1.call-start
scs
__scs_entry_jumppad:
0x0: {  	(pc) =	sbr.rel $0x88, $3  }
0x1: {  	(tag) =	ssettag $0x0;
	lr =	simm.s32 $0x1  }
0x2: {  	[smem:$0x3F9B] =	sst lr;
	_ =	strace $0xD0000000  }
0x3: {  	_ = 	snop  }
0x4: {  	_ = 	snop  }
0x5: {  	_ = 	snop  }
0x6: {  	_ = 	snop  }
0x7: {  	_ = 	snop  }
__scs_overlays_trampoline_lowered:
0x8: {  	[smem:$0x3FAA] =	sst s0  }
0x9: {  	[smem:$0x3FAB] =	sst s1  }
0xa: {  	[smem:$0x3FAC] =	sst s2  }
0xb: {  	[smem:$0x3FAD] =	sst s3  }
0xc: {  	[smem:$0x3FAE] =	sst s4  }
0xd: {  	[smem:$0x3FAF] =	sst s5  }
0xe: {  	[smem:$0x3FB0] =	sst s6  }
0xf: {  	[smem:$0x3FB1] =	sst s7  }
0x10: {  	[smem:$0x3FB2] =	sst s8  }
0x11: {  	[smem:$0x3FB3] =	sst s9;
	s0 =	simm.s32 @!p0 $0x0  }
0x12: {  	s1 =	sld [smem:$0x3F99];
	s0 =	simm.s32 @p0 $0x1  }
0x13: {  	[smem:$0x3FB4] =	sst s0;
	s0 =	simm.s32 @!p1 $0x0  }
0x14: {  	s2 =	sld [smem:$0x3F98];
	s0 =	simm.s32 @p1 $0x1  }
0x15: {  	[smem:$0x3FB5] =	sst s0;
	s0 =	simm.s32 @!p2 $0x0  }
0x16: {  	s3 =	sld [smem:$0x3FDB];
	s0 =	simm.s32 @p2 $0x1  }
0x17: {  	s4 =	simm.s32 $0x1BF5;
	[smem:$0x3FB7] =	sst s0  }
0x18: {  	s0 =	sld [smem:$0x3F9A];
	_ =	swait.ge [sflag:s4], $0x0  }
0x19: {  	s7 =	sld [smem:$0x3F9B]  }
0x1a: {  	s8 =	sadd.s32 $0xFFFFE003, lr  }
0x1b: {  	s9 =	sadd.s32 $0xFFFFFEF7, lr;
	s5 =	simm.s32 $0xFFFFFFFF;
	p2 =	slt.u32 s8, $0xFFFFF086  }
0x1c: {  	p1 =	slt.u32 s9, $0xF7A;
	s5 =	simm.s32 @!p2 $0x0  }
0x1d: {  	s5 =	simm.s32 @p1 $0x1;
	p0 =	seq.s32 s7, s2  }
0x1e: {  	s7 =	smul.u32 @!p0 $0xF7A, s2;
	p2 =	seq.s32 @!p0 s5, $0x0  }
0x1f: {  	s9 =	smul.u32 $0xF7A, s1;
	s8 =	simm.s32 @!p0 $0x1BF5;
	p2 =	por !p2, p0  }
0x20: {  	[sflag:s8] =	ssyncset.s32 @!p0 $0xFFFFF086;
	s6 =	sadd.s32 @!p0 s3, s7;
	s7 =	simm.s32 @!p0 $0x108  }
0x21: {  	s3 =	sadd.s32 s3, s9;
	s6 =	sadd.s32 @!p0 $0x88, s6;
	s7 =	simm.s32 @p2 $0x1082  }
0x22: {  	[simem:s7], [sflag:s8] =	dma.local @!p0 [hbm:s6], $0xF7A  }
0x23: {  	s9 =	sor.u32 $0xD0000000, s2;
	s6 =	simm.s32 $0x108;
	_ =	swait.ge @!p0 [sflag:s8], $0x0  }
0x24: {  	s3 =	sadd.s32 $0x88, s3;
	s6 =	simm.s32 @!p1 $0x1082;
	[sflag:s4] =	ssyncset.s32 $0xFFFFF086  }
0x25: {  	[simem:s6], [sflag:s4] =	dma.local [hbm:s3], $0xF7A  }
0x26: {  	[smem:$0x3F9B] =	sst s1;
	(tag) =	ssettag s2;
	_ =	strace s9  }
0x27: {  	s1 =	sld [smem:$0x3FAB]  }
0x28: {  	s2 =	sld [smem:$0x3FAC]  }
0x29: {  	s4 =	sld [smem:$0x3FAE]  }
0x2a: {  	p0 =	seq.s32 s5, $0x0;
	s5 =	sld [smem:$0x3FAF]  }
0x2b: {  	s6 =	sld [smem:$0x3FB0]  }
0x2c: {  	s7 =	sld [smem:$0x3FB1]  }
0x2d: {  	s3 =	simm.s32 $0x108;
	s8 =	sld [smem:$0x3FB2]  }
0x2e: {  	s3 =	simm.s32 @!p0 $0x1082;
	s9 =	sld [smem:$0x3FB3]  }
0x2f: {  	lr =	sadd.s32 s0, s3;
	s0 =	sld [smem:$0x3FAA]  }
0x30: {  	s3 =	sld [smem:$0x3FAD]  }
0x31: {  	[smem:$0x3FB6] =	sst s10  }
0x32: {  	s10 =	sld [smem:$0x3FB4];
	_ =	sdelay $0x3  }
0x33: {  	p0 =	seq.s32 s10, $0x1;
	s10 =	sld [smem:$0x3FB6];
	_ =	sdelay $0x3  }
0x34: {  	[smem:$0x3FB6] =	sst s10  }
0x35: {  	s10 =	sld [smem:$0x3FB5];
	_ =	sdelay $0x3  }
0x36: {  	p1 =	seq.s32 s10, $0x1;
	s10 =	sld [smem:$0x3FB6];
	_ =	sdelay $0x3  }
0x37: {  	[smem:$0x3FB6] =	sst s10  }
0x38: {  	s10 =	sld [smem:$0x3FB7]  }
0x39: {  	_ = 	snop;
	(pc) =	sbr.ind lr, $3  }
0x3a: {  	_ = 	snop  }
0x3b: {  	_ = 	snop  }
0x3c: {  	p2 =	seq.s32 s10, $0x1;
	s10 =	sld [smem:$0x3FB6]  }
0x3d: {  	_ =	shalt  }
0x3e: {  	_ =	shalt  }
0x3f: {  	_ =	shalt  }
0x40: {  	_ =	shalt  }
0x41: {  	_ =	shalt  }
0x42: {  	_ =	shalt  }
0x43: {  	_ =	shalt  }
0x44: {  	_ =	shalt  }
0x45: {  	_ =	shalt  }
0x46: {  	_ =	shalt  }
0x47: {  	_ =	shalt  }
0x48: {  	_ =	shalt  }
0x49: {  	_ =	shalt  }
0x4a: {  	_ =	shalt  }
0x4b: {  	_ =	shalt  }
0x4c: {  	_ =	shalt  }
0x4d: {  	_ =	shalt  }
0x4e: {  	_ =	shalt  }
0x4f: {  	_ =	shalt  }
0x50: {  	_ =	shalt  }
0x51: {  	_ =	shalt  }
0x52: {  	_ =	shalt  }
0x53: {  	_ =	shalt  }
0x54: {  	_ =	shalt  }
0x55: {  	_ =	shalt  }
0x56: {  	_ =	shalt  }
0x57: {  	_ =	shalt  }
0x58: {  	_ =	shalt  }
0x59: {  	_ =	shalt  }
0x5a: {  	_ =	shalt  }
0x5b: {  	_ =	shalt  }
0x5c: {  	_ =	shalt  }
0x5d: {  	_ =	shalt  }
0x5e: {  	_ =	shalt  }
0x5f: {  	_ =	shalt  }
0x60: {  	_ =	shalt  }
0x61: {  	_ =	shalt  }
0x62: {  	_ =	shalt  }
0x63: {  	_ =	shalt  }
0x64: {  	_ =	shalt  }
0x65: {  	_ =	shalt  }
0x66: {  	_ =	shalt  }
0x67: {  	_ =	shalt  }
0x68: {  	_ =	shalt  }
0x69: {  	_ =	shalt  }
0x6a: {  	_ =	shalt  }
0x6b: {  	_ =	shalt  }
0x6c: {  	_ =	shalt  }
0x6d: {  	_ =	shalt  }
0x6e: {  	_ =	shalt  }
0x6f: {  	_ =	shalt  }
0x70: {  	_ =	shalt  }
0x71: {  	_ =	shalt  }
0x72: {  	_ =	shalt  }
0x73: {  	_ =	shalt  }
0x74: {  	_ =	shalt  }
0x75: {  	_ =	shalt  }
0x76: {  	_ =	shalt  }
0x77: {  	_ =	shalt  }
0x78: {  	_ =	shalt  }
0x79: {  	_ =	shalt  }
0x7a: {  	_ =	shalt  }
0x7b: {  	_ =	shalt  }
0x7c: {  	_ =	shalt  }
0x7d: {  	_ =	shalt  }
0x7e: {  	_ =	shalt  }
0x7f: {  	_ =	shalt  }
0x80: {  	_ =	shalt  }
0x81: {  	_ =	shalt  }
0x82: {  	_ =	shalt  }
0x83: {  	_ =	shalt  }
0x84: {  	_ =	shalt  }
0x85: {  	_ =	shalt  }
0x86: {  	_ =	shalt  }
0x87: {  	_ =	shalt  }
.Lfunc_end0:
.L_simem_size_0:
called_computation.3_lowered:
.L_overlay_start_0:
0x88: {  	s2 =	sld [smem:$0x3FD9]  }
0x89: {  	s3 =	sld [smem:$0x3FFE];
	_ =	sdelay $0x1  }
0x8a: {  	s1 =	srdreg.scid  }
0x8b: {  	s0 =	sand.u32 $0x1, s1  }
0x8c: {  	s17 =	sshll.u32 s0, $0xA;
	s2 =	sadd.s32 s3, s2  }
0x8d: {  	s2 =	sadd.s32 s2, s17  }
0x8e: {  	[smem:$0x3FC2] =	sst s2  }
0x8f: {  	_ = 	snop  }
0x90: {  	(tm) =	ssettm $0x1  }
0x91: {  	s18 =	sld [smem:$0x3FFB];
	_ =	sdelay $0x3  }
0x92: {  	_ =	strace s18  }
0x93: {  	s2 =	sld [smem:$0x3FFC];
	_ =	sdelay $0x3  }
0x94: {  	_ =	strace s2  }
0x95: {  	s2 =	sld [smem:$0x3FFD];
	_ =	sdelay $0x3  }
0x96: {  	_ =	strace s2  }
0x97: {  	_ =	strace $0x8FFFFFFF  }
0x98: {  	s19 =	sld [smem:$0x3FDB];
	_ =	sdelay $0x1  }
0x99: {  	s20 =	simm.s32 $_scs_section_size  }
0x9a: {  	s4 =	simm.s32 $_size__tile_overlayer_lowered;
	s5 =	simm.s32 $_tile_overlayer_lowered  }
0x9b: {  	s6 =	simm.s32 $0x1BFF;
	s21 =	sshll.u32 s5, $0x1;
	s3 =	sadd.s32 s20, s19  }
0x9c: {  	s22 =	simm.s32 $0x0;
	s4 =	sshll.u32 s4, $0x1;
	s5 =	sadd.s32 s21, s3  }
0x9d: {  	[timem:s22], [sflag:s6] =	dma.local [hbm:s5], s4  }
0x9e: {  	_ =	swait.ge [sflag:s6], s4  }
0x9f: {  	s4 =	ssub.s32 $0x0, s4;
	[sflag:s6] =	ssyncset.done $0x0  }
0xa0: {  	[sflag:s6] =	ssyncadd.s32 s4;
	_ =	sdelay $0x1  }
0xa1: {  	s23 =	simm.s32 $0x1B8B  }
0xa2: {  	_ =	swait.ge [sflag:s23], $0x1  }
0xa3: {  	[sflag:s23] =	ssyncset.done $0x0  }
0xa4: {  	[sflag:s23] =	ssyncadd.s32 $0xFFFFFFFF  }
0xa5: {  	s4 =	sld [smem:$0x0]  }
0xa6: {  	s5 =	sand.u32 $0xFFFFFFFE, s1  }
0xa7: {  	p0 =	sne.s32 s1, s5  }
0xa8: {  	s5 =	sshll.u32 @p0 s5, $0xE  }
0xa9: {  	s5 =	sadd.s32 @p0 $0x11B8D, s5;
	s6 =	sshll.u32 @p0 s4, $0x11  }
0xaa: {  	s5 =	sor.u32 @p0 s6, s5  }
0xab: {  	[sflag:s5] =	ssyncadd.remote.s32 @p0 $0x1;
	_ =	sdelay $0x1  }
0xac: {  	s5 =	simm.s32 @p0 $0x1B8D  }
0xad: {  	_ =	swait.eq @p0 [sflag:s5], $0x1  }
0xae: {  	[sflag:s5] =	ssyncadd.s32 @p0 $0xFFFFFFFF  }
0xaf: {  	s6 =	sshll.u32 @!p0 s1, $0xE  }
0xb0: {  	s6 =	sor.u32 @!p0 $0x4000, s6;
	s5 =	simm.s32 @!p0 $0x1B8D  }
0xb1: {  	s4 =	sshll.u32 @!p0 s4, $0x11;
	s6 =	sadd.s32 @!p0 $0x11B8D, s6;
	_ =	swait.eq @!p0 [sflag:s5], $0x1  }
0xb2: {  	s4 =	sor.u32 @!p0 s4, s6;
	[sflag:s5] =	ssyncadd.s32 @!p0 $0xFFFFFFFF  }
0xb3: {  	s25 =	simm.s32 $0x1B8E;
	s24 =	sld [smem:$0x3FFE];
	[sflag:s4] =	ssyncadd.remote.s32 @!p0 $0x1  }
0xb4: {  	s26 =	simm.s32 $execute0_lowered;
	[smem:$0x3FD2] =	sst s25  }
0xb5: {  	s5 =	sshll.u32 s26, $0x1;
	_ =	strace $0x80000050;
	[dreg:$0x1] =	wrdreg $0xFFFFFFFF  }
0xb6: {  	s28 =	simm.s32 $_size_execute0_lowered;
	s3 =	sadd.s32 s3, s5;
	[dreg:$0x0] =	wrdreg $0x0  }
0xb7: {  	s5 =	sshll.u32 s28, $0x1;
	[dreg:$0x2] =	wrdreg s3  }
0xb8: {  	[dreg:$0x3] =	wrdreg s5  }
0xb9: {  	[dreg:$0x4] =	wrdreg $0xC0  }
0xba: {  	_ =	task [dreg:s22], $0x5FFFF  }
0xbb: {  	[dreg:$0x1] =	wrdreg $0xFFFFFFFF  }
0xbc: {  	[dreg:$0x0] =	wrdreg $0x60  }
0xbd: {  	[dreg:$0x2] =	wrdreg s24  }
0xbe: {  	[dreg:$0x3] =	wrdreg $0xC  }
0xbf: {  	_ =	task.clear_ibuf [dreg:s22], $0x4FFFF;
	_ =	strace $0x90000050  }
0xc0: {  	s29 =	simm.s32 $0xC;
	_ =	strace $0x80000059  }
0xc1: {  	_ =	swait.ge [sflag:s29], $0x1  }
0xc2: {  	[sflag:s29] =	ssyncadd.s32 $0xFFFFFFFF  }
0xc3: {  	_ =	strace $0x90000059  }
0xc4: {  	_ =	sfence  }
0xc5: {  	s30 =	sld [smem:$0x0];
	_ =	sdelay $0x2  }
0xc6: {  	s31 =	sshll.u32 s1, $0xD;
	s1 =	sshrl.u32 s1, $0x2  }
0xc7: {  	s4 =	sand.u32 $0x4000, s31;
	s1 =	sadd.s32 s1, s30  }
0xc8: {  	s0 =	sor.u32 s4, s0;
	s1 =	sshll.u32 s1, $0x11  }
0xc9: {  	s0 =	sor.u32 s1, s0  }
0xca: {  	s0 =	sadd.s32 $0x8F2B, s0  }
0xcb: {  	[sflag:s0] =	ssyncadd.remote.s32 $0x1  }
0xcc: {  	_ =	sfence.sel $0xFFFF  }
0xcd: {  	[dreg:$0x0] =	wrdreg $0xFFFFFFFF;
	(pc) =	sbr.abs _section_cstart, $3  }
0xce: {  	[dreg:$0x1] =	wrdreg $0xFFFFFFFF  }
0xcf: {  	_ =	task.clear_ibuf [dreg:s22], $0x2FFFF;
	_ =	strace $0x9FFFFFFF  }
0xd0: {  	(tm) =	ssettm $0x7FFFFFFF  }
0xd1: {  	_ =	shalt  }
tec
execute0_lowered:
.L_overlay_start_1:
0x0: {  	(tag) =	ssettag $0x1  }
0x1: {  	s4 =	rddreg [dreg:$0x0];
	s1 =	srdreg.scid  }
0x2: {  	s0 =	rddreg [dreg:$0x1];
	s2 =	simm.s32 $0x0;
	s9 =	simm.s32 $0x1  }
0x3: {  	s10 =	simm.s32 $0x80;
	s11 =	simm.s32 $0x0;
	s5 =	sand.u32 $0x1, s1  }
0x4: {  	s1 =	stileid.u32;
	[smem:$0x7FF] =	sst s2;
	s3 =	sshll.u32 s5, $0x4  }
0x5: {  	s6 =	sadd.s32 $0xDAA00, s4;
	s8 =	sadd.s32 $0x40F000, s4;
	s3 =	sor.u32 s1, s3  }
0x6: {  	_ =	strace $0x80000051;
	[dreg:$0x2] =	wrdreg s6;
	s7 =	smul.u32 $0x27, s3  }
0x7: {  	s4 =	sadd.s32 $0x17400, s4;
	[dreg:$0x4] =	wrdreg s8;
	s6 =	smul.u32 $0x28, s3  }
0x8: {  	s29 =	ssub.s32 $0x2, s5;
	p0 =	slt.u32 s3, $0x2;
	s3 =	sadd.s32 $0x2, s7  }
0x9: {  	s5 =	simm.s32 $0x28;
	[dreg:$0x3] =	wrdreg s10;
	s3 =	smov.u32 @p0 s6  }
0xa: {  	s10 =	simm.s32 $0x5;
	s31 =	sshrl.u32 s29, $0x1;
	s30 =	sshll.u32 s3, $0x4  }
0xb: {  	s8 =	ssub.s32 s29, s31;
	s5 =	simm.s32 @!p0 $0x27;
	s7 =	sand.u32 $0x1FFFFFF0, s30  }
0xc: {  	s8 =	smax.u32 s8, $0x1;
	s6 =	sadd.s32 s4, s7;
	s7 =	sadd.s32 $0xFFFFFFFF, s5  }
.LBB2_1:
0xd: {  	_ =	strace $0x80000052;
	p2 =	sne.s32 s5, $0x1  }
.Ltmp0:
0xe: {  	p0 =	seq.s32 s5, $0x1;
	s13 =	simm.s32 $0x1;
	(pc) =	sbr.rel @!p2 .LBB2_2-.Ltmp0, $4  }
0xf: {  	[tilespmem:s2], [sflag:$0x1] =	stream.linear.gather [hbm4b:s6+s2], $0x80, $0x200038;
	[tilespmem:$0x8100] =	vst v63  }
0x10: {  	s12 =	simm.s32 $0x1;
	p1 =	por $0x1, $0x1;
	s13 =	simm.s32 @p0 $0x0  }
0x11: {  	p6 =	sgt.u32 s7, $0x0;
	p4 =	por p1, p1;
	p3 =	sne.s32 s13, $0x0  }
0x12: {  	_ =	strace $0x90000052;
	p5 =	por !p6, !p3;
	p6 =	por $0x0, $0x0  }
0x13: {  	p2 =	por !p5, !p5  }
0x14: {  	s21 =	sand.u32 $0x1, s2;
	s19 =	simm.s32 $0x2;
	s14 =	sadd.s32 @p2 s3, s13  }
0x15: {  	p1 =	por p3, p3;
	s15 =	sand.u32 @p2 $0x1, s9;
	s14 =	sshll.u32 @p2 s14, $0x4  }
0x16: {  	_ =	strace @p2 $0x80000053;
	s17 =	simm.s32 @p2 $0x0;
	s14 =	sand.u32 @p2 $0x1FFFFFF0, s14  }
0x17: {  	s16 =	sshll.u32 @p2 s15, $0x7;
	s15 =	sadd.s32 @p2 $0x1, s15;
	s14 =	sadd.s32 @p2 s4, s14  }
0x18: {  	[tilespmem:s16], [sflag:s15] =	stream.linear.gather @p2 [hbm4b:s14+s17], $0x80, $0x200038;
	[tilespmem:$0x8100] =	vst v63  }
0x19: {  	s30 =	simm.s32 $0x0;
	p6 =	por $0x0, $0x0;
	_ =	strace @p2 $0x90000053  }
0x1a: {  	p0 =	sne.s32 s5, $0x2;
	s29 =	sadd.s32 $0x1, s21;
	_ =	strace $0x80000054  }
0x1b: {  	s24 =	sadd.s32 $0x0, s3;
	p5 =	sgt.u32 s7, $0x1;
	_ =	swait.ge [sflag:s29], $0x80  }
0x1c: {  	s23 =	simm.s32 $0x1;
	s22 =	sshll.u32 s21, $0xE;
	[sflag:s29] =	ssyncset.done $0x0  }
0x1d: {  	s22 =	sor.u32 $0x100, s22;
	s16 =	sand.u32 @!p4 $0x1, s2;
	[sflag:s29] =	ssyncadd.s32 $0xFFFFFF80  }
0x1e: {  	s15 =	simm.s32 $0x1;
	s17 =	sadd.s32 $0x1, s13;
	_ =	strace $0x90000054  }
0x1f: {  	s14 =	sand.u32 $0x80, s30;
	s15 =	simm.s32 @!p2 $0x0;
	_ =	strace $0x80000055  }
0x20: {  	p2 =	por p4, p4;
	p4 =	por p6, p6;
	s20 =	rddreg [dreg:$0x3]  }
0x21: {  	p3 =	seq.s32 s17, s5;
	p6 =	seq.s32 s7, $0x0;
	s31 =	rddreg [dreg:$0x2]  }
0x22: {  	[tilespmem:s22], [sflag:$0x5] =	stream.indirect.gather [hbm4b:s31+s20], $0x80, s14, s20, $0x2000b8;
	[tilespmem:$0x8100] =	vst v63  }
.Ltmp1:
0x23: {  	s18 =	sadd.s32 $0x1, s15;
	s17 =	simm.s32 @p3 $0x0;
	(pc) =	sbr.rel @!p0 .LBB2_4-.Ltmp1, $4  }
0x24: {  	p1 =	por p6, p1;
	p6 =	por $0x0, $0x0;
	_ =	swait.ge [sflag:s10], $0x4000  }
0x25: {  	s15 =	simm.s32 $0x0;
	p3 =	sne.s32 s13, s17;
	[sflag:s10] =	ssyncset.done $0x0  }
0x26: {  	s23 =	simm.s32 @!p6 $0x0;
	p5 =	por !p5, !p3;
	[sflag:s10] =	ssyncadd.s32 $0xFFFFC000  }
0x27: {  	s14 =	simm.s32 $0x0;
	s20 =	simm.s32 $0x0;
	_ =	strace $0x90000055  }
.LBB2_5:
0x28: {  	_ =	strace @p1 $0x80000056;
	s14 =	sadd.s32 s23, s14;
	s23 =	smov.u32 s12  }
0x29: {  	s12 =	smov.u32 s19;
	s19 =	sadd.s32 $0x1, s19;
	p0 =	por p3, p3  }
0x2a: {  	s29 =	sshll.u32 @p1 s24, $0xB;
	s21 =	sadd.s32 @p1 $0x3, s21;
	s25 =	simm.s32 @!p0 $0x0  }
0x2b: {  	s26 =	rddreg [dreg:$0x4];
	s29 =	sand.u32 @p1 $0x1FFFF800, s29;
	s25 =	simm.s32 @p0 $0x1  }
0x2c: {  	s26 =	sadd.s32 @p1 s26, s29;
	s29 =	simm.s32 @p1 $0x0;
	p0 =	sne.s32 s5, s19  }
0x2d: {  	[hbm4b:s26+s29] =	stream.linear.scatter @p1 [tilespmem:s22], [sflag:s21], $0x4000, $0x200038;
	[tilespmem:$0x8100] =	vst v63  }
0x2e: {  	s21 =	sadd.s32 @!p2 $0x3, s16;
	s16 =	simm.s32 @!p0 $0x0  }
0x2f: {  	s28 =	simm.s32 $0x1;
	[smem:$0x7FC] =	sst s25;
	s16 =	simm.s32 @p0 $0x1  }
0x30: {  	s28 =	simm.s32 @!p1 $0x0;
	_ =	strace @p1 $0x90000056;
	[smem:$0x7FD] =	sst s16  }
0x31: {  	s20 =	sadd.s32 s28, s20;
	s25 =	sand.u32 @!p4 $0x1, s14;
	_ =	strace @!p2 $0x80000057  }
0x32: {  	p1 =	por !p5, !p5;
	s16 =	smov.u32 s25;
	_ =	swait.ge @!p2 [sflag:s21], $0x4000  }
0x33: {  	s22 =	sand.u32 @p1 $0x1, s18;
	s25 =	sadd.s32 @p1 s3, s17;
	[sflag:s21] =	ssyncset.done @!p2 $0x0  }
0x34: {  	s26 =	sshll.u32 @p1 s22, $0x7;
	s25 =	sshll.u32 @p1 s25, $0x4;
	[sflag:s21] =	ssyncadd.s32 @!p2 $0xFFFFC000  }
0x35: {  	s21 =	sadd.s32 @p1 $0x1, s22;
	s22 =	sand.u32 @p1 $0x1FFFFFF0, s25;
	_ =	strace @!p2 $0x90000057  }
0x36: {  	s25 =	simm.s32 @p1 $0x0;
	s22 =	sadd.s32 @p1 s4, s22;
	_ =	strace @p1 $0x80000053  }
0x37: {  	[tilespmem:s26], [sflag:s21] =	stream.linear.gather @p1 [hbm4b:s22+s25], $0x80, $0x200038;
	[tilespmem:$0x8100] =	vst v63  }
0x38: {  	s15 =	sadd.s32 s28, s15;
	s28 =	sand.u32 $0x1, s20;
	_ =	strace @p1 $0x90000053  }
0x39: {  	s28 =	sadd.s32 $0x1, s28;
	_ =	strace $0x80000054  }
0x3a: {  	_ =	swait.ge [sflag:s28], $0x80  }
0x3b: {  	[sflag:s28] =	ssyncset.done $0x0  }
0x3c: {  	s21 =	simm.s32 $0x1;
	[sflag:s28] =	ssyncadd.s32 $0xFFFFFF80  }
0x3d: {  	s21 =	simm.s32 @!p1 $0x0;
	_ =	strace $0x90000054  }
0x3e: {  	s18 =	sadd.s32 s21, s18;
	s21 =	sand.u32 $0x1, s15;
	_ =	strace $0x80000055  }
0x3f: {  	s31 =	sshll.u32 s20, $0x7;
	s29 =	sshll.u32 s21, $0xE;
	s25 =	rddreg [dreg:$0x3]  }
0x40: {  	s31 =	sand.u32 $0x80, s31;
	s22 =	sor.u32 $0x100, s29;
	s26 =	rddreg [dreg:$0x2]  }
0x41: {  	[tilespmem:s22], [sflag:$0x5] =	stream.indirect.gather [hbm4b:s26+s25], $0x80, s31, s25, $0x2000b8;
	[tilespmem:$0x8100] =	vst v63  }
0x42: {  	_ =	swait.ge [sflag:s10], $0x4000  }
0x43: {  	[sflag:s10] =	ssyncset.done $0x0  }
0x44: {  	[sflag:s10] =	ssyncadd.s32 $0xFFFFC000  }
0x45: {  	s30 =	sadd.s32 $0x1, s17;
	_ =	strace $0x90000055  }
0x46: {  	s24 =	sadd.s32 s3, s13;
	s13 =	smov.u32 s17;
	s31 =	sld [smem:$0x7FD]  }
0x47: {  	p0 =	sne.s32 s23, $0x0;
	s17 =	smov.u32 s30;
	p1 =	seq.s32 s30, s5  }
0x48: {  	s17 =	simm.s32 @p1 $0x0;
	p1 =	seq.s32 s7, s23;
	s23 =	simm.s32 $0x1  }
0x49: {  	s23 =	simm.s32 @!p0 $0x0;
	p0 =	seq.s32 s31, $0x1  }
.Ltmp2:
0x4a: {  	s30 =	sld [smem:$0x7FC];
	(pc) =	sbr.rel @p0 .LBB2_5-.Ltmp2, $4  }
0x4b: {  	p3 =	seq.s32 s12, $0x0  }
0x4c: {  	p6 =	por p3, p3;
	p5 =	slt.u32 s12, s7  }
0x4d: {  	p2 =	por p4, p4;
	p3 =	sne.s32 s13, s17;
	p4 =	seq.s32 s30, $0x1  }
0x4e: {  	p5 =	por !p5, !p3;
	p1 =	por p1, p4;
	p4 =	por p6, p6  }
0x4f: {  	p6 =	por $0x1, $0x1  }
.LBB2_7:
0x50: {  	p0 =	por !p1, !p6  }
0x51: {  	s25 =	simm.s32 $0x1;
	_ =	strace @!p0 $0x80000056;
	s24 =	sshll.u32 @!p0 s24, $0xB  }
0x52: {  	p2 =	por p2, !p6;
	s19 =	rddreg [dreg:$0x4];
	s24 =	sand.u32 @!p0 $0x1FFFF800, s24  }
0x53: {  	s21 =	sadd.s32 @!p0 $0x3, s21;
	s19 =	sadd.s32 @!p0 s19, s24;
	s24 =	simm.s32 @!p0 $0x0  }
0x54: {  	[hbm4b:s19+s24] =	stream.linear.scatter @!p0 [tilespmem:s22], [sflag:s21], $0x4000, $0x200038;
	[tilespmem:$0x8100] =	vst v63  }
0x55: {  	p1 =	por !p5, !p5;
	s25 =	simm.s32 @p0 $0x0;
	_ =	strace @!p0 $0x90000056  }
0x56: {  	s16 =	sadd.s32 @!p2 $0x3, s16;
	s17 =	sadd.s32 @p1 s3, s17;
	_ =	strace @!p2 $0x80000057  }
0x57: {  	s18 =	sand.u32 @p1 $0x1, s18;
	s17 =	sshll.u32 @p1 s17, $0x4;
	_ =	swait.ge @!p2 [sflag:s16], $0x4000  }
0x58: {  	s17 =	sand.u32 @p1 $0x1FFFFFF0, s17;
	s19 =	sadd.s32 @p6 s25, s20;
	[sflag:s16] =	ssyncset.done @!p2 $0x0  }
0x59: {  	s20 =	simm.s32 $0x0;
	s17 =	sadd.s32 @p1 s4, s17;
	[sflag:s16] =	ssyncadd.s32 @!p2 $0xFFFFC000  }
0x5a: {  	s20 =	smov.u32 @p6 s19;
	s19 =	sshll.u32 @p1 s18, $0x7;
	_ =	strace @!p2 $0x90000057  }
0x5b: {  	s16 =	sadd.s32 @p1 $0x1, s18;
	s18 =	simm.s32 @p1 $0x0;
	_ =	strace @p1 $0x80000053  }
0x5c: {  	[tilespmem:s19], [sflag:s16] =	stream.linear.gather @p1 [hbm4b:s17+s18], $0x80, $0x200038;
	[tilespmem:$0x8100] =	vst v63  }
0x5d: {  	s26 =	sand.u32 $0x1, s20;
	_ =	strace @p1 $0x90000053  }
0x5e: {  	s16 =	sadd.s32 $0x1, s26;
	_ =	strace $0x80000054  }
0x5f: {  	_ =	swait.ge [sflag:s16], $0x80  }
0x60: {  	[sflag:s16] =	ssyncset.done $0x0  }
0x61: {  	s15 =	sadd.s32 @p6 s25, s15;
	[sflag:s16] =	ssyncadd.s32 $0xFFFFFF80;
	s16 =	simm.s32 $0x0  }
0x62: {  	_ =	strace $0x90000054;
	s16 =	smov.u32 @p6 s15  }
0x63: {  	_ =	strace $0x80000055;
	s16 =	sand.u32 $0x1, s16  }
0x64: {  	s30 =	sshll.u32 s20, $0x7;
	s28 =	rddreg [dreg:$0x3];
	s31 =	sshll.u32 s16, $0xE  }
0x65: {  	s18 =	sand.u32 $0x80, s30;
	s29 =	rddreg [dreg:$0x2];
	s19 =	sor.u32 $0x100, s31  }
0x66: {  	[tilespmem:s19], [sflag:$0x5] =	stream.indirect.gather [hbm4b:s29+s28], $0x80, s18, s28, $0x2000b8;
	[tilespmem:$0x8100] =	vst v63  }
0x67: {  	_ =	swait.ge [sflag:s10], $0x4000  }
0x68: {  	p3 =	por p3, p3;
	[sflag:s10] =	ssyncset.done $0x0  }
0x69: {  	p5 =	seq.s32 s7, s12;
	s13 =	sadd.s32 s3, s13;
	[sflag:s10] =	ssyncadd.s32 $0xFFFFC000  }
0x6a: {  	s14 =	sadd.s32 @p6 s23, s14;
	p1 =	por p5, p3;
	_ =	strace $0x90000055  }
0x6b: {  	s17 =	simm.s32 $0x0;
	s13 =	sshll.u32 @p1 s13, $0xB;
	_ =	strace @p1 $0x80000056  }
0x6c: {  	s17 =	smov.u32 @p6 s14;
	s13 =	sand.u32 @p1 $0x1FFFF800, s13;
	s15 =	rddreg [dreg:$0x4]  }
0x6d: {  	s14 =	sadd.s32 @p1 $0x3, s16;
	s13 =	sadd.s32 @p1 s15, s13;
	s15 =	simm.s32 @p1 $0x0  }
0x6e: {  	[hbm4b:s13+s15] =	stream.linear.scatter @p1 [tilespmem:s19], [sflag:s14], $0x4000, $0x200038;
	[tilespmem:$0x8100] =	vst v63  }
0x6f: {  	p0 =	por p4, p4;
	s13 =	sand.u32 @!p4 $0x1, s17;
	_ =	strace @p1 $0x90000056  }
0x70: {  	s13 =	sadd.s32 @!p0 $0x3, s13;
	_ =	strace @!p0 $0x80000057  }
0x71: {  	p1 =	sne.s32 s12, $0x0;
	s12 =	simm.s32 $0x1;
	_ =	swait.ge @!p0 [sflag:s13], $0x4000  }
0x72: {  	s12 =	simm.s32 @!p1 $0x0;
	[sflag:s13] =	ssyncset.done @!p0 $0x0  }
0x73: {  	s11 =	sadd.s32 $0x1, s11;
	s12 =	sadd.s32 s12, s17;
	[sflag:s13] =	ssyncadd.s32 @!p0 $0xFFFFC000  }
0x74: {  	s12 =	sand.u32 $0x1, s12;
	_ =	strace @!p0 $0x90000057;
	p0 =	sne.s32 s11, s8  }
.Ltmp3:
0x75: {  	s12 =	sadd.s32 $0x3, s12;
	_ =	strace $0x80000058;
	(pc) =	sbr.rel @p0 .LBB2_1-.Ltmp3, $4  }
.Ltmp4:
0x76: {  	_ =	swait.ge [sflag:s12], $0x4000;
	(pc) =	sbr.rel @!p0 .LBB2_8-.Ltmp4, $4  }
0x77: {  	[sflag:s12] =	ssyncset.done $0x0  }
0x78: {  	[sflag:s12] =	ssyncadd.s32 $0xFFFFC000  }
0x79: {  	_ =	strace $0x90000058  }
0x7a: {  	_ = 	snop  }
.LBB2_2:
.Ltmp5:
0x7b: {  	(pc) =	sbr.rel .LBB2_7-.Ltmp5, $4  }
0x7c: {  	_ = 	snop  }
0x7d: {  	s14 =	simm.s32 $0x0  }
0x7e: {  	s12 =	simm.s32 $0x0;
	s15 =	simm.s32 $0x0;
	s17 =	smov.u32 s13  }
0x7f: {  	s20 =	simm.s32 $0x0;
	s18 =	simm.s32 $0x1;
	s13 =	simm.s32 $0x0  }
.LBB2_4:
.Ltmp6:
0x80: {  	(pc) =	sbr.rel .LBB2_7-.Ltmp6, $3  }
0x81: {  	_ =	sdelay $0x1  }
0x82: {  	s14 =	simm.s32 $0x0  }
0x83: {  	s15 =	simm.s32 $0x0;
	s20 =	simm.s32 $0x0;
	p6 =	por $0x1, $0x1  }
.LBB2_8:
0x84: {  	_ =	sfence.sel $0x180000  }
0x85: {  	[bflag:$0x0] =	sbarrier.arrive $0xFFFF  }
0x86: {  	p0 =	sne.s32 s1, $0x0;
	_ =	strace $0x90000051  }
0x87: {  	s0 =	sadd.s32 @!p0 $0x100000, s0;
	[bflag:$0x2] =	sbarrier.arrive $0xFFFF  }
0x88: {  	[sflag:s0] =	ssyncadd.tile.s32 @!p0 $0x1;
	_ =	shalt  }
.Lfunc_end2:
_tile_overlayer_lowered:
.L_overlay_start_2:
0x89: {  	(tag) =	ssettag $0x2  }
0x8a: {  	s0 =	rddreg [dreg:$0x0];
	s2 =	stileid.u32  }
0x8b: {  	s1 =	rddreg [dreg:$0x1];
	p0 =	sne.s32 s2, $0x0  }
0x8c: {  	s3 =	rddreg [dreg:$0x2];
	[bflag:$0x3] =	sbarrier.arrive $0xFFFF;
	s2 =	simm.s32 @!p0 $0x1C01  }
0x8d: {  	[timem:s3], [sflag:s2] =	dma.local @!p0 [hbm:s0], s1  }
0x8e: {  	s0 =	simm.s32 @!p0 $0x1  }
0x8f: {  	_ =	swait.ge @!p0 [sflag:s0], s1  }
0x90: {  	s1 =	ssub.s32 @!p0 $0x0, s1;
	[sflag:s0] =	ssyncset.done @!p0 $0x0  }
0x91: {  	[sflag:s0] =	ssyncadd.s32 @!p0 s1  }
0x92: {  	[bflag:$0x3] =	sbarrier.arrive $0xFFFF  }
0x93: {  	_ =	shalt  }

// kernel: kernel.24.cloned.1.call-start
scs
__scs_entry_jumppad:
0x0: {  	(pc) =	sbr.rel $0x88, $3  }
0x1: {  	(tag) =	ssettag $0x0;
	lr =	simm.s32 $0x1  }
0x2: {  	[smem:$0x3F9B] =	sst lr;
	_ =	strace $0xD0000000  }
0x3: {  	_ = 	snop  }
0x4: {  	_ = 	snop  }
0x5: {  	_ = 	snop  }
0x6: {  	_ = 	snop  }
0x7: {  	_ = 	snop  }
__scs_overlays_trampoline_lowered:
0x8: {  	[smem:$0x3FAA] =	sst s0  }
0x9: {  	[smem:$0x3FAB] =	sst s1  }
0xa: {  	[smem:$0x3FAC] =	sst s2  }
0xb: {  	[smem:$0x3FAD] =	sst s3  }
0xc: {  	[smem:$0x3FAE] =	sst s4  }
0xd: {  	[smem:$0x3FAF] =	sst s5  }
0xe: {  	[smem:$0x3FB0] =	sst s6  }
0xf: {  	[smem:$0x3FB1] =	sst s7  }
0x10: {  	[smem:$0x3FB2] =	sst s8  }
0x11: {  	[smem:$0x3FB3] =	sst s9;
	s0 =	simm.s32 @!p0 $0x0  }
0x12: {  	s1 =	sld [smem:$0x3F99];
	s0 =	simm.s32 @p0 $0x1  }
0x13: {  	[smem:$0x3FB4] =	sst s0;
	s0 =	simm.s32 @!p1 $0x0  }
0x14: {  	s2 =	sld [smem:$0x3F98];
	s0 =	simm.s32 @p1 $0x1  }
0x15: {  	[smem:$0x3FB5] =	sst s0;
	s0 =	simm.s32 @!p2 $0x0  }
0x16: {  	s3 =	sld [smem:$0x3FDB];
	s0 =	simm.s32 @p2 $0x1  }
0x17: {  	s4 =	simm.s32 $0x1BF5;
	[smem:$0x3FB7] =	sst s0  }
0x18: {  	s0 =	sld [smem:$0x3F9A];
	_ =	swait.ge [sflag:s4], $0x0  }
0x19: {  	s7 =	sld [smem:$0x3F9B]  }
0x1a: {  	s8 =	sadd.s32 $0xFFFFE003, lr  }
0x1b: {  	s9 =	sadd.s32 $0xFFFFFEF7, lr;
	s5 =	simm.s32 $0xFFFFFFFF;
	p2 =	slt.u32 s8, $0xFFFFF086  }
0x1c: {  	p1 =	slt.u32 s9, $0xF7A;
	s5 =	simm.s32 @!p2 $0x0  }
0x1d: {  	s5 =	simm.s32 @p1 $0x1;
	p0 =	seq.s32 s7, s2  }
0x1e: {  	s7 =	smul.u32 @!p0 $0xF7A, s2;
	p2 =	seq.s32 @!p0 s5, $0x0  }
0x1f: {  	s9 =	smul.u32 $0xF7A, s1;
	s8 =	simm.s32 @!p0 $0x1BF5;
	p2 =	por !p2, p0  }
0x20: {  	[sflag:s8] =	ssyncset.s32 @!p0 $0xFFFFF086;
	s6 =	sadd.s32 @!p0 s3, s7;
	s7 =	simm.s32 @!p0 $0x108  }
0x21: {  	s3 =	sadd.s32 s3, s9;
	s6 =	sadd.s32 @!p0 $0x88, s6;
	s7 =	simm.s32 @p2 $0x1082  }
0x22: {  	[simem:s7], [sflag:s8] =	dma.local @!p0 [hbm:s6], $0xF7A  }
0x23: {  	s9 =	sor.u32 $0xD0000000, s2;
	s6 =	simm.s32 $0x108;
	_ =	swait.ge @!p0 [sflag:s8], $0x0  }
0x24: {  	s3 =	sadd.s32 $0x88, s3;
	s6 =	simm.s32 @!p1 $0x1082;
	[sflag:s4] =	ssyncset.s32 $0xFFFFF086  }
0x25: {  	[simem:s6], [sflag:s4] =	dma.local [hbm:s3], $0xF7A  }
0x26: {  	[smem:$0x3F9B] =	sst s1;
	(tag) =	ssettag s2;
	_ =	strace s9  }
0x27: {  	s1 =	sld [smem:$0x3FAB]  }
0x28: {  	s2 =	sld [smem:$0x3FAC]  }
0x29: {  	s4 =	sld [smem:$0x3FAE]  }
0x2a: {  	p0 =	seq.s32 s5, $0x0;
	s5 =	sld [smem:$0x3FAF]  }
0x2b: {  	s6 =	sld [smem:$0x3FB0]  }
0x2c: {  	s7 =	sld [smem:$0x3FB1]  }
0x2d: {  	s3 =	simm.s32 $0x108;
	s8 =	sld [smem:$0x3FB2]  }
0x2e: {  	s3 =	simm.s32 @!p0 $0x1082;
	s9 =	sld [smem:$0x3FB3]  }
0x2f: {  	lr =	sadd.s32 s0, s3;
	s0 =	sld [smem:$0x3FAA]  }
0x30: {  	s3 =	sld [smem:$0x3FAD]  }
0x31: {  	[smem:$0x3FB6] =	sst s10  }
0x32: {  	s10 =	sld [smem:$0x3FB4];
	_ =	sdelay $0x3  }
0x33: {  	p0 =	seq.s32 s10, $0x1;
	s10 =	sld [smem:$0x3FB6];
	_ =	sdelay $0x3  }
0x34: {  	[smem:$0x3FB6] =	sst s10  }
0x35: {  	s10 =	sld [smem:$0x3FB5];
	_ =	sdelay $0x3  }
0x36: {  	p1 =	seq.s32 s10, $0x1;
	s10 =	sld [smem:$0x3FB6];
	_ =	sdelay $0x3  }
0x37: {  	[smem:$0x3FB6] =	sst s10  }
0x38: {  	s10 =	sld [smem:$0x3FB7]  }
0x39: {  	_ = 	snop;
	(pc) =	sbr.ind lr, $3  }
0x3a: {  	_ = 	snop  }
0x3b: {  	_ = 	snop  }
0x3c: {  	p2 =	seq.s32 s10, $0x1;
	s10 =	sld [smem:$0x3FB6]  }
0x3d: {  	_ =	shalt  }
0x3e: {  	_ =	shalt  }
0x3f: {  	_ =	shalt  }
0x40: {  	_ =	shalt  }
0x41: {  	_ =	shalt  }
0x42: {  	_ =	shalt  }
0x43: {  	_ =	shalt  }
0x44: {  	_ =	shalt  }
0x45: {  	_ =	shalt  }
0x46: {  	_ =	shalt  }
0x47: {  	_ =	shalt  }
0x48: {  	_ =	shalt  }
0x49: {  	_ =	shalt  }
0x4a: {  	_ =	shalt  }
0x4b: {  	_ =	shalt  }
0x4c: {  	_ =	shalt  }
0x4d: {  	_ =	shalt  }
0x4e: {  	_ =	shalt  }
0x4f: {  	_ =	shalt  }
0x50: {  	_ =	shalt  }
0x51: {  	_ =	shalt  }
0x52: {  	_ =	shalt  }
0x53: {  	_ =	shalt  }
0x54: {  	_ =	shalt  }
0x55: {  	_ =	shalt  }
0x56: {  	_ =	shalt  }
0x57: {  	_ =	shalt  }
0x58: {  	_ =	shalt  }
0x59: {  	_ =	shalt  }
0x5a: {  	_ =	shalt  }
0x5b: {  	_ =	shalt  }
0x5c: {  	_ =	shalt  }
0x5d: {  	_ =	shalt  }
0x5e: {  	_ =	shalt  }
0x5f: {  	_ =	shalt  }
0x60: {  	_ =	shalt  }
0x61: {  	_ =	shalt  }
0x62: {  	_ =	shalt  }
0x63: {  	_ =	shalt  }
0x64: {  	_ =	shalt  }
0x65: {  	_ =	shalt  }
0x66: {  	_ =	shalt  }
0x67: {  	_ =	shalt  }
0x68: {  	_ =	shalt  }
0x69: {  	_ =	shalt  }
0x6a: {  	_ =	shalt  }
0x6b: {  	_ =	shalt  }
0x6c: {  	_ =	shalt  }
0x6d: {  	_ =	shalt  }
0x6e: {  	_ =	shalt  }
0x6f: {  	_ =	shalt  }
0x70: {  	_ =	shalt  }
0x71: {  	_ =	shalt  }
0x72: {  	_ =	shalt  }
0x73: {  	_ =	shalt  }
0x74: {  	_ =	shalt  }
0x75: {  	_ =	shalt  }
0x76: {  	_ =	shalt  }
0x77: {  	_ =	shalt  }
0x78: {  	_ =	shalt  }
0x79: {  	_ =	shalt  }
0x7a: {  	_ =	shalt  }
0x7b: {  	_ =	shalt  }
0x7c: {  	_ =	shalt  }
0x7d: {  	_ =	shalt  }
0x7e: {  	_ =	shalt  }
0x7f: {  	_ =	shalt  }
0x80: {  	_ =	shalt  }
0x81: {  	_ =	shalt  }
0x82: {  	_ =	shalt  }
0x83: {  	_ =	shalt  }
0x84: {  	_ =	shalt  }
0x85: {  	_ =	shalt  }
0x86: {  	_ =	shalt  }
0x87: {  	_ =	shalt  }
.Lfunc_end0:
.L_simem_size_0:
called_computation.4_lowered:
.L_overlay_start_0:
0x88: {  	s2 =	sld [smem:$0x3FD9]  }
0x89: {  	s3 =	sld [smem:$0x3FFE];
	_ =	sdelay $0x1  }
0x8a: {  	s1 =	srdreg.scid  }
0x8b: {  	s0 =	sand.u32 $0x1, s1  }
0x8c: {  	s16 =	sshll.u32 s0, $0xA;
	s2 =	sadd.s32 s3, s2  }
0x8d: {  	s2 =	sadd.s32 s2, s16  }
0x8e: {  	[smem:$0x3FC2] =	sst s2  }
0x8f: {  	_ = 	snop  }
0x90: {  	(tm) =	ssettm $0x1  }
0x91: {  	s17 =	sld [smem:$0x3FFB];
	_ =	sdelay $0x3  }
0x92: {  	_ =	strace s17  }
0x93: {  	s2 =	sld [smem:$0x3FFC];
	_ =	sdelay $0x3  }
0x94: {  	_ =	strace s2  }
0x95: {  	s2 =	sld [smem:$0x3FFD];
	_ =	sdelay $0x3  }
0x96: {  	_ =	strace s2  }
0x97: {  	_ =	strace $0x8FFFFFFF  }
0x98: {  	s18 =	sld [smem:$0x3FDB];
	_ =	sdelay $0x1  }
0x99: {  	s19 =	simm.s32 $_scs_section_size  }
0x9a: {  	s4 =	simm.s32 $_size__tile_overlayer_lowered;
	s5 =	simm.s32 $_tile_overlayer_lowered  }
0x9b: {  	s22 =	simm.s32 $0x1BFF;
	s21 =	sshll.u32 s5, $0x1;
	s2 =	sadd.s32 s19, s18  }
0x9c: {  	s6 =	simm.s32 $0x0;
	s20 =	sshll.u32 s4, $0x1;
	s4 =	sadd.s32 s21, s2  }
0x9d: {  	[timem:s6], [sflag:s22] =	dma.local [hbm:s4], s20  }
0x9e: {  	_ =	swait.ge [sflag:s22], s20  }
0x9f: {  	s3 =	ssub.s32 $0x0, s20;
	[sflag:s22] =	ssyncset.done $0x0  }
0xa0: {  	[sflag:s22] =	ssyncadd.s32 s3;
	_ =	sdelay $0x1  }
0xa1: {  	s23 =	simm.s32 $0x1B8B  }
0xa2: {  	_ =	swait.ge [sflag:s23], $0x1  }
0xa3: {  	[sflag:s23] =	ssyncset.done $0x0  }
0xa4: {  	s25 =	simm.s32 $0x1B8E;
	s24 =	sld [smem:$0x3FFE];
	[sflag:s23] =	ssyncadd.s32 $0xFFFFFFFF  }
0xa5: {  	s26 =	simm.s32 $execute0_lowered;
	[smem:$0x3FD2] =	sst s25  }
0xa6: {  	s4 =	sshll.u32 s26, $0x1;
	_ =	strace $0x80000046;
	[dreg:$0x1] =	wrdreg $0xFFFFFFFF  }
0xa7: {  	s28 =	simm.s32 $_size_execute0_lowered;
	s2 =	sadd.s32 s2, s4;
	[dreg:$0x0] =	wrdreg $0x0  }
0xa8: {  	s4 =	sshll.u32 s28, $0x1;
	[dreg:$0x2] =	wrdreg s2  }
0xa9: {  	[dreg:$0x3] =	wrdreg s4  }
0xaa: {  	[dreg:$0x4] =	wrdreg $0xC0  }
0xab: {  	_ =	task [dreg:s6], $0x5FFFF  }
0xac: {  	[dreg:$0x1] =	wrdreg $0xFFFFFFFF  }
0xad: {  	[dreg:$0x0] =	wrdreg $0x60  }
0xae: {  	[dreg:$0x2] =	wrdreg s24  }
0xaf: {  	[dreg:$0x3] =	wrdreg $0xD  }
0xb0: {  	_ =	task.clear_ibuf [dreg:s6], $0x4FFFF;
	_ =	strace $0x90000046  }
0xb1: {  	s29 =	simm.s32 $0xD;
	_ =	strace $0x8000004F  }
0xb2: {  	_ =	swait.ge [sflag:s29], $0x1  }
0xb3: {  	[sflag:s29] =	ssyncadd.s32 $0xFFFFFFFF  }
0xb4: {  	_ =	strace $0x9000004F  }
0xb5: {  	_ =	sfence  }
0xb6: {  	s30 =	sld [smem:$0x0];
	_ =	sdelay $0x2  }
0xb7: {  	s31 =	sshll.u32 s1, $0xD;
	s1 =	sshrl.u32 s1, $0x2  }
0xb8: {  	s3 =	sand.u32 $0x4000, s31;
	s1 =	sadd.s32 s1, s30  }
0xb9: {  	s0 =	sor.u32 s3, s0;
	s1 =	sshll.u32 s1, $0x11  }
0xba: {  	s0 =	sor.u32 s1, s0  }
0xbb: {  	s0 =	sadd.s32 $0x8F2B, s0  }
0xbc: {  	[sflag:s0] =	ssyncadd.remote.s32 $0x1  }
0xbd: {  	_ =	sfence.sel $0xFFFF  }
0xbe: {  	[dreg:$0x0] =	wrdreg $0xFFFFFFFF;
	(pc) =	sbr.abs _section_cstart, $3  }
0xbf: {  	[dreg:$0x1] =	wrdreg $0xFFFFFFFF  }
0xc0: {  	_ =	task.clear_ibuf [dreg:s6], $0x2FFFF;
	_ =	strace $0x9FFFFFFF  }
0xc1: {  	(tm) =	ssettm $0x7FFFFFFF  }
tec
execute0_lowered:
.L_overlay_start_1:
0x0: {  	(tag) =	ssettag $0x1  }
0x1: {  	s4 =	rddreg [dreg:$0x0];
	s1 =	srdreg.scid  }
0x2: {  	s0 =	rddreg [dreg:$0x1];
	s2 =	simm.s32 $0x0;
	s9 =	simm.s32 $0x1  }
0x3: {  	s10 =	simm.s32 $0x80;
	s11 =	simm.s32 $0x0;
	s5 =	sand.u32 $0x1, s1  }
0x4: {  	s1 =	stileid.u32;
	[smem:$0x7FF] =	sst s2;
	s3 =	sshll.u32 s5, $0x4  }
0x5: {  	s6 =	sadd.s32 $0xDAA00, s4;
	s8 =	sadd.s32 $0x19E000, s4;
	s3 =	sor.u32 s1, s3  }
0x6: {  	_ =	strace $0x80000047;
	[dreg:$0x2] =	wrdreg s6;
	s7 =	smul.u32 $0x27, s3  }
0x7: {  	s4 =	sadd.s32 $0x12400, s4;
	[dreg:$0x4] =	wrdreg s8;
	s6 =	smul.u32 $0x28, s3  }
0x8: {  	s29 =	ssub.s32 $0x2, s5;
	p0 =	slt.u32 s3, $0x2;
	s3 =	sadd.s32 $0x2, s7  }
0x9: {  	s5 =	simm.s32 $0x28;
	[dreg:$0x3] =	wrdreg s10;
	s3 =	smov.u32 @p0 s6  }
0xa: {  	s10 =	simm.s32 $0x5;
	s31 =	sshrl.u32 s29, $0x1;
	s30 =	sshll.u32 s3, $0x4  }
0xb: {  	s8 =	ssub.s32 s29, s31;
	s5 =	simm.s32 @!p0 $0x27;
	s7 =	sand.u32 $0x1FFFFFF0, s30  }
0xc: {  	s8 =	smax.u32 s8, $0x1;
	s6 =	sadd.s32 s4, s7;
	s7 =	sadd.s32 $0xFFFFFFFF, s5  }
.LBB2_1:
0xd: {  	_ =	strace $0x80000048;
	p2 =	sne.s32 s5, $0x1  }
.Ltmp0:
0xe: {  	p0 =	seq.s32 s5, $0x1;
	s13 =	simm.s32 $0x1;
	(pc) =	sbr.rel @!p2 .LBB2_2-.Ltmp0, $4  }
0xf: {  	[tilespmem:s2], [sflag:$0x1] =	stream.linear.gather [hbm4b:s6+s2], $0x80, $0x200038;
	[tilespmem:$0x8100] =	vst v63  }
0x10: {  	s12 =	simm.s32 $0x1;
	p1 =	por $0x1, $0x1;
	s13 =	simm.s32 @p0 $0x0  }
0x11: {  	p6 =	sgt.u32 s7, $0x0;
	p4 =	por p1, p1;
	p3 =	sne.s32 s13, $0x0  }
0x12: {  	_ =	strace $0x90000048;
	p5 =	por !p6, !p3;
	p6 =	por $0x0, $0x0  }
0x13: {  	p2 =	por !p5, !p5  }
0x14: {  	s21 =	sand.u32 $0x1, s2;
	s19 =	simm.s32 $0x2;
	s14 =	sadd.s32 @p2 s3, s13  }
0x15: {  	p1 =	por p3, p3;
	s15 =	sand.u32 @p2 $0x1, s9;
	s14 =	sshll.u32 @p2 s14, $0x4  }
0x16: {  	_ =	strace @p2 $0x80000049;
	s17 =	simm.s32 @p2 $0x0;
	s14 =	sand.u32 @p2 $0x1FFFFFF0, s14  }
0x17: {  	s16 =	sshll.u32 @p2 s15, $0x7;
	s15 =	sadd.s32 @p2 $0x1, s15;
	s14 =	sadd.s32 @p2 s4, s14  }
0x18: {  	[tilespmem:s16], [sflag:s15] =	stream.linear.gather @p2 [hbm4b:s14+s17], $0x80, $0x200038;
	[tilespmem:$0x8100] =	vst v63  }
0x19: {  	s30 =	simm.s32 $0x0;
	p6 =	por $0x0, $0x0;
	_ =	strace @p2 $0x90000049  }
0x1a: {  	p0 =	sne.s32 s5, $0x2;
	s29 =	sadd.s32 $0x1, s21;
	_ =	strace $0x8000004A  }
0x1b: {  	s24 =	sadd.s32 $0x0, s3;
	p5 =	sgt.u32 s7, $0x1;
	_ =	swait.ge [sflag:s29], $0x80  }
0x1c: {  	s23 =	simm.s32 $0x1;
	s22 =	sshll.u32 s21, $0xE;
	[sflag:s29] =	ssyncset.done $0x0  }
0x1d: {  	s22 =	sor.u32 $0x100, s22;
	s16 =	sand.u32 @!p4 $0x1, s2;
	[sflag:s29] =	ssyncadd.s32 $0xFFFFFF80  }
0x1e: {  	s15 =	simm.s32 $0x1;
	s17 =	sadd.s32 $0x1, s13;
	_ =	strace $0x9000004A  }
0x1f: {  	s14 =	sand.u32 $0x80, s30;
	s15 =	simm.s32 @!p2 $0x0;
	_ =	strace $0x8000004B  }
0x20: {  	p2 =	por p4, p4;
	p4 =	por p6, p6;
	s20 =	rddreg [dreg:$0x3]  }
0x21: {  	p3 =	seq.s32 s17, s5;
	p6 =	seq.s32 s7, $0x0;
	s31 =	rddreg [dreg:$0x2]  }
0x22: {  	[tilespmem:s22], [sflag:$0x5] =	stream.indirect.gather [hbm4b:s31+s20], $0x80, s14, s20, $0x2000b8;
	[tilespmem:$0x8100] =	vst v63  }
.Ltmp1:
0x23: {  	s18 =	sadd.s32 $0x1, s15;
	s17 =	simm.s32 @p3 $0x0;
	(pc) =	sbr.rel @!p0 .LBB2_4-.Ltmp1, $4  }
0x24: {  	p1 =	por p6, p1;
	p6 =	por $0x0, $0x0;
	_ =	swait.ge [sflag:s10], $0x4000  }
0x25: {  	s15 =	simm.s32 $0x0;
	p3 =	sne.s32 s13, s17;
	[sflag:s10] =	ssyncset.done $0x0  }
0x26: {  	s23 =	simm.s32 @!p6 $0x0;
	p5 =	por !p5, !p3;
	[sflag:s10] =	ssyncadd.s32 $0xFFFFC000  }
0x27: {  	s14 =	simm.s32 $0x0;
	s20 =	simm.s32 $0x0;
	_ =	strace $0x9000004B  }
.LBB2_5:
0x28: {  	_ =	strace @p1 $0x8000004C;
	s14 =	sadd.s32 s23, s14;
	s23 =	smov.u32 s12  }
0x29: {  	s12 =	smov.u32 s19;
	s19 =	sadd.s32 $0x1, s19;
	p0 =	por p3, p3  }
0x2a: {  	s29 =	sshll.u32 @p1 s24, $0xB;
	s21 =	sadd.s32 @p1 $0x3, s21;
	s25 =	simm.s32 @!p0 $0x0  }
0x2b: {  	s26 =	rddreg [dreg:$0x4];
	s29 =	sand.u32 @p1 $0x1FFFF800, s29;
	s25 =	simm.s32 @p0 $0x1  }
0x2c: {  	s26 =	sadd.s32 @p1 s26, s29;
	s29 =	simm.s32 @p1 $0x0;
	p0 =	sne.s32 s5, s19  }
0x2d: {  	[hbm4b:s26+s29] =	stream.linear.scatter @p1 [tilespmem:s22], [sflag:s21], $0x4000, $0x200038;
	[tilespmem:$0x8100] =	vst v63  }
0x2e: {  	s21 =	sadd.s32 @!p2 $0x3, s16;
	s16 =	simm.s32 @!p0 $0x0  }
0x2f: {  	s28 =	simm.s32 $0x1;
	[smem:$0x7FC] =	sst s25;
	s16 =	simm.s32 @p0 $0x1  }
0x30: {  	s28 =	simm.s32 @!p1 $0x0;
	_ =	strace @p1 $0x9000004C;
	[smem:$0x7FD] =	sst s16  }
0x31: {  	s20 =	sadd.s32 s28, s20;
	s25 =	sand.u32 @!p4 $0x1, s14;
	_ =	strace @!p2 $0x8000004D  }
0x32: {  	p1 =	por !p5, !p5;
	s16 =	smov.u32 s25;
	_ =	swait.ge @!p2 [sflag:s21], $0x4000  }
0x33: {  	s22 =	sand.u32 @p1 $0x1, s18;
	s25 =	sadd.s32 @p1 s3, s17;
	[sflag:s21] =	ssyncset.done @!p2 $0x0  }
0x34: {  	s26 =	sshll.u32 @p1 s22, $0x7;
	s25 =	sshll.u32 @p1 s25, $0x4;
	[sflag:s21] =	ssyncadd.s32 @!p2 $0xFFFFC000  }
0x35: {  	s21 =	sadd.s32 @p1 $0x1, s22;
	s22 =	sand.u32 @p1 $0x1FFFFFF0, s25;
	_ =	strace @!p2 $0x9000004D  }
0x36: {  	s25 =	simm.s32 @p1 $0x0;
	s22 =	sadd.s32 @p1 s4, s22;
	_ =	strace @p1 $0x80000049  }
0x37: {  	[tilespmem:s26], [sflag:s21] =	stream.linear.gather @p1 [hbm4b:s22+s25], $0x80, $0x200038;
	[tilespmem:$0x8100] =	vst v63  }
0x38: {  	s15 =	sadd.s32 s28, s15;
	s28 =	sand.u32 $0x1, s20;
	_ =	strace @p1 $0x90000049  }
0x39: {  	s28 =	sadd.s32 $0x1, s28;
	_ =	strace $0x8000004A  }
0x3a: {  	_ =	swait.ge [sflag:s28], $0x80  }
0x3b: {  	[sflag:s28] =	ssyncset.done $0x0  }
0x3c: {  	s21 =	simm.s32 $0x1;
	[sflag:s28] =	ssyncadd.s32 $0xFFFFFF80  }
0x3d: {  	s21 =	simm.s32 @!p1 $0x0;
	_ =	strace $0x9000004A  }
0x3e: {  	s18 =	sadd.s32 s21, s18;
	s21 =	sand.u32 $0x1, s15;
	_ =	strace $0x8000004B  }
0x3f: {  	s31 =	sshll.u32 s20, $0x7;
	s29 =	sshll.u32 s21, $0xE;
	s25 =	rddreg [dreg:$0x3]  }
0x40: {  	s31 =	sand.u32 $0x80, s31;
	s22 =	sor.u32 $0x100, s29;
	s26 =	rddreg [dreg:$0x2]  }
0x41: {  	[tilespmem:s22], [sflag:$0x5] =	stream.indirect.gather [hbm4b:s26+s25], $0x80, s31, s25, $0x2000b8;
	[tilespmem:$0x8100] =	vst v63  }
0x42: {  	_ =	swait.ge [sflag:s10], $0x4000  }
0x43: {  	[sflag:s10] =	ssyncset.done $0x0  }
0x44: {  	[sflag:s10] =	ssyncadd.s32 $0xFFFFC000  }
0x45: {  	s30 =	sadd.s32 $0x1, s17;
	_ =	strace $0x9000004B  }
0x46: {  	s24 =	sadd.s32 s3, s13;
	s13 =	smov.u32 s17;
	s31 =	sld [smem:$0x7FD]  }
0x47: {  	p0 =	sne.s32 s23, $0x0;
	s17 =	smov.u32 s30;
	p1 =	seq.s32 s30, s5  }
0x48: {  	s17 =	simm.s32 @p1 $0x0;
	p1 =	seq.s32 s7, s23;
	s23 =	simm.s32 $0x1  }
0x49: {  	s23 =	simm.s32 @!p0 $0x0;
	p0 =	seq.s32 s31, $0x1  }
.Ltmp2:
0x4a: {  	s30 =	sld [smem:$0x7FC];
	(pc) =	sbr.rel @p0 .LBB2_5-.Ltmp2, $4  }
0x4b: {  	p3 =	seq.s32 s12, $0x0  }
0x4c: {  	p6 =	por p3, p3;
	p5 =	slt.u32 s12, s7  }
0x4d: {  	p2 =	por p4, p4;
	p3 =	sne.s32 s13, s17;
	p4 =	seq.s32 s30, $0x1  }
0x4e: {  	p5 =	por !p5, !p3;
	p1 =	por p1, p4;
	p4 =	por p6, p6  }
0x4f: {  	p6 =	por $0x1, $0x1  }
.LBB2_7:
0x50: {  	p0 =	por !p1, !p6  }
0x51: {  	s25 =	simm.s32 $0x1;
	_ =	strace @!p0 $0x8000004C;
	s24 =	sshll.u32 @!p0 s24, $0xB  }
0x52: {  	p2 =	por p2, !p6;
	s19 =	rddreg [dreg:$0x4];
	s24 =	sand.u32 @!p0 $0x1FFFF800, s24  }
0x53: {  	s21 =	sadd.s32 @!p0 $0x3, s21;
	s19 =	sadd.s32 @!p0 s19, s24;
	s24 =	simm.s32 @!p0 $0x0  }
0x54: {  	[hbm4b:s19+s24] =	stream.linear.scatter @!p0 [tilespmem:s22], [sflag:s21], $0x4000, $0x200038;
	[tilespmem:$0x8100] =	vst v63  }
0x55: {  	p1 =	por !p5, !p5;
	s25 =	simm.s32 @p0 $0x0;
	_ =	strace @!p0 $0x9000004C  }
0x56: {  	s16 =	sadd.s32 @!p2 $0x3, s16;
	s17 =	sadd.s32 @p1 s3, s17;
	_ =	strace @!p2 $0x8000004D  }
0x57: {  	s18 =	sand.u32 @p1 $0x1, s18;
	s17 =	sshll.u32 @p1 s17, $0x4;
	_ =	swait.ge @!p2 [sflag:s16], $0x4000  }
0x58: {  	s17 =	sand.u32 @p1 $0x1FFFFFF0, s17;
	s19 =	sadd.s32 @p6 s25, s20;
	[sflag:s16] =	ssyncset.done @!p2 $0x0  }
0x59: {  	s20 =	simm.s32 $0x0;
	s17 =	sadd.s32 @p1 s4, s17;
	[sflag:s16] =	ssyncadd.s32 @!p2 $0xFFFFC000  }
0x5a: {  	s20 =	smov.u32 @p6 s19;
	s19 =	sshll.u32 @p1 s18, $0x7;
	_ =	strace @!p2 $0x9000004D  }
0x5b: {  	s16 =	sadd.s32 @p1 $0x1, s18;
	s18 =	simm.s32 @p1 $0x0;
	_ =	strace @p1 $0x80000049  }
0x5c: {  	[tilespmem:s19], [sflag:s16] =	stream.linear.gather @p1 [hbm4b:s17+s18], $0x80, $0x200038;
	[tilespmem:$0x8100] =	vst v63  }
0x5d: {  	s26 =	sand.u32 $0x1, s20;
	_ =	strace @p1 $0x90000049  }
0x5e: {  	s16 =	sadd.s32 $0x1, s26;
	_ =	strace $0x8000004A  }
0x5f: {  	_ =	swait.ge [sflag:s16], $0x80  }
0x60: {  	[sflag:s16] =	ssyncset.done $0x0  }
0x61: {  	s15 =	sadd.s32 @p6 s25, s15;
	[sflag:s16] =	ssyncadd.s32 $0xFFFFFF80;
	s16 =	simm.s32 $0x0  }
0x62: {  	_ =	strace $0x9000004A;
	s16 =	smov.u32 @p6 s15  }
0x63: {  	_ =	strace $0x8000004B;
	s16 =	sand.u32 $0x1, s16  }
0x64: {  	s30 =	sshll.u32 s20, $0x7;
	s28 =	rddreg [dreg:$0x3];
	s31 =	sshll.u32 s16, $0xE  }
0x65: {  	s18 =	sand.u32 $0x80, s30;
	s29 =	rddreg [dreg:$0x2];
	s19 =	sor.u32 $0x100, s31  }
0x66: {  	[tilespmem:s19], [sflag:$0x5] =	stream.indirect.gather [hbm4b:s29+s28], $0x80, s18, s28, $0x2000b8;
	[tilespmem:$0x8100] =	vst v63  }
0x67: {  	_ =	swait.ge [sflag:s10], $0x4000  }
0x68: {  	p3 =	por p3, p3;
	[sflag:s10] =	ssyncset.done $0x0  }
0x69: {  	p5 =	seq.s32 s7, s12;
	s13 =	sadd.s32 s3, s13;
	[sflag:s10] =	ssyncadd.s32 $0xFFFFC000  }
0x6a: {  	s14 =	sadd.s32 @p6 s23, s14;
	p1 =	por p5, p3;
	_ =	strace $0x9000004B  }
0x6b: {  	s17 =	simm.s32 $0x0;
	s13 =	sshll.u32 @p1 s13, $0xB;
	_ =	strace @p1 $0x8000004C  }
0x6c: {  	s17 =	smov.u32 @p6 s14;
	s13 =	sand.u32 @p1 $0x1FFFF800, s13;
	s15 =	rddreg [dreg:$0x4]  }
0x6d: {  	s14 =	sadd.s32 @p1 $0x3, s16;
	s13 =	sadd.s32 @p1 s15, s13;
	s15 =	simm.s32 @p1 $0x0  }
0x6e: {  	[hbm4b:s13+s15] =	stream.linear.scatter @p1 [tilespmem:s19], [sflag:s14], $0x4000, $0x200038;
	[tilespmem:$0x8100] =	vst v63  }
0x6f: {  	p0 =	por p4, p4;
	s13 =	sand.u32 @!p4 $0x1, s17;
	_ =	strace @p1 $0x9000004C  }
0x70: {  	s13 =	sadd.s32 @!p0 $0x3, s13;
	_ =	strace @!p0 $0x8000004D  }
0x71: {  	p1 =	sne.s32 s12, $0x0;
	s12 =	simm.s32 $0x1;
	_ =	swait.ge @!p0 [sflag:s13], $0x4000  }
0x72: {  	s12 =	simm.s32 @!p1 $0x0;
	[sflag:s13] =	ssyncset.done @!p0 $0x0  }
0x73: {  	s11 =	sadd.s32 $0x1, s11;
	s12 =	sadd.s32 s12, s17;
	[sflag:s13] =	ssyncadd.s32 @!p0 $0xFFFFC000  }
0x74: {  	s12 =	sand.u32 $0x1, s12;
	_ =	strace @!p0 $0x9000004D;
	p0 =	sne.s32 s11, s8  }
.Ltmp3:
0x75: {  	s12 =	sadd.s32 $0x3, s12;
	_ =	strace $0x8000004E;
	(pc) =	sbr.rel @p0 .LBB2_1-.Ltmp3, $4  }
.Ltmp4:
0x76: {  	_ =	swait.ge [sflag:s12], $0x4000;
	(pc) =	sbr.rel @!p0 .LBB2_8-.Ltmp4, $4  }
0x77: {  	[sflag:s12] =	ssyncset.done $0x0  }
0x78: {  	[sflag:s12] =	ssyncadd.s32 $0xFFFFC000  }
0x79: {  	_ =	strace $0x9000004E  }
0x7a: {  	_ = 	snop  }
.LBB2_2:
.Ltmp5:
0x7b: {  	(pc) =	sbr.rel .LBB2_7-.Ltmp5, $4  }
0x7c: {  	_ = 	snop  }
0x7d: {  	s14 =	simm.s32 $0x0  }
0x7e: {  	s12 =	simm.s32 $0x0;
	s15 =	simm.s32 $0x0;
	s17 =	smov.u32 s13  }
0x7f: {  	s20 =	simm.s32 $0x0;
	s18 =	simm.s32 $0x1;
	s13 =	simm.s32 $0x0  }
.LBB2_4:
.Ltmp6:
0x80: {  	(pc) =	sbr.rel .LBB2_7-.Ltmp6, $3  }
0x81: {  	_ =	sdelay $0x1  }
0x82: {  	s14 =	simm.s32 $0x0  }
0x83: {  	s15 =	simm.s32 $0x0;
	s20 =	simm.s32 $0x0;
	p6 =	por $0x1, $0x1  }
.LBB2_8:
0x84: {  	_ =	sfence.sel $0x180000  }
0x85: {  	[bflag:$0x0] =	sbarrier.arrive $0xFFFF  }
0x86: {  	p0 =	sne.s32 s1, $0x0;
	_ =	strace $0x90000047  }
0x87: {  	s0 =	sadd.s32 @!p0 $0x100000, s0;
	[bflag:$0x2] =	sbarrier.arrive $0xFFFF  }
0x88: {  	[sflag:s0] =	ssyncadd.tile.s32 @!p0 $0x1;
	_ =	shalt  }
.Lfunc_end2:
_tile_overlayer_lowered:
.L_overlay_start_2:
0x89: {  	(tag) =	ssettag $0x2  }
0x8a: {  	s0 =	rddreg [dreg:$0x0];
	s2 =	stileid.u32  }
0x8b: {  	s1 =	rddreg [dreg:$0x1];
	p0 =	sne.s32 s2, $0x0  }
0x8c: {  	s3 =	rddreg [dreg:$0x2];
	[bflag:$0x3] =	sbarrier.arrive $0xFFFF;
	s2 =	simm.s32 @!p0 $0x1C01  }
0x8d: {  	[timem:s3], [sflag:s2] =	dma.local @!p0 [hbm:s0], s1  }
0x8e: {  	s0 =	simm.s32 @!p0 $0x1  }
0x8f: {  	_ =	swait.ge @!p0 [sflag:s0], s1  }
0x90: {  	s1 =	ssub.s32 @!p0 $0x0, s1;
	[sflag:s0] =	ssyncset.done @!p0 $0x0  }
0x91: {  	[sflag:s0] =	ssyncadd.s32 @!p0 s1  }
0x92: {  	[bflag:$0x3] =	sbarrier.arrive $0xFFFF  }
0x93: {  	_ =	shalt  }

</sc_bundles>
